<compile_context>
chip_gen: v7x
topology: tpu7x:2x2x1
jax: 0.10.2.dev20260603
libtpu: 0.0.44.dev20260713+nightly
codegen_flags: <defaults>
</compile_context>

<pallas_src>
import jax
import jax.numpy as jnp
from jax import lax
from jax.experimental import pallas as pl
from jax.experimental.pallas import tpu as pltpu
from jax.experimental.pallas import tpu_sc as plsc

N = 10000
D = 128
E = 320000
SD = 100000

NC = 2
NS = 16
NW = NC * NS
L = 16

NP = 10240
RT = NP // NS
EP = 327680
ER = EP // 128
RW = ER // NW
HK = 2
HR = RW // HK
SDP = 102400
PW = SDP // NW
PC = PW // 128

_mesh = plsc.VectorSubcoreMesh(core_axis_name="c", subcore_axis_name="s")


def _zero_rows(ref, nrows, ncol):
    def row(i, carry):
        for j in range(ncol // L):
            ref[i, pl.ds(j * L, L)] = jnp.zeros((L,), jnp.float32)
        return carry
    lax.fori_loop(0, nrows, row, 0)


def _edge_agg_body(tbl, srcp, dstp, agg_out, agg_sh, src_v, dst_v, rows0, sem0):
    c = lax.axis_index("c")
    s = lax.axis_index("s")
    wid = s * NC + c

    _zero_rows(rows0, 128, D)
    for k in range(RT // 128):
        pltpu.sync_copy(rows0, agg_sh.at[pl.ds(s * RT + k * 128, 128)])
    plsc.subcore_barrier()

    for h in range(HK):
        base = wid * RW + h * HR
        pltpu.sync_copy(srcp.at[pl.ds(base, HR)], src_v)
        pltpu.sync_copy(dstp.at[pl.ds(base, HR)], dst_v)

        def step(j, carry):
            cp = pltpu.async_copy(tbl.at[src_v.at[j]], rows0, sem0)
            cp.wait()
            pltpu.sync_copy(rows0, agg_sh.at[dst_v.at[j]], add=True)
            return carry
        lax.fori_loop(0, HR, step, 0)

    plsc.subcore_barrier()

    for k in range(RT // 128):
        r0 = s * RT + k * 128
        pltpu.sync_copy(agg_sh.at[pl.ds(r0, 128)], rows0)
        pltpu.sync_copy(rows0, agg_out.at[c, pl.ds(r0, 128)])


_edge_agg = pl.kernel(
    _edge_agg_body,
    out_type=jax.ShapeDtypeStruct((NC, NP, D), jnp.float32),
    mesh=_mesh,
    scratch_types=[
        pltpu.VMEM_SHARED((NP, D), jnp.float32),
        pltpu.VMEM((HR, 128), jnp.int32),
        pltpu.VMEM((HR, 128), jnp.int32),
        pltpu.VMEM((128, D), jnp.float32),
        pltpu.SemaphoreType.DMA,
    ],
)


def _cnt_body(dstp, cnt_out, cnt_sh, dst_v, ones_v, zbuf):
    c = lax.axis_index("c")
    s = lax.axis_index("s")
    wid = s * NC + c

    _zero_rows(zbuf, 128, D)
    for k in range(RT // 128):
        pltpu.sync_copy(zbuf, cnt_sh.at[pl.ds(s * RT + k * 128, 128)])

    def orow(i, carry):
        for kk in range(D // L):
            ones_v[i, pl.ds(kk * L, L)] = jnp.ones((L,), jnp.float32)
        return carry
    lax.fori_loop(0, 128, orow, 0)
    plsc.subcore_barrier()

    for h in range(HK):
        base = wid * RW + h * HR
        pltpu.sync_copy(dstp.at[pl.ds(base, HR)], dst_v)

        def step(j, carry):
            pltpu.sync_copy(ones_v, cnt_sh.at[dst_v.at[j]], add=True)
            return carry
        lax.fori_loop(0, HR, step, 0)

    plsc.subcore_barrier()

    for k in range(RT // 128):
        r0 = s * RT + k * 128
        pltpu.sync_copy(cnt_sh.at[pl.ds(r0, 128)], zbuf)
        pltpu.sync_copy(zbuf, cnt_out.at[c, pl.ds(r0, 128)])


_cnt_kernel = pl.kernel(
    _cnt_body,
    out_type=jax.ShapeDtypeStruct((NC, NP, D), jnp.float32),
    mesh=_mesh,
    scratch_types=[
        pltpu.VMEM_SHARED((NP, D), jnp.float32),
        pltpu.VMEM((HR, 128), jnp.int32),
        pltpu.VMEM((128, D), jnp.float32),
        pltpu.VMEM((128, D), jnp.float32),
    ],
)


def _pair_mlp_kernel(ta, tb, sidx, didx, wf2, bf2b, out,
                     sidx_v, didx_v, arows, brows, wf2_v, bf2_v, out_v,
                     sema, semb):
    c = lax.axis_index("c")
    s = lax.axis_index("s")
    wid = s * NC + c

    pltpu.sync_copy(wf2, wf2_v)
    pltpu.sync_copy(bf2b, bf2_v)
    pltpu.sync_copy(sidx.at[pl.ds(wid * PW, PW)], sidx_v)
    pltpu.sync_copy(didx.at[pl.ds(wid * PW, PW)], didx_v)

    lanes = lax.iota(jnp.int32, L)
    bf2s = bf2_v[pl.ds(0, L)][0]

    def chunk(j, carry):
        ca = pltpu.async_copy(ta.at[sidx_v.at[pl.ds(j * 128, 128)]], arows, sema)
        cb = pltpu.async_copy(tb.at[didx_v.at[pl.ds(j * 128, 128)]], brows, semb)
        ca.wait()
        cb.wait()

        def group(g, inner):
            pvec = lanes + g * L

            def feat(k, acc):
                wchunk = wf2_v[pl.ds(k * L, L)]
                for l in range(L):
                    colv = lanes * 0 + (k * L + l)
                    ga = plsc.load_gather(arows, [pvec, colv])
                    gb = plsc.load_gather(brows, [pvec, colv])
                    h = jnp.maximum(ga + gb, 0.0)
                    acc = acc + h * wchunk[l]
                return acc
            acc = lax.fori_loop(0, 2 * D // L, feat,
                                jnp.zeros((L,), jnp.float32))
            out_v[pl.ds(j * 128 + g * L, L)] = acc + bf2s
            return inner
        lax.fori_loop(0, 128 // L, group, 0)
        return carry
    lax.fori_loop(0, PC, chunk, 0)

    pltpu.sync_copy(out_v, out.at[pl.ds(wid * PW, PW)])


_pair_mlp = pl.kernel(
    _pair_mlp_kernel,
    out_type=jax.ShapeDtypeStruct((SDP,), jnp.float32),
    mesh=_mesh,
    scratch_types=[
        pltpu.VMEM((PW,), jnp.int32),
        pltpu.VMEM((PW,), jnp.int32),
        pltpu.VMEM((128, 2 * D), jnp.float32),
        pltpu.VMEM((128, 2 * D), jnp.float32),
        pltpu.VMEM((2 * D,), jnp.float32),
        pltpu.VMEM((L,), jnp.float32),
        pltpu.VMEM((PW,), jnp.float32),
        pltpu.SemaphoreType.DMA,
        pltpu.SemaphoreType.DMA,
    ],
    compiler_params=pltpu.CompilerParams(needs_layout_passes=False),
)


def _sage_dense_kernel(ap_ref, cp_ref, x_ref, wl_ref, bl_ref, wr_ref, o_ref):
    agg = ap_ref[0] + ap_ref[1]
    cnt = cp_ref[0, :, 0:1] + cp_ref[1, :, 0:1]
    mean = agg / jnp.maximum(cnt, 1.0)
    z = (jnp.dot(mean, wl_ref[...], preferred_element_type=jnp.float32)
         + jnp.dot(x_ref[...], wr_ref[...], preferred_element_type=jnp.float32)
         + bl_ref[...])
    o_ref[...] = jnp.maximum(z, 0.0)


def _tc_layer1(agg_parts, cnt_parts, x, wl, bl, wr):
    return pl.pallas_call(
        _sage_dense_kernel,
        grid=(NS,),
        in_specs=[
            pl.BlockSpec((NC, RT, D), lambda i: (0, i, 0)),
            pl.BlockSpec((NC, RT, D), lambda i: (0, i, 0)),
            pl.BlockSpec((RT, D), lambda i: (i, 0)),
            pl.BlockSpec((D, D), lambda i: (0, 0)),
            pl.BlockSpec((1, D), lambda i: (0, 0)),
            pl.BlockSpec((D, D), lambda i: (0, 0)),
        ],
        out_specs=pl.BlockSpec((RT, D), lambda i: (i, 0)),
        out_shape=jax.ShapeDtypeStruct((NP, D), jnp.float32),
    )(agg_parts, cnt_parts, x, wl, bl, wr)


def _sage2_pair_kernel(ap_ref, cp_ref, z1_ref, wl_ref, bl_ref, wr_ref,
                       u_ref, v_ref, bf1_ref, ta_ref, tb_ref):
    agg = ap_ref[0] + ap_ref[1]
    cnt = cp_ref[0, :, 0:1] + cp_ref[1, :, 0:1]
    mean = agg / jnp.maximum(cnt, 1.0)
    z2 = (jnp.dot(mean, wl_ref[...], preferred_element_type=jnp.float32)
          + jnp.dot(z1_ref[...], wr_ref[...], preferred_element_type=jnp.float32)
          + bl_ref[...])
    ta_ref[...] = jnp.dot(z2, u_ref[...], preferred_element_type=jnp.float32) + bf1_ref[...]
    tb_ref[...] = jnp.dot(z2, v_ref[...], preferred_element_type=jnp.float32)


def _tc_layer2(agg_parts, cnt_parts, z1, wl, bl, wr, u, v, bf1):
    return pl.pallas_call(
        _sage2_pair_kernel,
        grid=(NS,),
        in_specs=[
            pl.BlockSpec((NC, RT, D), lambda i: (0, i, 0)),
            pl.BlockSpec((NC, RT, D), lambda i: (0, i, 0)),
            pl.BlockSpec((RT, D), lambda i: (i, 0)),
            pl.BlockSpec((D, D), lambda i: (0, 0)),
            pl.BlockSpec((1, D), lambda i: (0, 0)),
            pl.BlockSpec((D, D), lambda i: (0, 0)),
            pl.BlockSpec((D, 2 * D), lambda i: (0, 0)),
            pl.BlockSpec((D, 2 * D), lambda i: (0, 0)),
            pl.BlockSpec((1, 2 * D), lambda i: (0, 0)),
        ],
        out_specs=[
            pl.BlockSpec((RT, 2 * D), lambda i: (i, 0)),
            pl.BlockSpec((RT, 2 * D), lambda i: (i, 0)),
        ],
        out_shape=[
            jax.ShapeDtypeStruct((NP, 2 * D), jnp.float32),
            jax.ShapeDtypeStruct((NP, 2 * D), jnp.float32),
        ],
    )(agg_parts, cnt_parts, z1, wl, bl, wr, u, v, bf1)


@jax.jit
def kernel(x, edge_index, sd_index, Wl1, bl1, Wr1, Wl2, bl2, Wr2, Wf1, bf1, Wf2, bf2):
    x_pad = jnp.zeros((NP, D), jnp.float32).at[:N].set(x)
    src = jnp.concatenate(
        [edge_index[0], jnp.zeros((EP - E,), jnp.int32)]).reshape(ER, 128)
    dst = jnp.concatenate(
        [edge_index[1], jnp.full((EP - E,), N, jnp.int32)]).reshape(ER, 128)

    cnt = _cnt_kernel(dst)
    agg1 = _edge_agg(x_pad, src, dst)
    z1 = _tc_layer1(agg1, cnt, x_pad, Wl1, bl1.reshape(1, D), Wr1)

    agg2 = _edge_agg(z1, src, dst)
    ta, tb = _tc_layer2(agg2, cnt, z1, Wl2, bl2.reshape(1, D), Wr2,
                        Wf1[:D], Wf1[D:], bf1.reshape(1, 2 * D))

    sidx = jnp.concatenate([sd_index[0], jnp.zeros((SDP - SD,), jnp.int32)])
    didx = jnp.concatenate([sd_index[1], jnp.zeros((SDP - SD,), jnp.int32)])
    out = _pair_mlp(ta, tb, sidx, didx, Wf2.reshape(2 * D),
                    jnp.broadcast_to(bf2, (L,)))
    return out[:SD]

# --- scband reference (transcript-rebuilt; emitter-appended) ---
"""Pipeline reference for scband-sdregression-model-55817394979021 (READ-ONLY COPY).

The authoritative reference and input builder live on the scoring server;
editing this copy changes nothing except your own understanding.
"""

import jax, jax.numpy as jnp
import numpy as np

N = 10000
E = 320000
SD = 100000
D = 128
H = 128
C = 128

def setup_inputs(seed: int = 0) -> dict:
    key = jax.random.key(seed)
    ks = jax.random.split(key, 16)
    x = jax.random.normal(ks[0], (N, D), dtype=jnp.float32)
    edge_index = jax.random.randint(ks[1], (2, E), 0, N, dtype=jnp.int32)
    sd_index = jax.random.randint(ks[2], (2, SD), 0, N, dtype=jnp.int32)
    s = 1.0 / np.sqrt(D)
    Wl1 = jax.random.uniform(ks[3], (D, H), dtype=jnp.float32, minval=-s, maxval=s)
    bl1 = jax.random.uniform(ks[4], (H,), dtype=jnp.float32, minval=-s, maxval=s)
    Wr1 = jax.random.uniform(ks[5], (D, H), dtype=jnp.float32, minval=-s, maxval=s)
    s2 = 1.0 / np.sqrt(H)
    Wl2 = jax.random.uniform(ks[6], (H, C), dtype=jnp.float32, minval=-s2, maxval=s2)
    bl2 = jax.random.uniform(ks[7], (C,), dtype=jnp.float32, minval=-s2, maxval=s2)
    Wr2 = jax.random.uniform(ks[8], (H, C), dtype=jnp.float32, minval=-s2, maxval=s2)
    s3 = 1.0 / np.sqrt(2 * C)
    Wf1 = jax.random.uniform(ks[9], (2 * C, 2 * C), dtype=jnp.float32, minval=-s3, maxval=s3)
    bf1 = jax.random.uniform(ks[10], (2 * C,), dtype=jnp.float32, minval=-s3, maxval=s3)
    Wf2 = jax.random.uniform(ks[11], (2 * C, 1), dtype=jnp.float32, minval=-s3, maxval=s3)
    bf2 = jax.random.uniform(ks[12], (1,), dtype=jnp.float32, minval=-s3, maxval=s3)
    return {"x": x, "edge_index": edge_index, "sd_index": sd_index,
            "Wl1": Wl1, "bl1": bl1, "Wr1": Wr1,
            "Wl2": Wl2, "bl2": bl2, "Wr2": Wr2,
            "Wf1": Wf1, "bf1": bf1, "Wf2": Wf2, "bf2": bf2}

def _sage_conv(x, edge_index, Wl, bl, Wr):
    src = edge_index[0]
    dst = edge_index[1]
    msg = jnp.take(x, src, axis=0)
    agg = jax.ops.segment_sum(msg, dst, num_segments=N)
    cnt = jax.ops.segment_sum(jnp.ones((edge_index.shape[1],), x.dtype), dst, num_segments=N)
    mean = agg / jnp.clip(cnt, 1.0)[:, None]
    return mean @ Wl + bl + x @ Wr

def reference(x, edge_index, sd_index, Wl1, bl1, Wr1, Wl2, bl2, Wr2, Wf1, bf1, Wf2, bf2):
    # GraphSAGE with 2 SAGEConv layers (mean aggregation), ReLU between, dropout=0
    z = _sage_conv(x, edge_index, Wl1, bl1, Wr1)
    z = jax.nn.relu(z)
    z = _sage_conv(z, edge_index, Wl2, bl2, Wr2)
    # SDFCLayer: concat endpoint embeddings, MLP to scalar per pair
    link_emb = jnp.concatenate([jnp.take(z, sd_index[0], axis=0), jnp.take(z, sd_index[1], axis=0)], axis=1)
    h = jax.nn.relu(link_emb @ Wf1 + bf1)
    out = h @ Wf2 + bf2
    return out.reshape(-1)

if __name__ == "__main__":
    import jax
    _d = setup_inputs()
    print(jax.jit(kernel)(*tuple(_d.values())))

</pallas_src>

<mosaic_0001>
#map = affine_map<(d0, d1) -> (0, 0)>
#map1 = affine_map<(d0, d1) -> (0, 0, 0)>
module attributes {stable_mosaic.version = 14 : i64} {
  func.func @_edge_agg_body(%arg0: i32, %arg1: i32, %arg2: memref<10240x128xf32, #tpu.memory_space<hbm>>, %arg3: memref<2560x128xi32, #tpu.memory_space<hbm>>, %arg4: memref<2560x128xi32, #tpu.memory_space<hbm>>, %arg5: memref<2x10240x128xf32, #tpu.memory_space<hbm>>, %arg6: memref<10240x128xf32, #tpu.memory_space<vmem_shared>>, %arg7: memref<40x128xi32, #tpu.memory_space<vmem>>, %arg8: memref<40x128xi32, #tpu.memory_space<vmem>>, %arg9: memref<128x128xf32, #tpu.memory_space<vmem>>, %arg10: memref<!tpu.dma_semaphore, #tpu.memory_space<semaphore_mem>>) attributes {dimension_semantics = [#tpu.dimension_semantics<core_parallel>, #tpu.dimension_semantics<subcore_parallel>], iteration_bounds = array<i64: 2, 16>, scalar_prefetch = 0 : i64, scratch_operands = 5 : i64, tpu.core_type = #tpu.core_type<sc_vector_subcore>, window_params = [{transform_indices = #map}, {transform_indices = #map}, {transform_indices = #map}, {transform_indices = #map1}]} {
    %mul3A = arith.constant 2 : i32
    %mul3A_0 = arith.muli %arg1, %mul3A : i32
    %add3A = arith.addi %mul3A_0, %arg0 : i32
    %scan3A = arith.constant 0 : i32
    %scan3A_1 = arith.constant 0 : i32
    %scan3A_2 = arith.constant 128 : i32
    %scan3A_3 = arith.addi %scan3A_1, %scan3A_2 : i32
    %scan3A_4 = arith.constant 1 : i32
    scf.for %scan3A_67 = %scan3A_1 to %scan3A_3 step %scan3A_4  : i32 {
      %broadcast_in_dim3A = arith.constant 0.000000e+00 : f32
      %broadcast_in_dim3A_68 = vector.broadcast %broadcast_in_dim3A : f32 to vector<16xf32>
      %swap3A = arith.index_cast %scan3A_67 : i32 to index
      %swap3A_69 = arith.constant 0 : index
      %swap3A_70 = tpu.vector_load %arg9[%swap3A, %swap3A_69] {strides = array<i32>} : memref<128x128xf32, #tpu.memory_space<vmem>>, vector<1x16xf32>,
      %swap3A_71 = vector.shape_cast %swap3A_70 : vector<1x16xf32> to vector<16xf32>
      %swap3A_72 = vector.shape_cast %broadcast_in_dim3A_68 : vector<16xf32> to vector<1x16xf32>
      tpu.vector_store %arg9[%swap3A, %swap3A_69], %swap3A_72 {strides = array<i32>} : memref<128x128xf32, #tpu.memory_space<vmem>>, vector<1x16xf32>,
      %broadcast_in_dim3A_73 = arith.constant 0.000000e+00 : f32
      %broadcast_in_dim3A_74 = vector.broadcast %broadcast_in_dim3A_73 : f32 to vector<16xf32>
      %swap3A_75 = arith.index_cast %scan3A_67 : i32 to index
      %swap3A_76 = arith.constant 16 : index
      %swap3A_77 = tpu.vector_load %arg9[%swap3A_75, %swap3A_76] {strides = array<i32>} : memref<128x128xf32, #tpu.memory_space<vmem>>, vector<1x16xf32>,
      %swap3A_78 = vector.shape_cast %swap3A_77 : vector<1x16xf32> to vector<16xf32>
      %swap3A_79 = vector.shape_cast %broadcast_in_dim3A_74 : vector<16xf32> to vector<1x16xf32>
      tpu.vector_store %arg9[%swap3A_75, %swap3A_76], %swap3A_79 {strides = array<i32>} : memref<128x128xf32, #tpu.memory_space<vmem>>, vector<1x16xf32>,
      %broadcast_in_dim3A_80 = arith.constant 0.000000e+00 : f32
      %broadcast_in_dim3A_81 = vector.broadcast %broadcast_in_dim3A_80 : f32 to vector<16xf32>
      %swap3A_82 = arith.index_cast %scan3A_67 : i32 to index
      %swap3A_83 = arith.constant 32 : index
      %swap3A_84 = tpu.vector_load %arg9[%swap3A_82, %swap3A_83] {strides = array<i32>} : memref<128x128xf32, #tpu.memory_space<vmem>>, vector<1x16xf32>,
      %swap3A_85 = vector.shape_cast %swap3A_84 : vector<1x16xf32> to vector<16xf32>
      %swap3A_86 = vector.shape_cast %broadcast_in_dim3A_81 : vector<16xf32> to vector<1x16xf32>
      tpu.vector_store %arg9[%swap3A_82, %swap3A_83], %swap3A_86 {strides = array<i32>} : memref<128x128xf32, #tpu.memory_space<vmem>>, vector<1x16xf32>,
      %broadcast_in_dim3A_87 = arith.constant 0.000000e+00 : f32
      %broadcast_in_dim3A_88 = vector.broadcast %broadcast_in_dim3A_87 : f32 to vector<16xf32>
      %swap3A_89 = arith.index_cast %scan3A_67 : i32 to index
      %swap3A_90 = arith.constant 48 : index
      %swap3A_91 = tpu.vector_load %arg9[%swap3A_89, %swap3A_90] {strides = array<i32>} : memref<128x128xf32, #tpu.memory_space<vmem>>, vector<1x16xf32>,
      %swap3A_92 = vector.shape_cast %swap3A_91 : vector<1x16xf32> to vector<16xf32>
      %swap3A_93 = vector.shape_cast %broadcast_in_dim3A_88 : vector<16xf32> to vector<1x16xf32>
      tpu.vector_store %arg9[%swap3A_89, %swap3A_90], %swap3A_93 {strides = array<i32>} : memref<128x128xf32, #tpu.memory_space<vmem>>, vector<1x16xf32>,
      %broadcast_in_dim3A_94 = arith.constant 0.000000e+00 : f32
      %broadcast_in_dim3A_95 = vector.broadcast %broadcast_in_dim3A_94 : f32 to vector<16xf32>
      %swap3A_96 = arith.index_cast %scan3A_67 : i32 to index
      %swap3A_97 = arith.constant 64 : index
      %swap3A_98 = tpu.vector_load %arg9[%swap3A_96, %swap3A_97] {strides = array<i32>} : memref<128x128xf32, #tpu.memory_space<vmem>>, vector<1x16xf32>,
      %swap3A_99 = vector.shape_cast %swap3A_98 : vector<1x16xf32> to vector<16xf32>
      %swap3A_100 = vector.shape_cast %broadcast_in_dim3A_95 : vector<16xf32> to vector<1x16xf32>
      tpu.vector_store %arg9[%swap3A_96, %swap3A_97], %swap3A_100 {strides = array<i32>} : memref<128x128xf32, #tpu.memory_space<vmem>>, vector<1x16xf32>,
      %broadcast_in_dim3A_101 = arith.constant 0.000000e+00 : f32
      %broadcast_in_dim3A_102 = vector.broadcast %broadcast_in_dim3A_101 : f32 to vector<16xf32>
      %swap3A_103 = arith.index_cast %scan3A_67 : i32 to index
      %swap3A_104 = arith.constant 80 : index
      %swap3A_105 = tpu.vector_load %arg9[%swap3A_103, %swap3A_104] {strides = array<i32>} : memref<128x128xf32, #tpu.memory_space<vmem>>, vector<1x16xf32>,
      %swap3A_106 = vector.shape_cast %swap3A_105 : vector<1x16xf32> to vector<16xf32>
      %swap3A_107 = vector.shape_cast %broadcast_in_dim3A_102 : vector<16xf32> to vector<1x16xf32>
      tpu.vector_store %arg9[%swap3A_103, %swap3A_104], %swap3A_107 {strides = array<i32>} : memref<128x128xf32, #tpu.memory_space<vmem>>, vector<1x16xf32>,
      %broadcast_in_dim3A_108 = arith.constant 0.000000e+00 : f32
      %broadcast_in_dim3A_109 = vector.broadcast %broadcast_in_dim3A_108 : f32 to vector<16xf32>
      %swap3A_110 = arith.index_cast %scan3A_67 : i32 to index
      %swap3A_111 = arith.constant 96 : index
      %swap3A_112 = tpu.vector_load %arg9[%swap3A_110, %swap3A_111] {strides = array<i32>} : memref<128x128xf32, #tpu.memory_space<vmem>>, vector<1x16xf32>,
      %swap3A_113 = vector.shape_cast %swap3A_112 : vector<1x16xf32> to vector<16xf32>
      %swap3A_114 = vector.shape_cast %broadcast_in_dim3A_109 : vector<16xf32> to vector<1x16xf32>
      tpu.vector_store %arg9[%swap3A_110, %swap3A_111], %swap3A_114 {strides = array<i32>} : memref<128x128xf32, #tpu.memory_space<vmem>>, vector<1x16xf32>,
      %broadcast_in_dim3A_115 = arith.constant 0.000000e+00 : f32
      %broadcast_in_dim3A_116 = vector.broadcast %broadcast_in_dim3A_115 : f32 to vector<16xf32>
      %swap3A_117 = arith.index_cast %scan3A_67 : i32 to index
      %swap3A_118 = arith.constant 112 : index
      %swap3A_119 = tpu.vector_load %arg9[%swap3A_117, %swap3A_118] {strides = array<i32>} : memref<128x128xf32, #tpu.memory_space<vmem>>, vector<1x16xf32>,
      %swap3A_120 = vector.shape_cast %swap3A_119 : vector<1x16xf32> to vector<16xf32>
      %swap3A_121 = vector.shape_cast %broadcast_in_dim3A_116 : vector<16xf32> to vector<1x16xf32>
      tpu.vector_store %arg9[%swap3A_117, %swap3A_118], %swap3A_121 {strides = array<i32>} : memref<128x128xf32, #tpu.memory_space<vmem>>, vector<1x16xf32>,
    }
    %scan3A_5 = arith.constant 128 : i32
    %mul3A_6 = arith.constant 640 : i32
    %mul3A_7 = arith.muli %arg1, %mul3A_6 : i32
    %add3A_8 = arith.constant 0 : i32
    %add3A_9 = arith.addi %mul3A_7, %add3A_8 : i32
    "tpu.region"() ({
      %run_scoped3A = tpu.sem_alloc : memref<!tpu.dma_semaphore, #tpu.memory_space<semaphore_mem>>
      %dma_start3A = arith.constant 0 : i32
      %dma_start3A_67 = tpu.memref_slice %arg6[%add3A_9, %dma_start3A] : memref<10240x128xf32, #tpu.memory_space<vmem_shared>> -> memref<128x128xf32, #tpu.memory_space<vmem_shared>>
      %dma_start3A_68 = arith.constant 0 : i32
      %dma_start3A_69 = tpu.memref_slice %arg6[%add3A_9, %dma_start3A_68] : memref<10240x128xf32, #tpu.memory_space<vmem_shared>> -> memref<128x128xf32, #tpu.memory_space<vmem_shared>>
      tpu.enqueue_dma source(%arg9 : memref<128x128xf32, #tpu.memory_space<vmem>>) target(%dma_start3A_69 : memref<128x128xf32, #tpu.memory_space<vmem_shared>>) target_semaphore(%run_scoped3A : memref<!tpu.dma_semaphore, #tpu.memory_space<semaphore_mem>>)
      %dma_wait3A = arith.constant 0 : i32
      %dma_wait3A_70 = tpu.memref_slice %arg6[%add3A_9, %dma_wait3A] : memref<10240x128xf32, #tpu.memory_space<vmem_shared>> -> memref<128x128xf32, #tpu.memory_space<vmem_shared>>
      %dma_wait3A_71 = arith.constant 0 : i32
      %dma_wait3A_72 = tpu.memref_slice %arg6[%add3A_9, %dma_wait3A_71] : memref<10240x128xf32, #tpu.memory_space<vmem_shared>> -> memref<128x128xf32, #tpu.memory_space<vmem_shared>>
      tpu.wait_dma2 semaphore(%run_scoped3A : memref<!tpu.dma_semaphore, #tpu.memory_space<semaphore_mem>>) src(%arg9 : memref<128x128xf32, #tpu.memory_space<vmem>>) dst(%dma_wait3A_72 : memref<128x128xf32, #tpu.memory_space<vmem_shared>>)
      tpu.yield
    }) : () -> ()
    %mul3A_10 = arith.constant 640 : i32
    %mul3A_11 = arith.muli %arg1, %mul3A_10 : i32
    %add3A_12 = arith.constant 128 : i32
    %add3A_13 = arith.addi %mul3A_11, %add3A_12 : i32
    "tpu.region"() ({
      %run_scoped3A = tpu.sem_alloc : memref<!tpu.dma_semaphore, #tpu.memory_space<semaphore_mem>>
      %dma_start3A = arith.constant 0 : i32
      %dma_start3A_67 = tpu.memref_slice %arg6[%add3A_13, %dma_start3A] : memref<10240x128xf32, #tpu.memory_space<vmem_shared>> -> memref<128x128xf32, #tpu.memory_space<vmem_shared>>
      %dma_start3A_68 = arith.constant 0 : i32
      %dma_start3A_69 = tpu.memref_slice %arg6[%add3A_13, %dma_start3A_68] : memref<10240x128xf32, #tpu.memory_space<vmem_shared>> -> memref<128x128xf32, #tpu.memory_space<vmem_shared>>
      tpu.enqueue_dma source(%arg9 : memref<128x128xf32, #tpu.memory_space<vmem>>) target(%dma_start3A_69 : memref<128x128xf32, #tpu.memory_space<vmem_shared>>) target_semaphore(%run_scoped3A : memref<!tpu.dma_semaphore, #tpu.memory_space<semaphore_mem>>)
      %dma_wait3A = arith.constant 0 : i32
      %dma_wait3A_70 = tpu.memref_slice %arg6[%add3A_13, %dma_wait3A] : memref<10240x128xf32, #tpu.memory_space<vmem_shared>> -> memref<128x128xf32, #tpu.memory_space<vmem_shared>>
      %dma_wait3A_71 = arith.constant 0 : i32
      %dma_wait3A_72 = tpu.memref_slice %arg6[%add3A_13, %dma_wait3A_71] : memref<10240x128xf32, #tpu.memory_space<vmem_shared>> -> memref<128x128xf32, #tpu.memory_space<vmem_shared>>
      tpu.wait_dma2 semaphore(%run_scoped3A : memref<!tpu.dma_semaphore, #tpu.memory_space<semaphore_mem>>) src(%arg9 : memref<128x128xf32, #tpu.memory_space<vmem>>) dst(%dma_wait3A_72 : memref<128x128xf32, #tpu.memory_space<vmem_shared>>)
      tpu.yield
    }) : () -> ()
    %mul3A_14 = arith.constant 640 : i32
    %mul3A_15 = arith.muli %arg1, %mul3A_14 : i32
    %add3A_16 = arith.constant 256 : i32
    %add3A_17 = arith.addi %mul3A_15, %add3A_16 : i32
    "tpu.region"() ({
      %run_scoped3A = tpu.sem_alloc : memref<!tpu.dma_semaphore, #tpu.memory_space<semaphore_mem>>
      %dma_start3A = arith.constant 0 : i32
      %dma_start3A_67 = tpu.memref_slice %arg6[%add3A_17, %dma_start3A] : memref<10240x128xf32, #tpu.memory_space<vmem_shared>> -> memref<128x128xf32, #tpu.memory_space<vmem_shared>>
      %dma_start3A_68 = arith.constant 0 : i32
      %dma_start3A_69 = tpu.memref_slice %arg6[%add3A_17, %dma_start3A_68] : memref<10240x128xf32, #tpu.memory_space<vmem_shared>> -> memref<128x128xf32, #tpu.memory_space<vmem_shared>>
      tpu.enqueue_dma source(%arg9 : memref<128x128xf32, #tpu.memory_space<vmem>>) target(%dma_start3A_69 : memref<128x128xf32, #tpu.memory_space<vmem_shared>>) target_semaphore(%run_scoped3A : memref<!tpu.dma_semaphore, #tpu.memory_space<semaphore_mem>>)
      %dma_wait3A = arith.constant 0 : i32
      %dma_wait3A_70 = tpu.memref_slice %arg6[%add3A_17, %dma_wait3A] : memref<10240x128xf32, #tpu.memory_space<vmem_shared>> -> memref<128x128xf32, #tpu.memory_space<vmem_shared>>
      %dma_wait3A_71 = arith.constant 0 : i32
      %dma_wait3A_72 = tpu.memref_slice %arg6[%add3A_17, %dma_wait3A_71] : memref<10240x128xf32, #tpu.memory_space<vmem_shared>> -> memref<128x128xf32, #tpu.memory_space<vmem_shared>>
      tpu.wait_dma2 semaphore(%run_scoped3A : memref<!tpu.dma_semaphore, #tpu.memory_space<semaphore_mem>>) src(%arg9 : memref<128x128xf32, #tpu.memory_space<vmem>>) dst(%dma_wait3A_72 : memref<128x128xf32, #tpu.memory_space<vmem_shared>>)
      tpu.yield
    }) : () -> ()
    %mul3A_18 = arith.constant 640 : i32
    %mul3A_19 = arith.muli %arg1, %mul3A_18 : i32
    %add3A_20 = arith.constant 384 : i32
    %add3A_21 = arith.addi %mul3A_19, %add3A_20 : i32
    "tpu.region"() ({
      %run_scoped3A = tpu.sem_alloc : memref<!tpu.dma_semaphore, #tpu.memory_space<semaphore_mem>>
      %dma_start3A = arith.constant 0 : i32
      %dma_start3A_67 = tpu.memref_slice %arg6[%add3A_21, %dma_start3A] : memref<10240x128xf32, #tpu.memory_space<vmem_shared>> -> memref<128x128xf32, #tpu.memory_space<vmem_shared>>
      %dma_start3A_68 = arith.constant 0 : i32
      %dma_start3A_69 = tpu.memref_slice %arg6[%add3A_21, %dma_start3A_68] : memref<10240x128xf32, #tpu.memory_space<vmem_shared>> -> memref<128x128xf32, #tpu.memory_space<vmem_shared>>
      tpu.enqueue_dma source(%arg9 : memref<128x128xf32, #tpu.memory_space<vmem>>) target(%dma_start3A_69 : memref<128x128xf32, #tpu.memory_space<vmem_shared>>) target_semaphore(%run_scoped3A : memref<!tpu.dma_semaphore, #tpu.memory_space<semaphore_mem>>)
      %dma_wait3A = arith.constant 0 : i32
      %dma_wait3A_70 = tpu.memref_slice %arg6[%add3A_21, %dma_wait3A] : memref<10240x128xf32, #tpu.memory_space<vmem_shared>> -> memref<128x128xf32, #tpu.memory_space<vmem_shared>>
      %dma_wait3A_71 = arith.constant 0 : i32
      %dma_wait3A_72 = tpu.memref_slice %arg6[%add3A_21, %dma_wait3A_71] : memref<10240x128xf32, #tpu.memory_space<vmem_shared>> -> memref<128x128xf32, #tpu.memory_space<vmem_shared>>
      tpu.wait_dma2 semaphore(%run_scoped3A : memref<!tpu.dma_semaphore, #tpu.memory_space<semaphore_mem>>) src(%arg9 : memref<128x128xf32, #tpu.memory_space<vmem>>) dst(%dma_wait3A_72 : memref<128x128xf32, #tpu.memory_space<vmem_shared>>)
      tpu.yield
    }) : () -> ()
    %mul3A_22 = arith.constant 640 : i32
    %mul3A_23 = arith.muli %arg1, %mul3A_22 : i32
    %add3A_24 = arith.constant 512 : i32
    %add3A_25 = arith.addi %mul3A_23, %add3A_24 : i32
    "tpu.region"() ({
      %run_scoped3A = tpu.sem_alloc : memref<!tpu.dma_semaphore, #tpu.memory_space<semaphore_mem>>
      %dma_start3A = arith.constant 0 : i32
      %dma_start3A_67 = tpu.memref_slice %arg6[%add3A_25, %dma_start3A] : memref<10240x128xf32, #tpu.memory_space<vmem_shared>> -> memref<128x128xf32, #tpu.memory_space<vmem_shared>>
      %dma_start3A_68 = arith.constant 0 : i32
      %dma_start3A_69 = tpu.memref_slice %arg6[%add3A_25, %dma_start3A_68] : memref<10240x128xf32, #tpu.memory_space<vmem_shared>> -> memref<128x128xf32, #tpu.memory_space<vmem_shared>>
      tpu.enqueue_dma source(%arg9 : memref<128x128xf32, #tpu.memory_space<vmem>>) target(%dma_start3A_69 : memref<128x128xf32, #tpu.memory_space<vmem_shared>>) target_semaphore(%run_scoped3A : memref<!tpu.dma_semaphore, #tpu.memory_space<semaphore_mem>>)
      %dma_wait3A = arith.constant 0 : i32
      %dma_wait3A_70 = tpu.memref_slice %arg6[%add3A_25, %dma_wait3A] : memref<10240x128xf32, #tpu.memory_space<vmem_shared>> -> memref<128x128xf32, #tpu.memory_space<vmem_shared>>
      %dma_wait3A_71 = arith.constant 0 : i32
      %dma_wait3A_72 = tpu.memref_slice %arg6[%add3A_25, %dma_wait3A_71] : memref<10240x128xf32, #tpu.memory_space<vmem_shared>> -> memref<128x128xf32, #tpu.memory_space<vmem_shared>>
      tpu.wait_dma2 semaphore(%run_scoped3A : memref<!tpu.dma_semaphore, #tpu.memory_space<semaphore_mem>>) src(%arg9 : memref<128x128xf32, #tpu.memory_space<vmem>>) dst(%dma_wait3A_72 : memref<128x128xf32, #tpu.memory_space<vmem_shared>>)
      tpu.yield
    }) : () -> ()
    %barrier3A = arith.constant 0 : index
    tpu.barrier barrier_id(%barrier3A)
    %mul3A_26 = arith.constant 80 : i32
    %mul3A_27 = arith.muli %add3A, %mul3A_26 : i32
    %add3A_28 = arith.constant 0 : i32
    %add3A_29 = arith.addi %mul3A_27, %add3A_28 : i32
    "tpu.region"() ({
      %run_scoped3A = tpu.sem_alloc : memref<!tpu.dma_semaphore, #tpu.memory_space<semaphore_mem>>
      %dma_start3A = arith.constant 0 : i32
      %dma_start3A_67 = tpu.memref_slice %arg3[%add3A_29, %dma_start3A] : memref<2560x128xi32, #tpu.memory_space<hbm>> -> memref<40x128xi32, #tpu.memory_space<hbm>>
      %dma_start3A_68 = arith.constant 0 : i32
      %dma_start3A_69 = tpu.memref_slice %arg3[%add3A_29, %dma_start3A_68] : memref<2560x128xi32, #tpu.memory_space<hbm>> -> memref<40x128xi32, #tpu.memory_space<hbm>>
      tpu.enqueue_dma source(%dma_start3A_69 : memref<40x128xi32, #tpu.memory_space<hbm>>) target(%arg7 : memref<40x128xi32, #tpu.memory_space<vmem>>) target_semaphore(%run_scoped3A : memref<!tpu.dma_semaphore, #tpu.memory_space<semaphore_mem>>)
      %dma_wait3A = arith.constant 0 : i32
      %dma_wait3A_70 = tpu.memref_slice %arg3[%add3A_29, %dma_wait3A] : memref<2560x128xi32, #tpu.memory_space<hbm>> -> memref<40x128xi32, #tpu.memory_space<hbm>>
      %dma_wait3A_71 = arith.constant 0 : i32
      %dma_wait3A_72 = tpu.memref_slice %arg3[%add3A_29, %dma_wait3A_71] : memref<2560x128xi32, #tpu.memory_space<hbm>> -> memref<40x128xi32, #tpu.memory_space<hbm>>
      tpu.wait_dma2 semaphore(%run_scoped3A : memref<!tpu.dma_semaphore, #tpu.memory_space<semaphore_mem>>) src(%dma_wait3A_72 : memref<40x128xi32, #tpu.memory_space<hbm>>) dst(%arg7 : memref<40x128xi32, #tpu.memory_space<vmem>>)
      tpu.yield
    }) : () -> ()
    "tpu.region"() ({
      %run_scoped3A = tpu.sem_alloc : memref<!tpu.dma_semaphore, #tpu.memory_space<semaphore_mem>>
      %dma_start3A = arith.constant 0 : i32
      %dma_start3A_67 = tpu.memref_slice %arg4[%add3A_29, %dma_start3A] : memref<2560x128xi32, #tpu.memory_space<hbm>> -> memref<40x128xi32, #tpu.memory_space<hbm>>
      %dma_start3A_68 = arith.constant 0 : i32
      %dma_start3A_69 = tpu.memref_slice %arg4[%add3A_29, %dma_start3A_68] : memref<2560x128xi32, #tpu.memory_space<hbm>> -> memref<40x128xi32, #tpu.memory_space<hbm>>
      tpu.enqueue_dma source(%dma_start3A_69 : memref<40x128xi32, #tpu.memory_space<hbm>>) target(%arg8 : memref<40x128xi32, #tpu.memory_space<vmem>>) target_semaphore(%run_scoped3A : memref<!tpu.dma_semaphore, #tpu.memory_space<semaphore_mem>>)
      %dma_wait3A = arith.constant 0 : i32
      %dma_wait3A_70 = tpu.memref_slice %arg4[%add3A_29, %dma_wait3A] : memref<2560x128xi32, #tpu.memory_space<hbm>> -> memref<40x128xi32, #tpu.memory_space<hbm>>
      %dma_wait3A_71 = arith.constant 0 : i32
      %dma_wait3A_72 = tpu.memref_slice %arg4[%add3A_29, %dma_wait3A_71] : memref<2560x128xi32, #tpu.memory_space<hbm>> -> memref<40x128xi32, #tpu.memory_space<hbm>>
      tpu.wait_dma2 semaphore(%run_scoped3A : memref<!tpu.dma_semaphore, #tpu.memory_space<semaphore_mem>>) src(%dma_wait3A_72 : memref<40x128xi32, #tpu.memory_space<hbm>>) dst(%arg8 : memref<40x128xi32, #tpu.memory_space<vmem>>)
      tpu.yield
    }) : () -> ()
    %scan3A_30 = arith.constant 0 : i32
    %scan3A_31 = arith.constant 0 : i32
    %scan3A_32 = arith.constant 40 : i32
    %scan3A_33 = arith.addi %scan3A_31, %scan3A_32 : i32
    %scan3A_34 = arith.constant 1 : i32
    scf.for %scan3A_67 = %scan3A_31 to %scan3A_33 step %scan3A_34  : i32 {
      %dma_start3A = arith.constant 0 : i32
      %dma_start3A_68 = tpu.memref_slice %arg7[%scan3A_67, %dma_start3A] : memref<40x128xi32, #tpu.memory_space<vmem>> -> memref<1x128xi32, #tpu.memory_space<vmem>>
      %dma_start3A_69 = tpu.memref_squeeze %dma_start3A_68 : memref<1x128xi32, #tpu.memory_space<vmem>> -> memref<128xi32, #tpu.memory_space<vmem>>
      %dma_start3A_70 = arith.constant 0 : i32
      %dma_start3A_71 = arith.constant 0 : i32
      %dma_start3A_72 = tpu.memref_slice %arg2[%dma_start3A_70, %dma_start3A_71] : memref<10240x128xf32, #tpu.memory_space<hbm>> -> memref<10240x128xf32, #tpu.memory_space<hbm>>
      tpu.enqueue_indirect_dma source(%dma_start3A_72 : memref<10240x128xf32, #tpu.memory_space<hbm>>) target(%arg9 : memref<128x128xf32, #tpu.memory_space<vmem>>) offsets(%dma_start3A_69 : memref<128xi32, #tpu.memory_space<vmem>>) semaphore(%arg10 : memref<!tpu.dma_semaphore, #tpu.memory_space<semaphore_mem>>)
      %dma_wait3A = arith.constant 0 : i32
      %dma_wait3A_73 = tpu.memref_slice %arg7[%scan3A_67, %dma_wait3A] : memref<40x128xi32, #tpu.memory_space<vmem>> -> memref<1x128xi32, #tpu.memory_space<vmem>>
      %dma_wait3A_74 = tpu.memref_squeeze %dma_wait3A_73 : memref<1x128xi32, #tpu.memory_space<vmem>> -> memref<128xi32, #tpu.memory_space<vmem>>
      %dma_wait3A_75 = arith.constant 0 : i32
      %dma_wait3A_76 = arith.constant 0 : i32
      %dma_wait3A_77 = tpu.memref_slice %arg2[%dma_wait3A_75, %dma_wait3A_76] : memref<10240x128xf32, #tpu.memory_space<hbm>> -> memref<10240x128xf32, #tpu.memory_space<hbm>>
      tpu.wait_indirect_dma semaphore(%arg10 : memref<!tpu.dma_semaphore, #tpu.memory_space<semaphore_mem>>) src(%dma_wait3A_77 : memref<10240x128xf32, #tpu.memory_space<hbm>>) dst(%arg9 : memref<128x128xf32, #tpu.memory_space<vmem>>)
      "tpu.region"() ({
        %run_scoped3A = tpu.sem_alloc : memref<!tpu.dma_semaphore, #tpu.memory_space<semaphore_mem>>
        %dma_start3A_78 = arith.constant 0 : i32
        %dma_start3A_79 = tpu.memref_slice %arg8[%scan3A_67, %dma_start3A_78] : memref<40x128xi32, #tpu.memory_space<vmem>> -> memref<1x128xi32, #tpu.memory_space<vmem>>
        %dma_start3A_80 = tpu.memref_squeeze %dma_start3A_79 : memref<1x128xi32, #tpu.memory_space<vmem>> -> memref<128xi32, #tpu.memory_space<vmem>>
        %dma_start3A_81 = arith.constant 0 : i32
        %dma_start3A_82 = arith.constant 0 : i32
        %dma_start3A_83 = tpu.memref_slice %arg6[%dma_start3A_81, %dma_start3A_82] : memref<10240x128xf32, #tpu.memory_space<vmem_shared>> -> memref<10240x128xf32, #tpu.memory_space<vmem_shared>>
        tpu.enqueue_indirect_dma source(%arg9 : memref<128x128xf32, #tpu.memory_space<vmem>>) target(%dma_start3A_83 : memref<10240x128xf32, #tpu.memory_space<vmem_shared>>) offsets(%dma_start3A_80 : memref<128xi32, #tpu.memory_space<vmem>>) semaphore(%run_scoped3A : memref<!tpu.dma_semaphore, #tpu.memory_space<semaphore_mem>>) {add = true}
        %dma_wait3A_84 = arith.constant 0 : i32
        %dma_wait3A_85 = tpu.memref_slice %arg8[%scan3A_67, %dma_wait3A_84] : memref<40x128xi32, #tpu.memory_space<vmem>> -> memref<1x128xi32, #tpu.memory_space<vmem>>
        %dma_wait3A_86 = tpu.memref_squeeze %dma_wait3A_85 : memref<1x128xi32, #tpu.memory_space<vmem>> -> memref<128xi32, #tpu.memory_space<vmem>>
        %dma_wait3A_87 = arith.constant 0 : i32
        %dma_wait3A_88 = arith.constant 0 : i32
        %dma_wait3A_89 = tpu.memref_slice %arg6[%dma_wait3A_87, %dma_wait3A_88] : memref<10240x128xf32, #tpu.memory_space<vmem_shared>> -> memref<10240x128xf32, #tpu.memory_space<vmem_shared>>
        tpu.wait_indirect_dma semaphore(%run_scoped3A : memref<!tpu.dma_semaphore, #tpu.memory_space<semaphore_mem>>) src(%arg9 : memref<128x128xf32, #tpu.memory_space<vmem>>) dst(%dma_wait3A_89 : memref<10240x128xf32, #tpu.memory_space<vmem_shared>>)
        tpu.yield
      }) : () -> ()
    }
    %scan3A_35 = arith.constant 40 : i32
    %mul3A_36 = arith.constant 80 : i32
    %mul3A_37 = arith.muli %add3A, %mul3A_36 : i32
    %add3A_38 = arith.constant 40 : i32
    %add3A_39 = arith.addi %mul3A_37, %add3A_38 : i32
    "tpu.region"() ({
      %run_scoped3A = tpu.sem_alloc : memref<!tpu.dma_semaphore, #tpu.memory_space<semaphore_mem>>
      %dma_start3A = arith.constant 0 : i32
      %dma_start3A_67 = tpu.memref_slice %arg3[%add3A_39, %dma_start3A] : memref<2560x128xi32, #tpu.memory_space<hbm>> -> memref<40x128xi32, #tpu.memory_space<hbm>>
      %dma_start3A_68 = arith.constant 0 : i32
      %dma_start3A_69 = tpu.memref_slice %arg3[%add3A_39, %dma_start3A_68] : memref<2560x128xi32, #tpu.memory_space<hbm>> -> memref<40x128xi32, #tpu.memory_space<hbm>>
      tpu.enqueue_dma source(%dma_start3A_69 : memref<40x128xi32, #tpu.memory_space<hbm>>) target(%arg7 : memref<40x128xi32, #tpu.memory_space<vmem>>) target_semaphore(%run_scoped3A : memref<!tpu.dma_semaphore, #tpu.memory_space<semaphore_mem>>)
      %dma_wait3A = arith.constant 0 : i32
      %dma_wait3A_70 = tpu.memref_slice %arg3[%add3A_39, %dma_wait3A] : memref<2560x128xi32, #tpu.memory_space<hbm>> -> memref<40x128xi32, #tpu.memory_space<hbm>>
      %dma_wait3A_71 = arith.constant 0 : i32
      %dma_wait3A_72 = tpu.memref_slice %arg3[%add3A_39, %dma_wait3A_71] : memref<2560x128xi32, #tpu.memory_space<hbm>> -> memref<40x128xi32, #tpu.memory_space<hbm>>
      tpu.wait_dma2 semaphore(%run_scoped3A : memref<!tpu.dma_semaphore, #tpu.memory_space<semaphore_mem>>) src(%dma_wait3A_72 : memref<40x128xi32, #tpu.memory_space<hbm>>) dst(%arg7 : memref<40x128xi32, #tpu.memory_space<vmem>>)
      tpu.yield
    }) : () -> ()
    "tpu.region"() ({
      %run_scoped3A = tpu.sem_alloc : memref<!tpu.dma_semaphore, #tpu.memory_space<semaphore_mem>>
      %dma_start3A = arith.constant 0 : i32
      %dma_start3A_67 = tpu.memref_slice %arg4[%add3A_39, %dma_start3A] : memref<2560x128xi32, #tpu.memory_space<hbm>> -> memref<40x128xi32, #tpu.memory_space<hbm>>
      %dma_start3A_68 = arith.constant 0 : i32
      %dma_start3A_69 = tpu.memref_slice %arg4[%add3A_39, %dma_start3A_68] : memref<2560x128xi32, #tpu.memory_space<hbm>> -> memref<40x128xi32, #tpu.memory_space<hbm>>
      tpu.enqueue_dma source(%dma_start3A_69 : memref<40x128xi32, #tpu.memory_space<hbm>>) target(%arg8 : memref<40x128xi32, #tpu.memory_space<vmem>>) target_semaphore(%run_scoped3A : memref<!tpu.dma_semaphore, #tpu.memory_space<semaphore_mem>>)
      %dma_wait3A = arith.constant 0 : i32
      %dma_wait3A_70 = tpu.memref_slice %arg4[%add3A_39, %dma_wait3A] : memref<2560x128xi32, #tpu.memory_space<hbm>> -> memref<40x128xi32, #tpu.memory_space<hbm>>
      %dma_wait3A_71 = arith.constant 0 : i32
      %dma_wait3A_72 = tpu.memref_slice %arg4[%add3A_39, %dma_wait3A_71] : memref<2560x128xi32, #tpu.memory_space<hbm>> -> memref<40x128xi32, #tpu.memory_space<hbm>>
      tpu.wait_dma2 semaphore(%run_scoped3A : memref<!tpu.dma_semaphore, #tpu.memory_space<semaphore_mem>>) src(%dma_wait3A_72 : memref<40x128xi32, #tpu.memory_space<hbm>>) dst(%arg8 : memref<40x128xi32, #tpu.memory_space<vmem>>)
      tpu.yield
    }) : () -> ()
    %scan3A_40 = arith.constant 0 : i32
    %scan3A_41 = arith.constant 0 : i32
    %scan3A_42 = arith.constant 40 : i32
    %scan3A_43 = arith.addi %scan3A_41, %scan3A_42 : i32
    %scan3A_44 = arith.constant 1 : i32
    scf.for %scan3A_67 = %scan3A_41 to %scan3A_43 step %scan3A_44  : i32 {
      %dma_start3A = arith.constant 0 : i32
      %dma_start3A_68 = tpu.memref_slice %arg7[%scan3A_67, %dma_start3A] : memref<40x128xi32, #tpu.memory_space<vmem>> -> memref<1x128xi32, #tpu.memory_space<vmem>>
      %dma_start3A_69 = tpu.memref_squeeze %dma_start3A_68 : memref<1x128xi32, #tpu.memory_space<vmem>> -> memref<128xi32, #tpu.memory_space<vmem>>
      %dma_start3A_70 = arith.constant 0 : i32
      %dma_start3A_71 = arith.constant 0 : i32
      %dma_start3A_72 = tpu.memref_slice %arg2[%dma_start3A_70, %dma_start3A_71] : memref<10240x128xf32, #tpu.memory_space<hbm>> -> memref<10240x128xf32, #tpu.memory_space<hbm>>
      tpu.enqueue_indirect_dma source(%dma_start3A_72 : memref<10240x128xf32, #tpu.memory_space<hbm>>) target(%arg9 : memref<128x128xf32, #tpu.memory_space<vmem>>) offsets(%dma_start3A_69 : memref<128xi32, #tpu.memory_space<vmem>>) semaphore(%arg10 : memref<!tpu.dma_semaphore, #tpu.memory_space<semaphore_mem>>)
      %dma_wait3A = arith.constant 0 : i32
      %dma_wait3A_73 = tpu.memref_slice %arg7[%scan3A_67, %dma_wait3A] : memref<40x128xi32, #tpu.memory_space<vmem>> -> memref<1x128xi32, #tpu.memory_space<vmem>>
      %dma_wait3A_74 = tpu.memref_squeeze %dma_wait3A_73 : memref<1x128xi32, #tpu.memory_space<vmem>> -> memref<128xi32, #tpu.memory_space<vmem>>
      %dma_wait3A_75 = arith.constant 0 : i32
      %dma_wait3A_76 = arith.constant 0 : i32
      %dma_wait3A_77 = tpu.memref_slice %arg2[%dma_wait3A_75, %dma_wait3A_76] : memref<10240x128xf32, #tpu.memory_space<hbm>> -> memref<10240x128xf32, #tpu.memory_space<hbm>>
      tpu.wait_indirect_dma semaphore(%arg10 : memref<!tpu.dma_semaphore, #tpu.memory_space<semaphore_mem>>) src(%dma_wait3A_77 : memref<10240x128xf32, #tpu.memory_space<hbm>>) dst(%arg9 : memref<128x128xf32, #tpu.memory_space<vmem>>)
      "tpu.region"() ({
        %run_scoped3A = tpu.sem_alloc : memref<!tpu.dma_semaphore, #tpu.memory_space<semaphore_mem>>
        %dma_start3A_78 = arith.constant 0 : i32
        %dma_start3A_79 = tpu.memref_slice %arg8[%scan3A_67, %dma_start3A_78] : memref<40x128xi32, #tpu.memory_space<vmem>> -> memref<1x128xi32, #tpu.memory_space<vmem>>
        %dma_start3A_80 = tpu.memref_squeeze %dma_start3A_79 : memref<1x128xi32, #tpu.memory_space<vmem>> -> memref<128xi32, #tpu.memory_space<vmem>>
        %dma_start3A_81 = arith.constant 0 : i32
        %dma_start3A_82 = arith.constant 0 : i32
        %dma_start3A_83 = tpu.memref_slice %arg6[%dma_start3A_81, %dma_start3A_82] : memref<10240x128xf32, #tpu.memory_space<vmem_shared>> -> memref<10240x128xf32, #tpu.memory_space<vmem_shared>>
        tpu.enqueue_indirect_dma source(%arg9 : memref<128x128xf32, #tpu.memory_space<vmem>>) target(%dma_start3A_83 : memref<10240x128xf32, #tpu.memory_space<vmem_shared>>) offsets(%dma_start3A_80 : memref<128xi32, #tpu.memory_space<vmem>>) semaphore(%run_scoped3A : memref<!tpu.dma_semaphore, #tpu.memory_space<semaphore_mem>>) {add = true}
        %dma_wait3A_84 = arith.constant 0 : i32
        %dma_wait3A_85 = tpu.memref_slice %arg8[%scan3A_67, %dma_wait3A_84] : memref<40x128xi32, #tpu.memory_space<vmem>> -> memref<1x128xi32, #tpu.memory_space<vmem>>
        %dma_wait3A_86 = tpu.memref_squeeze %dma_wait3A_85 : memref<1x128xi32, #tpu.memory_space<vmem>> -> memref<128xi32, #tpu.memory_space<vmem>>
        %dma_wait3A_87 = arith.constant 0 : i32
        %dma_wait3A_88 = arith.constant 0 : i32
        %dma_wait3A_89 = tpu.memref_slice %arg6[%dma_wait3A_87, %dma_wait3A_88] : memref<10240x128xf32, #tpu.memory_space<vmem_shared>> -> memref<10240x128xf32, #tpu.memory_space<vmem_shared>>
        tpu.wait_indirect_dma semaphore(%run_scoped3A : memref<!tpu.dma_semaphore, #tpu.memory_space<semaphore_mem>>) src(%arg9 : memref<128x128xf32, #tpu.memory_space<vmem>>) dst(%dma_wait3A_89 : memref<10240x128xf32, #tpu.memory_space<vmem_shared>>)
        tpu.yield
      }) : () -> ()
    }
    %scan3A_45 = arith.constant 40 : i32
    %barrier3A_46 = arith.constant 0 : index
    tpu.barrier barrier_id(%barrier3A_46)
    %mul3A_47 = arith.constant 640 : i32
    %mul3A_48 = arith.muli %arg1, %mul3A_47 : i32
    %add3A_49 = arith.constant 0 : i32
    %add3A_50 = arith.addi %mul3A_48, %add3A_49 : i32
    "tpu.region"() ({
      %run_scoped3A = tpu.sem_alloc : memref<!tpu.dma_semaphore, #tpu.memory_space<semaphore_mem>>
      %dma_start3A = arith.constant 0 : i32
      %dma_start3A_67 = tpu.memref_slice %arg6[%add3A_50, %dma_start3A] : memref<10240x128xf32, #tpu.memory_space<vmem_shared>> -> memref<128x128xf32, #tpu.memory_space<vmem_shared>>
      %dma_start3A_68 = arith.constant 0 : i32
      %dma_start3A_69 = tpu.memref_slice %arg6[%add3A_50, %dma_start3A_68] : memref<10240x128xf32, #tpu.memory_space<vmem_shared>> -> memref<128x128xf32, #tpu.memory_space<vmem_shared>>
      tpu.enqueue_dma source(%dma_start3A_69 : memref<128x128xf32, #tpu.memory_space<vmem_shared>>) target(%arg9 : memref<128x128xf32, #tpu.memory_space<vmem>>) target_semaphore(%run_scoped3A : memref<!tpu.dma_semaphore, #tpu.memory_space<semaphore_mem>>)
      %dma_wait3A = arith.constant 0 : i32
      %dma_wait3A_70 = tpu.memref_slice %arg6[%add3A_50, %dma_wait3A] : memref<10240x128xf32, #tpu.memory_space<vmem_shared>> -> memref<128x128xf32, #tpu.memory_space<vmem_shared>>
      %dma_wait3A_71 = arith.constant 0 : i32
      %dma_wait3A_72 = tpu.memref_slice %arg6[%add3A_50, %dma_wait3A_71] : memref<10240x128xf32, #tpu.memory_space<vmem_shared>> -> memref<128x128xf32, #tpu.memory_space<vmem_shared>>
      tpu.wait_dma2 semaphore(%run_scoped3A : memref<!tpu.dma_semaphore, #tpu.memory_space<semaphore_mem>>) src(%dma_wait3A_72 : memref<128x128xf32, #tpu.memory_space<vmem_shared>>) dst(%arg9 : memref<128x128xf32, #tpu.memory_space<vmem>>)
      tpu.yield
    }) : () -> ()
    "tpu.region"() ({
      %run_scoped3A = tpu.sem_alloc : memref<!tpu.dma_semaphore, #tpu.memory_space<semaphore_mem>>
      %dma_start3A = arith.constant 0 : i32
      %dma_start3A_67 = tpu.memref_slice %arg5[%arg0, %add3A_50, %dma_start3A] : memref<2x10240x128xf32, #tpu.memory_space<hbm>> -> memref<1x128x128xf32, #tpu.memory_space<hbm>>
      %dma_start3A_68 = tpu.memref_squeeze %dma_start3A_67 : memref<1x128x128xf32, #tpu.memory_space<hbm>> -> memref<128x128xf32, #tpu.memory_space<hbm>>
      %dma_start3A_69 = arith.constant 0 : i32
      %dma_start3A_70 = tpu.memref_slice %arg5[%arg0, %add3A_50, %dma_start3A_69] : memref<2x10240x128xf32, #tpu.memory_space<hbm>> -> memref<1x128x128xf32, #tpu.memory_space<hbm>>
      %dma_start3A_71 = tpu.memref_squeeze %dma_start3A_70 : memref<1x128x128xf32, #tpu.memory_space<hbm>> -> memref<128x128xf32, #tpu.memory_space<hbm>>
      tpu.enqueue_dma source(%arg9 : memref<128x128xf32, #tpu.memory_space<vmem>>) target(%dma_start3A_71 : memref<128x128xf32, #tpu.memory_space<hbm>>) target_semaphore(%run_scoped3A : memref<!tpu.dma_semaphore, #tpu.memory_space<semaphore_mem>>)
      %dma_wait3A = arith.constant 0 : i32
      %dma_wait3A_72 = tpu.memref_slice %arg5[%arg0, %add3A_50, %dma_wait3A] : memref<2x10240x128xf32, #tpu.memory_space<hbm>> -> memref<1x128x128xf32, #tpu.memory_space<hbm>>
      %dma_wait3A_73 = tpu.memref_squeeze %dma_wait3A_72 : memref<1x128x128xf32, #tpu.memory_space<hbm>> -> memref<128x128xf32, #tpu.memory_space<hbm>>
      %dma_wait3A_74 = arith.constant 0 : i32
      %dma_wait3A_75 = tpu.memref_slice %arg5[%arg0, %add3A_50, %dma_wait3A_74] : memref<2x10240x128xf32, #tpu.memory_space<hbm>> -> memref<1x128x128xf32, #tpu.memory_space<hbm>>
      %dma_wait3A_76 = tpu.memref_squeeze %dma_wait3A_75 : memref<1x128x128xf32, #tpu.memory_space<hbm>> -> memref<128x128xf32, #tpu.memory_space<hbm>>
      tpu.wait_dma2 semaphore(%run_scoped3A : memref<!tpu.dma_semaphore, #tpu.memory_space<semaphore_mem>>) src(%arg9 : memref<128x128xf32, #tpu.memory_space<vmem>>) dst(%dma_wait3A_76 : memref<128x128xf32, #tpu.memory_space<hbm>>)
      tpu.yield
    }) : () -> ()
    %mul3A_51 = arith.constant 640 : i32
    %mul3A_52 = arith.muli %arg1, %mul3A_51 : i32
    %add3A_53 = arith.constant 128 : i32
    %add3A_54 = arith.addi %mul3A_52, %add3A_53 : i32
    "tpu.region"() ({
      %run_scoped3A = tpu.sem_alloc : memref<!tpu.dma_semaphore, #tpu.memory_space<semaphore_mem>>
      %dma_start3A = arith.constant 0 : i32
      %dma_start3A_67 = tpu.memref_slice %arg6[%add3A_54, %dma_start3A] : memref<10240x128xf32, #tpu.memory_space<vmem_shared>> -> memref<128x128xf32, #tpu.memory_space<vmem_shared>>
      %dma_start3A_68 = arith.constant 0 : i32
      %dma_start3A_69 = tpu.memref_slice %arg6[%add3A_54, %dma_start3A_68] : memref<10240x128xf32, #tpu.memory_space<vmem_shared>> -> memref<128x128xf32, #tpu.memory_space<vmem_shared>>
      tpu.enqueue_dma source(%dma_start3A_69 : memref<128x128xf32, #tpu.memory_space<vmem_shared>>) target(%arg9 : memref<128x128xf32, #tpu.memory_space<vmem>>) target_semaphore(%run_scoped3A : memref<!tpu.dma_semaphore, #tpu.memory_space<semaphore_mem>>)
      %dma_wait3A = arith.constant 0 : i32
      %dma_wait3A_70 = tpu.memref_slice %arg6[%add3A_54, %dma_wait3A] : memref<10240x128xf32, #tpu.memory_space<vmem_shared>> -> memref<128x128xf32, #tpu.memory_space<vmem_shared>>
      %dma_wait3A_71 = arith.constant 0 : i32
      %dma_wait3A_72 = tpu.memref_slice %arg6[%add3A_54, %dma_wait3A_71] : memref<10240x128xf32, #tpu.memory_space<vmem_shared>> -> memref<128x128xf32, #tpu.memory_space<vmem_shared>>
      tpu.wait_dma2 semaphore(%run_scoped3A : memref<!tpu.dma_semaphore, #tpu.memory_space<semaphore_mem>>) src(%dma_wait3A_72 : memref<128x128xf32, #tpu.memory_space<vmem_shared>>) dst(%arg9 : memref<128x128xf32, #tpu.memory_space<vmem>>)
      tpu.yield
    }) : () -> ()
    "tpu.region"() ({
      %run_scoped3A = tpu.sem_alloc : memref<!tpu.dma_semaphore, #tpu.memory_space<semaphore_mem>>
      %dma_start3A = arith.constant 0 : i32
      %dma_start3A_67 = tpu.memref_slice %arg5[%arg0, %add3A_54, %dma_start3A] : memref<2x10240x128xf32, #tpu.memory_space<hbm>> -> memref<1x128x128xf32, #tpu.memory_space<hbm>>
      %dma_start3A_68 = tpu.memref_squeeze %dma_start3A_67 : memref<1x128x128xf32, #tpu.memory_space<hbm>> -> memref<128x128xf32, #tpu.memory_space<hbm>>
      %dma_start3A_69 = arith.constant 0 : i32
      %dma_start3A_70 = tpu.memref_slice %arg5[%arg0, %add3A_54, %dma_start3A_69] : memref<2x10240x128xf32, #tpu.memory_space<hbm>> -> memref<1x128x128xf32, #tpu.memory_space<hbm>>
      %dma_start3A_71 = tpu.memref_squeeze %dma_start3A_70 : memref<1x128x128xf32, #tpu.memory_space<hbm>> -> memref<128x128xf32, #tpu.memory_space<hbm>>
      tpu.enqueue_dma source(%arg9 : memref<128x128xf32, #tpu.memory_space<vmem>>) target(%dma_start3A_71 : memref<128x128xf32, #tpu.memory_space<hbm>>) target_semaphore(%run_scoped3A : memref<!tpu.dma_semaphore, #tpu.memory_space<semaphore_mem>>)
      %dma_wait3A = arith.constant 0 : i32
      %dma_wait3A_72 = tpu.memref_slice %arg5[%arg0, %add3A_54, %dma_wait3A] : memref<2x10240x128xf32, #tpu.memory_space<hbm>> -> memref<1x128x128xf32, #tpu.memory_space<hbm>>
      %dma_wait3A_73 = tpu.memref_squeeze %dma_wait3A_72 : memref<1x128x128xf32, #tpu.memory_space<hbm>> -> memref<128x128xf32, #tpu.memory_space<hbm>>
      %dma_wait3A_74 = arith.constant 0 : i32
      %dma_wait3A_75 = tpu.memref_slice %arg5[%arg0, %add3A_54, %dma_wait3A_74] : memref<2x10240x128xf32, #tpu.memory_space<hbm>> -> memref<1x128x128xf32, #tpu.memory_space<hbm>>
      %dma_wait3A_76 = tpu.memref_squeeze %dma_wait3A_75 : memref<1x128x128xf32, #tpu.memory_space<hbm>> -> memref<128x128xf32, #tpu.memory_space<hbm>>
      tpu.wait_dma2 semaphore(%run_scoped3A : memref<!tpu.dma_semaphore, #tpu.memory_space<semaphore_mem>>) src(%arg9 : memref<128x128xf32, #tpu.memory_space<vmem>>) dst(%dma_wait3A_76 : memref<128x128xf32, #tpu.memory_space<hbm>>)
      tpu.yield
    }) : () -> ()
    %mul3A_55 = arith.constant 640 : i32
    %mul3A_56 = arith.muli %arg1, %mul3A_55 : i32
    %add3A_57 = arith.constant 256 : i32
    %add3A_58 = arith.addi %mul3A_56, %add3A_57 : i32
    "tpu.region"() ({
      %run_scoped3A = tpu.sem_alloc : memref<!tpu.dma_semaphore, #tpu.memory_space<semaphore_mem>>
      %dma_start3A = arith.constant 0 : i32
      %dma_start3A_67 = tpu.memref_slice %arg6[%add3A_58, %dma_start3A] : memref<10240x128xf32, #tpu.memory_space<vmem_shared>> -> memref<128x128xf32, #tpu.memory_space<vmem_shared>>
      %dma_start3A_68 = arith.constant 0 : i32
      %dma_start3A_69 = tpu.memref_slice %arg6[%add3A_58, %dma_start3A_68] : memref<10240x128xf32, #tpu.memory_space<vmem_shared>> -> memref<128x128xf32, #tpu.memory_space<vmem_shared>>
      tpu.enqueue_dma source(%dma_start3A_69 : memref<128x128xf32, #tpu.memory_space<vmem_shared>>) target(%arg9 : memref<128x128xf32, #tpu.memory_space<vmem>>) target_semaphore(%run_scoped3A : memref<!tpu.dma_semaphore, #tpu.memory_space<semaphore_mem>>)
      %dma_wait3A = arith.constant 0 : i32
      %dma_wait3A_70 = tpu.memref_slice %arg6[%add3A_58, %dma_wait3A] : memref<10240x128xf32, #tpu.memory_space<vmem_shared>> -> memref<128x128xf32, #tpu.memory_space<vmem_shared>>
      %dma_wait3A_71 = arith.constant 0 : i32
      %dma_wait3A_72 = tpu.memref_slice %arg6[%add3A_58, %dma_wait3A_71] : memref<10240x128xf32, #tpu.memory_space<vmem_shared>> -> memref<128x128xf32, #tpu.memory_space<vmem_shared>>
      tpu.wait_dma2 semaphore(%run_scoped3A : memref<!tpu.dma_semaphore, #tpu.memory_space<semaphore_mem>>) src(%dma_wait3A_72 : memref<128x128xf32, #tpu.memory_space<vmem_shared>>) dst(%arg9 : memref<128x128xf32, #tpu.memory_space<vmem>>)
      tpu.yield
    }) : () -> ()
    "tpu.region"() ({
      %run_scoped3A = tpu.sem_alloc : memref<!tpu.dma_semaphore, #tpu.memory_space<semaphore_mem>>
      %dma_start3A = arith.constant 0 : i32
      %dma_start3A_67 = tpu.memref_slice %arg5[%arg0, %add3A_58, %dma_start3A] : memref<2x10240x128xf32, #tpu.memory_space<hbm>> -> memref<1x128x128xf32, #tpu.memory_space<hbm>>
      %dma_start3A_68 = tpu.memref_squeeze %dma_start3A_67 : memref<1x128x128xf32, #tpu.memory_space<hbm>> -> memref<128x128xf32, #tpu.memory_space<hbm>>
      %dma_start3A_69 = arith.constant 0 : i32
      %dma_start3A_70 = tpu.memref_slice %arg5[%arg0, %add3A_58, %dma_start3A_69] : memref<2x10240x128xf32, #tpu.memory_space<hbm>> -> memref<1x128x128xf32, #tpu.memory_space<hbm>>
      %dma_start3A_71 = tpu.memref_squeeze %dma_start3A_70 : memref<1x128x128xf32, #tpu.memory_space<hbm>> -> memref<128x128xf32, #tpu.memory_space<hbm>>
      tpu.enqueue_dma source(%arg9 : memref<128x128xf32, #tpu.memory_space<vmem>>) target(%dma_start3A_71 : memref<128x128xf32, #tpu.memory_space<hbm>>) target_semaphore(%run_scoped3A : memref<!tpu.dma_semaphore, #tpu.memory_space<semaphore_mem>>)
      %dma_wait3A = arith.constant 0 : i32
      %dma_wait3A_72 = tpu.memref_slice %arg5[%arg0, %add3A_58, %dma_wait3A] : memref<2x10240x128xf32, #tpu.memory_space<hbm>> -> memref<1x128x128xf32, #tpu.memory_space<hbm>>
      %dma_wait3A_73 = tpu.memref_squeeze %dma_wait3A_72 : memref<1x128x128xf32, #tpu.memory_space<hbm>> -> memref<128x128xf32, #tpu.memory_space<hbm>>
      %dma_wait3A_74 = arith.constant 0 : i32
      %dma_wait3A_75 = tpu.memref_slice %arg5[%arg0, %add3A_58, %dma_wait3A_74] : memref<2x10240x128xf32, #tpu.memory_space<hbm>> -> memref<1x128x128xf32, #tpu.memory_space<hbm>>
      %dma_wait3A_76 = tpu.memref_squeeze %dma_wait3A_75 : memref<1x128x128xf32, #tpu.memory_space<hbm>> -> memref<128x128xf32, #tpu.memory_space<hbm>>
      tpu.wait_dma2 semaphore(%run_scoped3A : memref<!tpu.dma_semaphore, #tpu.memory_space<semaphore_mem>>) src(%arg9 : memref<128x128xf32, #tpu.memory_space<vmem>>) dst(%dma_wait3A_76 : memref<128x128xf32, #tpu.memory_space<hbm>>)
      tpu.yield
    }) : () -> ()
    %mul3A_59 = arith.constant 640 : i32
    %mul3A_60 = arith.muli %arg1, %mul3A_59 : i32
    %add3A_61 = arith.constant 384 : i32
    %add3A_62 = arith.addi %mul3A_60, %add3A_61 : i32
    "tpu.region"() ({
      %run_scoped3A = tpu.sem_alloc : memref<!tpu.dma_semaphore, #tpu.memory_space<semaphore_mem>>
      %dma_start3A = arith.constant 0 : i32
      %dma_start3A_67 = tpu.memref_slice %arg6[%add3A_62, %dma_start3A] : memref<10240x128xf32, #tpu.memory_space<vmem_shared>> -> memref<128x128xf32, #tpu.memory_space<vmem_shared>>
      %dma_start3A_68 = arith.constant 0 : i32
      %dma_start3A_69 = tpu.memref_slice %arg6[%add3A_62, %dma_start3A_68] : memref<10240x128xf32, #tpu.memory_space<vmem_shared>> -> memref<128x128xf32, #tpu.memory_space<vmem_shared>>
      tpu.enqueue_dma source(%dma_start3A_69 : memref<128x128xf32, #tpu.memory_space<vmem_shared>>) target(%arg9 : memref<128x128xf32, #tpu.memory_space<vmem>>) target_semaphore(%run_scoped3A : memref<!tpu.dma_semaphore, #tpu.memory_space<semaphore_mem>>)
      %dma_wait3A = arith.constant 0 : i32
      %dma_wait3A_70 = tpu.memref_slice %arg6[%add3A_62, %dma_wait3A] : memref<10240x128xf32, #tpu.memory_space<vmem_shared>> -> memref<128x128xf32, #tpu.memory_space<vmem_shared>>
      %dma_wait3A_71 = arith.constant 0 : i32
      %dma_wait3A_72 = tpu.memref_slice %arg6[%add3A_62, %dma_wait3A_71] : memref<10240x128xf32, #tpu.memory_space<vmem_shared>> -> memref<128x128xf32, #tpu.memory_space<vmem_shared>>
      tpu.wait_dma2 semaphore(%run_scoped3A : memref<!tpu.dma_semaphore, #tpu.memory_space<semaphore_mem>>) src(%dma_wait3A_72 : memref<128x128xf32, #tpu.memory_space<vmem_shared>>) dst(%arg9 : memref<128x128xf32, #tpu.memory_space<vmem>>)
      tpu.yield
    }) : () -> ()
    "tpu.region"() ({
      %run_scoped3A = tpu.sem_alloc : memref<!tpu.dma_semaphore, #tpu.memory_space<semaphore_mem>>
      %dma_start3A = arith.constant 0 : i32
      %dma_start3A_67 = tpu.memref_slice %arg5[%arg0, %add3A_62, %dma_start3A] : memref<2x10240x128xf32, #tpu.memory_space<hbm>> -> memref<1x128x128xf32, #tpu.memory_space<hbm>>
      %dma_start3A_68 = tpu.memref_squeeze %dma_start3A_67 : memref<1x128x128xf32, #tpu.memory_space<hbm>> -> memref<128x128xf32, #tpu.memory_space<hbm>>
      %dma_start3A_69 = arith.constant 0 : i32
      %dma_start3A_70 = tpu.memref_slice %arg5[%arg0, %add3A_62, %dma_start3A_69] : memref<2x10240x128xf32, #tpu.memory_space<hbm>> -> memref<1x128x128xf32, #tpu.memory_space<hbm>>
      %dma_start3A_71 = tpu.memref_squeeze %dma_start3A_70 : memref<1x128x128xf32, #tpu.memory_space<hbm>> -> memref<128x128xf32, #tpu.memory_space<hbm>>
      tpu.enqueue_dma source(%arg9 : memref<128x128xf32, #tpu.memory_space<vmem>>) target(%dma_start3A_71 : memref<128x128xf32, #tpu.memory_space<hbm>>) target_semaphore(%run_scoped3A : memref<!tpu.dma_semaphore, #tpu.memory_space<semaphore_mem>>)
      %dma_wait3A = arith.constant 0 : i32
      %dma_wait3A_72 = tpu.memref_slice %arg5[%arg0, %add3A_62, %dma_wait3A] : memref<2x10240x128xf32, #tpu.memory_space<hbm>> -> memref<1x128x128xf32, #tpu.memory_space<hbm>>
      %dma_wait3A_73 = tpu.memref_squeeze %dma_wait3A_72 : memref<1x128x128xf32, #tpu.memory_space<hbm>> -> memref<128x128xf32, #tpu.memory_space<hbm>>
      %dma_wait3A_74 = arith.constant 0 : i32
      %dma_wait3A_75 = tpu.memref_slice %arg5[%arg0, %add3A_62, %dma_wait3A_74] : memref<2x10240x128xf32, #tpu.memory_space<hbm>> -> memref<1x128x128xf32, #tpu.memory_space<hbm>>
      %dma_wait3A_76 = tpu.memref_squeeze %dma_wait3A_75 : memref<1x128x128xf32, #tpu.memory_space<hbm>> -> memref<128x128xf32, #tpu.memory_space<hbm>>
      tpu.wait_dma2 semaphore(%run_scoped3A : memref<!tpu.dma_semaphore, #tpu.memory_space<semaphore_mem>>) src(%arg9 : memref<128x128xf32, #tpu.memory_space<vmem>>) dst(%dma_wait3A_76 : memref<128x128xf32, #tpu.memory_space<hbm>>)
      tpu.yield
    }) : () -> ()
    %mul3A_63 = arith.constant 640 : i32
    %mul3A_64 = arith.muli %arg1, %mul3A_63 : i32
    %add3A_65 = arith.constant 512 : i32
    %add3A_66 = arith.addi %mul3A_64, %add3A_65 : i32
    "tpu.region"() ({
      %run_scoped3A = tpu.sem_alloc : memref<!tpu.dma_semaphore, #tpu.memory_space<semaphore_mem>>
      %dma_start3A = arith.constant 0 : i32
      %dma_start3A_67 = tpu.memref_slice %arg6[%add3A_66, %dma_start3A] : memref<10240x128xf32, #tpu.memory_space<vmem_shared>> -> memref<128x128xf32, #tpu.memory_space<vmem_shared>>
      %dma_start3A_68 = arith.constant 0 : i32
      %dma_start3A_69 = tpu.memref_slice %arg6[%add3A_66, %dma_start3A_68] : memref<10240x128xf32, #tpu.memory_space<vmem_shared>> -> memref<128x128xf32, #tpu.memory_space<vmem_shared>>
      tpu.enqueue_dma source(%dma_start3A_69 : memref<128x128xf32, #tpu.memory_space<vmem_shared>>) target(%arg9 : memref<128x128xf32, #tpu.memory_space<vmem>>) target_semaphore(%run_scoped3A : memref<!tpu.dma_semaphore, #tpu.memory_space<semaphore_mem>>)
      %dma_wait3A = arith.constant 0 : i32
      %dma_wait3A_70 = tpu.memref_slice %arg6[%add3A_66, %dma_wait3A] : memref<10240x128xf32, #tpu.memory_space<vmem_shared>> -> memref<128x128xf32, #tpu.memory_space<vmem_shared>>
      %dma_wait3A_71 = arith.constant 0 : i32
      %dma_wait3A_72 = tpu.memref_slice %arg6[%add3A_66, %dma_wait3A_71] : memref<10240x128xf32, #tpu.memory_space<vmem_shared>> -> memref<128x128xf32, #tpu.memory_space<vmem_shared>>
      tpu.wait_dma2 semaphore(%run_scoped3A : memref<!tpu.dma_semaphore, #tpu.memory_space<semaphore_mem>>) src(%dma_wait3A_72 : memref<128x128xf32, #tpu.memory_space<vmem_shared>>) dst(%arg9 : memref<128x128xf32, #tpu.memory_space<vmem>>)
      tpu.yield
    }) : () -> ()
    "tpu.region"() ({
      %run_scoped3A = tpu.sem_alloc : memref<!tpu.dma_semaphore, #tpu.memory_space<semaphore_mem>>
      %dma_start3A = arith.constant 0 : i32
      %dma_start3A_67 = tpu.memref_slice %arg5[%arg0, %add3A_66, %dma_start3A] : memref<2x10240x128xf32, #tpu.memory_space<hbm>> -> memref<1x128x128xf32, #tpu.memory_space<hbm>>
      %dma_start3A_68 = tpu.memref_squeeze %dma_start3A_67 : memref<1x128x128xf32, #tpu.memory_space<hbm>> -> memref<128x128xf32, #tpu.memory_space<hbm>>
      %dma_start3A_69 = arith.constant 0 : i32
      %dma_start3A_70 = tpu.memref_slice %arg5[%arg0, %add3A_66, %dma_start3A_69] : memref<2x10240x128xf32, #tpu.memory_space<hbm>> -> memref<1x128x128xf32, #tpu.memory_space<hbm>>
      %dma_start3A_71 = tpu.memref_squeeze %dma_start3A_70 : memref<1x128x128xf32, #tpu.memory_space<hbm>> -> memref<128x128xf32, #tpu.memory_space<hbm>>
      tpu.enqueue_dma source(%arg9 : memref<128x128xf32, #tpu.memory_space<vmem>>) target(%dma_start3A_71 : memref<128x128xf32, #tpu.memory_space<hbm>>) target_semaphore(%run_scoped3A : memref<!tpu.dma_semaphore, #tpu.memory_space<semaphore_mem>>)
      %dma_wait3A = arith.constant 0 : i32
      %dma_wait3A_72 = tpu.memref_slice %arg5[%arg0, %add3A_66, %dma_wait3A] : memref<2x10240x128xf32, #tpu.memory_space<hbm>> -> memref<1x128x128xf32, #tpu.memory_space<hbm>>
      %dma_wait3A_73 = tpu.memref_squeeze %dma_wait3A_72 : memref<1x128x128xf32, #tpu.memory_space<hbm>> -> memref<128x128xf32, #tpu.memory_space<hbm>>
      %dma_wait3A_74 = arith.constant 0 : i32
      %dma_wait3A_75 = tpu.memref_slice %arg5[%arg0, %add3A_66, %dma_wait3A_74] : memref<2x10240x128xf32, #tpu.memory_space<hbm>> -> memref<1x128x128xf32, #tpu.memory_space<hbm>>
      %dma_wait3A_76 = tpu.memref_squeeze %dma_wait3A_75 : memref<1x128x128xf32, #tpu.memory_space<hbm>> -> memref<128x128xf32, #tpu.memory_space<hbm>>
      tpu.wait_dma2 semaphore(%run_scoped3A : memref<!tpu.dma_semaphore, #tpu.memory_space<semaphore_mem>>) src(%arg9 : memref<128x128xf32, #tpu.memory_space<vmem>>) dst(%dma_wait3A_76 : memref<128x128xf32, #tpu.memory_space<hbm>>)
      tpu.yield
    }) : () -> ()
    return
  }
}

#map = affine_map<(d0, d1) -> (0, 0)>
#map1 = affine_map<(d0, d1) -> (0)>
module attributes {stable_mosaic.version = 14 : i64} {
  func.func @_pair_mlp_kernel(%arg0: i32, %arg1: i32, %arg2: memref<10240x256xf32, #tpu.memory_space<hbm>>, %arg3: memref<10240x256xf32, #tpu.memory_space<hbm>>, %arg4: memref<102400xi32, #tpu.memory_space<hbm>>, %arg5: memref<102400xi32, #tpu.memory_space<hbm>>, %arg6: memref<256xf32, #tpu.memory_space<hbm>>, %arg7: memref<16xf32, #tpu.memory_space<hbm>>, %arg8: memref<102400xf32, #tpu.memory_space<hbm>>, %arg9: memref<3200xi32, #tpu.memory_space<vmem>>, %arg10: memref<3200xi32, #tpu.memory_space<vmem>>, %arg11: memref<128x256xf32, #tpu.memory_space<vmem>>, %arg12: memref<128x256xf32, #tpu.memory_space<vmem>>, %arg13: memref<256xf32, #tpu.memory_space<vmem>>, %arg14: memref<16xf32, #tpu.memory_space<vmem>>, %arg15: memref<3200xf32, #tpu.memory_space<vmem>>, %arg16: memref<!tpu.dma_semaphore, #tpu.memory_space<semaphore_mem>>, %arg17: memref<!tpu.dma_semaphore, #tpu.memory_space<semaphore_mem>>) attributes {dimension_semantics = [#tpu.dimension_semantics<core_parallel>, #tpu.dimension_semantics<subcore_parallel>], iteration_bounds = array<i64: 2, 16>, scalar_prefetch = 0 : i64, scratch_operands = 9 : i64, tpu.core_type = #tpu.core_type<sc_vector_subcore>, window_params = [{transform_indices = #map}, {transform_indices = #map}, {transform_indices = #map1}, {transform_indices = #map1}, {transform_indices = #map1}, {transform_indices = #map1}, {transform_indices = #map1}]} {
    %mul3A = arith.constant 2 : i32
    %mul3A_0 = arith.muli %arg1, %mul3A : i32
    %add3A = arith.addi %mul3A_0, %arg0 : i32
    "tpu.region"() ({
      %run_scoped3A = tpu.sem_alloc : memref<!tpu.dma_semaphore, #tpu.memory_space<semaphore_mem>>
      tpu.enqueue_dma source(%arg6 : memref<256xf32, #tpu.memory_space<hbm>>) target(%arg13 : memref<256xf32, #tpu.memory_space<vmem>>) target_semaphore(%run_scoped3A : memref<!tpu.dma_semaphore, #tpu.memory_space<semaphore_mem>>)
      tpu.wait_dma2 semaphore(%run_scoped3A : memref<!tpu.dma_semaphore, #tpu.memory_space<semaphore_mem>>) src(%arg6 : memref<256xf32, #tpu.memory_space<hbm>>) dst(%arg13 : memref<256xf32, #tpu.memory_space<vmem>>)
      tpu.yield
    }) : () -> ()
    "tpu.region"() ({
      %run_scoped3A = tpu.sem_alloc : memref<!tpu.dma_semaphore, #tpu.memory_space<semaphore_mem>>
      tpu.enqueue_dma source(%arg7 : memref<16xf32, #tpu.memory_space<hbm>>) target(%arg14 : memref<16xf32, #tpu.memory_space<vmem>>) target_semaphore(%run_scoped3A : memref<!tpu.dma_semaphore, #tpu.memory_space<semaphore_mem>>)
      tpu.wait_dma2 semaphore(%run_scoped3A : memref<!tpu.dma_semaphore, #tpu.memory_space<semaphore_mem>>) src(%arg7 : memref<16xf32, #tpu.memory_space<hbm>>) dst(%arg14 : memref<16xf32, #tpu.memory_space<vmem>>)
      tpu.yield
    }) : () -> ()
    %mul3A_1 = arith.constant 3200 : i32
    %mul3A_2 = arith.muli %add3A, %mul3A_1 : i32
    "tpu.region"() ({
      %run_scoped3A = tpu.sem_alloc : memref<!tpu.dma_semaphore, #tpu.memory_space<semaphore_mem>>
      %dma_start3A = tpu.memref_slice %arg4[%mul3A_2] : memref<102400xi32, #tpu.memory_space<hbm>> -> memref<3200xi32, #tpu.memory_space<hbm>>
      %dma_start3A_13 = tpu.memref_slice %arg4[%mul3A_2] : memref<102400xi32, #tpu.memory_space<hbm>> -> memref<3200xi32, #tpu.memory_space<hbm>>
      tpu.enqueue_dma source(%dma_start3A_13 : memref<3200xi32, #tpu.memory_space<hbm>>) target(%arg9 : memref<3200xi32, #tpu.memory_space<vmem>>) target_semaphore(%run_scoped3A : memref<!tpu.dma_semaphore, #tpu.memory_space<semaphore_mem>>)
      %dma_wait3A = tpu.memref_slice %arg4[%mul3A_2] : memref<102400xi32, #tpu.memory_space<hbm>> -> memref<3200xi32, #tpu.memory_space<hbm>>
      %dma_wait3A_14 = tpu.memref_slice %arg4[%mul3A_2] : memref<102400xi32, #tpu.memory_space<hbm>> -> memref<3200xi32, #tpu.memory_space<hbm>>
      tpu.wait_dma2 semaphore(%run_scoped3A : memref<!tpu.dma_semaphore, #tpu.memory_space<semaphore_mem>>) src(%dma_wait3A_14 : memref<3200xi32, #tpu.memory_space<hbm>>) dst(%arg9 : memref<3200xi32, #tpu.memory_space<vmem>>)
      tpu.yield
    }) : () -> ()
    %mul3A_3 = arith.constant 3200 : i32
    %mul3A_4 = arith.muli %add3A, %mul3A_3 : i32
    "tpu.region"() ({
      %run_scoped3A = tpu.sem_alloc : memref<!tpu.dma_semaphore, #tpu.memory_space<semaphore_mem>>
      %dma_start3A = tpu.memref_slice %arg5[%mul3A_4] : memref<102400xi32, #tpu.memory_space<hbm>> -> memref<3200xi32, #tpu.memory_space<hbm>>
      %dma_start3A_13 = tpu.memref_slice %arg5[%mul3A_4] : memref<102400xi32, #tpu.memory_space<hbm>> -> memref<3200xi32, #tpu.memory_space<hbm>>
      tpu.enqueue_dma source(%dma_start3A_13 : memref<3200xi32, #tpu.memory_space<hbm>>) target(%arg10 : memref<3200xi32, #tpu.memory_space<vmem>>) target_semaphore(%run_scoped3A : memref<!tpu.dma_semaphore, #tpu.memory_space<semaphore_mem>>)
      %dma_wait3A = tpu.memref_slice %arg5[%mul3A_4] : memref<102400xi32, #tpu.memory_space<hbm>> -> memref<3200xi32, #tpu.memory_space<hbm>>
      %dma_wait3A_14 = tpu.memref_slice %arg5[%mul3A_4] : memref<102400xi32, #tpu.memory_space<hbm>> -> memref<3200xi32, #tpu.memory_space<hbm>>
      tpu.wait_dma2 semaphore(%run_scoped3A : memref<!tpu.dma_semaphore, #tpu.memory_space<semaphore_mem>>) src(%dma_wait3A_14 : memref<3200xi32, #tpu.memory_space<hbm>>) dst(%arg10 : memref<3200xi32, #tpu.memory_space<vmem>>)
      tpu.yield
    }) : () -> ()
    %iota3A = tpu.iota {dimensions = array<i32: 0>} : vector<16xi32>
    %get3A = arith.constant 0 : index
    %get3A_5 = tpu.vector_load %arg14[%get3A] {strides = array<i32>} : memref<16xf32, #tpu.memory_space<vmem>>, vector<16xf32>,
    %slice3A = vector.extract_strided_slice %get3A_5 {offsets = [0], sizes = [1], strides = [1]} : vector<16xf32> to vector<1xf32>
    %squeeze3A = vector.extract %slice3A[0] : f32 from vector<1xf32>
    %scan3A = arith.constant 0 : i32
    %scan3A_6 = arith.constant 0 : i32
    %scan3A_7 = arith.constant 25 : i32
    %scan3A_8 = arith.addi %scan3A_6, %scan3A_7 : i32
    %scan3A_9 = arith.constant 1 : i32
    scf.for %scan3A_13 = %scan3A_6 to %scan3A_8 step %scan3A_9  : i32 {
      %mul3A_14 = arith.constant 128 : i32
      %mul3A_15 = arith.muli %scan3A_13, %mul3A_14 : i32
      %dma_start3A = tpu.memref_slice %arg9[%mul3A_15] : memref<3200xi32, #tpu.memory_space<vmem>> -> memref<128xi32, #tpu.memory_space<vmem>>
      %dma_start3A_16 = arith.constant 0 : i32
      %dma_start3A_17 = arith.constant 0 : i32
      %dma_start3A_18 = tpu.memref_slice %arg2[%dma_start3A_16, %dma_start3A_17] : memref<10240x256xf32, #tpu.memory_space<hbm>> -> memref<10240x256xf32, #tpu.memory_space<hbm>>
      tpu.enqueue_indirect_dma source(%dma_start3A_18 : memref<10240x256xf32, #tpu.memory_space<hbm>>) target(%arg11 : memref<128x256xf32, #tpu.memory_space<vmem>>) offsets(%dma_start3A : memref<128xi32, #tpu.memory_space<vmem>>) semaphore(%arg16 : memref<!tpu.dma_semaphore, #tpu.memory_space<semaphore_mem>>)
      %mul3A_19 = arith.constant 128 : i32
      %mul3A_20 = arith.muli %scan3A_13, %mul3A_19 : i32
      %dma_start3A_21 = tpu.memref_slice %arg10[%mul3A_20] : memref<3200xi32, #tpu.memory_space<vmem>> -> memref<128xi32, #tpu.memory_space<vmem>>
      %dma_start3A_22 = arith.constant 0 : i32
      %dma_start3A_23 = arith.constant 0 : i32
      %dma_start3A_24 = tpu.memref_slice %arg3[%dma_start3A_22, %dma_start3A_23] : memref<10240x256xf32, #tpu.memory_space<hbm>> -> memref<10240x256xf32, #tpu.memory_space<hbm>>
      tpu.enqueue_indirect_dma source(%dma_start3A_24 : memref<10240x256xf32, #tpu.memory_space<hbm>>) target(%arg12 : memref<128x256xf32, #tpu.memory_space<vmem>>) offsets(%dma_start3A_21 : memref<128xi32, #tpu.memory_space<vmem>>) semaphore(%arg17 : memref<!tpu.dma_semaphore, #tpu.memory_space<semaphore_mem>>)
      %dma_wait3A = tpu.memref_slice %arg9[%mul3A_15] : memref<3200xi32, #tpu.memory_space<vmem>> -> memref<128xi32, #tpu.memory_space<vmem>>
      %dma_wait3A_25 = arith.constant 0 : i32
      %dma_wait3A_26 = arith.constant 0 : i32
      %dma_wait3A_27 = tpu.memref_slice %arg2[%dma_wait3A_25, %dma_wait3A_26] : memref<10240x256xf32, #tpu.memory_space<hbm>> -> memref<10240x256xf32, #tpu.memory_space<hbm>>
      tpu.wait_indirect_dma semaphore(%arg16 : memref<!tpu.dma_semaphore, #tpu.memory_space<semaphore_mem>>) src(%dma_wait3A_27 : memref<10240x256xf32, #tpu.memory_space<hbm>>) dst(%arg11 : memref<128x256xf32, #tpu.memory_space<vmem>>)
      %dma_wait3A_28 = tpu.memref_slice %arg10[%mul3A_20] : memref<3200xi32, #tpu.memory_space<vmem>> -> memref<128xi32, #tpu.memory_space<vmem>>
      %dma_wait3A_29 = arith.constant 0 : i32
      %dma_wait3A_30 = arith.constant 0 : i32
      %dma_wait3A_31 = tpu.memref_slice %arg3[%dma_wait3A_29, %dma_wait3A_30] : memref<10240x256xf32, #tpu.memory_space<hbm>> -> memref<10240x256xf32, #tpu.memory_space<hbm>>
      tpu.wait_indirect_dma semaphore(%arg17 : memref<!tpu.dma_semaphore, #tpu.memory_space<semaphore_mem>>) src(%dma_wait3A_31 : memref<10240x256xf32, #tpu.memory_space<hbm>>) dst(%arg12 : memref<128x256xf32, #tpu.memory_space<vmem>>)
      %scan3A_32 = arith.constant 0 : i32
      %scan3A_33 = arith.constant 0 : i32
      %scan3A_34 = arith.constant 8 : i32
      %scan3A_35 = arith.addi %scan3A_33, %scan3A_34 : i32
      %scan3A_36 = arith.constant 1 : i32
      scf.for %scan3A_38 = %scan3A_33 to %scan3A_35 step %scan3A_36  : i32 {
        %mul3A_39 = arith.constant 16 : i32
        %mul3A_40 = arith.muli %scan3A_38, %mul3A_39 : i32
        %add3A_41 = vector.broadcast %mul3A_40 : i32 to vector<16xi32>
        %add3A_42 = arith.addi %iota3A, %add3A_41 : vector<16xi32>
        %broadcast_in_dim3A = arith.constant 0.000000e+00 : f32
        %broadcast_in_dim3A_43 = vector.broadcast %broadcast_in_dim3A : f32 to vector<16xf32>
        %scan3A_44 = arith.constant 0 : i32
        %scan3A_45 = arith.constant 16 : i32
        %scan3A_46 = arith.addi %scan3A_44, %scan3A_45 : i32
        %scan3A_47 = arith.constant 1 : i32
        %scan3A_48 = scf.for %scan3A_58 = %scan3A_44 to %scan3A_46 step %scan3A_47 iter_args(%scan3A_59 = %broadcast_in_dim3A_43) -> (vector<16xf32>)  : i32 {
          %mul3A_60 = arith.constant 16 : i32
          %mul3A_61 = arith.muli %scan3A_58, %mul3A_60 : i32
          %get3A_62 = arith.index_cast %mul3A_61 : i32 to index
          %get3A_63 = tpu.vector_load %arg13[%get3A_62] {strides = array<i32>} : memref<256xf32, #tpu.memory_space<vmem>>, vector<16xf32>,
          %mul3A_64 = arith.constant 0 : i32
          %mul3A_65 = vector.broadcast %mul3A_64 : i32 to vector<16xi32>
          %mul3A_66 = arith.muli %iota3A, %mul3A_65 : vector<16xi32>
          %mul3A_67 = arith.constant 16 : i32
          %mul3A_68 = arith.muli %scan3A_58, %mul3A_67 : i32
          %add3A_69 = arith.constant 0 : i32
          %add3A_70 = arith.addi %mul3A_68, %add3A_69 : i32
          %add3A_71 = vector.broadcast %add3A_70 : i32 to vector<16xi32>
          %add3A_72 = arith.addi %mul3A_66, %add3A_71 : vector<16xi32>
          %gather3A = tpu.vector_load_idx %arg11[%add3A_42, %add3A_72] : memref<128x256xf32, #tpu.memory_space<vmem>>[vector<16xi32>, vector<16xi32>], vector<16xf32>,
          %gather3A_73 = tpu.vector_load_idx %arg12[%add3A_42, %add3A_72] : memref<128x256xf32, #tpu.memory_space<vmem>>[vector<16xi32>, vector<16xi32>], vector<16xf32>,
          %add3A_74 = arith.addf %gather3A, %gather3A_73 : vector<16xf32>
          %max3A = arith.constant 0.000000e+00 : f32
          %max3A_75 = vector.broadcast %max3A : f32 to vector<16xf32>
          %max3A_76 = arith.maximumf %add3A_74, %max3A_75 : vector<16xf32>
          %slice3A_77 = vector.extract_strided_slice %get3A_63 {offsets = [0], sizes = [1], strides = [1]} : vector<16xf32> to vector<1xf32>
          %squeeze3A_78 = vector.extract %slice3A_77[0] : f32 from vector<1xf32>
          %mul3A_79 = vector.broadcast %squeeze3A_78 : f32 to vector<16xf32>
          %mul3A_80 = arith.mulf %max3A_76, %mul3A_79 : vector<16xf32>
          %add3A_81 = arith.addf %scan3A_59, %mul3A_80 : vector<16xf32>
          %mul3A_82 = arith.constant 0 : i32
          %mul3A_83 = vector.broadcast %mul3A_82 : i32 to vector<16xi32>
          %mul3A_84 = arith.muli %iota3A, %mul3A_83 : vector<16xi32>
          %mul3A_85 = arith.constant 16 : i32
          %mul3A_86 = arith.muli %scan3A_58, %mul3A_85 : i32
          %add3A_87 = arith.constant 1 : i32
          %add3A_88 = arith.addi %mul3A_86, %add3A_87 : i32
          %add3A_89 = vector.broadcast %add3A_88 : i32 to vector<16xi32>
          %add3A_90 = arith.addi %mul3A_84, %add3A_89 : vector<16xi32>
          %gather3A_91 = tpu.vector_load_idx %arg11[%add3A_42, %add3A_90] : memref<128x256xf32, #tpu.memory_space<vmem>>[vector<16xi32>, vector<16xi32>], vector<16xf32>,
          %gather3A_92 = tpu.vector_load_idx %arg12[%add3A_42, %add3A_90] : memref<128x256xf32, #tpu.memory_space<vmem>>[vector<16xi32>, vector<16xi32>], vector<16xf32>,
          %add3A_93 = arith.addf %gather3A_91, %gather3A_92 : vector<16xf32>
          %max3A_94 = arith.constant 0.000000e+00 : f32
          %max3A_95 = vector.broadcast %max3A_94 : f32 to vector<16xf32>
          %max3A_96 = arith.maximumf %add3A_93, %max3A_95 : vector<16xf32>
          %slice3A_97 = vector.extract_strided_slice %get3A_63 {offsets = [1], sizes = [1], strides = [1]} : vector<16xf32> to vector<1xf32>
          %squeeze3A_98 = vector.extract %slice3A_97[0] : f32 from vector<1xf32>
          %mul3A_99 = vector.broadcast %squeeze3A_98 : f32 to vector<16xf32>
          %mul3A_100 = arith.mulf %max3A_96, %mul3A_99 : vector<16xf32>
          %add3A_101 = arith.addf %add3A_81, %mul3A_100 : vector<16xf32>
          %mul3A_102 = arith.constant 0 : i32
          %mul3A_103 = vector.broadcast %mul3A_102 : i32 to vector<16xi32>
          %mul3A_104 = arith.muli %iota3A, %mul3A_103 : vector<16xi32>
          %mul3A_105 = arith.constant 16 : i32
          %mul3A_106 = arith.muli %scan3A_58, %mul3A_105 : i32
          %add3A_107 = arith.constant 2 : i32
          %add3A_108 = arith.addi %mul3A_106, %add3A_107 : i32
          %add3A_109 = vector.broadcast %add3A_108 : i32 to vector<16xi32>
          %add3A_110 = arith.addi %mul3A_104, %add3A_109 : vector<16xi32>
          %gather3A_111 = tpu.vector_load_idx %arg11[%add3A_42, %add3A_110] : memref<128x256xf32, #tpu.memory_space<vmem>>[vector<16xi32>, vector<16xi32>], vector<16xf32>,
          %gather3A_112 = tpu.vector_load_idx %arg12[%add3A_42, %add3A_110] : memref<128x256xf32, #tpu.memory_space<vmem>>[vector<16xi32>, vector<16xi32>], vector<16xf32>,
          %add3A_113 = arith.addf %gather3A_111, %gather3A_112 : vector<16xf32>
          %max3A_114 = arith.constant 0.000000e+00 : f32
          %max3A_115 = vector.broadcast %max3A_114 : f32 to vector<16xf32>
          %max3A_116 = arith.maximumf %add3A_113, %max3A_115 : vector<16xf32>
          %slice3A_117 = vector.extract_strided_slice %get3A_63 {offsets = [2], sizes = [1], strides = [1]} : vector<16xf32> to vector<1xf32>
          %squeeze3A_118 = vector.extract %slice3A_117[0] : f32 from vector<1xf32>
          %mul3A_119 = vector.broadcast %squeeze3A_118 : f32 to vector<16xf32>
          %mul3A_120 = arith.mulf %max3A_116, %mul3A_119 : vector<16xf32>
          %add3A_121 = arith.addf %add3A_101, %mul3A_120 : vector<16xf32>
          %mul3A_122 = arith.constant 0 : i32
          %mul3A_123 = vector.broadcast %mul3A_122 : i32 to vector<16xi32>
          %mul3A_124 = arith.muli %iota3A, %mul3A_123 : vector<16xi32>
          %mul3A_125 = arith.constant 16 : i32
          %mul3A_126 = arith.muli %scan3A_58, %mul3A_125 : i32
          %add3A_127 = arith.constant 3 : i32
          %add3A_128 = arith.addi %mul3A_126, %add3A_127 : i32
          %add3A_129 = vector.broadcast %add3A_128 : i32 to vector<16xi32>
          %add3A_130 = arith.addi %mul3A_124, %add3A_129 : vector<16xi32>
          %gather3A_131 = tpu.vector_load_idx %arg11[%add3A_42, %add3A_130] : memref<128x256xf32, #tpu.memory_space<vmem>>[vector<16xi32>, vector<16xi32>], vector<16xf32>,
          %gather3A_132 = tpu.vector_load_idx %arg12[%add3A_42, %add3A_130] : memref<128x256xf32, #tpu.memory_space<vmem>>[vector<16xi32>, vector<16xi32>], vector<16xf32>,
          %add3A_133 = arith.addf %gather3A_131, %gather3A_132 : vector<16xf32>
          %max3A_134 = arith.constant 0.000000e+00 : f32
          %max3A_135 = vector.broadcast %max3A_134 : f32 to vector<16xf32>
          %max3A_136 = arith.maximumf %add3A_133, %max3A_135 : vector<16xf32>
          %slice3A_137 = vector.extract_strided_slice %get3A_63 {offsets = [3], sizes = [1], strides = [1]} : vector<16xf32> to vector<1xf32>
          %squeeze3A_138 = vector.extract %slice3A_137[0] : f32 from vector<1xf32>
          %mul3A_139 = vector.broadcast %squeeze3A_138 : f32 to vector<16xf32>
          %mul3A_140 = arith.mulf %max3A_136, %mul3A_139 : vector<16xf32>
          %add3A_141 = arith.addf %add3A_121, %mul3A_140 : vector<16xf32>
          %mul3A_142 = arith.constant 0 : i32
          %mul3A_143 = vector.broadcast %mul3A_142 : i32 to vector<16xi32>
          %mul3A_144 = arith.muli %iota3A, %mul3A_143 : vector<16xi32>
          %mul3A_145 = arith.constant 16 : i32
          %mul3A_146 = arith.muli %scan3A_58, %mul3A_145 : i32
          %add3A_147 = arith.constant 4 : i32
          %add3A_148 = arith.addi %mul3A_146, %add3A_147 : i32
          %add3A_149 = vector.broadcast %add3A_148 : i32 to vector<16xi32>
          %add3A_150 = arith.addi %mul3A_144, %add3A_149 : vector<16xi32>
          %gather3A_151 = tpu.vector_load_idx %arg11[%add3A_42, %add3A_150] : memref<128x256xf32, #tpu.memory_space<vmem>>[vector<16xi32>, vector<16xi32>], vector<16xf32>,
          %gather3A_152 = tpu.vector_load_idx %arg12[%add3A_42, %add3A_150] : memref<128x256xf32, #tpu.memory_space<vmem>>[vector<16xi32>, vector<16xi32>], vector<16xf32>,
          %add3A_153 = arith.addf %gather3A_151, %gather3A_152 : vector<16xf32>
          %max3A_154 = arith.constant 0.000000e+00 : f32
          %max3A_155 = vector.broadcast %max3A_154 : f32 to vector<16xf32>
          %max3A_156 = arith.maximumf %add3A_153, %max3A_155 : vector<16xf32>
          %slice3A_157 = vector.extract_strided_slice %get3A_63 {offsets = [4], sizes = [1], strides = [1]} : vector<16xf32> to vector<1xf32>
          %squeeze3A_158 = vector.extract %slice3A_157[0] : f32 from vector<1xf32>
          %mul3A_159 = vector.broadcast %squeeze3A_158 : f32 to vector<16xf32>
          %mul3A_160 = arith.mulf %max3A_156, %mul3A_159 : vector<16xf32>
          %add3A_161 = arith.addf %add3A_141, %mul3A_160 : vector<16xf32>
          %mul3A_162 = arith.constant 0 : i32
          %mul3A_163 = vector.broadcast %mul3A_162 : i32 to vector<16xi32>
          %mul3A_164 = arith.muli %iota3A, %mul3A_163 : vector<16xi32>
          %mul3A_165 = arith.constant 16 : i32
          %mul3A_166 = arith.muli %scan3A_58, %mul3A_165 : i32
          %add3A_167 = arith.constant 5 : i32
          %add3A_168 = arith.addi %mul3A_166, %add3A_167 : i32
          %add3A_169 = vector.broadcast %add3A_168 : i32 to vector<16xi32>
          %add3A_170 = arith.addi %mul3A_164, %add3A_169 : vector<16xi32>
          %gather3A_171 = tpu.vector_load_idx %arg11[%add3A_42, %add3A_170] : memref<128x256xf32, #tpu.memory_space<vmem>>[vector<16xi32>, vector<16xi32>], vector<16xf32>,
          %gather3A_172 = tpu.vector_load_idx %arg12[%add3A_42, %add3A_170] : memref<128x256xf32, #tpu.memory_space<vmem>>[vector<16xi32>, vector<16xi32>], vector<16xf32>,
          %add3A_173 = arith.addf %gather3A_171, %gather3A_172 : vector<16xf32>
          %max3A_174 = arith.constant 0.000000e+00 : f32
          %max3A_175 = vector.broadcast %max3A_174 : f32 to vector<16xf32>
          %max3A_176 = arith.maximumf %add3A_173, %max3A_175 : vector<16xf32>
          %slice3A_177 = vector.extract_strided_slice %get3A_63 {offsets = [5], sizes = [1], strides = [1]} : vector<16xf32> to vector<1xf32>
          %squeeze3A_178 = vector.extract %slice3A_177[0] : f32 from vector<1xf32>
          %mul3A_179 = vector.broadcast %squeeze3A_178 : f32 to vector<16xf32>
          %mul3A_180 = arith.mulf %max3A_176, %mul3A_179 : vector<16xf32>
          %add3A_181 = arith.addf %add3A_161, %mul3A_180 : vector<16xf32>
          %mul3A_182 = arith.constant 0 : i32
          %mul3A_183 = vector.broadcast %mul3A_182 : i32 to vector<16xi32>
          %mul3A_184 = arith.muli %iota3A, %mul3A_183 : vector<16xi32>
          %mul3A_185 = arith.constant 16 : i32
          %mul3A_186 = arith.muli %scan3A_58, %mul3A_185 : i32
          %add3A_187 = arith.constant 6 : i32
          %add3A_188 = arith.addi %mul3A_186, %add3A_187 : i32
          %add3A_189 = vector.broadcast %add3A_188 : i32 to vector<16xi32>
          %add3A_190 = arith.addi %mul3A_184, %add3A_189 : vector<16xi32>
          %gather3A_191 = tpu.vector_load_idx %arg11[%add3A_42, %add3A_190] : memref<128x256xf32, #tpu.memory_space<vmem>>[vector<16xi32>, vector<16xi32>], vector<16xf32>,
          %gather3A_192 = tpu.vector_load_idx %arg12[%add3A_42, %add3A_190] : memref<128x256xf32, #tpu.memory_space<vmem>>[vector<16xi32>, vector<16xi32>], vector<16xf32>,
          %add3A_193 = arith.addf %gather3A_191, %gather3A_192 : vector<16xf32>
          %max3A_194 = arith.constant 0.000000e+00 : f32
          %max3A_195 = vector.broadcast %max3A_194 : f32 to vector<16xf32>
          %max3A_196 = arith.maximumf %add3A_193, %max3A_195 : vector<16xf32>
          %slice3A_197 = vector.extract_strided_slice %get3A_63 {offsets = [6], sizes = [1], strides = [1]} : vector<16xf32> to vector<1xf32>
          %squeeze3A_198 = vector.extract %slice3A_197[0] : f32 from vector<1xf32>
          %mul3A_199 = vector.broadcast %squeeze3A_198 : f32 to vector<16xf32>
          %mul3A_200 = arith.mulf %max3A_196, %mul3A_199 : vector<16xf32>
          %add3A_201 = arith.addf %add3A_181, %mul3A_200 : vector<16xf32>
          %mul3A_202 = arith.constant 0 : i32
          %mul3A_203 = vector.broadcast %mul3A_202 : i32 to vector<16xi32>
          %mul3A_204 = arith.muli %iota3A, %mul3A_203 : vector<16xi32>
          %mul3A_205 = arith.constant 16 : i32
          %mul3A_206 = arith.muli %scan3A_58, %mul3A_205 : i32
          %add3A_207 = arith.constant 7 : i32
          %add3A_208 = arith.addi %mul3A_206, %add3A_207 : i32
          %add3A_209 = vector.broadcast %add3A_208 : i32 to vector<16xi32>
          %add3A_210 = arith.addi %mul3A_204, %add3A_209 : vector<16xi32>
          %gather3A_211 = tpu.vector_load_idx %arg11[%add3A_42, %add3A_210] : memref<128x256xf32, #tpu.memory_space<vmem>>[vector<16xi32>, vector<16xi32>], vector<16xf32>,
          %gather3A_212 = tpu.vector_load_idx %arg12[%add3A_42, %add3A_210] : memref<128x256xf32, #tpu.memory_space<vmem>>[vector<16xi32>, vector<16xi32>], vector<16xf32>,
          %add3A_213 = arith.addf %gather3A_211, %gather3A_212 : vector<16xf32>
          %max3A_214 = arith.constant 0.000000e+00 : f32
          %max3A_215 = vector.broadcast %max3A_214 : f32 to vector<16xf32>
          %max3A_216 = arith.maximumf %add3A_213, %max3A_215 : vector<16xf32>
          %slice3A_217 = vector.extract_strided_slice %get3A_63 {offsets = [7], sizes = [1], strides = [1]} : vector<16xf32> to vector<1xf32>
          %squeeze3A_218 = vector.extract %slice3A_217[0] : f32 from vector<1xf32>
          %mul3A_219 = vector.broadcast %squeeze3A_218 : f32 to vector<16xf32>
          %mul3A_220 = arith.mulf %max3A_216, %mul3A_219 : vector<16xf32>
          %add3A_221 = arith.addf %add3A_201, %mul3A_220 : vector<16xf32>
          %mul3A_222 = arith.constant 0 : i32
          %mul3A_223 = vector.broadcast %mul3A_222 : i32 to vector<16xi32>
          %mul3A_224 = arith.muli %iota3A, %mul3A_223 : vector<16xi32>
          %mul3A_225 = arith.constant 16 : i32
          %mul3A_226 = arith.muli %scan3A_58, %mul3A_225 : i32
          %add3A_227 = arith.constant 8 : i32
          %add3A_228 = arith.addi %mul3A_226, %add3A_227 : i32
          %add3A_229 = vector.broadcast %add3A_228 : i32 to vector<16xi32>
          %add3A_230 = arith.addi %mul3A_224, %add3A_229 : vector<16xi32>
          %gather3A_231 = tpu.vector_load_idx %arg11[%add3A_42, %add3A_230] : memref<128x256xf32, #tpu.memory_space<vmem>>[vector<16xi32>, vector<16xi32>], vector<16xf32>,
          %gather3A_232 = tpu.vector_load_idx %arg12[%add3A_42, %add3A_230] : memref<128x256xf32, #tpu.memory_space<vmem>>[vector<16xi32>, vector<16xi32>], vector<16xf32>,
          %add3A_233 = arith.addf %gather3A_231, %gather3A_232 : vector<16xf32>
          %max3A_234 = arith.constant 0.000000e+00 : f32
          %max3A_235 = vector.broadcast %max3A_234 : f32 to vector<16xf32>
          %max3A_236 = arith.maximumf %add3A_233, %max3A_235 : vector<16xf32>
          %slice3A_237 = vector.extract_strided_slice %get3A_63 {offsets = [8], sizes = [1], strides = [1]} : vector<16xf32> to vector<1xf32>
          %squeeze3A_238 = vector.extract %slice3A_237[0] : f32 from vector<1xf32>
          %mul3A_239 = vector.broadcast %squeeze3A_238 : f32 to vector<16xf32>
          %mul3A_240 = arith.mulf %max3A_236, %mul3A_239 : vector<16xf32>
          %add3A_241 = arith.addf %add3A_221, %mul3A_240 : vector<16xf32>
          %mul3A_242 = arith.constant 0 : i32
          %mul3A_243 = vector.broadcast %mul3A_242 : i32 to vector<16xi32>
          %mul3A_244 = arith.muli %iota3A, %mul3A_243 : vector<16xi32>
          %mul3A_245 = arith.constant 16 : i32
          %mul3A_246 = arith.muli %scan3A_58, %mul3A_245 : i32
          %add3A_247 = arith.constant 9 : i32
          %add3A_248 = arith.addi %mul3A_246, %add3A_247 : i32
          %add3A_249 = vector.broadcast %add3A_248 : i32 to vector<16xi32>
          %add3A_250 = arith.addi %mul3A_244, %add3A_249 : vector<16xi32>
          %gather3A_251 = tpu.vector_load_idx %arg11[%add3A_42, %add3A_250] : memref<128x256xf32, #tpu.memory_space<vmem>>[vector<16xi32>, vector<16xi32>], vector<16xf32>,
          %gather3A_252 = tpu.vector_load_idx %arg12[%add3A_42, %add3A_250] : memref<128x256xf32, #tpu.memory_space<vmem>>[vector<16xi32>, vector<16xi32>], vector<16xf32>,
          %add3A_253 = arith.addf %gather3A_251, %gather3A_252 : vector<16xf32>
          %max3A_254 = arith.constant 0.000000e+00 : f32
          %max3A_255 = vector.broadcast %max3A_254 : f32 to vector<16xf32>
          %max3A_256 = arith.maximumf %add3A_253, %max3A_255 : vector<16xf32>
          %slice3A_257 = vector.extract_strided_slice %get3A_63 {offsets = [9], sizes = [1], strides = [1]} : vector<16xf32> to vector<1xf32>
          %squeeze3A_258 = vector.extract %slice3A_257[0] : f32 from vector<1xf32>
          %mul3A_259 = vector.broadcast %squeeze3A_258 : f32 to vector<16xf32>
          %mul3A_260 = arith.mulf %max3A_256, %mul3A_259 : vector<16xf32>
          %add3A_261 = arith.addf %add3A_241, %mul3A_260 : vector<16xf32>
          %mul3A_262 = arith.constant 0 : i32
          %mul3A_263 = vector.broadcast %mul3A_262 : i32 to vector<16xi32>
          %mul3A_264 = arith.muli %iota3A, %mul3A_263 : vector<16xi32>
          %mul3A_265 = arith.constant 16 : i32
          %mul3A_266 = arith.muli %scan3A_58, %mul3A_265 : i32
          %add3A_267 = arith.constant 10 : i32
          %add3A_268 = arith.addi %mul3A_266, %add3A_267 : i32
          %add3A_269 = vector.broadcast %add3A_268 : i32 to vector<16xi32>
          %add3A_270 = arith.addi %mul3A_264, %add3A_269 : vector<16xi32>
          %gather3A_271 = tpu.vector_load_idx %arg11[%add3A_42, %add3A_270] : memref<128x256xf32, #tpu.memory_space<vmem>>[vector<16xi32>, vector<16xi32>], vector<16xf32>,
          %gather3A_272 = tpu.vector_load_idx %arg12[%add3A_42, %add3A_270] : memref<128x256xf32, #tpu.memory_space<vmem>>[vector<16xi32>, vector<16xi32>], vector<16xf32>,
          %add3A_273 = arith.addf %gather3A_271, %gather3A_272 : vector<16xf32>
          %max3A_274 = arith.constant 0.000000e+00 : f32
          %max3A_275 = vector.broadcast %max3A_274 : f32 to vector<16xf32>
          %max3A_276 = arith.maximumf %add3A_273, %max3A_275 : vector<16xf32>
          %slice3A_277 = vector.extract_strided_slice %get3A_63 {offsets = [10], sizes = [1], strides = [1]} : vector<16xf32> to vector<1xf32>
          %squeeze3A_278 = vector.extract %slice3A_277[0] : f32 from vector<1xf32>
          %mul3A_279 = vector.broadcast %squeeze3A_278 : f32 to vector<16xf32>
          %mul3A_280 = arith.mulf %max3A_276, %mul3A_279 : vector<16xf32>
          %add3A_281 = arith.addf %add3A_261, %mul3A_280 : vector<16xf32>
          %mul3A_282 = arith.constant 0 : i32
          %mul3A_283 = vector.broadcast %mul3A_282 : i32 to vector<16xi32>
          %mul3A_284 = arith.muli %iota3A, %mul3A_283 : vector<16xi32>
          %mul3A_285 = arith.constant 16 : i32
          %mul3A_286 = arith.muli %scan3A_58, %mul3A_285 : i32
          %add3A_287 = arith.constant 11 : i32
          %add3A_288 = arith.addi %mul3A_286, %add3A_287 : i32
          %add3A_289 = vector.broadcast %add3A_288 : i32 to vector<16xi32>
          %add3A_290 = arith.addi %mul3A_284, %add3A_289 : vector<16xi32>
          %gather3A_291 = tpu.vector_load_idx %arg11[%add3A_42, %add3A_290] : memref<128x256xf32, #tpu.memory_space<vmem>>[vector<16xi32>, vector<16xi32>], vector<16xf32>,
          %gather3A_292 = tpu.vector_load_idx %arg12[%add3A_42, %add3A_290] : memref<128x256xf32, #tpu.memory_space<vmem>>[vector<16xi32>, vector<16xi32>], vector<16xf32>,
          %add3A_293 = arith.addf %gather3A_291, %gather3A_292 : vector<16xf32>
          %max3A_294 = arith.constant 0.000000e+00 : f32
          %max3A_295 = vector.broadcast %max3A_294 : f32 to vector<16xf32>
          %max3A_296 = arith.maximumf %add3A_293, %max3A_295 : vector<16xf32>
          %slice3A_297 = vector.extract_strided_slice %get3A_63 {offsets = [11], sizes = [1], strides = [1]} : vector<16xf32> to vector<1xf32>
          %squeeze3A_298 = vector.extract %slice3A_297[0] : f32 from vector<1xf32>
          %mul3A_299 = vector.broadcast %squeeze3A_298 : f32 to vector<16xf32>
          %mul3A_300 = arith.mulf %max3A_296, %mul3A_299 : vector<16xf32>
          %add3A_301 = arith.addf %add3A_281, %mul3A_300 : vector<16xf32>
          %mul3A_302 = arith.constant 0 : i32
          %mul3A_303 = vector.broadcast %mul3A_302 : i32 to vector<16xi32>
          %mul3A_304 = arith.muli %iota3A, %mul3A_303 : vector<16xi32>
          %mul3A_305 = arith.constant 16 : i32
          %mul3A_306 = arith.muli %scan3A_58, %mul3A_305 : i32
          %add3A_307 = arith.constant 12 : i32
          %add3A_308 = arith.addi %mul3A_306, %add3A_307 : i32
          %add3A_309 = vector.broadcast %add3A_308 : i32 to vector<16xi32>
          %add3A_310 = arith.addi %mul3A_304, %add3A_309 : vector<16xi32>
          %gather3A_311 = tpu.vector_load_idx %arg11[%add3A_42, %add3A_310] : memref<128x256xf32, #tpu.memory_space<vmem>>[vector<16xi32>, vector<16xi32>], vector<16xf32>,
          %gather3A_312 = tpu.vector_load_idx %arg12[%add3A_42, %add3A_310] : memref<128x256xf32, #tpu.memory_space<vmem>>[vector<16xi32>, vector<16xi32>], vector<16xf32>,
          %add3A_313 = arith.addf %gather3A_311, %gather3A_312 : vector<16xf32>
          %max3A_314 = arith.constant 0.000000e+00 : f32
          %max3A_315 = vector.broadcast %max3A_314 : f32 to vector<16xf32>
          %max3A_316 = arith.maximumf %add3A_313, %max3A_315 : vector<16xf32>
          %slice3A_317 = vector.extract_strided_slice %get3A_63 {offsets = [12], sizes = [1], strides = [1]} : vector<16xf32> to vector<1xf32>
          %squeeze3A_318 = vector.extract %slice3A_317[0] : f32 from vector<1xf32>
          %mul3A_319 = vector.broadcast %squeeze3A_318 : f32 to vector<16xf32>
          %mul3A_320 = arith.mulf %max3A_316, %mul3A_319 : vector<16xf32>
          %add3A_321 = arith.addf %add3A_301, %mul3A_320 : vector<16xf32>
          %mul3A_322 = arith.constant 0 : i32
          %mul3A_323 = vector.broadcast %mul3A_322 : i32 to vector<16xi32>
          %mul3A_324 = arith.muli %iota3A, %mul3A_323 : vector<16xi32>
          %mul3A_325 = arith.constant 16 : i32
          %mul3A_326 = arith.muli %scan3A_58, %mul3A_325 : i32
          %add3A_327 = arith.constant 13 : i32
          %add3A_328 = arith.addi %mul3A_326, %add3A_327 : i32
          %add3A_329 = vector.broadcast %add3A_328 : i32 to vector<16xi32>
          %add3A_330 = arith.addi %mul3A_324, %add3A_329 : vector<16xi32>
          %gather3A_331 = tpu.vector_load_idx %arg11[%add3A_42, %add3A_330] : memref<128x256xf32, #tpu.memory_space<vmem>>[vector<16xi32>, vector<16xi32>], vector<16xf32>,
          %gather3A_332 = tpu.vector_load_idx %arg12[%add3A_42, %add3A_330] : memref<128x256xf32, #tpu.memory_space<vmem>>[vector<16xi32>, vector<16xi32>], vector<16xf32>,
          %add3A_333 = arith.addf %gather3A_331, %gather3A_332 : vector<16xf32>
          %max3A_334 = arith.constant 0.000000e+00 : f32
          %max3A_335 = vector.broadcast %max3A_334 : f32 to vector<16xf32>
          %max3A_336 = arith.maximumf %add3A_333, %max3A_335 : vector<16xf32>
          %slice3A_337 = vector.extract_strided_slice %get3A_63 {offsets = [13], sizes = [1], strides = [1]} : vector<16xf32> to vector<1xf32>
          %squeeze3A_338 = vector.extract %slice3A_337[0] : f32 from vector<1xf32>
          %mul3A_339 = vector.broadcast %squeeze3A_338 : f32 to vector<16xf32>
          %mul3A_340 = arith.mulf %max3A_336, %mul3A_339 : vector<16xf32>
          %add3A_341 = arith.addf %add3A_321, %mul3A_340 : vector<16xf32>
          %mul3A_342 = arith.constant 0 : i32
          %mul3A_343 = vector.broadcast %mul3A_342 : i32 to vector<16xi32>
          %mul3A_344 = arith.muli %iota3A, %mul3A_343 : vector<16xi32>
          %mul3A_345 = arith.constant 16 : i32
          %mul3A_346 = arith.muli %scan3A_58, %mul3A_345 : i32
          %add3A_347 = arith.constant 14 : i32
          %add3A_348 = arith.addi %mul3A_346, %add3A_347 : i32
          %add3A_349 = vector.broadcast %add3A_348 : i32 to vector<16xi32>
          %add3A_350 = arith.addi %mul3A_344, %add3A_349 : vector<16xi32>
          %gather3A_351 = tpu.vector_load_idx %arg11[%add3A_42, %add3A_350] : memref<128x256xf32, #tpu.memory_space<vmem>>[vector<16xi32>, vector<16xi32>], vector<16xf32>,
          %gather3A_352 = tpu.vector_load_idx %arg12[%add3A_42, %add3A_350] : memref<128x256xf32, #tpu.memory_space<vmem>>[vector<16xi32>, vector<16xi32>], vector<16xf32>,
          %add3A_353 = arith.addf %gather3A_351, %gather3A_352 : vector<16xf32>
          %max3A_354 = arith.constant 0.000000e+00 : f32
          %max3A_355 = vector.broadcast %max3A_354 : f32 to vector<16xf32>
          %max3A_356 = arith.maximumf %add3A_353, %max3A_355 : vector<16xf32>
          %slice3A_357 = vector.extract_strided_slice %get3A_63 {offsets = [14], sizes = [1], strides = [1]} : vector<16xf32> to vector<1xf32>
          %squeeze3A_358 = vector.extract %slice3A_357[0] : f32 from vector<1xf32>
          %mul3A_359 = vector.broadcast %squeeze3A_358 : f32 to vector<16xf32>
          %mul3A_360 = arith.mulf %max3A_356, %mul3A_359 : vector<16xf32>
          %add3A_361 = arith.addf %add3A_341, %mul3A_360 : vector<16xf32>
          %mul3A_362 = arith.constant 0 : i32
          %mul3A_363 = vector.broadcast %mul3A_362 : i32 to vector<16xi32>
          %mul3A_364 = arith.muli %iota3A, %mul3A_363 : vector<16xi32>
          %mul3A_365 = arith.constant 16 : i32
          %mul3A_366 = arith.muli %scan3A_58, %mul3A_365 : i32
          %add3A_367 = arith.constant 15 : i32
          %add3A_368 = arith.addi %mul3A_366, %add3A_367 : i32
          %add3A_369 = vector.broadcast %add3A_368 : i32 to vector<16xi32>
          %add3A_370 = arith.addi %mul3A_364, %add3A_369 : vector<16xi32>
          %gather3A_371 = tpu.vector_load_idx %arg11[%add3A_42, %add3A_370] : memref<128x256xf32, #tpu.memory_space<vmem>>[vector<16xi32>, vector<16xi32>], vector<16xf32>,
          %gather3A_372 = tpu.vector_load_idx %arg12[%add3A_42, %add3A_370] : memref<128x256xf32, #tpu.memory_space<vmem>>[vector<16xi32>, vector<16xi32>], vector<16xf32>,
          %add3A_373 = arith.addf %gather3A_371, %gather3A_372 : vector<16xf32>
          %max3A_374 = arith.constant 0.000000e+00 : f32
          %max3A_375 = vector.broadcast %max3A_374 : f32 to vector<16xf32>
          %max3A_376 = arith.maximumf %add3A_373, %max3A_375 : vector<16xf32>
          %slice3A_377 = vector.extract_strided_slice %get3A_63 {offsets = [15], sizes = [1], strides = [1]} : vector<16xf32> to vector<1xf32>
          %squeeze3A_378 = vector.extract %slice3A_377[0] : f32 from vector<1xf32>
          %mul3A_379 = vector.broadcast %squeeze3A_378 : f32 to vector<16xf32>
          %mul3A_380 = arith.mulf %max3A_376, %mul3A_379 : vector<16xf32>
          %add3A_381 = arith.addf %add3A_361, %mul3A_380 : vector<16xf32>
          scf.yield %add3A_381 : vector<16xf32>
        }
        %scan3A_49 = arith.constant 16 : i32
        %add3A_50 = vector.broadcast %squeeze3A : f32 to vector<16xf32>
        %add3A_51 = arith.addf %scan3A_48, %add3A_50 : vector<16xf32>
        %mul3A_52 = arith.constant 128 : i32
        %mul3A_53 = arith.muli %scan3A_13, %mul3A_52 : i32
        %mul3A_54 = arith.constant 16 : i32
        %mul3A_55 = arith.muli %scan3A_38, %mul3A_54 : i32
        %add3A_56 = arith.addi %mul3A_53, %mul3A_55 : i32
        %swap3A = arith.index_cast %add3A_56 : i32 to index
        %swap3A_57 = tpu.vector_load %arg15[%swap3A] {strides = array<i32>} : memref<3200xf32, #tpu.memory_space<vmem>>, vector<16xf32>,
        tpu.vector_store %arg15[%swap3A], %add3A_51 {strides = array<i32>} : memref<3200xf32, #tpu.memory_space<vmem>>, vector<16xf32>,
      }
      %scan3A_37 = arith.constant 8 : i32
    }
    %scan3A_10 = arith.constant 25 : i32
    %mul3A_11 = arith.constant 3200 : i32
    %mul3A_12 = arith.muli %add3A, %mul3A_11 : i32
    "tpu.region"() ({
      %run_scoped3A = tpu.sem_alloc : memref<!tpu.dma_semaphore, #tpu.memory_space<semaphore_mem>>
      %dma_start3A = tpu.memref_slice %arg8[%mul3A_12] : memref<102400xf32, #tpu.memory_space<hbm>> -> memref<3200xf32, #tpu.memory_space<hbm>>
      %dma_start3A_13 = tpu.memref_slice %arg8[%mul3A_12] : memref<102400xf32, #tpu.memory_space<hbm>> -> memref<3200xf32, #tpu.memory_space<hbm>>
      tpu.enqueue_dma source(%arg15 : memref<3200xf32, #tpu.memory_space<vmem>>) target(%dma_start3A_13 : memref<3200xf32, #tpu.memory_space<hbm>>) target_semaphore(%run_scoped3A : memref<!tpu.dma_semaphore, #tpu.memory_space<semaphore_mem>>)
      %dma_wait3A = tpu.memref_slice %arg8[%mul3A_12] : memref<102400xf32, #tpu.memory_space<hbm>> -> memref<3200xf32, #tpu.memory_space<hbm>>
      %dma_wait3A_14 = tpu.memref_slice %arg8[%mul3A_12] : memref<102400xf32, #tpu.memory_space<hbm>> -> memref<3200xf32, #tpu.memory_space<hbm>>
      tpu.wait_dma2 semaphore(%run_scoped3A : memref<!tpu.dma_semaphore, #tpu.memory_space<semaphore_mem>>) src(%arg15 : memref<3200xf32, #tpu.memory_space<vmem>>) dst(%dma_wait3A_14 : memref<3200xf32, #tpu.memory_space<hbm>>)
      tpu.yield
    }) : () -> ()
    return
  }
}

#map = affine_map<(d0, d1) -> (0, 0)>
#map1 = affine_map<(d0, d1) -> (0, 0, 0)>
module attributes {stable_mosaic.version = 14 : i64} {
  func.func @_cnt_body(%arg0: i32, %arg1: i32, %arg2: memref<2560x128xi32, #tpu.memory_space<hbm>>, %arg3: memref<2x10240x128xf32, #tpu.memory_space<hbm>>, %arg4: memref<10240x128xf32, #tpu.memory_space<vmem_shared>>, %arg5: memref<40x128xi32, #tpu.memory_space<vmem>>, %arg6: memref<128x128xf32, #tpu.memory_space<vmem>>, %arg7: memref<128x128xf32, #tpu.memory_space<vmem>>) attributes {dimension_semantics = [#tpu.dimension_semantics<core_parallel>, #tpu.dimension_semantics<subcore_parallel>], iteration_bounds = array<i64: 2, 16>, scalar_prefetch = 0 : i64, scratch_operands = 4 : i64, tpu.core_type = #tpu.core_type<sc_vector_subcore>, window_params = [{transform_indices = #map}, {transform_indices = #map1}]} {
    %mul3A = arith.constant 2 : i32
    %mul3A_0 = arith.muli %arg1, %mul3A : i32
    %add3A = arith.addi %mul3A_0, %arg0 : i32
    %scan3A = arith.constant 0 : i32
    %scan3A_1 = arith.constant 0 : i32
    %scan3A_2 = arith.constant 128 : i32
    %scan3A_3 = arith.addi %scan3A_1, %scan3A_2 : i32
    %scan3A_4 = arith.constant 1 : i32
    scf.for %scan3A_73 = %scan3A_1 to %scan3A_3 step %scan3A_4  : i32 {
      %broadcast_in_dim3A = arith.constant 0.000000e+00 : f32
      %broadcast_in_dim3A_74 = vector.broadcast %broadcast_in_dim3A : f32 to vector<16xf32>
      %swap3A = arith.index_cast %scan3A_73 : i32 to index
      %swap3A_75 = arith.constant 0 : index
      %swap3A_76 = tpu.vector_load %arg7[%swap3A, %swap3A_75] {strides = array<i32>} : memref<128x128xf32, #tpu.memory_space<vmem>>, vector<1x16xf32>,
      %swap3A_77 = vector.shape_cast %swap3A_76 : vector<1x16xf32> to vector<16xf32>
      %swap3A_78 = vector.shape_cast %broadcast_in_dim3A_74 : vector<16xf32> to vector<1x16xf32>
      tpu.vector_store %arg7[%swap3A, %swap3A_75], %swap3A_78 {strides = array<i32>} : memref<128x128xf32, #tpu.memory_space<vmem>>, vector<1x16xf32>,
      %broadcast_in_dim3A_79 = arith.constant 0.000000e+00 : f32
      %broadcast_in_dim3A_80 = vector.broadcast %broadcast_in_dim3A_79 : f32 to vector<16xf32>
      %swap3A_81 = arith.index_cast %scan3A_73 : i32 to index
      %swap3A_82 = arith.constant 16 : index
      %swap3A_83 = tpu.vector_load %arg7[%swap3A_81, %swap3A_82] {strides = array<i32>} : memref<128x128xf32, #tpu.memory_space<vmem>>, vector<1x16xf32>,
      %swap3A_84 = vector.shape_cast %swap3A_83 : vector<1x16xf32> to vector<16xf32>
      %swap3A_85 = vector.shape_cast %broadcast_in_dim3A_80 : vector<16xf32> to vector<1x16xf32>
      tpu.vector_store %arg7[%swap3A_81, %swap3A_82], %swap3A_85 {strides = array<i32>} : memref<128x128xf32, #tpu.memory_space<vmem>>, vector<1x16xf32>,
      %broadcast_in_dim3A_86 = arith.constant 0.000000e+00 : f32
      %broadcast_in_dim3A_87 = vector.broadcast %broadcast_in_dim3A_86 : f32 to vector<16xf32>
      %swap3A_88 = arith.index_cast %scan3A_73 : i32 to index
      %swap3A_89 = arith.constant 32 : index
      %swap3A_90 = tpu.vector_load %arg7[%swap3A_88, %swap3A_89] {strides = array<i32>} : memref<128x128xf32, #tpu.memory_space<vmem>>, vector<1x16xf32>,
      %swap3A_91 = vector.shape_cast %swap3A_90 : vector<1x16xf32> to vector<16xf32>
      %swap3A_92 = vector.shape_cast %broadcast_in_dim3A_87 : vector<16xf32> to vector<1x16xf32>
      tpu.vector_store %arg7[%swap3A_88, %swap3A_89], %swap3A_92 {strides = array<i32>} : memref<128x128xf32, #tpu.memory_space<vmem>>, vector<1x16xf32>,
      %broadcast_in_dim3A_93 = arith.constant 0.000000e+00 : f32
      %broadcast_in_dim3A_94 = vector.broadcast %broadcast_in_dim3A_93 : f32 to vector<16xf32>
      %swap3A_95 = arith.index_cast %scan3A_73 : i32 to index
      %swap3A_96 = arith.constant 48 : index
      %swap3A_97 = tpu.vector_load %arg7[%swap3A_95, %swap3A_96] {strides = array<i32>} : memref<128x128xf32, #tpu.memory_space<vmem>>, vector<1x16xf32>,
      %swap3A_98 = vector.shape_cast %swap3A_97 : vector<1x16xf32> to vector<16xf32>
      %swap3A_99 = vector.shape_cast %broadcast_in_dim3A_94 : vector<16xf32> to vector<1x16xf32>
      tpu.vector_store %arg7[%swap3A_95, %swap3A_96], %swap3A_99 {strides = array<i32>} : memref<128x128xf32, #tpu.memory_space<vmem>>, vector<1x16xf32>,
      %broadcast_in_dim3A_100 = arith.constant 0.000000e+00 : f32
      %broadcast_in_dim3A_101 = vector.broadcast %broadcast_in_dim3A_100 : f32 to vector<16xf32>
      %swap3A_102 = arith.index_cast %scan3A_73 : i32 to index
      %swap3A_103 = arith.constant 64 : index
      %swap3A_104 = tpu.vector_load %arg7[%swap3A_102, %swap3A_103] {strides = array<i32>} : memref<128x128xf32, #tpu.memory_space<vmem>>, vector<1x16xf32>,
      %swap3A_105 = vector.shape_cast %swap3A_104 : vector<1x16xf32> to vector<16xf32>
      %swap3A_106 = vector.shape_cast %broadcast_in_dim3A_101 : vector<16xf32> to vector<1x16xf32>
      tpu.vector_store %arg7[%swap3A_102, %swap3A_103], %swap3A_106 {strides = array<i32>} : memref<128x128xf32, #tpu.memory_space<vmem>>, vector<1x16xf32>,
      %broadcast_in_dim3A_107 = arith.constant 0.000000e+00 : f32
      %broadcast_in_dim3A_108 = vector.broadcast %broadcast_in_dim3A_107 : f32 to vector<16xf32>
      %swap3A_109 = arith.index_cast %scan3A_73 : i32 to index
      %swap3A_110 = arith.constant 80 : index
      %swap3A_111 = tpu.vector_load %arg7[%swap3A_109, %swap3A_110] {strides = array<i32>} : memref<128x128xf32, #tpu.memory_space<vmem>>, vector<1x16xf32>,
      %swap3A_112 = vector.shape_cast %swap3A_111 : vector<1x16xf32> to vector<16xf32>
      %swap3A_113 = vector.shape_cast %broadcast_in_dim3A_108 : vector<16xf32> to vector<1x16xf32>
      tpu.vector_store %arg7[%swap3A_109, %swap3A_110], %swap3A_113 {strides = array<i32>} : memref<128x128xf32, #tpu.memory_space<vmem>>, vector<1x16xf32>,
      %broadcast_in_dim3A_114 = arith.constant 0.000000e+00 : f32
      %broadcast_in_dim3A_115 = vector.broadcast %broadcast_in_dim3A_114 : f32 to vector<16xf32>
      %swap3A_116 = arith.index_cast %scan3A_73 : i32 to index
      %swap3A_117 = arith.constant 96 : index
      %swap3A_118 = tpu.vector_load %arg7[%swap3A_116, %swap3A_117] {strides = array<i32>} : memref<128x128xf32, #tpu.memory_space<vmem>>, vector<1x16xf32>,
      %swap3A_119 = vector.shape_cast %swap3A_118 : vector<1x16xf32> to vector<16xf32>
      %swap3A_120 = vector.shape_cast %broadcast_in_dim3A_115 : vector<16xf32> to vector<1x16xf32>
      tpu.vector_store %arg7[%swap3A_116, %swap3A_117], %swap3A_120 {strides = array<i32>} : memref<128x128xf32, #tpu.memory_space<vmem>>, vector<1x16xf32>,
      %broadcast_in_dim3A_121 = arith.constant 0.000000e+00 : f32
      %broadcast_in_dim3A_122 = vector.broadcast %broadcast_in_dim3A_121 : f32 to vector<16xf32>
      %swap3A_123 = arith.index_cast %scan3A_73 : i32 to index
      %swap3A_124 = arith.constant 112 : index
      %swap3A_125 = tpu.vector_load %arg7[%swap3A_123, %swap3A_124] {strides = array<i32>} : memref<128x128xf32, #tpu.memory_space<vmem>>, vector<1x16xf32>,
      %swap3A_126 = vector.shape_cast %swap3A_125 : vector<1x16xf32> to vector<16xf32>
      %swap3A_127 = vector.shape_cast %broadcast_in_dim3A_122 : vector<16xf32> to vector<1x16xf32>
      tpu.vector_store %arg7[%swap3A_123, %swap3A_124], %swap3A_127 {strides = array<i32>} : memref<128x128xf32, #tpu.memory_space<vmem>>, vector<1x16xf32>,
    }
    %scan3A_5 = arith.constant 128 : i32
    %mul3A_6 = arith.constant 640 : i32
    %mul3A_7 = arith.muli %arg1, %mul3A_6 : i32
    %add3A_8 = arith.constant 0 : i32
    %add3A_9 = arith.addi %mul3A_7, %add3A_8 : i32
    "tpu.region"() ({
      %run_scoped3A = tpu.sem_alloc : memref<!tpu.dma_semaphore, #tpu.memory_space<semaphore_mem>>
      %dma_start3A = arith.constant 0 : i32
      %dma_start3A_73 = tpu.memref_slice %arg4[%add3A_9, %dma_start3A] : memref<10240x128xf32, #tpu.memory_space<vmem_shared>> -> memref<128x128xf32, #tpu.memory_space<vmem_shared>>
      %dma_start3A_74 = arith.constant 0 : i32
      %dma_start3A_75 = tpu.memref_slice %arg4[%add3A_9, %dma_start3A_74] : memref<10240x128xf32, #tpu.memory_space<vmem_shared>> -> memref<128x128xf32, #tpu.memory_space<vmem_shared>>
      tpu.enqueue_dma source(%arg7 : memref<128x128xf32, #tpu.memory_space<vmem>>) target(%dma_start3A_75 : memref<128x128xf32, #tpu.memory_space<vmem_shared>>) target_semaphore(%run_scoped3A : memref<!tpu.dma_semaphore, #tpu.memory_space<semaphore_mem>>)
      %dma_wait3A = arith.constant 0 : i32
      %dma_wait3A_76 = tpu.memref_slice %arg4[%add3A_9, %dma_wait3A] : memref<10240x128xf32, #tpu.memory_space<vmem_shared>> -> memref<128x128xf32, #tpu.memory_space<vmem_shared>>
      %dma_wait3A_77 = arith.constant 0 : i32
      %dma_wait3A_78 = tpu.memref_slice %arg4[%add3A_9, %dma_wait3A_77] : memref<10240x128xf32, #tpu.memory_space<vmem_shared>> -> memref<128x128xf32, #tpu.memory_space<vmem_shared>>
      tpu.wait_dma2 semaphore(%run_scoped3A : memref<!tpu.dma_semaphore, #tpu.memory_space<semaphore_mem>>) src(%arg7 : memref<128x128xf32, #tpu.memory_space<vmem>>) dst(%dma_wait3A_78 : memref<128x128xf32, #tpu.memory_space<vmem_shared>>)
      tpu.yield
    }) : () -> ()
    %mul3A_10 = arith.constant 640 : i32
    %mul3A_11 = arith.muli %arg1, %mul3A_10 : i32
    %add3A_12 = arith.constant 128 : i32
    %add3A_13 = arith.addi %mul3A_11, %add3A_12 : i32
    "tpu.region"() ({
      %run_scoped3A = tpu.sem_alloc : memref<!tpu.dma_semaphore, #tpu.memory_space<semaphore_mem>>
      %dma_start3A = arith.constant 0 : i32
      %dma_start3A_73 = tpu.memref_slice %arg4[%add3A_13, %dma_start3A] : memref<10240x128xf32, #tpu.memory_space<vmem_shared>> -> memref<128x128xf32, #tpu.memory_space<vmem_shared>>
      %dma_start3A_74 = arith.constant 0 : i32
      %dma_start3A_75 = tpu.memref_slice %arg4[%add3A_13, %dma_start3A_74] : memref<10240x128xf32, #tpu.memory_space<vmem_shared>> -> memref<128x128xf32, #tpu.memory_space<vmem_shared>>
      tpu.enqueue_dma source(%arg7 : memref<128x128xf32, #tpu.memory_space<vmem>>) target(%dma_start3A_75 : memref<128x128xf32, #tpu.memory_space<vmem_shared>>) target_semaphore(%run_scoped3A : memref<!tpu.dma_semaphore, #tpu.memory_space<semaphore_mem>>)
      %dma_wait3A = arith.constant 0 : i32
      %dma_wait3A_76 = tpu.memref_slice %arg4[%add3A_13, %dma_wait3A] : memref<10240x128xf32, #tpu.memory_space<vmem_shared>> -> memref<128x128xf32, #tpu.memory_space<vmem_shared>>
      %dma_wait3A_77 = arith.constant 0 : i32
      %dma_wait3A_78 = tpu.memref_slice %arg4[%add3A_13, %dma_wait3A_77] : memref<10240x128xf32, #tpu.memory_space<vmem_shared>> -> memref<128x128xf32, #tpu.memory_space<vmem_shared>>
      tpu.wait_dma2 semaphore(%run_scoped3A : memref<!tpu.dma_semaphore, #tpu.memory_space<semaphore_mem>>) src(%arg7 : memref<128x128xf32, #tpu.memory_space<vmem>>) dst(%dma_wait3A_78 : memref<128x128xf32, #tpu.memory_space<vmem_shared>>)
      tpu.yield
    }) : () -> ()
    %mul3A_14 = arith.constant 640 : i32
    %mul3A_15 = arith.muli %arg1, %mul3A_14 : i32
    %add3A_16 = arith.constant 256 : i32
    %add3A_17 = arith.addi %mul3A_15, %add3A_16 : i32
    "tpu.region"() ({
      %run_scoped3A = tpu.sem_alloc : memref<!tpu.dma_semaphore, #tpu.memory_space<semaphore_mem>>
      %dma_start3A = arith.constant 0 : i32
      %dma_start3A_73 = tpu.memref_slice %arg4[%add3A_17, %dma_start3A] : memref<10240x128xf32, #tpu.memory_space<vmem_shared>> -> memref<128x128xf32, #tpu.memory_space<vmem_shared>>
      %dma_start3A_74 = arith.constant 0 : i32
      %dma_start3A_75 = tpu.memref_slice %arg4[%add3A_17, %dma_start3A_74] : memref<10240x128xf32, #tpu.memory_space<vmem_shared>> -> memref<128x128xf32, #tpu.memory_space<vmem_shared>>
      tpu.enqueue_dma source(%arg7 : memref<128x128xf32, #tpu.memory_space<vmem>>) target(%dma_start3A_75 : memref<128x128xf32, #tpu.memory_space<vmem_shared>>) target_semaphore(%run_scoped3A : memref<!tpu.dma_semaphore, #tpu.memory_space<semaphore_mem>>)
      %dma_wait3A = arith.constant 0 : i32
      %dma_wait3A_76 = tpu.memref_slice %arg4[%add3A_17, %dma_wait3A] : memref<10240x128xf32, #tpu.memory_space<vmem_shared>> -> memref<128x128xf32, #tpu.memory_space<vmem_shared>>
      %dma_wait3A_77 = arith.constant 0 : i32
      %dma_wait3A_78 = tpu.memref_slice %arg4[%add3A_17, %dma_wait3A_77] : memref<10240x128xf32, #tpu.memory_space<vmem_shared>> -> memref<128x128xf32, #tpu.memory_space<vmem_shared>>
      tpu.wait_dma2 semaphore(%run_scoped3A : memref<!tpu.dma_semaphore, #tpu.memory_space<semaphore_mem>>) src(%arg7 : memref<128x128xf32, #tpu.memory_space<vmem>>) dst(%dma_wait3A_78 : memref<128x128xf32, #tpu.memory_space<vmem_shared>>)
      tpu.yield
    }) : () -> ()
    %mul3A_18 = arith.constant 640 : i32
    %mul3A_19 = arith.muli %arg1, %mul3A_18 : i32
    %add3A_20 = arith.constant 384 : i32
    %add3A_21 = arith.addi %mul3A_19, %add3A_20 : i32
    "tpu.region"() ({
      %run_scoped3A = tpu.sem_alloc : memref<!tpu.dma_semaphore, #tpu.memory_space<semaphore_mem>>
      %dma_start3A = arith.constant 0 : i32
      %dma_start3A_73 = tpu.memref_slice %arg4[%add3A_21, %dma_start3A] : memref<10240x128xf32, #tpu.memory_space<vmem_shared>> -> memref<128x128xf32, #tpu.memory_space<vmem_shared>>
      %dma_start3A_74 = arith.constant 0 : i32
      %dma_start3A_75 = tpu.memref_slice %arg4[%add3A_21, %dma_start3A_74] : memref<10240x128xf32, #tpu.memory_space<vmem_shared>> -> memref<128x128xf32, #tpu.memory_space<vmem_shared>>
      tpu.enqueue_dma source(%arg7 : memref<128x128xf32, #tpu.memory_space<vmem>>) target(%dma_start3A_75 : memref<128x128xf32, #tpu.memory_space<vmem_shared>>) target_semaphore(%run_scoped3A : memref<!tpu.dma_semaphore, #tpu.memory_space<semaphore_mem>>)
      %dma_wait3A = arith.constant 0 : i32
      %dma_wait3A_76 = tpu.memref_slice %arg4[%add3A_21, %dma_wait3A] : memref<10240x128xf32, #tpu.memory_space<vmem_shared>> -> memref<128x128xf32, #tpu.memory_space<vmem_shared>>
      %dma_wait3A_77 = arith.constant 0 : i32
      %dma_wait3A_78 = tpu.memref_slice %arg4[%add3A_21, %dma_wait3A_77] : memref<10240x128xf32, #tpu.memory_space<vmem_shared>> -> memref<128x128xf32, #tpu.memory_space<vmem_shared>>
      tpu.wait_dma2 semaphore(%run_scoped3A : memref<!tpu.dma_semaphore, #tpu.memory_space<semaphore_mem>>) src(%arg7 : memref<128x128xf32, #tpu.memory_space<vmem>>) dst(%dma_wait3A_78 : memref<128x128xf32, #tpu.memory_space<vmem_shared>>)
      tpu.yield
    }) : () -> ()
    %mul3A_22 = arith.constant 640 : i32
    %mul3A_23 = arith.muli %arg1, %mul3A_22 : i32
    %add3A_24 = arith.constant 512 : i32
    %add3A_25 = arith.addi %mul3A_23, %add3A_24 : i32
    "tpu.region"() ({
      %run_scoped3A = tpu.sem_alloc : memref<!tpu.dma_semaphore, #tpu.memory_space<semaphore_mem>>
      %dma_start3A = arith.constant 0 : i32
      %dma_start3A_73 = tpu.memref_slice %arg4[%add3A_25, %dma_start3A] : memref<10240x128xf32, #tpu.memory_space<vmem_shared>> -> memref<128x128xf32, #tpu.memory_space<vmem_shared>>
      %dma_start3A_74 = arith.constant 0 : i32
      %dma_start3A_75 = tpu.memref_slice %arg4[%add3A_25, %dma_start3A_74] : memref<10240x128xf32, #tpu.memory_space<vmem_shared>> -> memref<128x128xf32, #tpu.memory_space<vmem_shared>>
      tpu.enqueue_dma source(%arg7 : memref<128x128xf32, #tpu.memory_space<vmem>>) target(%dma_start3A_75 : memref<128x128xf32, #tpu.memory_space<vmem_shared>>) target_semaphore(%run_scoped3A : memref<!tpu.dma_semaphore, #tpu.memory_space<semaphore_mem>>)
      %dma_wait3A = arith.constant 0 : i32
      %dma_wait3A_76 = tpu.memref_slice %arg4[%add3A_25, %dma_wait3A] : memref<10240x128xf32, #tpu.memory_space<vmem_shared>> -> memref<128x128xf32, #tpu.memory_space<vmem_shared>>
      %dma_wait3A_77 = arith.constant 0 : i32
      %dma_wait3A_78 = tpu.memref_slice %arg4[%add3A_25, %dma_wait3A_77] : memref<10240x128xf32, #tpu.memory_space<vmem_shared>> -> memref<128x128xf32, #tpu.memory_space<vmem_shared>>
      tpu.wait_dma2 semaphore(%run_scoped3A : memref<!tpu.dma_semaphore, #tpu.memory_space<semaphore_mem>>) src(%arg7 : memref<128x128xf32, #tpu.memory_space<vmem>>) dst(%dma_wait3A_78 : memref<128x128xf32, #tpu.memory_space<vmem_shared>>)
      tpu.yield
    }) : () -> ()
    %scan3A_26 = arith.constant 0 : i32
    %scan3A_27 = arith.constant 0 : i32
    %scan3A_28 = arith.constant 128 : i32
    %scan3A_29 = arith.addi %scan3A_27, %scan3A_28 : i32
    %scan3A_30 = arith.constant 1 : i32
    scf.for %scan3A_73 = %scan3A_27 to %scan3A_29 step %scan3A_30  : i32 {
      %broadcast_in_dim3A = arith.constant 1.000000e+00 : f32
      %broadcast_in_dim3A_74 = vector.broadcast %broadcast_in_dim3A : f32 to vector<16xf32>
      %swap3A = arith.index_cast %scan3A_73 : i32 to index
      %swap3A_75 = arith.constant 0 : index
      %swap3A_76 = tpu.vector_load %arg6[%swap3A, %swap3A_75] {strides = array<i32>} : memref<128x128xf32, #tpu.memory_space<vmem>>, vector<1x16xf32>,
      %swap3A_77 = vector.shape_cast %swap3A_76 : vector<1x16xf32> to vector<16xf32>
      %swap3A_78 = vector.shape_cast %broadcast_in_dim3A_74 : vector<16xf32> to vector<1x16xf32>
      tpu.vector_store %arg6[%swap3A, %swap3A_75], %swap3A_78 {strides = array<i32>} : memref<128x128xf32, #tpu.memory_space<vmem>>, vector<1x16xf32>,
      %broadcast_in_dim3A_79 = arith.constant 1.000000e+00 : f32
      %broadcast_in_dim3A_80 = vector.broadcast %broadcast_in_dim3A_79 : f32 to vector<16xf32>
      %swap3A_81 = arith.index_cast %scan3A_73 : i32 to index
      %swap3A_82 = arith.constant 16 : index
      %swap3A_83 = tpu.vector_load %arg6[%swap3A_81, %swap3A_82] {strides = array<i32>} : memref<128x128xf32, #tpu.memory_space<vmem>>, vector<1x16xf32>,
      %swap3A_84 = vector.shape_cast %swap3A_83 : vector<1x16xf32> to vector<16xf32>
      %swap3A_85 = vector.shape_cast %broadcast_in_dim3A_80 : vector<16xf32> to vector<1x16xf32>
      tpu.vector_store %arg6[%swap3A_81, %swap3A_82], %swap3A_85 {strides = array<i32>} : memref<128x128xf32, #tpu.memory_space<vmem>>, vector<1x16xf32>,
      %broadcast_in_dim3A_86 = arith.constant 1.000000e+00 : f32
      %broadcast_in_dim3A_87 = vector.broadcast %broadcast_in_dim3A_86 : f32 to vector<16xf32>
      %swap3A_88 = arith.index_cast %scan3A_73 : i32 to index
      %swap3A_89 = arith.constant 32 : index
      %swap3A_90 = tpu.vector_load %arg6[%swap3A_88, %swap3A_89] {strides = array<i32>} : memref<128x128xf32, #tpu.memory_space<vmem>>, vector<1x16xf32>,
      %swap3A_91 = vector.shape_cast %swap3A_90 : vector<1x16xf32> to vector<16xf32>
      %swap3A_92 = vector.shape_cast %broadcast_in_dim3A_87 : vector<16xf32> to vector<1x16xf32>
      tpu.vector_store %arg6[%swap3A_88, %swap3A_89], %swap3A_92 {strides = array<i32>} : memref<128x128xf32, #tpu.memory_space<vmem>>, vector<1x16xf32>,
      %broadcast_in_dim3A_93 = arith.constant 1.000000e+00 : f32
      %broadcast_in_dim3A_94 = vector.broadcast %broadcast_in_dim3A_93 : f32 to vector<16xf32>
      %swap3A_95 = arith.index_cast %scan3A_73 : i32 to index
      %swap3A_96 = arith.constant 48 : index
      %swap3A_97 = tpu.vector_load %arg6[%swap3A_95, %swap3A_96] {strides = array<i32>} : memref<128x128xf32, #tpu.memory_space<vmem>>, vector<1x16xf32>,
      %swap3A_98 = vector.shape_cast %swap3A_97 : vector<1x16xf32> to vector<16xf32>
      %swap3A_99 = vector.shape_cast %broadcast_in_dim3A_94 : vector<16xf32> to vector<1x16xf32>
      tpu.vector_store %arg6[%swap3A_95, %swap3A_96], %swap3A_99 {strides = array<i32>} : memref<128x128xf32, #tpu.memory_space<vmem>>, vector<1x16xf32>,
      %broadcast_in_dim3A_100 = arith.constant 1.000000e+00 : f32
      %broadcast_in_dim3A_101 = vector.broadcast %broadcast_in_dim3A_100 : f32 to vector<16xf32>
      %swap3A_102 = arith.index_cast %scan3A_73 : i32 to index
      %swap3A_103 = arith.constant 64 : index
      %swap3A_104 = tpu.vector_load %arg6[%swap3A_102, %swap3A_103] {strides = array<i32>} : memref<128x128xf32, #tpu.memory_space<vmem>>, vector<1x16xf32>,
      %swap3A_105 = vector.shape_cast %swap3A_104 : vector<1x16xf32> to vector<16xf32>
      %swap3A_106 = vector.shape_cast %broadcast_in_dim3A_101 : vector<16xf32> to vector<1x16xf32>
      tpu.vector_store %arg6[%swap3A_102, %swap3A_103], %swap3A_106 {strides = array<i32>} : memref<128x128xf32, #tpu.memory_space<vmem>>, vector<1x16xf32>,
      %broadcast_in_dim3A_107 = arith.constant 1.000000e+00 : f32
      %broadcast_in_dim3A_108 = vector.broadcast %broadcast_in_dim3A_107 : f32 to vector<16xf32>
      %swap3A_109 = arith.index_cast %scan3A_73 : i32 to index
      %swap3A_110 = arith.constant 80 : index
      %swap3A_111 = tpu.vector_load %arg6[%swap3A_109, %swap3A_110] {strides = array<i32>} : memref<128x128xf32, #tpu.memory_space<vmem>>, vector<1x16xf32>,
      %swap3A_112 = vector.shape_cast %swap3A_111 : vector<1x16xf32> to vector<16xf32>
      %swap3A_113 = vector.shape_cast %broadcast_in_dim3A_108 : vector<16xf32> to vector<1x16xf32>
      tpu.vector_store %arg6[%swap3A_109, %swap3A_110], %swap3A_113 {strides = array<i32>} : memref<128x128xf32, #tpu.memory_space<vmem>>, vector<1x16xf32>,
      %broadcast_in_dim3A_114 = arith.constant 1.000000e+00 : f32
      %broadcast_in_dim3A_115 = vector.broadcast %broadcast_in_dim3A_114 : f32 to vector<16xf32>
      %swap3A_116 = arith.index_cast %scan3A_73 : i32 to index
      %swap3A_117 = arith.constant 96 : index
      %swap3A_118 = tpu.vector_load %arg6[%swap3A_116, %swap3A_117] {strides = array<i32>} : memref<128x128xf32, #tpu.memory_space<vmem>>, vector<1x16xf32>,
      %swap3A_119 = vector.shape_cast %swap3A_118 : vector<1x16xf32> to vector<16xf32>
      %swap3A_120 = vector.shape_cast %broadcast_in_dim3A_115 : vector<16xf32> to vector<1x16xf32>
      tpu.vector_store %arg6[%swap3A_116, %swap3A_117], %swap3A_120 {strides = array<i32>} : memref<128x128xf32, #tpu.memory_space<vmem>>, vector<1x16xf32>,
      %broadcast_in_dim3A_121 = arith.constant 1.000000e+00 : f32
      %broadcast_in_dim3A_122 = vector.broadcast %broadcast_in_dim3A_121 : f32 to vector<16xf32>
      %swap3A_123 = arith.index_cast %scan3A_73 : i32 to index
      %swap3A_124 = arith.constant 112 : index
      %swap3A_125 = tpu.vector_load %arg6[%swap3A_123, %swap3A_124] {strides = array<i32>} : memref<128x128xf32, #tpu.memory_space<vmem>>, vector<1x16xf32>,
      %swap3A_126 = vector.shape_cast %swap3A_125 : vector<1x16xf32> to vector<16xf32>
      %swap3A_127 = vector.shape_cast %broadcast_in_dim3A_122 : vector<16xf32> to vector<1x16xf32>
      tpu.vector_store %arg6[%swap3A_123, %swap3A_124], %swap3A_127 {strides = array<i32>} : memref<128x128xf32, #tpu.memory_space<vmem>>, vector<1x16xf32>,
    }
    %scan3A_31 = arith.constant 128 : i32
    %barrier3A = arith.constant 0 : index
    tpu.barrier barrier_id(%barrier3A)
    %mul3A_32 = arith.constant 80 : i32
    %mul3A_33 = arith.muli %add3A, %mul3A_32 : i32
    %add3A_34 = arith.constant 0 : i32
    %add3A_35 = arith.addi %mul3A_33, %add3A_34 : i32
    "tpu.region"() ({
      %run_scoped3A = tpu.sem_alloc : memref<!tpu.dma_semaphore, #tpu.memory_space<semaphore_mem>>
      %dma_start3A = arith.constant 0 : i32
      %dma_start3A_73 = tpu.memref_slice %arg2[%add3A_35, %dma_start3A] : memref<2560x128xi32, #tpu.memory_space<hbm>> -> memref<40x128xi32, #tpu.memory_space<hbm>>
      %dma_start3A_74 = arith.constant 0 : i32
      %dma_start3A_75 = tpu.memref_slice %arg2[%add3A_35, %dma_start3A_74] : memref<2560x128xi32, #tpu.memory_space<hbm>> -> memref<40x128xi32, #tpu.memory_space<hbm>>
      tpu.enqueue_dma source(%dma_start3A_75 : memref<40x128xi32, #tpu.memory_space<hbm>>) target(%arg5 : memref<40x128xi32, #tpu.memory_space<vmem>>) target_semaphore(%run_scoped3A : memref<!tpu.dma_semaphore, #tpu.memory_space<semaphore_mem>>)
      %dma_wait3A = arith.constant 0 : i32
      %dma_wait3A_76 = tpu.memref_slice %arg2[%add3A_35, %dma_wait3A] : memref<2560x128xi32, #tpu.memory_space<hbm>> -> memref<40x128xi32, #tpu.memory_space<hbm>>
      %dma_wait3A_77 = arith.constant 0 : i32
      %dma_wait3A_78 = tpu.memref_slice %arg2[%add3A_35, %dma_wait3A_77] : memref<2560x128xi32, #tpu.memory_space<hbm>> -> memref<40x128xi32, #tpu.memory_space<hbm>>
      tpu.wait_dma2 semaphore(%run_scoped3A : memref<!tpu.dma_semaphore, #tpu.memory_space<semaphore_mem>>) src(%dma_wait3A_78 : memref<40x128xi32, #tpu.memory_space<hbm>>) dst(%arg5 : memref<40x128xi32, #tpu.memory_space<vmem>>)
      tpu.yield
    }) : () -> ()
    %scan3A_36 = arith.constant 0 : i32
    %scan3A_37 = arith.constant 0 : i32
    %scan3A_38 = arith.constant 40 : i32
    %scan3A_39 = arith.addi %scan3A_37, %scan3A_38 : i32
    %scan3A_40 = arith.constant 1 : i32
    scf.for %scan3A_73 = %scan3A_37 to %scan3A_39 step %scan3A_40  : i32 {
      "tpu.region"() ({
        %run_scoped3A = tpu.sem_alloc : memref<!tpu.dma_semaphore, #tpu.memory_space<semaphore_mem>>
        %dma_start3A = arith.constant 0 : i32
        %dma_start3A_74 = tpu.memref_slice %arg5[%scan3A_73, %dma_start3A] : memref<40x128xi32, #tpu.memory_space<vmem>> -> memref<1x128xi32, #tpu.memory_space<vmem>>
        %dma_start3A_75 = tpu.memref_squeeze %dma_start3A_74 : memref<1x128xi32, #tpu.memory_space<vmem>> -> memref<128xi32, #tpu.memory_space<vmem>>
        %dma_start3A_76 = arith.constant 0 : i32
        %dma_start3A_77 = arith.constant 0 : i32
        %dma_start3A_78 = tpu.memref_slice %arg4[%dma_start3A_76, %dma_start3A_77] : memref<10240x128xf32, #tpu.memory_space<vmem_shared>> -> memref<10240x128xf32, #tpu.memory_space<vmem_shared>>
        tpu.enqueue_indirect_dma source(%arg6 : memref<128x128xf32, #tpu.memory_space<vmem>>) target(%dma_start3A_78 : memref<10240x128xf32, #tpu.memory_space<vmem_shared>>) offsets(%dma_start3A_75 : memref<128xi32, #tpu.memory_space<vmem>>) semaphore(%run_scoped3A : memref<!tpu.dma_semaphore, #tpu.memory_space<semaphore_mem>>) {add = true}
        %dma_wait3A = arith.constant 0 : i32
        %dma_wait3A_79 = tpu.memref_slice %arg5[%scan3A_73, %dma_wait3A] : memref<40x128xi32, #tpu.memory_space<vmem>> -> memref<1x128xi32, #tpu.memory_space<vmem>>
        %dma_wait3A_80 = tpu.memref_squeeze %dma_wait3A_79 : memref<1x128xi32, #tpu.memory_space<vmem>> -> memref<128xi32, #tpu.memory_space<vmem>>
        %dma_wait3A_81 = arith.constant 0 : i32
        %dma_wait3A_82 = arith.constant 0 : i32
        %dma_wait3A_83 = tpu.memref_slice %arg4[%dma_wait3A_81, %dma_wait3A_82] : memref<10240x128xf32, #tpu.memory_space<vmem_shared>> -> memref<10240x128xf32, #tpu.memory_space<vmem_shared>>
        tpu.wait_indirect_dma semaphore(%run_scoped3A : memref<!tpu.dma_semaphore, #tpu.memory_space<semaphore_mem>>) src(%arg6 : memref<128x128xf32, #tpu.memory_space<vmem>>) dst(%dma_wait3A_83 : memref<10240x128xf32, #tpu.memory_space<vmem_shared>>)
        tpu.yield
      }) : () -> ()
    }
    %scan3A_41 = arith.constant 40 : i32
    %mul3A_42 = arith.constant 80 : i32
    %mul3A_43 = arith.muli %add3A, %mul3A_42 : i32
    %add3A_44 = arith.constant 40 : i32
    %add3A_45 = arith.addi %mul3A_43, %add3A_44 : i32
    "tpu.region"() ({
      %run_scoped3A = tpu.sem_alloc : memref<!tpu.dma_semaphore, #tpu.memory_space<semaphore_mem>>
      %dma_start3A = arith.constant 0 : i32
      %dma_start3A_73 = tpu.memref_slice %arg2[%add3A_45, %dma_start3A] : memref<2560x128xi32, #tpu.memory_space<hbm>> -> memref<40x128xi32, #tpu.memory_space<hbm>>
      %dma_start3A_74 = arith.constant 0 : i32
      %dma_start3A_75 = tpu.memref_slice %arg2[%add3A_45, %dma_start3A_74] : memref<2560x128xi32, #tpu.memory_space<hbm>> -> memref<40x128xi32, #tpu.memory_space<hbm>>
      tpu.enqueue_dma source(%dma_start3A_75 : memref<40x128xi32, #tpu.memory_space<hbm>>) target(%arg5 : memref<40x128xi32, #tpu.memory_space<vmem>>) target_semaphore(%run_scoped3A : memref<!tpu.dma_semaphore, #tpu.memory_space<semaphore_mem>>)
      %dma_wait3A = arith.constant 0 : i32
      %dma_wait3A_76 = tpu.memref_slice %arg2[%add3A_45, %dma_wait3A] : memref<2560x128xi32, #tpu.memory_space<hbm>> -> memref<40x128xi32, #tpu.memory_space<hbm>>
      %dma_wait3A_77 = arith.constant 0 : i32
      %dma_wait3A_78 = tpu.memref_slice %arg2[%add3A_45, %dma_wait3A_77] : memref<2560x128xi32, #tpu.memory_space<hbm>> -> memref<40x128xi32, #tpu.memory_space<hbm>>
      tpu.wait_dma2 semaphore(%run_scoped3A : memref<!tpu.dma_semaphore, #tpu.memory_space<semaphore_mem>>) src(%dma_wait3A_78 : memref<40x128xi32, #tpu.memory_space<hbm>>) dst(%arg5 : memref<40x128xi32, #tpu.memory_space<vmem>>)
      tpu.yield
    }) : () -> ()
    %scan3A_46 = arith.constant 0 : i32
    %scan3A_47 = arith.constant 0 : i32
    %scan3A_48 = arith.constant 40 : i32
    %scan3A_49 = arith.addi %scan3A_47, %scan3A_48 : i32
    %scan3A_50 = arith.constant 1 : i32
    scf.for %scan3A_73 = %scan3A_47 to %scan3A_49 step %scan3A_50  : i32 {
      "tpu.region"() ({
        %run_scoped3A = tpu.sem_alloc : memref<!tpu.dma_semaphore, #tpu.memory_space<semaphore_mem>>
        %dma_start3A = arith.constant 0 : i32
        %dma_start3A_74 = tpu.memref_slice %arg5[%scan3A_73, %dma_start3A] : memref<40x128xi32, #tpu.memory_space<vmem>> -> memref<1x128xi32, #tpu.memory_space<vmem>>
        %dma_start3A_75 = tpu.memref_squeeze %dma_start3A_74 : memref<1x128xi32, #tpu.memory_space<vmem>> -> memref<128xi32, #tpu.memory_space<vmem>>
        %dma_start3A_76 = arith.constant 0 : i32
        %dma_start3A_77 = arith.constant 0 : i32
        %dma_start3A_78 = tpu.memref_slice %arg4[%dma_start3A_76, %dma_start3A_77] : memref<10240x128xf32, #tpu.memory_space<vmem_shared>> -> memref<10240x128xf32, #tpu.memory_space<vmem_shared>>
        tpu.enqueue_indirect_dma source(%arg6 : memref<128x128xf32, #tpu.memory_space<vmem>>) target(%dma_start3A_78 : memref<10240x128xf32, #tpu.memory_space<vmem_shared>>) offsets(%dma_start3A_75 : memref<128xi32, #tpu.memory_space<vmem>>) semaphore(%run_scoped3A : memref<!tpu.dma_semaphore, #tpu.memory_space<semaphore_mem>>) {add = true}
        %dma_wait3A = arith.constant 0 : i32
        %dma_wait3A_79 = tpu.memref_slice %arg5[%scan3A_73, %dma_wait3A] : memref<40x128xi32, #tpu.memory_space<vmem>> -> memref<1x128xi32, #tpu.memory_space<vmem>>
        %dma_wait3A_80 = tpu.memref_squeeze %dma_wait3A_79 : memref<1x128xi32, #tpu.memory_space<vmem>> -> memref<128xi32, #tpu.memory_space<vmem>>
        %dma_wait3A_81 = arith.constant 0 : i32
        %dma_wait3A_82 = arith.constant 0 : i32
        %dma_wait3A_83 = tpu.memref_slice %arg4[%dma_wait3A_81, %dma_wait3A_82] : memref<10240x128xf32, #tpu.memory_space<vmem_shared>> -> memref<10240x128xf32, #tpu.memory_space<vmem_shared>>
        tpu.wait_indirect_dma semaphore(%run_scoped3A : memref<!tpu.dma_semaphore, #tpu.memory_space<semaphore_mem>>) src(%arg6 : memref<128x128xf32, #tpu.memory_space<vmem>>) dst(%dma_wait3A_83 : memref<10240x128xf32, #tpu.memory_space<vmem_shared>>)
        tpu.yield
      }) : () -> ()
    }
    %scan3A_51 = arith.constant 40 : i32
    %barrier3A_52 = arith.constant 0 : index
    tpu.barrier barrier_id(%barrier3A_52)
    %mul3A_53 = arith.constant 640 : i32
    %mul3A_54 = arith.muli %arg1, %mul3A_53 : i32
    %add3A_55 = arith.constant 0 : i32
    %add3A_56 = arith.addi %mul3A_54, %add3A_55 : i32
    "tpu.region"() ({
      %run_scoped3A = tpu.sem_alloc : memref<!tpu.dma_semaphore, #tpu.memory_space<semaphore_mem>>
      %dma_start3A = arith.constant 0 : i32
      %dma_start3A_73 = tpu.memref_slice %arg4[%add3A_56, %dma_start3A] : memref<10240x128xf32, #tpu.memory_space<vmem_shared>> -> memref<128x128xf32, #tpu.memory_space<vmem_shared>>
      %dma_start3A_74 = arith.constant 0 : i32
      %dma_start3A_75 = tpu.memref_slice %arg4[%add3A_56, %dma_start3A_74] : memref<10240x128xf32, #tpu.memory_space<vmem_shared>> -> memref<128x128xf32, #tpu.memory_space<vmem_shared>>
      tpu.enqueue_dma source(%dma_start3A_75 : memref<128x128xf32, #tpu.memory_space<vmem_shared>>) target(%arg7 : memref<128x128xf32, #tpu.memory_space<vmem>>) target_semaphore(%run_scoped3A : memref<!tpu.dma_semaphore, #tpu.memory_space<semaphore_mem>>)
      %dma_wait3A = arith.constant 0 : i32
      %dma_wait3A_76 = tpu.memref_slice %arg4[%add3A_56, %dma_wait3A] : memref<10240x128xf32, #tpu.memory_space<vmem_shared>> -> memref<128x128xf32, #tpu.memory_space<vmem_shared>>
      %dma_wait3A_77 = arith.constant 0 : i32
      %dma_wait3A_78 = tpu.memref_slice %arg4[%add3A_56, %dma_wait3A_77] : memref<10240x128xf32, #tpu.memory_space<vmem_shared>> -> memref<128x128xf32, #tpu.memory_space<vmem_shared>>
      tpu.wait_dma2 semaphore(%run_scoped3A : memref<!tpu.dma_semaphore, #tpu.memory_space<semaphore_mem>>) src(%dma_wait3A_78 : memref<128x128xf32, #tpu.memory_space<vmem_shared>>) dst(%arg7 : memref<128x128xf32, #tpu.memory_space<vmem>>)
      tpu.yield
    }) : () -> ()
    "tpu.region"() ({
      %run_scoped3A = tpu.sem_alloc : memref<!tpu.dma_semaphore, #tpu.memory_space<semaphore_mem>>
      %dma_start3A = arith.constant 0 : i32
      %dma_start3A_73 = tpu.memref_slice %arg3[%arg0, %add3A_56, %dma_start3A] : memref<2x10240x128xf32, #tpu.memory_space<hbm>> -> memref<1x128x128xf32, #tpu.memory_space<hbm>>
      %dma_start3A_74 = tpu.memref_squeeze %dma_start3A_73 : memref<1x128x128xf32, #tpu.memory_space<hbm>> -> memref<128x128xf32, #tpu.memory_space<hbm>>
      %dma_start3A_75 = arith.constant 0 : i32
      %dma_start3A_76 = tpu.memref_slice %arg3[%arg0, %add3A_56, %dma_start3A_75] : memref<2x10240x128xf32, #tpu.memory_space<hbm>> -> memref<1x128x128xf32, #tpu.memory_space<hbm>>
      %dma_start3A_77 = tpu.memref_squeeze %dma_start3A_76 : memref<1x128x128xf32, #tpu.memory_space<hbm>> -> memref<128x128xf32, #tpu.memory_space<hbm>>
      tpu.enqueue_dma source(%arg7 : memref<128x128xf32, #tpu.memory_space<vmem>>) target(%dma_start3A_77 : memref<128x128xf32, #tpu.memory_space<hbm>>) target_semaphore(%run_scoped3A : memref<!tpu.dma_semaphore, #tpu.memory_space<semaphore_mem>>)
      %dma_wait3A = arith.constant 0 : i32
      %dma_wait3A_78 = tpu.memref_slice %arg3[%arg0, %add3A_56, %dma_wait3A] : memref<2x10240x128xf32, #tpu.memory_space<hbm>> -> memref<1x128x128xf32, #tpu.memory_space<hbm>>
      %dma_wait3A_79 = tpu.memref_squeeze %dma_wait3A_78 : memref<1x128x128xf32, #tpu.memory_space<hbm>> -> memref<128x128xf32, #tpu.memory_space<hbm>>
      %dma_wait3A_80 = arith.constant 0 : i32
      %dma_wait3A_81 = tpu.memref_slice %arg3[%arg0, %add3A_56, %dma_wait3A_80] : memref<2x10240x128xf32, #tpu.memory_space<hbm>> -> memref<1x128x128xf32, #tpu.memory_space<hbm>>
      %dma_wait3A_82 = tpu.memref_squeeze %dma_wait3A_81 : memref<1x128x128xf32, #tpu.memory_space<hbm>> -> memref<128x128xf32, #tpu.memory_space<hbm>>
      tpu.wait_dma2 semaphore(%run_scoped3A : memref<!tpu.dma_semaphore, #tpu.memory_space<semaphore_mem>>) src(%arg7 : memref<128x128xf32, #tpu.memory_space<vmem>>) dst(%dma_wait3A_82 : memref<128x128xf32, #tpu.memory_space<hbm>>)
      tpu.yield
    }) : () -> ()
    %mul3A_57 = arith.constant 640 : i32
    %mul3A_58 = arith.muli %arg1, %mul3A_57 : i32
    %add3A_59 = arith.constant 128 : i32
    %add3A_60 = arith.addi %mul3A_58, %add3A_59 : i32
    "tpu.region"() ({
      %run_scoped3A = tpu.sem_alloc : memref<!tpu.dma_semaphore, #tpu.memory_space<semaphore_mem>>
      %dma_start3A = arith.constant 0 : i32
      %dma_start3A_73 = tpu.memref_slice %arg4[%add3A_60, %dma_start3A] : memref<10240x128xf32, #tpu.memory_space<vmem_shared>> -> memref<128x128xf32, #tpu.memory_space<vmem_shared>>
      %dma_start3A_74 = arith.constant 0 : i32
      %dma_start3A_75 = tpu.memref_slice %arg4[%add3A_60, %dma_start3A_74] : memref<10240x128xf32, #tpu.memory_space<vmem_shared>> -> memref<128x128xf32, #tpu.memory_space<vmem_shared>>
      tpu.enqueue_dma source(%dma_start3A_75 : memref<128x128xf32, #tpu.memory_space<vmem_shared>>) target(%arg7 : memref<128x128xf32, #tpu.memory_space<vmem>>) target_semaphore(%run_scoped3A : memref<!tpu.dma_semaphore, #tpu.memory_space<semaphore_mem>>)
      %dma_wait3A = arith.constant 0 : i32
      %dma_wait3A_76 = tpu.memref_slice %arg4[%add3A_60, %dma_wait3A] : memref<10240x128xf32, #tpu.memory_space<vmem_shared>> -> memref<128x128xf32, #tpu.memory_space<vmem_shared>>
      %dma_wait3A_77 = arith.constant 0 : i32
      %dma_wait3A_78 = tpu.memref_slice %arg4[%add3A_60, %dma_wait3A_77] : memref<10240x128xf32, #tpu.memory_space<vmem_shared>> -> memref<128x128xf32, #tpu.memory_space<vmem_shared>>
      tpu.wait_dma2 semaphore(%run_scoped3A : memref<!tpu.dma_semaphore, #tpu.memory_space<semaphore_mem>>) src(%dma_wait3A_78 : memref<128x128xf32, #tpu.memory_space<vmem_shared>>) dst(%arg7 : memref<128x128xf32, #tpu.memory_space<vmem>>)
      tpu.yield
    }) : () -> ()
    "tpu.region"() ({
      %run_scoped3A = tpu.sem_alloc : memref<!tpu.dma_semaphore, #tpu.memory_space<semaphore_mem>>
      %dma_start3A = arith.constant 0 : i32
      %dma_start3A_73 = tpu.memref_slice %arg3[%arg0, %add3A_60, %dma_start3A] : memref<2x10240x128xf32, #tpu.memory_space<hbm>> -> memref<1x128x128xf32, #tpu.memory_space<hbm>>
      %dma_start3A_74 = tpu.memref_squeeze %dma_start3A_73 : memref<1x128x128xf32, #tpu.memory_space<hbm>> -> memref<128x128xf32, #tpu.memory_space<hbm>>
      %dma_start3A_75 = arith.constant 0 : i32
      %dma_start3A_76 = tpu.memref_slice %arg3[%arg0, %add3A_60, %dma_start3A_75] : memref<2x10240x128xf32, #tpu.memory_space<hbm>> -> memref<1x128x128xf32, #tpu.memory_space<hbm>>
      %dma_start3A_77 = tpu.memref_squeeze %dma_start3A_76 : memref<1x128x128xf32, #tpu.memory_space<hbm>> -> memref<128x128xf32, #tpu.memory_space<hbm>>
      tpu.enqueue_dma source(%arg7 : memref<128x128xf32, #tpu.memory_space<vmem>>) target(%dma_start3A_77 : memref<128x128xf32, #tpu.memory_space<hbm>>) target_semaphore(%run_scoped3A : memref<!tpu.dma_semaphore, #tpu.memory_space<semaphore_mem>>)
      %dma_wait3A = arith.constant 0 : i32
      %dma_wait3A_78 = tpu.memref_slice %arg3[%arg0, %add3A_60, %dma_wait3A] : memref<2x10240x128xf32, #tpu.memory_space<hbm>> -> memref<1x128x128xf32, #tpu.memory_space<hbm>>
      %dma_wait3A_79 = tpu.memref_squeeze %dma_wait3A_78 : memref<1x128x128xf32, #tpu.memory_space<hbm>> -> memref<128x128xf32, #tpu.memory_space<hbm>>
      %dma_wait3A_80 = arith.constant 0 : i32
      %dma_wait3A_81 = tpu.memref_slice %arg3[%arg0, %add3A_60, %dma_wait3A_80] : memref<2x10240x128xf32, #tpu.memory_space<hbm>> -> memref<1x128x128xf32, #tpu.memory_space<hbm>>
      %dma_wait3A_82 = tpu.memref_squeeze %dma_wait3A_81 : memref<1x128x128xf32, #tpu.memory_space<hbm>> -> memref<128x128xf32, #tpu.memory_space<hbm>>
      tpu.wait_dma2 semaphore(%run_scoped3A : memref<!tpu.dma_semaphore, #tpu.memory_space<semaphore_mem>>) src(%arg7 : memref<128x128xf32, #tpu.memory_space<vmem>>) dst(%dma_wait3A_82 : memref<128x128xf32, #tpu.memory_space<hbm>>)
      tpu.yield
    }) : () -> ()
    %mul3A_61 = arith.constant 640 : i32
    %mul3A_62 = arith.muli %arg1, %mul3A_61 : i32
    %add3A_63 = arith.constant 256 : i32
    %add3A_64 = arith.addi %mul3A_62, %add3A_63 : i32
    "tpu.region"() ({
      %run_scoped3A = tpu.sem_alloc : memref<!tpu.dma_semaphore, #tpu.memory_space<semaphore_mem>>
      %dma_start3A = arith.constant 0 : i32
      %dma_start3A_73 = tpu.memref_slice %arg4[%add3A_64, %dma_start3A] : memref<10240x128xf32, #tpu.memory_space<vmem_shared>> -> memref<128x128xf32, #tpu.memory_space<vmem_shared>>
      %dma_start3A_74 = arith.constant 0 : i32
      %dma_start3A_75 = tpu.memref_slice %arg4[%add3A_64, %dma_start3A_74] : memref<10240x128xf32, #tpu.memory_space<vmem_shared>> -> memref<128x128xf32, #tpu.memory_space<vmem_shared>>
      tpu.enqueue_dma source(%dma_start3A_75 : memref<128x128xf32, #tpu.memory_space<vmem_shared>>) target(%arg7 : memref<128x128xf32, #tpu.memory_space<vmem>>) target_semaphore(%run_scoped3A : memref<!tpu.dma_semaphore, #tpu.memory_space<semaphore_mem>>)
      %dma_wait3A = arith.constant 0 : i32
      %dma_wait3A_76 = tpu.memref_slice %arg4[%add3A_64, %dma_wait3A] : memref<10240x128xf32, #tpu.memory_space<vmem_shared>> -> memref<128x128xf32, #tpu.memory_space<vmem_shared>>
      %dma_wait3A_77 = arith.constant 0 : i32
      %dma_wait3A_78 = tpu.memref_slice %arg4[%add3A_64, %dma_wait3A_77] : memref<10240x128xf32, #tpu.memory_space<vmem_shared>> -> memref<128x128xf32, #tpu.memory_space<vmem_shared>>
      tpu.wait_dma2 semaphore(%run_scoped3A : memref<!tpu.dma_semaphore, #tpu.memory_space<semaphore_mem>>) src(%dma_wait3A_78 : memref<128x128xf32, #tpu.memory_space<vmem_shared>>) dst(%arg7 : memref<128x128xf32, #tpu.memory_space<vmem>>)
      tpu.yield
    }) : () -> ()
    "tpu.region"() ({
      %run_scoped3A = tpu.sem_alloc : memref<!tpu.dma_semaphore, #tpu.memory_space<semaphore_mem>>
      %dma_start3A = arith.constant 0 : i32
      %dma_start3A_73 = tpu.memref_slice %arg3[%arg0, %add3A_64, %dma_start3A] : memref<2x10240x128xf32, #tpu.memory_space<hbm>> -> memref<1x128x128xf32, #tpu.memory_space<hbm>>
      %dma_start3A_74 = tpu.memref_squeeze %dma_start3A_73 : memref<1x128x128xf32, #tpu.memory_space<hbm>> -> memref<128x128xf32, #tpu.memory_space<hbm>>
      %dma_start3A_75 = arith.constant 0 : i32
      %dma_start3A_76 = tpu.memref_slice %arg3[%arg0, %add3A_64, %dma_start3A_75] : memref<2x10240x128xf32, #tpu.memory_space<hbm>> -> memref<1x128x128xf32, #tpu.memory_space<hbm>>
      %dma_start3A_77 = tpu.memref_squeeze %dma_start3A_76 : memref<1x128x128xf32, #tpu.memory_space<hbm>> -> memref<128x128xf32, #tpu.memory_space<hbm>>
      tpu.enqueue_dma source(%arg7 : memref<128x128xf32, #tpu.memory_space<vmem>>) target(%dma_start3A_77 : memref<128x128xf32, #tpu.memory_space<hbm>>) target_semaphore(%run_scoped3A : memref<!tpu.dma_semaphore, #tpu.memory_space<semaphore_mem>>)
      %dma_wait3A = arith.constant 0 : i32
      %dma_wait3A_78 = tpu.memref_slice %arg3[%arg0, %add3A_64, %dma_wait3A] : memref<2x10240x128xf32, #tpu.memory_space<hbm>> -> memref<1x128x128xf32, #tpu.memory_space<hbm>>
      %dma_wait3A_79 = tpu.memref_squeeze %dma_wait3A_78 : memref<1x128x128xf32, #tpu.memory_space<hbm>> -> memref<128x128xf32, #tpu.memory_space<hbm>>
      %dma_wait3A_80 = arith.constant 0 : i32
      %dma_wait3A_81 = tpu.memref_slice %arg3[%arg0, %add3A_64, %dma_wait3A_80] : memref<2x10240x128xf32, #tpu.memory_space<hbm>> -> memref<1x128x128xf32, #tpu.memory_space<hbm>>
      %dma_wait3A_82 = tpu.memref_squeeze %dma_wait3A_81 : memref<1x128x128xf32, #tpu.memory_space<hbm>> -> memref<128x128xf32, #tpu.memory_space<hbm>>
      tpu.wait_dma2 semaphore(%run_scoped3A : memref<!tpu.dma_semaphore, #tpu.memory_space<semaphore_mem>>) src(%arg7 : memref<128x128xf32, #tpu.memory_space<vmem>>) dst(%dma_wait3A_82 : memref<128x128xf32, #tpu.memory_space<hbm>>)
      tpu.yield
    }) : () -> ()
    %mul3A_65 = arith.constant 640 : i32
    %mul3A_66 = arith.muli %arg1, %mul3A_65 : i32
    %add3A_67 = arith.constant 384 : i32
    %add3A_68 = arith.addi %mul3A_66, %add3A_67 : i32
    "tpu.region"() ({
      %run_scoped3A = tpu.sem_alloc : memref<!tpu.dma_semaphore, #tpu.memory_space<semaphore_mem>>
      %dma_start3A = arith.constant 0 : i32
      %dma_start3A_73 = tpu.memref_slice %arg4[%add3A_68, %dma_start3A] : memref<10240x128xf32, #tpu.memory_space<vmem_shared>> -> memref<128x128xf32, #tpu.memory_space<vmem_shared>>
      %dma_start3A_74 = arith.constant 0 : i32
      %dma_start3A_75 = tpu.memref_slice %arg4[%add3A_68, %dma_start3A_74] : memref<10240x128xf32, #tpu.memory_space<vmem_shared>> -> memref<128x128xf32, #tpu.memory_space<vmem_shared>>
      tpu.enqueue_dma source(%dma_start3A_75 : memref<128x128xf32, #tpu.memory_space<vmem_shared>>) target(%arg7 : memref<128x128xf32, #tpu.memory_space<vmem>>) target_semaphore(%run_scoped3A : memref<!tpu.dma_semaphore, #tpu.memory_space<semaphore_mem>>)
      %dma_wait3A = arith.constant 0 : i32
      %dma_wait3A_76 = tpu.memref_slice %arg4[%add3A_68, %dma_wait3A] : memref<10240x128xf32, #tpu.memory_space<vmem_shared>> -> memref<128x128xf32, #tpu.memory_space<vmem_shared>>
      %dma_wait3A_77 = arith.constant 0 : i32
      %dma_wait3A_78 = tpu.memref_slice %arg4[%add3A_68, %dma_wait3A_77] : memref<10240x128xf32, #tpu.memory_space<vmem_shared>> -> memref<128x128xf32, #tpu.memory_space<vmem_shared>>
      tpu.wait_dma2 semaphore(%run_scoped3A : memref<!tpu.dma_semaphore, #tpu.memory_space<semaphore_mem>>) src(%dma_wait3A_78 : memref<128x128xf32, #tpu.memory_space<vmem_shared>>) dst(%arg7 : memref<128x128xf32, #tpu.memory_space<vmem>>)
      tpu.yield
    }) : () -> ()
    "tpu.region"() ({
      %run_scoped3A = tpu.sem_alloc : memref<!tpu.dma_semaphore, #tpu.memory_space<semaphore_mem>>
      %dma_start3A = arith.constant 0 : i32
      %dma_start3A_73 = tpu.memref_slice %arg3[%arg0, %add3A_68, %dma_start3A] : memref<2x10240x128xf32, #tpu.memory_space<hbm>> -> memref<1x128x128xf32, #tpu.memory_space<hbm>>
      %dma_start3A_74 = tpu.memref_squeeze %dma_start3A_73 : memref<1x128x128xf32, #tpu.memory_space<hbm>> -> memref<128x128xf32, #tpu.memory_space<hbm>>
      %dma_start3A_75 = arith.constant 0 : i32
      %dma_start3A_76 = tpu.memref_slice %arg3[%arg0, %add3A_68, %dma_start3A_75] : memref<2x10240x128xf32, #tpu.memory_space<hbm>> -> memref<1x128x128xf32, #tpu.memory_space<hbm>>
      %dma_start3A_77 = tpu.memref_squeeze %dma_start3A_76 : memref<1x128x128xf32, #tpu.memory_space<hbm>> -> memref<128x128xf32, #tpu.memory_space<hbm>>
      tpu.enqueue_dma source(%arg7 : memref<128x128xf32, #tpu.memory_space<vmem>>) target(%dma_start3A_77 : memref<128x128xf32, #tpu.memory_space<hbm>>) target_semaphore(%run_scoped3A : memref<!tpu.dma_semaphore, #tpu.memory_space<semaphore_mem>>)
      %dma_wait3A = arith.constant 0 : i32
      %dma_wait3A_78 = tpu.memref_slice %arg3[%arg0, %add3A_68, %dma_wait3A] : memref<2x10240x128xf32, #tpu.memory_space<hbm>> -> memref<1x128x128xf32, #tpu.memory_space<hbm>>
      %dma_wait3A_79 = tpu.memref_squeeze %dma_wait3A_78 : memref<1x128x128xf32, #tpu.memory_space<hbm>> -> memref<128x128xf32, #tpu.memory_space<hbm>>
      %dma_wait3A_80 = arith.constant 0 : i32
      %dma_wait3A_81 = tpu.memref_slice %arg3[%arg0, %add3A_68, %dma_wait3A_80] : memref<2x10240x128xf32, #tpu.memory_space<hbm>> -> memref<1x128x128xf32, #tpu.memory_space<hbm>>
      %dma_wait3A_82 = tpu.memref_squeeze %dma_wait3A_81 : memref<1x128x128xf32, #tpu.memory_space<hbm>> -> memref<128x128xf32, #tpu.memory_space<hbm>>
      tpu.wait_dma2 semaphore(%run_scoped3A : memref<!tpu.dma_semaphore, #tpu.memory_space<semaphore_mem>>) src(%arg7 : memref<128x128xf32, #tpu.memory_space<vmem>>) dst(%dma_wait3A_82 : memref<128x128xf32, #tpu.memory_space<hbm>>)
      tpu.yield
    }) : () -> ()
    %mul3A_69 = arith.constant 640 : i32
    %mul3A_70 = arith.muli %arg1, %mul3A_69 : i32
    %add3A_71 = arith.constant 512 : i32
    %add3A_72 = arith.addi %mul3A_70, %add3A_71 : i32
    "tpu.region"() ({
      %run_scoped3A = tpu.sem_alloc : memref<!tpu.dma_semaphore, #tpu.memory_space<semaphore_mem>>
      %dma_start3A = arith.constant 0 : i32
      %dma_start3A_73 = tpu.memref_slice %arg4[%add3A_72, %dma_start3A] : memref<10240x128xf32, #tpu.memory_space<vmem_shared>> -> memref<128x128xf32, #tpu.memory_space<vmem_shared>>
      %dma_start3A_74 = arith.constant 0 : i32
      %dma_start3A_75 = tpu.memref_slice %arg4[%add3A_72, %dma_start3A_74] : memref<10240x128xf32, #tpu.memory_space<vmem_shared>> -> memref<128x128xf32, #tpu.memory_space<vmem_shared>>
      tpu.enqueue_dma source(%dma_start3A_75 : memref<128x128xf32, #tpu.memory_space<vmem_shared>>) target(%arg7 : memref<128x128xf32, #tpu.memory_space<vmem>>) target_semaphore(%run_scoped3A : memref<!tpu.dma_semaphore, #tpu.memory_space<semaphore_mem>>)
      %dma_wait3A = arith.constant 0 : i32
      %dma_wait3A_76 = tpu.memref_slice %arg4[%add3A_72, %dma_wait3A] : memref<10240x128xf32, #tpu.memory_space<vmem_shared>> -> memref<128x128xf32, #tpu.memory_space<vmem_shared>>
      %dma_wait3A_77 = arith.constant 0 : i32
      %dma_wait3A_78 = tpu.memref_slice %arg4[%add3A_72, %dma_wait3A_77] : memref<10240x128xf32, #tpu.memory_space<vmem_shared>> -> memref<128x128xf32, #tpu.memory_space<vmem_shared>>
      tpu.wait_dma2 semaphore(%run_scoped3A : memref<!tpu.dma_semaphore, #tpu.memory_space<semaphore_mem>>) src(%dma_wait3A_78 : memref<128x128xf32, #tpu.memory_space<vmem_shared>>) dst(%arg7 : memref<128x128xf32, #tpu.memory_space<vmem>>)
      tpu.yield
    }) : () -> ()
    "tpu.region"() ({
      %run_scoped3A = tpu.sem_alloc : memref<!tpu.dma_semaphore, #tpu.memory_space<semaphore_mem>>
      %dma_start3A = arith.constant 0 : i32
      %dma_start3A_73 = tpu.memref_slice %arg3[%arg0, %add3A_72, %dma_start3A] : memref<2x10240x128xf32, #tpu.memory_space<hbm>> -> memref<1x128x128xf32, #tpu.memory_space<hbm>>
      %dma_start3A_74 = tpu.memref_squeeze %dma_start3A_73 : memref<1x128x128xf32, #tpu.memory_space<hbm>> -> memref<128x128xf32, #tpu.memory_space<hbm>>
      %dma_start3A_75 = arith.constant 0 : i32
      %dma_start3A_76 = tpu.memref_slice %arg3[%arg0, %add3A_72, %dma_start3A_75] : memref<2x10240x128xf32, #tpu.memory_space<hbm>> -> memref<1x128x128xf32, #tpu.memory_space<hbm>>
      %dma_start3A_77 = tpu.memref_squeeze %dma_start3A_76 : memref<1x128x128xf32, #tpu.memory_space<hbm>> -> memref<128x128xf32, #tpu.memory_space<hbm>>
      tpu.enqueue_dma source(%arg7 : memref<128x128xf32, #tpu.memory_space<vmem>>) target(%dma_start3A_77 : memref<128x128xf32, #tpu.memory_space<hbm>>) target_semaphore(%run_scoped3A : memref<!tpu.dma_semaphore, #tpu.memory_space<semaphore_mem>>)
      %dma_wait3A = arith.constant 0 : i32
      %dma_wait3A_78 = tpu.memref_slice %arg3[%arg0, %add3A_72, %dma_wait3A] : memref<2x10240x128xf32, #tpu.memory_space<hbm>> -> memref<1x128x128xf32, #tpu.memory_space<hbm>>
      %dma_wait3A_79 = tpu.memref_squeeze %dma_wait3A_78 : memref<1x128x128xf32, #tpu.memory_space<hbm>> -> memref<128x128xf32, #tpu.memory_space<hbm>>
      %dma_wait3A_80 = arith.constant 0 : i32
      %dma_wait3A_81 = tpu.memref_slice %arg3[%arg0, %add3A_72, %dma_wait3A_80] : memref<2x10240x128xf32, #tpu.memory_space<hbm>> -> memref<1x128x128xf32, #tpu.memory_space<hbm>>
      %dma_wait3A_82 = tpu.memref_squeeze %dma_wait3A_81 : memref<1x128x128xf32, #tpu.memory_space<hbm>> -> memref<128x128xf32, #tpu.memory_space<hbm>>
      tpu.wait_dma2 semaphore(%run_scoped3A : memref<!tpu.dma_semaphore, #tpu.memory_space<semaphore_mem>>) src(%arg7 : memref<128x128xf32, #tpu.memory_space<vmem>>) dst(%dma_wait3A_82 : memref<128x128xf32, #tpu.memory_space<hbm>>)
      tpu.yield
    }) : () -> ()
    return
  }
}

#map = affine_map<(d0, d1) -> (0, 0)>
#map1 = affine_map<(d0, d1) -> (0, 0, 0)>
module attributes {stable_mosaic.version = 14 : i64} {
  func.func @_edge_agg_body(%arg0: i32, %arg1: i32, %arg2: memref<10240x128xf32, #tpu.memory_space<hbm>>, %arg3: memref<2560x128xi32, #tpu.memory_space<hbm>>, %arg4: memref<2560x128xi32, #tpu.memory_space<hbm>>, %arg5: memref<2x10240x128xf32, #tpu.memory_space<hbm>>, %arg6: memref<10240x128xf32, #tpu.memory_space<vmem_shared>>, %arg7: memref<40x128xi32, #tpu.memory_space<vmem>>, %arg8: memref<40x128xi32, #tpu.memory_space<vmem>>, %arg9: memref<128x128xf32, #tpu.memory_space<vmem>>, %arg10: memref<!tpu.dma_semaphore, #tpu.memory_space<semaphore_mem>>) attributes {dimension_semantics = [#tpu.dimension_semantics<core_parallel>, #tpu.dimension_semantics<subcore_parallel>], iteration_bounds = array<i64: 2, 16>, scalar_prefetch = 0 : i64, scratch_operands = 5 : i64, tpu.core_type = #tpu.core_type<sc_vector_subcore>, window_params = [{transform_indices = #map}, {transform_indices = #map}, {transform_indices = #map}, {transform_indices = #map1}]} {
    %mul3A = arith.constant 2 : i32
    %mul3A_0 = arith.muli %arg1, %mul3A : i32
    %add3A = arith.addi %mul3A_0, %arg0 : i32
    %scan3A = arith.constant 0 : i32
    %scan3A_1 = arith.constant 0 : i32
    %scan3A_2 = arith.constant 128 : i32
    %scan3A_3 = arith.addi %scan3A_1, %scan3A_2 : i32
    %scan3A_4 = arith.constant 1 : i32
    scf.for %scan3A_67 = %scan3A_1 to %scan3A_3 step %scan3A_4  : i32 {
      %broadcast_in_dim3A = arith.constant 0.000000e+00 : f32
      %broadcast_in_dim3A_68 = vector.broadcast %broadcast_in_dim3A : f32 to vector<16xf32>
      %swap3A = arith.index_cast %scan3A_67 : i32 to index
      %swap3A_69 = arith.constant 0 : index
      %swap3A_70 = tpu.vector_load %arg9[%swap3A, %swap3A_69] {strides = array<i32>} : memref<128x128xf32, #tpu.memory_space<vmem>>, vector<1x16xf32>,
      %swap3A_71 = vector.shape_cast %swap3A_70 : vector<1x16xf32> to vector<16xf32>
      %swap3A_72 = vector.shape_cast %broadcast_in_dim3A_68 : vector<16xf32> to vector<1x16xf32>
      tpu.vector_store %arg9[%swap3A, %swap3A_69], %swap3A_72 {strides = array<i32>} : memref<128x128xf32, #tpu.memory_space<vmem>>, vector<1x16xf32>,
      %broadcast_in_dim3A_73 = arith.constant 0.000000e+00 : f32
      %broadcast_in_dim3A_74 = vector.broadcast %broadcast_in_dim3A_73 : f32 to vector<16xf32>
      %swap3A_75 = arith.index_cast %scan3A_67 : i32 to index
      %swap3A_76 = arith.constant 16 : index
      %swap3A_77 = tpu.vector_load %arg9[%swap3A_75, %swap3A_76] {strides = array<i32>} : memref<128x128xf32, #tpu.memory_space<vmem>>, vector<1x16xf32>,
      %swap3A_78 = vector.shape_cast %swap3A_77 : vector<1x16xf32> to vector<16xf32>
      %swap3A_79 = vector.shape_cast %broadcast_in_dim3A_74 : vector<16xf32> to vector<1x16xf32>
      tpu.vector_store %arg9[%swap3A_75, %swap3A_76], %swap3A_79 {strides = array<i32>} : memref<128x128xf32, #tpu.memory_space<vmem>>, vector<1x16xf32>,
      %broadcast_in_dim3A_80 = arith.constant 0.000000e+00 : f32
      %broadcast_in_dim3A_81 = vector.broadcast %broadcast_in_dim3A_80 : f32 to vector<16xf32>
      %swap3A_82 = arith.index_cast %scan3A_67 : i32 to index
      %swap3A_83 = arith.constant 32 : index
      %swap3A_84 = tpu.vector_load %arg9[%swap3A_82, %swap3A_83] {strides = array<i32>} : memref<128x128xf32, #tpu.memory_space<vmem>>, vector<1x16xf32>,
      %swap3A_85 = vector.shape_cast %swap3A_84 : vector<1x16xf32> to vector<16xf32>
      %swap3A_86 = vector.shape_cast %broadcast_in_dim3A_81 : vector<16xf32> to vector<1x16xf32>
      tpu.vector_store %arg9[%swap3A_82, %swap3A_83], %swap3A_86 {strides = array<i32>} : memref<128x128xf32, #tpu.memory_space<vmem>>, vector<1x16xf32>,
      %broadcast_in_dim3A_87 = arith.constant 0.000000e+00 : f32
      %broadcast_in_dim3A_88 = vector.broadcast %broadcast_in_dim3A_87 : f32 to vector<16xf32>
      %swap3A_89 = arith.index_cast %scan3A_67 : i32 to index
      %swap3A_90 = arith.constant 48 : index
      %swap3A_91 = tpu.vector_load %arg9[%swap3A_89, %swap3A_90] {strides = array<i32>} : memref<128x128xf32, #tpu.memory_space<vmem>>, vector<1x16xf32>,
      %swap3A_92 = vector.shape_cast %swap3A_91 : vector<1x16xf32> to vector<16xf32>
      %swap3A_93 = vector.shape_cast %broadcast_in_dim3A_88 : vector<16xf32> to vector<1x16xf32>
      tpu.vector_store %arg9[%swap3A_89, %swap3A_90], %swap3A_93 {strides = array<i32>} : memref<128x128xf32, #tpu.memory_space<vmem>>, vector<1x16xf32>,
      %broadcast_in_dim3A_94 = arith.constant 0.000000e+00 : f32
      %broadcast_in_dim3A_95 = vector.broadcast %broadcast_in_dim3A_94 : f32 to vector<16xf32>
      %swap3A_96 = arith.index_cast %scan3A_67 : i32 to index
      %swap3A_97 = arith.constant 64 : index
      %swap3A_98 = tpu.vector_load %arg9[%swap3A_96, %swap3A_97] {strides = array<i32>} : memref<128x128xf32, #tpu.memory_space<vmem>>, vector<1x16xf32>,
      %swap3A_99 = vector.shape_cast %swap3A_98 : vector<1x16xf32> to vector<16xf32>
      %swap3A_100 = vector.shape_cast %broadcast_in_dim3A_95 : vector<16xf32> to vector<1x16xf32>
      tpu.vector_store %arg9[%swap3A_96, %swap3A_97], %swap3A_100 {strides = array<i32>} : memref<128x128xf32, #tpu.memory_space<vmem>>, vector<1x16xf32>,
      %broadcast_in_dim3A_101 = arith.constant 0.000000e+00 : f32
      %broadcast_in_dim3A_102 = vector.broadcast %broadcast_in_dim3A_101 : f32 to vector<16xf32>
      %swap3A_103 = arith.index_cast %scan3A_67 : i32 to index
      %swap3A_104 = arith.constant 80 : index
      %swap3A_105 = tpu.vector_load %arg9[%swap3A_103, %swap3A_104] {strides = array<i32>} : memref<128x128xf32, #tpu.memory_space<vmem>>, vector<1x16xf32>,
      %swap3A_106 = vector.shape_cast %swap3A_105 : vector<1x16xf32> to vector<16xf32>
      %swap3A_107 = vector.shape_cast %broadcast_in_dim3A_102 : vector<16xf32> to vector<1x16xf32>
      tpu.vector_store %arg9[%swap3A_103, %swap3A_104], %swap3A_107 {strides = array<i32>} : memref<128x128xf32, #tpu.memory_space<vmem>>, vector<1x16xf32>,
      %broadcast_in_dim3A_108 = arith.constant 0.000000e+00 : f32
      %broadcast_in_dim3A_109 = vector.broadcast %broadcast_in_dim3A_108 : f32 to vector<16xf32>
      %swap3A_110 = arith.index_cast %scan3A_67 : i32 to index
      %swap3A_111 = arith.constant 96 : index
      %swap3A_112 = tpu.vector_load %arg9[%swap3A_110, %swap3A_111] {strides = array<i32>} : memref<128x128xf32, #tpu.memory_space<vmem>>, vector<1x16xf32>,
      %swap3A_113 = vector.shape_cast %swap3A_112 : vector<1x16xf32> to vector<16xf32>
      %swap3A_114 = vector.shape_cast %broadcast_in_dim3A_109 : vector<16xf32> to vector<1x16xf32>
      tpu.vector_store %arg9[%swap3A_110, %swap3A_111], %swap3A_114 {strides = array<i32>} : memref<128x128xf32, #tpu.memory_space<vmem>>, vector<1x16xf32>,
      %broadcast_in_dim3A_115 = arith.constant 0.000000e+00 : f32
      %broadcast_in_dim3A_116 = vector.broadcast %broadcast_in_dim3A_115 : f32 to vector<16xf32>
      %swap3A_117 = arith.index_cast %scan3A_67 : i32 to index
      %swap3A_118 = arith.constant 112 : index
      %swap3A_119 = tpu.vector_load %arg9[%swap3A_117, %swap3A_118] {strides = array<i32>} : memref<128x128xf32, #tpu.memory_space<vmem>>, vector<1x16xf32>,
      %swap3A_120 = vector.shape_cast %swap3A_119 : vector<1x16xf32> to vector<16xf32>
      %swap3A_121 = vector.shape_cast %broadcast_in_dim3A_116 : vector<16xf32> to vector<1x16xf32>
      tpu.vector_store %arg9[%swap3A_117, %swap3A_118], %swap3A_121 {strides = array<i32>} : memref<128x128xf32, #tpu.memory_space<vmem>>, vector<1x16xf32>,
    }
    %scan3A_5 = arith.constant 128 : i32
    %mul3A_6 = arith.constant 640 : i32
    %mul3A_7 = arith.muli %arg1, %mul3A_6 : i32
    %add3A_8 = arith.constant 0 : i32
    %add3A_9 = arith.addi %mul3A_7, %add3A_8 : i32
    "tpu.region"() ({
      %run_scoped3A = tpu.sem_alloc : memref<!tpu.dma_semaphore, #tpu.memory_space<semaphore_mem>>
      %dma_start3A = arith.constant 0 : i32
      %dma_start3A_67 = tpu.memref_slice %arg6[%add3A_9, %dma_start3A] : memref<10240x128xf32, #tpu.memory_space<vmem_shared>> -> memref<128x128xf32, #tpu.memory_space<vmem_shared>>
      %dma_start3A_68 = arith.constant 0 : i32
      %dma_start3A_69 = tpu.memref_slice %arg6[%add3A_9, %dma_start3A_68] : memref<10240x128xf32, #tpu.memory_space<vmem_shared>> -> memref<128x128xf32, #tpu.memory_space<vmem_shared>>
      tpu.enqueue_dma source(%arg9 : memref<128x128xf32, #tpu.memory_space<vmem>>) target(%dma_start3A_69 : memref<128x128xf32, #tpu.memory_space<vmem_shared>>) target_semaphore(%run_scoped3A : memref<!tpu.dma_semaphore, #tpu.memory_space<semaphore_mem>>)
      %dma_wait3A = arith.constant 0 : i32
      %dma_wait3A_70 = tpu.memref_slice %arg6[%add3A_9, %dma_wait3A] : memref<10240x128xf32, #tpu.memory_space<vmem_shared>> -> memref<128x128xf32, #tpu.memory_space<vmem_shared>>
      %dma_wait3A_71 = arith.constant 0 : i32
      %dma_wait3A_72 = tpu.memref_slice %arg6[%add3A_9, %dma_wait3A_71] : memref<10240x128xf32, #tpu.memory_space<vmem_shared>> -> memref<128x128xf32, #tpu.memory_space<vmem_shared>>
      tpu.wait_dma2 semaphore(%run_scoped3A : memref<!tpu.dma_semaphore, #tpu.memory_space<semaphore_mem>>) src(%arg9 : memref<128x128xf32, #tpu.memory_space<vmem>>) dst(%dma_wait3A_72 : memref<128x128xf32, #tpu.memory_space<vmem_shared>>)
      tpu.yield
    }) : () -> ()
    %mul3A_10 = arith.constant 640 : i32
    %mul3A_11 = arith.muli %arg1, %mul3A_10 : i32
    %add3A_12 = arith.constant 128 : i32
    %add3A_13 = arith.addi %mul3A_11, %add3A_12 : i32
    "tpu.region"() ({
      %run_scoped3A = tpu.sem_alloc : memref<!tpu.dma_semaphore, #tpu.memory_space<semaphore_mem>>
      %dma_start3A = arith.constant 0 : i32
      %dma_start3A_67 = tpu.memref_slice %arg6[%add3A_13, %dma_start3A] : memref<10240x128xf32, #tpu.memory_space<vmem_shared>> -> memref<128x128xf32, #tpu.memory_space<vmem_shared>>
      %dma_start3A_68 = arith.constant 0 : i32
      %dma_start3A_69 = tpu.memref_slice %arg6[%add3A_13, %dma_start3A_68] : memref<10240x128xf32, #tpu.memory_space<vmem_shared>> -> memref<128x128xf32, #tpu.memory_space<vmem_shared>>
      tpu.enqueue_dma source(%arg9 : memref<128x128xf32, #tpu.memory_space<vmem>>) target(%dma_start3A_69 : memref<128x128xf32, #tpu.memory_space<vmem_shared>>) target_semaphore(%run_scoped3A : memref<!tpu.dma_semaphore, #tpu.memory_space<semaphore_mem>>)
      %dma_wait3A = arith.constant 0 : i32
      %dma_wait3A_70 = tpu.memref_slice %arg6[%add3A_13, %dma_wait3A] : memref<10240x128xf32, #tpu.memory_space<vmem_shared>> -> memref<128x128xf32, #tpu.memory_space<vmem_shared>>
      %dma_wait3A_71 = arith.constant 0 : i32
      %dma_wait3A_72 = tpu.memref_slice %arg6[%add3A_13, %dma_wait3A_71] : memref<10240x128xf32, #tpu.memory_space<vmem_shared>> -> memref<128x128xf32, #tpu.memory_space<vmem_shared>>
      tpu.wait_dma2 semaphore(%run_scoped3A : memref<!tpu.dma_semaphore, #tpu.memory_space<semaphore_mem>>) src(%arg9 : memref<128x128xf32, #tpu.memory_space<vmem>>) dst(%dma_wait3A_72 : memref<128x128xf32, #tpu.memory_space<vmem_shared>>)
      tpu.yield
    }) : () -> ()
    %mul3A_14 = arith.constant 640 : i32
    %mul3A_15 = arith.muli %arg1, %mul3A_14 : i32
    %add3A_16 = arith.constant 256 : i32
    %add3A_17 = arith.addi %mul3A_15, %add3A_16 : i32
    "tpu.region"() ({
      %run_scoped3A = tpu.sem_alloc : memref<!tpu.dma_semaphore, #tpu.memory_space<semaphore_mem>>
      %dma_start3A = arith.constant 0 : i32
      %dma_start3A_67 = tpu.memref_slice %arg6[%add3A_17, %dma_start3A] : memref<10240x128xf32, #tpu.memory_space<vmem_shared>> -> memref<128x128xf32, #tpu.memory_space<vmem_shared>>
      %dma_start3A_68 = arith.constant 0 : i32
      %dma_start3A_69 = tpu.memref_slice %arg6[%add3A_17, %dma_start3A_68] : memref<10240x128xf32, #tpu.memory_space<vmem_shared>> -> memref<128x128xf32, #tpu.memory_space<vmem_shared>>
      tpu.enqueue_dma source(%arg9 : memref<128x128xf32, #tpu.memory_space<vmem>>) target(%dma_start3A_69 : memref<128x128xf32, #tpu.memory_space<vmem_shared>>) target_semaphore(%run_scoped3A : memref<!tpu.dma_semaphore, #tpu.memory_space<semaphore_mem>>)
      %dma_wait3A = arith.constant 0 : i32
      %dma_wait3A_70 = tpu.memref_slice %arg6[%add3A_17, %dma_wait3A] : memref<10240x128xf32, #tpu.memory_space<vmem_shared>> -> memref<128x128xf32, #tpu.memory_space<vmem_shared>>
      %dma_wait3A_71 = arith.constant 0 : i32
      %dma_wait3A_72 = tpu.memref_slice %arg6[%add3A_17, %dma_wait3A_71] : memref<10240x128xf32, #tpu.memory_space<vmem_shared>> -> memref<128x128xf32, #tpu.memory_space<vmem_shared>>
      tpu.wait_dma2 semaphore(%run_scoped3A : memref<!tpu.dma_semaphore, #tpu.memory_space<semaphore_mem>>) src(%arg9 : memref<128x128xf32, #tpu.memory_space<vmem>>) dst(%dma_wait3A_72 : memref<128x128xf32, #tpu.memory_space<vmem_shared>>)
      tpu.yield
    }) : () -> ()
    %mul3A_18 = arith.constant 640 : i32
    %mul3A_19 = arith.muli %arg1, %mul3A_18 : i32
    %add3A_20 = arith.constant 384 : i32
    %add3A_21 = arith.addi %mul3A_19, %add3A_20 : i32
    "tpu.region"() ({
      %run_scoped3A = tpu.sem_alloc : memref<!tpu.dma_semaphore, #tpu.memory_space<semaphore_mem>>
      %dma_start3A = arith.constant 0 : i32
      %dma_start3A_67 = tpu.memref_slice %arg6[%add3A_21, %dma_start3A] : memref<10240x128xf32, #tpu.memory_space<vmem_shared>> -> memref<128x128xf32, #tpu.memory_space<vmem_shared>>
      %dma_start3A_68 = arith.constant 0 : i32
      %dma_start3A_69 = tpu.memref_slice %arg6[%add3A_21, %dma_start3A_68] : memref<10240x128xf32, #tpu.memory_space<vmem_shared>> -> memref<128x128xf32, #tpu.memory_space<vmem_shared>>
      tpu.enqueue_dma source(%arg9 : memref<128x128xf32, #tpu.memory_space<vmem>>) target(%dma_start3A_69 : memref<128x128xf32, #tpu.memory_space<vmem_shared>>) target_semaphore(%run_scoped3A : memref<!tpu.dma_semaphore, #tpu.memory_space<semaphore_mem>>)
      %dma_wait3A = arith.constant 0 : i32
      %dma_wait3A_70 = tpu.memref_slice %arg6[%add3A_21, %dma_wait3A] : memref<10240x128xf32, #tpu.memory_space<vmem_shared>> -> memref<128x128xf32, #tpu.memory_space<vmem_shared>>
      %dma_wait3A_71 = arith.constant 0 : i32
      %dma_wait3A_72 = tpu.memref_slice %arg6[%add3A_21, %dma_wait3A_71] : memref<10240x128xf32, #tpu.memory_space<vmem_shared>> -> memref<128x128xf32, #tpu.memory_space<vmem_shared>>
      tpu.wait_dma2 semaphore(%run_scoped3A : memref<!tpu.dma_semaphore, #tpu.memory_space<semaphore_mem>>) src(%arg9 : memref<128x128xf32, #tpu.memory_space<vmem>>) dst(%dma_wait3A_72 : memref<128x128xf32, #tpu.memory_space<vmem_shared>>)
      tpu.yield
    }) : () -> ()
    %mul3A_22 = arith.constant 640 : i32
    %mul3A_23 = arith.muli %arg1, %mul3A_22 : i32
    %add3A_24 = arith.constant 512 : i32
    %add3A_25 = arith.addi %mul3A_23, %add3A_24 : i32
    "tpu.region"() ({
      %run_scoped3A = tpu.sem_alloc : memref<!tpu.dma_semaphore, #tpu.memory_space<semaphore_mem>>
      %dma_start3A = arith.constant 0 : i32
      %dma_start3A_67 = tpu.memref_slice %arg6[%add3A_25, %dma_start3A] : memref<10240x128xf32, #tpu.memory_space<vmem_shared>> -> memref<128x128xf32, #tpu.memory_space<vmem_shared>>
      %dma_start3A_68 = arith.constant 0 : i32
      %dma_start3A_69 = tpu.memref_slice %arg6[%add3A_25, %dma_start3A_68] : memref<10240x128xf32, #tpu.memory_space<vmem_shared>> -> memref<128x128xf32, #tpu.memory_space<vmem_shared>>
      tpu.enqueue_dma source(%arg9 : memref<128x128xf32, #tpu.memory_space<vmem>>) target(%dma_start3A_69 : memref<128x128xf32, #tpu.memory_space<vmem_shared>>) target_semaphore(%run_scoped3A : memref<!tpu.dma_semaphore, #tpu.memory_space<semaphore_mem>>)
      %dma_wait3A = arith.constant 0 : i32
      %dma_wait3A_70 = tpu.memref_slice %arg6[%add3A_25, %dma_wait3A] : memref<10240x128xf32, #tpu.memory_space<vmem_shared>> -> memref<128x128xf32, #tpu.memory_space<vmem_shared>>
      %dma_wait3A_71 = arith.constant 0 : i32
      %dma_wait3A_72 = tpu.memref_slice %arg6[%add3A_25, %dma_wait3A_71] : memref<10240x128xf32, #tpu.memory_space<vmem_shared>> -> memref<128x128xf32, #tpu.memory_space<vmem_shared>>
      tpu.wait_dma2 semaphore(%run_scoped3A : memref<!tpu.dma_semaphore, #tpu.memory_space<semaphore_mem>>) src(%arg9 : memref<128x128xf32, #tpu.memory_space<vmem>>) dst(%dma_wait3A_72 : memref<128x128xf32, #tpu.memory_space<vmem_shared>>)
      tpu.yield
    }) : () -> ()
    %barrier3A = arith.constant 0 : index
    tpu.barrier barrier_id(%barrier3A)
    %mul3A_26 = arith.constant 80 : i32
    %mul3A_27 = arith.muli %add3A, %mul3A_26 : i32
    %add3A_28 = arith.constant 0 : i32
    %add3A_29 = arith.addi %mul3A_27, %add3A_28 : i32
    "tpu.region"() ({
      %run_scoped3A = tpu.sem_alloc : memref<!tpu.dma_semaphore, #tpu.memory_space<semaphore_mem>>
      %dma_start3A = arith.constant 0 : i32
      %dma_start3A_67 = tpu.memref_slice %arg3[%add3A_29, %dma_start3A] : memref<2560x128xi32, #tpu.memory_space<hbm>> -> memref<40x128xi32, #tpu.memory_space<hbm>>
      %dma_start3A_68 = arith.constant 0 : i32
      %dma_start3A_69 = tpu.memref_slice %arg3[%add3A_29, %dma_start3A_68] : memref<2560x128xi32, #tpu.memory_space<hbm>> -> memref<40x128xi32, #tpu.memory_space<hbm>>
      tpu.enqueue_dma source(%dma_start3A_69 : memref<40x128xi32, #tpu.memory_space<hbm>>) target(%arg7 : memref<40x128xi32, #tpu.memory_space<vmem>>) target_semaphore(%run_scoped3A : memref<!tpu.dma_semaphore, #tpu.memory_space<semaphore_mem>>)
      %dma_wait3A = arith.constant 0 : i32
      %dma_wait3A_70 = tpu.memref_slice %arg3[%add3A_29, %dma_wait3A] : memref<2560x128xi32, #tpu.memory_space<hbm>> -> memref<40x128xi32, #tpu.memory_space<hbm>>
      %dma_wait3A_71 = arith.constant 0 : i32
      %dma_wait3A_72 = tpu.memref_slice %arg3[%add3A_29, %dma_wait3A_71] : memref<2560x128xi32, #tpu.memory_space<hbm>> -> memref<40x128xi32, #tpu.memory_space<hbm>>
      tpu.wait_dma2 semaphore(%run_scoped3A : memref<!tpu.dma_semaphore, #tpu.memory_space<semaphore_mem>>) src(%dma_wait3A_72 : memref<40x128xi32, #tpu.memory_space<hbm>>) dst(%arg7 : memref<40x128xi32, #tpu.memory_space<vmem>>)
      tpu.yield
    }) : () -> ()
    "tpu.region"() ({
      %run_scoped3A = tpu.sem_alloc : memref<!tpu.dma_semaphore, #tpu.memory_space<semaphore_mem>>
      %dma_start3A = arith.constant 0 : i32
      %dma_start3A_67 = tpu.memref_slice %arg4[%add3A_29, %dma_start3A] : memref<2560x128xi32, #tpu.memory_space<hbm>> -> memref<40x128xi32, #tpu.memory_space<hbm>>
      %dma_start3A_68 = arith.constant 0 : i32
      %dma_start3A_69 = tpu.memref_slice %arg4[%add3A_29, %dma_start3A_68] : memref<2560x128xi32, #tpu.memory_space<hbm>> -> memref<40x128xi32, #tpu.memory_space<hbm>>
      tpu.enqueue_dma source(%dma_start3A_69 : memref<40x128xi32, #tpu.memory_space<hbm>>) target(%arg8 : memref<40x128xi32, #tpu.memory_space<vmem>>) target_semaphore(%run_scoped3A : memref<!tpu.dma_semaphore, #tpu.memory_space<semaphore_mem>>)
      %dma_wait3A = arith.constant 0 : i32
      %dma_wait3A_70 = tpu.memref_slice %arg4[%add3A_29, %dma_wait3A] : memref<2560x128xi32, #tpu.memory_space<hbm>> -> memref<40x128xi32, #tpu.memory_space<hbm>>
      %dma_wait3A_71 = arith.constant 0 : i32
      %dma_wait3A_72 = tpu.memref_slice %arg4[%add3A_29, %dma_wait3A_71] : memref<2560x128xi32, #tpu.memory_space<hbm>> -> memref<40x128xi32, #tpu.memory_space<hbm>>
      tpu.wait_dma2 semaphore(%run_scoped3A : memref<!tpu.dma_semaphore, #tpu.memory_space<semaphore_mem>>) src(%dma_wait3A_72 : memref<40x128xi32, #tpu.memory_space<hbm>>) dst(%arg8 : memref<40x128xi32, #tpu.memory_space<vmem>>)
      tpu.yield
    }) : () -> ()
    %scan3A_30 = arith.constant 0 : i32
    %scan3A_31 = arith.constant 0 : i32
    %scan3A_32 = arith.constant 40 : i32
    %scan3A_33 = arith.addi %scan3A_31, %scan3A_32 : i32
    %scan3A_34 = arith.constant 1 : i32
    scf.for %scan3A_67 = %scan3A_31 to %scan3A_33 step %scan3A_34  : i32 {
      %dma_start3A = arith.constant 0 : i32
      %dma_start3A_68 = tpu.memref_slice %arg7[%scan3A_67, %dma_start3A] : memref<40x128xi32, #tpu.memory_space<vmem>> -> memref<1x128xi32, #tpu.memory_space<vmem>>
      %dma_start3A_69 = tpu.memref_squeeze %dma_start3A_68 : memref<1x128xi32, #tpu.memory_space<vmem>> -> memref<128xi32, #tpu.memory_space<vmem>>
      %dma_start3A_70 = arith.constant 0 : i32
      %dma_start3A_71 = arith.constant 0 : i32
      %dma_start3A_72 = tpu.memref_slice %arg2[%dma_start3A_70, %dma_start3A_71] : memref<10240x128xf32, #tpu.memory_space<hbm>> -> memref<10240x128xf32, #tpu.memory_space<hbm>>
      tpu.enqueue_indirect_dma source(%dma_start3A_72 : memref<10240x128xf32, #tpu.memory_space<hbm>>) target(%arg9 : memref<128x128xf32, #tpu.memory_space<vmem>>) offsets(%dma_start3A_69 : memref<128xi32, #tpu.memory_space<vmem>>) semaphore(%arg10 : memref<!tpu.dma_semaphore, #tpu.memory_space<semaphore_mem>>)
      %dma_wait3A = arith.constant 0 : i32
      %dma_wait3A_73 = tpu.memref_slice %arg7[%scan3A_67, %dma_wait3A] : memref<40x128xi32, #tpu.memory_space<vmem>> -> memref<1x128xi32, #tpu.memory_space<vmem>>
      %dma_wait3A_74 = tpu.memref_squeeze %dma_wait3A_73 : memref<1x128xi32, #tpu.memory_space<vmem>> -> memref<128xi32, #tpu.memory_space<vmem>>
      %dma_wait3A_75 = arith.constant 0 : i32
      %dma_wait3A_76 = arith.constant 0 : i32
      %dma_wait3A_77 = tpu.memref_slice %arg2[%dma_wait3A_75, %dma_wait3A_76] : memref<10240x128xf32, #tpu.memory_space<hbm>> -> memref<10240x128xf32, #tpu.memory_space<hbm>>
      tpu.wait_indirect_dma semaphore(%arg10 : memref<!tpu.dma_semaphore, #tpu.memory_space<semaphore_mem>>) src(%dma_wait3A_77 : memref<10240x128xf32, #tpu.memory_space<hbm>>) dst(%arg9 : memref<128x128xf32, #tpu.memory_space<vmem>>)
      "tpu.region"() ({
        %run_scoped3A = tpu.sem_alloc : memref<!tpu.dma_semaphore, #tpu.memory_space<semaphore_mem>>
        %dma_start3A_78 = arith.constant 0 : i32
        %dma_start3A_79 = tpu.memref_slice %arg8[%scan3A_67, %dma_start3A_78] : memref<40x128xi32, #tpu.memory_space<vmem>> -> memref<1x128xi32, #tpu.memory_space<vmem>>
        %dma_start3A_80 = tpu.memref_squeeze %dma_start3A_79 : memref<1x128xi32, #tpu.memory_space<vmem>> -> memref<128xi32, #tpu.memory_space<vmem>>
        %dma_start3A_81 = arith.constant 0 : i32
        %dma_start3A_82 = arith.constant 0 : i32
        %dma_start3A_83 = tpu.memref_slice %arg6[%dma_start3A_81, %dma_start3A_82] : memref<10240x128xf32, #tpu.memory_space<vmem_shared>> -> memref<10240x128xf32, #tpu.memory_space<vmem_shared>>
        tpu.enqueue_indirect_dma source(%arg9 : memref<128x128xf32, #tpu.memory_space<vmem>>) target(%dma_start3A_83 : memref<10240x128xf32, #tpu.memory_space<vmem_shared>>) offsets(%dma_start3A_80 : memref<128xi32, #tpu.memory_space<vmem>>) semaphore(%run_scoped3A : memref<!tpu.dma_semaphore, #tpu.memory_space<semaphore_mem>>) {add = true}
        %dma_wait3A_84 = arith.constant 0 : i32
        %dma_wait3A_85 = tpu.memref_slice %arg8[%scan3A_67, %dma_wait3A_84] : memref<40x128xi32, #tpu.memory_space<vmem>> -> memref<1x128xi32, #tpu.memory_space<vmem>>
        %dma_wait3A_86 = tpu.memref_squeeze %dma_wait3A_85 : memref<1x128xi32, #tpu.memory_space<vmem>> -> memref<128xi32, #tpu.memory_space<vmem>>
        %dma_wait3A_87 = arith.constant 0 : i32
        %dma_wait3A_88 = arith.constant 0 : i32
        %dma_wait3A_89 = tpu.memref_slice %arg6[%dma_wait3A_87, %dma_wait3A_88] : memref<10240x128xf32, #tpu.memory_space<vmem_shared>> -> memref<10240x128xf32, #tpu.memory_space<vmem_shared>>
        tpu.wait_indirect_dma semaphore(%run_scoped3A : memref<!tpu.dma_semaphore, #tpu.memory_space<semaphore_mem>>) src(%arg9 : memref<128x128xf32, #tpu.memory_space<vmem>>) dst(%dma_wait3A_89 : memref<10240x128xf32, #tpu.memory_space<vmem_shared>>)
        tpu.yield
      }) : () -> ()
    }
    %scan3A_35 = arith.constant 40 : i32
    %mul3A_36 = arith.constant 80 : i32
    %mul3A_37 = arith.muli %add3A, %mul3A_36 : i32
    %add3A_38 = arith.constant 40 : i32
    %add3A_39 = arith.addi %mul3A_37, %add3A_38 : i32
    "tpu.region"() ({
      %run_scoped3A = tpu.sem_alloc : memref<!tpu.dma_semaphore, #tpu.memory_space<semaphore_mem>>
      %dma_start3A = arith.constant 0 : i32
      %dma_start3A_67 = tpu.memref_slice %arg3[%add3A_39, %dma_start3A] : memref<2560x128xi32, #tpu.memory_space<hbm>> -> memref<40x128xi32, #tpu.memory_space<hbm>>
      %dma_start3A_68 = arith.constant 0 : i32
      %dma_start3A_69 = tpu.memref_slice %arg3[%add3A_39, %dma_start3A_68] : memref<2560x128xi32, #tpu.memory_space<hbm>> -> memref<40x128xi32, #tpu.memory_space<hbm>>
      tpu.enqueue_dma source(%dma_start3A_69 : memref<40x128xi32, #tpu.memory_space<hbm>>) target(%arg7 : memref<40x128xi32, #tpu.memory_space<vmem>>) target_semaphore(%run_scoped3A : memref<!tpu.dma_semaphore, #tpu.memory_space<semaphore_mem>>)
      %dma_wait3A = arith.constant 0 : i32
      %dma_wait3A_70 = tpu.memref_slice %arg3[%add3A_39, %dma_wait3A] : memref<2560x128xi32, #tpu.memory_space<hbm>> -> memref<40x128xi32, #tpu.memory_space<hbm>>
      %dma_wait3A_71 = arith.constant 0 : i32
      %dma_wait3A_72 = tpu.memref_slice %arg3[%add3A_39, %dma_wait3A_71] : memref<2560x128xi32, #tpu.memory_space<hbm>> -> memref<40x128xi32, #tpu.memory_space<hbm>>
      tpu.wait_dma2 semaphore(%run_scoped3A : memref<!tpu.dma_semaphore, #tpu.memory_space<semaphore_mem>>) src(%dma_wait3A_72 : memref<40x128xi32, #tpu.memory_space<hbm>>) dst(%arg7 : memref<40x128xi32, #tpu.memory_space<vmem>>)
      tpu.yield
    }) : () -> ()
    "tpu.region"() ({
      %run_scoped3A = tpu.sem_alloc : memref<!tpu.dma_semaphore, #tpu.memory_space<semaphore_mem>>
      %dma_start3A = arith.constant 0 : i32
      %dma_start3A_67 = tpu.memref_slice %arg4[%add3A_39, %dma_start3A] : memref<2560x128xi32, #tpu.memory_space<hbm>> -> memref<40x128xi32, #tpu.memory_space<hbm>>
      %dma_start3A_68 = arith.constant 0 : i32
      %dma_start3A_69 = tpu.memref_slice %arg4[%add3A_39, %dma_start3A_68] : memref<2560x128xi32, #tpu.memory_space<hbm>> -> memref<40x128xi32, #tpu.memory_space<hbm>>
      tpu.enqueue_dma source(%dma_start3A_69 : memref<40x128xi32, #tpu.memory_space<hbm>>) target(%arg8 : memref<40x128xi32, #tpu.memory_space<vmem>>) target_semaphore(%run_scoped3A : memref<!tpu.dma_semaphore, #tpu.memory_space<semaphore_mem>>)
      %dma_wait3A = arith.constant 0 : i32
      %dma_wait3A_70 = tpu.memref_slice %arg4[%add3A_39, %dma_wait3A] : memref<2560x128xi32, #tpu.memory_space<hbm>> -> memref<40x128xi32, #tpu.memory_space<hbm>>
      %dma_wait3A_71 = arith.constant 0 : i32
      %dma_wait3A_72 = tpu.memref_slice %arg4[%add3A_39, %dma_wait3A_71] : memref<2560x128xi32, #tpu.memory_space<hbm>> -> memref<40x128xi32, #tpu.memory_space<hbm>>
      tpu.wait_dma2 semaphore(%run_scoped3A : memref<!tpu.dma_semaphore, #tpu.memory_space<semaphore_mem>>) src(%dma_wait3A_72 : memref<40x128xi32, #tpu.memory_space<hbm>>) dst(%arg8 : memref<40x128xi32, #tpu.memory_space<vmem>>)
      tpu.yield
    }) : () -> ()
    %scan3A_40 = arith.constant 0 : i32
    %scan3A_41 = arith.constant 0 : i32
    %scan3A_42 = arith.constant 40 : i32
    %scan3A_43 = arith.addi %scan3A_41, %scan3A_42 : i32
    %scan3A_44 = arith.constant 1 : i32
    scf.for %scan3A_67 = %scan3A_41 to %scan3A_43 step %scan3A_44  : i32 {
      %dma_start3A = arith.constant 0 : i32
      %dma_start3A_68 = tpu.memref_slice %arg7[%scan3A_67, %dma_start3A] : memref<40x128xi32, #tpu.memory_space<vmem>> -> memref<1x128xi32, #tpu.memory_space<vmem>>
      %dma_start3A_69 = tpu.memref_squeeze %dma_start3A_68 : memref<1x128xi32, #tpu.memory_space<vmem>> -> memref<128xi32, #tpu.memory_space<vmem>>
      %dma_start3A_70 = arith.constant 0 : i32
      %dma_start3A_71 = arith.constant 0 : i32
      %dma_start3A_72 = tpu.memref_slice %arg2[%dma_start3A_70, %dma_start3A_71] : memref<10240x128xf32, #tpu.memory_space<hbm>> -> memref<10240x128xf32, #tpu.memory_space<hbm>>
      tpu.enqueue_indirect_dma source(%dma_start3A_72 : memref<10240x128xf32, #tpu.memory_space<hbm>>) target(%arg9 : memref<128x128xf32, #tpu.memory_space<vmem>>) offsets(%dma_start3A_69 : memref<128xi32, #tpu.memory_space<vmem>>) semaphore(%arg10 : memref<!tpu.dma_semaphore, #tpu.memory_space<semaphore_mem>>)
      %dma_wait3A = arith.constant 0 : i32
      %dma_wait3A_73 = tpu.memref_slice %arg7[%scan3A_67, %dma_wait3A] : memref<40x128xi32, #tpu.memory_space<vmem>> -> memref<1x128xi32, #tpu.memory_space<vmem>>
      %dma_wait3A_74 = tpu.memref_squeeze %dma_wait3A_73 : memref<1x128xi32, #tpu.memory_space<vmem>> -> memref<128xi32, #tpu.memory_space<vmem>>
      %dma_wait3A_75 = arith.constant 0 : i32
      %dma_wait3A_76 = arith.constant 0 : i32
      %dma_wait3A_77 = tpu.memref_slice %arg2[%dma_wait3A_75, %dma_wait3A_76] : memref<10240x128xf32, #tpu.memory_space<hbm>> -> memref<10240x128xf32, #tpu.memory_space<hbm>>
      tpu.wait_indirect_dma semaphore(%arg10 : memref<!tpu.dma_semaphore, #tpu.memory_space<semaphore_mem>>) src(%dma_wait3A_77 : memref<10240x128xf32, #tpu.memory_space<hbm>>) dst(%arg9 : memref<128x128xf32, #tpu.memory_space<vmem>>)
      "tpu.region"() ({
        %run_scoped3A = tpu.sem_alloc : memref<!tpu.dma_semaphore, #tpu.memory_space<semaphore_mem>>
        %dma_start3A_78 = arith.constant 0 : i32
        %dma_start3A_79 = tpu.memref_slice %arg8[%scan3A_67, %dma_start3A_78] : memref<40x128xi32, #tpu.memory_space<vmem>> -> memref<1x128xi32, #tpu.memory_space<vmem>>
        %dma_start3A_80 = tpu.memref_squeeze %dma_start3A_79 : memref<1x128xi32, #tpu.memory_space<vmem>> -> memref<128xi32, #tpu.memory_space<vmem>>
        %dma_start3A_81 = arith.constant 0 : i32
        %dma_start3A_82 = arith.constant 0 : i32
        %dma_start3A_83 = tpu.memref_slice %arg6[%dma_start3A_81, %dma_start3A_82] : memref<10240x128xf32, #tpu.memory_space<vmem_shared>> -> memref<10240x128xf32, #tpu.memory_space<vmem_shared>>
        tpu.enqueue_indirect_dma source(%arg9 : memref<128x128xf32, #tpu.memory_space<vmem>>) target(%dma_start3A_83 : memref<10240x128xf32, #tpu.memory_space<vmem_shared>>) offsets(%dma_start3A_80 : memref<128xi32, #tpu.memory_space<vmem>>) semaphore(%run_scoped3A : memref<!tpu.dma_semaphore, #tpu.memory_space<semaphore_mem>>) {add = true}
        %dma_wait3A_84 = arith.constant 0 : i32
        %dma_wait3A_85 = tpu.memref_slice %arg8[%scan3A_67, %dma_wait3A_84] : memref<40x128xi32, #tpu.memory_space<vmem>> -> memref<1x128xi32, #tpu.memory_space<vmem>>
        %dma_wait3A_86 = tpu.memref_squeeze %dma_wait3A_85 : memref<1x128xi32, #tpu.memory_space<vmem>> -> memref<128xi32, #tpu.memory_space<vmem>>
        %dma_wait3A_87 = arith.constant 0 : i32
        %dma_wait3A_88 = arith.constant 0 : i32
        %dma_wait3A_89 = tpu.memref_slice %arg6[%dma_wait3A_87, %dma_wait3A_88] : memref<10240x128xf32, #tpu.memory_space<vmem_shared>> -> memref<10240x128xf32, #tpu.memory_space<vmem_shared>>
        tpu.wait_indirect_dma semaphore(%run_scoped3A : memref<!tpu.dma_semaphore, #tpu.memory_space<semaphore_mem>>) src(%arg9 : memref<128x128xf32, #tpu.memory_space<vmem>>) dst(%dma_wait3A_89 : memref<10240x128xf32, #tpu.memory_space<vmem_shared>>)
        tpu.yield
      }) : () -> ()
    }
    %scan3A_45 = arith.constant 40 : i32
    %barrier3A_46 = arith.constant 0 : index
    tpu.barrier barrier_id(%barrier3A_46)
    %mul3A_47 = arith.constant 640 : i32
    %mul3A_48 = arith.muli %arg1, %mul3A_47 : i32
    %add3A_49 = arith.constant 0 : i32
    %add3A_50 = arith.addi %mul3A_48, %add3A_49 : i32
    "tpu.region"() ({
      %run_scoped3A = tpu.sem_alloc : memref<!tpu.dma_semaphore, #tpu.memory_space<semaphore_mem>>
      %dma_start3A = arith.constant 0 : i32
      %dma_start3A_67 = tpu.memref_slice %arg6[%add3A_50, %dma_start3A] : memref<10240x128xf32, #tpu.memory_space<vmem_shared>> -> memref<128x128xf32, #tpu.memory_space<vmem_shared>>
      %dma_start3A_68 = arith.constant 0 : i32
      %dma_start3A_69 = tpu.memref_slice %arg6[%add3A_50, %dma_start3A_68] : memref<10240x128xf32, #tpu.memory_space<vmem_shared>> -> memref<128x128xf32, #tpu.memory_space<vmem_shared>>
      tpu.enqueue_dma source(%dma_start3A_69 : memref<128x128xf32, #tpu.memory_space<vmem_shared>>) target(%arg9 : memref<128x128xf32, #tpu.memory_space<vmem>>) target_semaphore(%run_scoped3A : memref<!tpu.dma_semaphore, #tpu.memory_space<semaphore_mem>>)
      %dma_wait3A = arith.constant 0 : i32
      %dma_wait3A_70 = tpu.memref_slice %arg6[%add3A_50, %dma_wait3A] : memref<10240x128xf32, #tpu.memory_space<vmem_shared>> -> memref<128x128xf32, #tpu.memory_space<vmem_shared>>
      %dma_wait3A_71 = arith.constant 0 : i32
      %dma_wait3A_72 = tpu.memref_slice %arg6[%add3A_50, %dma_wait3A_71] : memref<10240x128xf32, #tpu.memory_space<vmem_shared>> -> memref<128x128xf32, #tpu.memory_space<vmem_shared>>
      tpu.wait_dma2 semaphore(%run_scoped3A : memref<!tpu.dma_semaphore, #tpu.memory_space<semaphore_mem>>) src(%dma_wait3A_72 : memref<128x128xf32, #tpu.memory_space<vmem_shared>>) dst(%arg9 : memref<128x128xf32, #tpu.memory_space<vmem>>)
      tpu.yield
    }) : () -> ()
    "tpu.region"() ({
      %run_scoped3A = tpu.sem_alloc : memref<!tpu.dma_semaphore, #tpu.memory_space<semaphore_mem>>
      %dma_start3A = arith.constant 0 : i32
      %dma_start3A_67 = tpu.memref_slice %arg5[%arg0, %add3A_50, %dma_start3A] : memref<2x10240x128xf32, #tpu.memory_space<hbm>> -> memref<1x128x128xf32, #tpu.memory_space<hbm>>
      %dma_start3A_68 = tpu.memref_squeeze %dma_start3A_67 : memref<1x128x128xf32, #tpu.memory_space<hbm>> -> memref<128x128xf32, #tpu.memory_space<hbm>>
      %dma_start3A_69 = arith.constant 0 : i32
      %dma_start3A_70 = tpu.memref_slice %arg5[%arg0, %add3A_50, %dma_start3A_69] : memref<2x10240x128xf32, #tpu.memory_space<hbm>> -> memref<1x128x128xf32, #tpu.memory_space<hbm>>
      %dma_start3A_71 = tpu.memref_squeeze %dma_start3A_70 : memref<1x128x128xf32, #tpu.memory_space<hbm>> -> memref<128x128xf32, #tpu.memory_space<hbm>>
      tpu.enqueue_dma source(%arg9 : memref<128x128xf32, #tpu.memory_space<vmem>>) target(%dma_start3A_71 : memref<128x128xf32, #tpu.memory_space<hbm>>) target_semaphore(%run_scoped3A : memref<!tpu.dma_semaphore, #tpu.memory_space<semaphore_mem>>)
      %dma_wait3A = arith.constant 0 : i32
      %dma_wait3A_72 = tpu.memref_slice %arg5[%arg0, %add3A_50, %dma_wait3A] : memref<2x10240x128xf32, #tpu.memory_space<hbm>> -> memref<1x128x128xf32, #tpu.memory_space<hbm>>
      %dma_wait3A_73 = tpu.memref_squeeze %dma_wait3A_72 : memref<1x128x128xf32, #tpu.memory_space<hbm>> -> memref<128x128xf32, #tpu.memory_space<hbm>>
      %dma_wait3A_74 = arith.constant 0 : i32
      %dma_wait3A_75 = tpu.memref_slice %arg5[%arg0, %add3A_50, %dma_wait3A_74] : memref<2x10240x128xf32, #tpu.memory_space<hbm>> -> memref<1x128x128xf32, #tpu.memory_space<hbm>>
      %dma_wait3A_76 = tpu.memref_squeeze %dma_wait3A_75 : memref<1x128x128xf32, #tpu.memory_space<hbm>> -> memref<128x128xf32, #tpu.memory_space<hbm>>
      tpu.wait_dma2 semaphore(%run_scoped3A : memref<!tpu.dma_semaphore, #tpu.memory_space<semaphore_mem>>) src(%arg9 : memref<128x128xf32, #tpu.memory_space<vmem>>) dst(%dma_wait3A_76 : memref<128x128xf32, #tpu.memory_space<hbm>>)
      tpu.yield
    }) : () -> ()
    %mul3A_51 = arith.constant 640 : i32
    %mul3A_52 = arith.muli %arg1, %mul3A_51 : i32
    %add3A_53 = arith.constant 128 : i32
    %add3A_54 = arith.addi %mul3A_52, %add3A_53 : i32
    "tpu.region"() ({
      %run_scoped3A = tpu.sem_alloc : memref<!tpu.dma_semaphore, #tpu.memory_space<semaphore_mem>>
      %dma_start3A = arith.constant 0 : i32
      %dma_start3A_67 = tpu.memref_slice %arg6[%add3A_54, %dma_start3A] : memref<10240x128xf32, #tpu.memory_space<vmem_shared>> -> memref<128x128xf32, #tpu.memory_space<vmem_shared>>
      %dma_start3A_68 = arith.constant 0 : i32
      %dma_start3A_69 = tpu.memref_slice %arg6[%add3A_54, %dma_start3A_68] : memref<10240x128xf32, #tpu.memory_space<vmem_shared>> -> memref<128x128xf32, #tpu.memory_space<vmem_shared>>
      tpu.enqueue_dma source(%dma_start3A_69 : memref<128x128xf32, #tpu.memory_space<vmem_shared>>) target(%arg9 : memref<128x128xf32, #tpu.memory_space<vmem>>) target_semaphore(%run_scoped3A : memref<!tpu.dma_semaphore, #tpu.memory_space<semaphore_mem>>)
      %dma_wait3A = arith.constant 0 : i32
      %dma_wait3A_70 = tpu.memref_slice %arg6[%add3A_54, %dma_wait3A] : memref<10240x128xf32, #tpu.memory_space<vmem_shared>> -> memref<128x128xf32, #tpu.memory_space<vmem_shared>>
      %dma_wait3A_71 = arith.constant 0 : i32
      %dma_wait3A_72 = tpu.memref_slice %arg6[%add3A_54, %dma_wait3A_71] : memref<10240x128xf32, #tpu.memory_space<vmem_shared>> -> memref<128x128xf32, #tpu.memory_space<vmem_shared>>
      tpu.wait_dma2 semaphore(%run_scoped3A : memref<!tpu.dma_semaphore, #tpu.memory_space<semaphore_mem>>) src(%dma_wait3A_72 : memref<128x128xf32, #tpu.memory_space<vmem_shared>>) dst(%arg9 : memref<128x128xf32, #tpu.memory_space<vmem>>)
      tpu.yield
    }) : () -> ()
    "tpu.region"() ({
      %run_scoped3A = tpu.sem_alloc : memref<!tpu.dma_semaphore, #tpu.memory_space<semaphore_mem>>
      %dma_start3A = arith.constant 0 : i32
      %dma_start3A_67 = tpu.memref_slice %arg5[%arg0, %add3A_54, %dma_start3A] : memref<2x10240x128xf32, #tpu.memory_space<hbm>> -> memref<1x128x128xf32, #tpu.memory_space<hbm>>
      %dma_start3A_68 = tpu.memref_squeeze %dma_start3A_67 : memref<1x128x128xf32, #tpu.memory_space<hbm>> -> memref<128x128xf32, #tpu.memory_space<hbm>>
      %dma_start3A_69 = arith.constant 0 : i32
      %dma_start3A_70 = tpu.memref_slice %arg5[%arg0, %add3A_54, %dma_start3A_69] : memref<2x10240x128xf32, #tpu.memory_space<hbm>> -> memref<1x128x128xf32, #tpu.memory_space<hbm>>
      %dma_start3A_71 = tpu.memref_squeeze %dma_start3A_70 : memref<1x128x128xf32, #tpu.memory_space<hbm>> -> memref<128x128xf32, #tpu.memory_space<hbm>>
      tpu.enqueue_dma source(%arg9 : memref<128x128xf32, #tpu.memory_space<vmem>>) target(%dma_start3A_71 : memref<128x128xf32, #tpu.memory_space<hbm>>) target_semaphore(%run_scoped3A : memref<!tpu.dma_semaphore, #tpu.memory_space<semaphore_mem>>)
      %dma_wait3A = arith.constant 0 : i32
      %dma_wait3A_72 = tpu.memref_slice %arg5[%arg0, %add3A_54, %dma_wait3A] : memref<2x10240x128xf32, #tpu.memory_space<hbm>> -> memref<1x128x128xf32, #tpu.memory_space<hbm>>
      %dma_wait3A_73 = tpu.memref_squeeze %dma_wait3A_72 : memref<1x128x128xf32, #tpu.memory_space<hbm>> -> memref<128x128xf32, #tpu.memory_space<hbm>>
      %dma_wait3A_74 = arith.constant 0 : i32
      %dma_wait3A_75 = tpu.memref_slice %arg5[%arg0, %add3A_54, %dma_wait3A_74] : memref<2x10240x128xf32, #tpu.memory_space<hbm>> -> memref<1x128x128xf32, #tpu.memory_space<hbm>>
      %dma_wait3A_76 = tpu.memref_squeeze %dma_wait3A_75 : memref<1x128x128xf32, #tpu.memory_space<hbm>> -> memref<128x128xf32, #tpu.memory_space<hbm>>
      tpu.wait_dma2 semaphore(%run_scoped3A : memref<!tpu.dma_semaphore, #tpu.memory_space<semaphore_mem>>) src(%arg9 : memref<128x128xf32, #tpu.memory_space<vmem>>) dst(%dma_wait3A_76 : memref<128x128xf32, #tpu.memory_space<hbm>>)
      tpu.yield
    }) : () -> ()
    %mul3A_55 = arith.constant 640 : i32
    %mul3A_56 = arith.muli %arg1, %mul3A_55 : i32
    %add3A_57 = arith.constant 256 : i32
    %add3A_58 = arith.addi %mul3A_56, %add3A_57 : i32
    "tpu.region"() ({
      %run_scoped3A = tpu.sem_alloc : memref<!tpu.dma_semaphore, #tpu.memory_space<semaphore_mem>>
      %dma_start3A = arith.constant 0 : i32
      %dma_start3A_67 = tpu.memref_slice %arg6[%add3A_58, %dma_start3A] : memref<10240x128xf32, #tpu.memory_space<vmem_shared>> -> memref<128x128xf32, #tpu.memory_space<vmem_shared>>
      %dma_start3A_68 = arith.constant 0 : i32
      %dma_start3A_69 = tpu.memref_slice %arg6[%add3A_58, %dma_start3A_68] : memref<10240x128xf32, #tpu.memory_space<vmem_shared>> -> memref<128x128xf32, #tpu.memory_space<vmem_shared>>
      tpu.enqueue_dma source(%dma_start3A_69 : memref<128x128xf32, #tpu.memory_space<vmem_shared>>) target(%arg9 : memref<128x128xf32, #tpu.memory_space<vmem>>) target_semaphore(%run_scoped3A : memref<!tpu.dma_semaphore, #tpu.memory_space<semaphore_mem>>)
      %dma_wait3A = arith.constant 0 : i32
      %dma_wait3A_70 = tpu.memref_slice %arg6[%add3A_58, %dma_wait3A] : memref<10240x128xf32, #tpu.memory_space<vmem_shared>> -> memref<128x128xf32, #tpu.memory_space<vmem_shared>>
      %dma_wait3A_71 = arith.constant 0 : i32
      %dma_wait3A_72 = tpu.memref_slice %arg6[%add3A_58, %dma_wait3A_71] : memref<10240x128xf32, #tpu.memory_space<vmem_shared>> -> memref<128x128xf32, #tpu.memory_space<vmem_shared>>
      tpu.wait_dma2 semaphore(%run_scoped3A : memref<!tpu.dma_semaphore, #tpu.memory_space<semaphore_mem>>) src(%dma_wait3A_72 : memref<128x128xf32, #tpu.memory_space<vmem_shared>>) dst(%arg9 : memref<128x128xf32, #tpu.memory_space<vmem>>)
      tpu.yield
    }) : () -> ()
    "tpu.region"() ({
      %run_scoped3A = tpu.sem_alloc : memref<!tpu.dma_semaphore, #tpu.memory_space<semaphore_mem>>
      %dma_start3A = arith.constant 0 : i32
      %dma_start3A_67 = tpu.memref_slice %arg5[%arg0, %add3A_58, %dma_start3A] : memref<2x10240x128xf32, #tpu.memory_space<hbm>> -> memref<1x128x128xf32, #tpu.memory_space<hbm>>
      %dma_start3A_68 = tpu.memref_squeeze %dma_start3A_67 : memref<1x128x128xf32, #tpu.memory_space<hbm>> -> memref<128x128xf32, #tpu.memory_space<hbm>>
      %dma_start3A_69 = arith.constant 0 : i32
      %dma_start3A_70 = tpu.memref_slice %arg5[%arg0, %add3A_58, %dma_start3A_69] : memref<2x10240x128xf32, #tpu.memory_space<hbm>> -> memref<1x128x128xf32, #tpu.memory_space<hbm>>
      %dma_start3A_71 = tpu.memref_squeeze %dma_start3A_70 : memref<1x128x128xf32, #tpu.memory_space<hbm>> -> memref<128x128xf32, #tpu.memory_space<hbm>>
      tpu.enqueue_dma source(%arg9 : memref<128x128xf32, #tpu.memory_space<vmem>>) target(%dma_start3A_71 : memref<128x128xf32, #tpu.memory_space<hbm>>) target_semaphore(%run_scoped3A : memref<!tpu.dma_semaphore, #tpu.memory_space<semaphore_mem>>)
      %dma_wait3A = arith.constant 0 : i32
      %dma_wait3A_72 = tpu.memref_slice %arg5[%arg0, %add3A_58, %dma_wait3A] : memref<2x10240x128xf32, #tpu.memory_space<hbm>> -> memref<1x128x128xf32, #tpu.memory_space<hbm>>
      %dma_wait3A_73 = tpu.memref_squeeze %dma_wait3A_72 : memref<1x128x128xf32, #tpu.memory_space<hbm>> -> memref<128x128xf32, #tpu.memory_space<hbm>>
      %dma_wait3A_74 = arith.constant 0 : i32
      %dma_wait3A_75 = tpu.memref_slice %arg5[%arg0, %add3A_58, %dma_wait3A_74] : memref<2x10240x128xf32, #tpu.memory_space<hbm>> -> memref<1x128x128xf32, #tpu.memory_space<hbm>>
      %dma_wait3A_76 = tpu.memref_squeeze %dma_wait3A_75 : memref<1x128x128xf32, #tpu.memory_space<hbm>> -> memref<128x128xf32, #tpu.memory_space<hbm>>
      tpu.wait_dma2 semaphore(%run_scoped3A : memref<!tpu.dma_semaphore, #tpu.memory_space<semaphore_mem>>) src(%arg9 : memref<128x128xf32, #tpu.memory_space<vmem>>) dst(%dma_wait3A_76 : memref<128x128xf32, #tpu.memory_space<hbm>>)
      tpu.yield
    }) : () -> ()
    %mul3A_59 = arith.constant 640 : i32
    %mul3A_60 = arith.muli %arg1, %mul3A_59 : i32
    %add3A_61 = arith.constant 384 : i32
    %add3A_62 = arith.addi %mul3A_60, %add3A_61 : i32
    "tpu.region"() ({
      %run_scoped3A = tpu.sem_alloc : memref<!tpu.dma_semaphore, #tpu.memory_space<semaphore_mem>>
      %dma_start3A = arith.constant 0 : i32
      %dma_start3A_67 = tpu.memref_slice %arg6[%add3A_62, %dma_start3A] : memref<10240x128xf32, #tpu.memory_space<vmem_shared>> -> memref<128x128xf32, #tpu.memory_space<vmem_shared>>
      %dma_start3A_68 = arith.constant 0 : i32
      %dma_start3A_69 = tpu.memref_slice %arg6[%add3A_62, %dma_start3A_68] : memref<10240x128xf32, #tpu.memory_space<vmem_shared>> -> memref<128x128xf32, #tpu.memory_space<vmem_shared>>
      tpu.enqueue_dma source(%dma_start3A_69 : memref<128x128xf32, #tpu.memory_space<vmem_shared>>) target(%arg9 : memref<128x128xf32, #tpu.memory_space<vmem>>) target_semaphore(%run_scoped3A : memref<!tpu.dma_semaphore, #tpu.memory_space<semaphore_mem>>)
      %dma_wait3A = arith.constant 0 : i32
      %dma_wait3A_70 = tpu.memref_slice %arg6[%add3A_62, %dma_wait3A] : memref<10240x128xf32, #tpu.memory_space<vmem_shared>> -> memref<128x128xf32, #tpu.memory_space<vmem_shared>>
      %dma_wait3A_71 = arith.constant 0 : i32
      %dma_wait3A_72 = tpu.memref_slice %arg6[%add3A_62, %dma_wait3A_71] : memref<10240x128xf32, #tpu.memory_space<vmem_shared>> -> memref<128x128xf32, #tpu.memory_space<vmem_shared>>
      tpu.wait_dma2 semaphore(%run_scoped3A : memref<!tpu.dma_semaphore, #tpu.memory_space<semaphore_mem>>) src(%dma_wait3A_72 : memref<128x128xf32, #tpu.memory_space<vmem_shared>>) dst(%arg9 : memref<128x128xf32, #tpu.memory_space<vmem>>)
      tpu.yield
    }) : () -> ()
    "tpu.region"() ({
      %run_scoped3A = tpu.sem_alloc : memref<!tpu.dma_semaphore, #tpu.memory_space<semaphore_mem>>
      %dma_start3A = arith.constant 0 : i32
      %dma_start3A_67 = tpu.memref_slice %arg5[%arg0, %add3A_62, %dma_start3A] : memref<2x10240x128xf32, #tpu.memory_space<hbm>> -> memref<1x128x128xf32, #tpu.memory_space<hbm>>
      %dma_start3A_68 = tpu.memref_squeeze %dma_start3A_67 : memref<1x128x128xf32, #tpu.memory_space<hbm>> -> memref<128x128xf32, #tpu.memory_space<hbm>>
      %dma_start3A_69 = arith.constant 0 : i32
      %dma_start3A_70 = tpu.memref_slice %arg5[%arg0, %add3A_62, %dma_start3A_69] : memref<2x10240x128xf32, #tpu.memory_space<hbm>> -> memref<1x128x128xf32, #tpu.memory_space<hbm>>
      %dma_start3A_71 = tpu.memref_squeeze %dma_start3A_70 : memref<1x128x128xf32, #tpu.memory_space<hbm>> -> memref<128x128xf32, #tpu.memory_space<hbm>>
      tpu.enqueue_dma source(%arg9 : memref<128x128xf32, #tpu.memory_space<vmem>>) target(%dma_start3A_71 : memref<128x128xf32, #tpu.memory_space<hbm>>) target_semaphore(%run_scoped3A : memref<!tpu.dma_semaphore, #tpu.memory_space<semaphore_mem>>)
      %dma_wait3A = arith.constant 0 : i32
      %dma_wait3A_72 = tpu.memref_slice %arg5[%arg0, %add3A_62, %dma_wait3A] : memref<2x10240x128xf32, #tpu.memory_space<hbm>> -> memref<1x128x128xf32, #tpu.memory_space<hbm>>
      %dma_wait3A_73 = tpu.memref_squeeze %dma_wait3A_72 : memref<1x128x128xf32, #tpu.memory_space<hbm>> -> memref<128x128xf32, #tpu.memory_space<hbm>>
      %dma_wait3A_74 = arith.constant 0 : i32
      %dma_wait3A_75 = tpu.memref_slice %arg5[%arg0, %add3A_62, %dma_wait3A_74] : memref<2x10240x128xf32, #tpu.memory_space<hbm>> -> memref<1x128x128xf32, #tpu.memory_space<hbm>>
      %dma_wait3A_76 = tpu.memref_squeeze %dma_wait3A_75 : memref<1x128x128xf32, #tpu.memory_space<hbm>> -> memref<128x128xf32, #tpu.memory_space<hbm>>
      tpu.wait_dma2 semaphore(%run_scoped3A : memref<!tpu.dma_semaphore, #tpu.memory_space<semaphore_mem>>) src(%arg9 : memref<128x128xf32, #tpu.memory_space<vmem>>) dst(%dma_wait3A_76 : memref<128x128xf32, #tpu.memory_space<hbm>>)
      tpu.yield
    }) : () -> ()
    %mul3A_63 = arith.constant 640 : i32
    %mul3A_64 = arith.muli %arg1, %mul3A_63 : i32
    %add3A_65 = arith.constant 512 : i32
    %add3A_66 = arith.addi %mul3A_64, %add3A_65 : i32
    "tpu.region"() ({
      %run_scoped3A = tpu.sem_alloc : memref<!tpu.dma_semaphore, #tpu.memory_space<semaphore_mem>>
      %dma_start3A = arith.constant 0 : i32
      %dma_start3A_67 = tpu.memref_slice %arg6[%add3A_66, %dma_start3A] : memref<10240x128xf32, #tpu.memory_space<vmem_shared>> -> memref<128x128xf32, #tpu.memory_space<vmem_shared>>
      %dma_start3A_68 = arith.constant 0 : i32
      %dma_start3A_69 = tpu.memref_slice %arg6[%add3A_66, %dma_start3A_68] : memref<10240x128xf32, #tpu.memory_space<vmem_shared>> -> memref<128x128xf32, #tpu.memory_space<vmem_shared>>
      tpu.enqueue_dma source(%dma_start3A_69 : memref<128x128xf32, #tpu.memory_space<vmem_shared>>) target(%arg9 : memref<128x128xf32, #tpu.memory_space<vmem>>) target_semaphore(%run_scoped3A : memref<!tpu.dma_semaphore, #tpu.memory_space<semaphore_mem>>)
      %dma_wait3A = arith.constant 0 : i32
      %dma_wait3A_70 = tpu.memref_slice %arg6[%add3A_66, %dma_wait3A] : memref<10240x128xf32, #tpu.memory_space<vmem_shared>> -> memref<128x128xf32, #tpu.memory_space<vmem_shared>>
      %dma_wait3A_71 = arith.constant 0 : i32
      %dma_wait3A_72 = tpu.memref_slice %arg6[%add3A_66, %dma_wait3A_71] : memref<10240x128xf32, #tpu.memory_space<vmem_shared>> -> memref<128x128xf32, #tpu.memory_space<vmem_shared>>
      tpu.wait_dma2 semaphore(%run_scoped3A : memref<!tpu.dma_semaphore, #tpu.memory_space<semaphore_mem>>) src(%dma_wait3A_72 : memref<128x128xf32, #tpu.memory_space<vmem_shared>>) dst(%arg9 : memref<128x128xf32, #tpu.memory_space<vmem>>)
      tpu.yield
    }) : () -> ()
    "tpu.region"() ({
      %run_scoped3A = tpu.sem_alloc : memref<!tpu.dma_semaphore, #tpu.memory_space<semaphore_mem>>
      %dma_start3A = arith.constant 0 : i32
      %dma_start3A_67 = tpu.memref_slice %arg5[%arg0, %add3A_66, %dma_start3A] : memref<2x10240x128xf32, #tpu.memory_space<hbm>> -> memref<1x128x128xf32, #tpu.memory_space<hbm>>
      %dma_start3A_68 = tpu.memref_squeeze %dma_start3A_67 : memref<1x128x128xf32, #tpu.memory_space<hbm>> -> memref<128x128xf32, #tpu.memory_space<hbm>>
      %dma_start3A_69 = arith.constant 0 : i32
      %dma_start3A_70 = tpu.memref_slice %arg5[%arg0, %add3A_66, %dma_start3A_69] : memref<2x10240x128xf32, #tpu.memory_space<hbm>> -> memref<1x128x128xf32, #tpu.memory_space<hbm>>
      %dma_start3A_71 = tpu.memref_squeeze %dma_start3A_70 : memref<1x128x128xf32, #tpu.memory_space<hbm>> -> memref<128x128xf32, #tpu.memory_space<hbm>>
      tpu.enqueue_dma source(%arg9 : memref<128x128xf32, #tpu.memory_space<vmem>>) target(%dma_start3A_71 : memref<128x128xf32, #tpu.memory_space<hbm>>) target_semaphore(%run_scoped3A : memref<!tpu.dma_semaphore, #tpu.memory_space<semaphore_mem>>)
      %dma_wait3A = arith.constant 0 : i32
      %dma_wait3A_72 = tpu.memref_slice %arg5[%arg0, %add3A_66, %dma_wait3A] : memref<2x10240x128xf32, #tpu.memory_space<hbm>> -> memref<1x128x128xf32, #tpu.memory_space<hbm>>
      %dma_wait3A_73 = tpu.memref_squeeze %dma_wait3A_72 : memref<1x128x128xf32, #tpu.memory_space<hbm>> -> memref<128x128xf32, #tpu.memory_space<hbm>>
      %dma_wait3A_74 = arith.constant 0 : i32
      %dma_wait3A_75 = tpu.memref_slice %arg5[%arg0, %add3A_66, %dma_wait3A_74] : memref<2x10240x128xf32, #tpu.memory_space<hbm>> -> memref<1x128x128xf32, #tpu.memory_space<hbm>>
      %dma_wait3A_76 = tpu.memref_squeeze %dma_wait3A_75 : memref<1x128x128xf32, #tpu.memory_space<hbm>> -> memref<128x128xf32, #tpu.memory_space<hbm>>
      tpu.wait_dma2 semaphore(%run_scoped3A : memref<!tpu.dma_semaphore, #tpu.memory_space<semaphore_mem>>) src(%arg9 : memref<128x128xf32, #tpu.memory_space<vmem>>) dst(%dma_wait3A_76 : memref<128x128xf32, #tpu.memory_space<hbm>>)
      tpu.yield
    }) : () -> ()
    return
  }
}

module attributes {stable_mosaic.version = 14 : i64} {
  func.func @_sage_dense_kernel(%arg0: i32, %arg1: memref<2x640x128xf32, #tpu.memory_space<vmem>>, %arg2: memref<2x640x128xf32, #tpu.memory_space<vmem>>, %arg3: memref<640x128xf32, #tpu.memory_space<vmem>>, %arg4: memref<128x128xf32, #tpu.memory_space<vmem>>, %arg5: memref<1x128xf32, #tpu.memory_space<vmem>>, %arg6: memref<128x128xf32, #tpu.memory_space<vmem>>, %arg7: memref<640x128xf32, #tpu.memory_space<vmem>>) attributes {dimension_semantics = [#tpu.dimension_semantics<arbitrary>], iteration_bounds = array<i64: 16>, scalar_prefetch = 0 : i64, scratch_operands = 0 : i64, tpu.core_type = #tpu.core_type<tc>, window_params = [{transform_indices = @transform_0, window_bounds = array<i64: 2, 640, 128>}, {transform_indices = @transform_1, window_bounds = array<i64: 2, 640, 128>}, {transform_indices = @transform_2, window_bounds = array<i64: 640, 128>}, {pipeline_mode = #tpu.pipeline_mode<synchronous>, transform_indices = @transform_3, window_bounds = array<i64: 128, 128>}, {pipeline_mode = #tpu.pipeline_mode<synchronous>, transform_indices = @transform_4, window_bounds = array<i64: 1, 128>}, {pipeline_mode = #tpu.pipeline_mode<synchronous>, transform_indices = @transform_5, window_bounds = array<i64: 128, 128>}, {transform_indices = @transform_6, window_bounds = array<i64: 640, 128>}]} {
    %get3A = arith.constant 0 : index
    %get3A_0 = arith.constant 0 : index
    %get3A_1 = arith.constant 0 : index
    %get3A_2 = vector.load %arg1[%get3A, %get3A_0, %get3A_1] : memref<2x640x128xf32, #tpu.memory_space<vmem>>, vector<1x640x128xf32>
    %get3A_3 = vector.shape_cast %get3A_2 : vector<1x640x128xf32> to vector<640x128xf32>
    %get3A_4 = arith.constant 1 : index
    %get3A_5 = arith.constant 0 : index
    %get3A_6 = arith.constant 0 : index
    %get3A_7 = vector.load %arg1[%get3A_4, %get3A_5, %get3A_6] : memref<2x640x128xf32, #tpu.memory_space<vmem>>, vector<1x640x128xf32>
    %get3A_8 = vector.shape_cast %get3A_7 : vector<1x640x128xf32> to vector<640x128xf32>
    %add3A = arith.addf %get3A_3, %get3A_8 : vector<640x128xf32>
    %get3A_9 = arith.constant 0 : index
    %get3A_10 = arith.constant 0 : index
    %get3A_11 = arith.constant 0 : index
    %get3A_12 = vector.load %arg2[%get3A_9, %get3A_10, %get3A_11] : memref<2x640x128xf32, #tpu.memory_space<vmem>>, vector<1x640x1xf32>
    %get3A_13 = vector.shape_cast %get3A_12 : vector<1x640x1xf32> to vector<640x1xf32>
    %get3A_14 = arith.constant 1 : index
    %get3A_15 = arith.constant 0 : index
    %get3A_16 = arith.constant 0 : index
    %get3A_17 = vector.load %arg2[%get3A_14, %get3A_15, %get3A_16] : memref<2x640x128xf32, #tpu.memory_space<vmem>>, vector<1x640x1xf32>
    %get3A_18 = vector.shape_cast %get3A_17 : vector<1x640x1xf32> to vector<640x1xf32>
    %add3A_19 = arith.addf %get3A_13, %get3A_18 : vector<640x1xf32>
    %max3A = arith.constant 1.000000e+00 : f32
    %max3A_20 = vector.broadcast %max3A : f32 to vector<640x1xf32>
    %max3A_21 = arith.maximumf %add3A_19, %max3A_20 : vector<640x1xf32>
    %div3A = vector.broadcast %max3A_21 : vector<640x1xf32> to vector<640x128xf32>
    %div3A_22 = arith.divf %add3A, %div3A : vector<640x128xf32>
    %get3A_23 = arith.constant 0 : index
    %get3A_24 = arith.constant 0 : index
    %get3A_25 = vector.load %arg4[%get3A_23, %get3A_24] : memref<128x128xf32, #tpu.memory_space<vmem>>, vector<128x128xf32>
    %dot_general3A = arith.constant dense<0.000000e+00> : vector<640x128xf32>
    %dot_general3A_26 = tpu.matmul %div3A_22, %get3A_25, %dot_general3A {dimension_numbers = #tpu.dot_dimension_numbers<[1], [0], [0], [1], [0, 0, 1, 1], [], []>, transpose_lhs_hint = false} : vector<640x128xf32>, vector<128x128xf32>, vector<640x128xf32> -> vector<640x128xf32>
    %get3A_27 = arith.constant 0 : index
    %get3A_28 = arith.constant 0 : index
    %get3A_29 = vector.load %arg3[%get3A_27, %get3A_28] : memref<640x128xf32, #tpu.memory_space<vmem>>, vector<640x128xf32>
    %get3A_30 = arith.constant 0 : index
    %get3A_31 = arith.constant 0 : index
    %get3A_32 = vector.load %arg6[%get3A_30, %get3A_31] : memref<128x128xf32, #tpu.memory_space<vmem>>, vector<128x128xf32>
    %dot_general3A_33 = arith.constant dense<0.000000e+00> : vector<640x128xf32>
    %dot_general3A_34 = tpu.matmul %get3A_29, %get3A_32, %dot_general3A_33 {dimension_numbers = #tpu.dot_dimension_numbers<[1], [0], [0], [1], [0, 0, 1, 1], [], []>, transpose_lhs_hint = false} : vector<640x128xf32>, vector<128x128xf32>, vector<640x128xf32> -> vector<640x128xf32>
    %add3A_35 = arith.addf %dot_general3A_26, %dot_general3A_34 : vector<640x128xf32>
    %get3A_36 = arith.constant 0 : index
    %get3A_37 = arith.constant 0 : index
    %get3A_38 = vector.load %arg5[%get3A_36, %get3A_37] : memref<1x128xf32, #tpu.memory_space<vmem>>, vector<1x128xf32>
    %add3A_39 = vector.broadcast %get3A_38 : vector<1x128xf32> to vector<640x128xf32>
    %add3A_40 = arith.addf %add3A_35, %add3A_39 : vector<640x128xf32>
    %max3A_41 = arith.constant 0.000000e+00 : f32
    %max3A_42 = vector.broadcast %max3A_41 : f32 to vector<640x128xf32>
    %max3A_43 = arith.maximumf %add3A_40, %max3A_42 : vector<640x128xf32>
    %swap3A = arith.constant 0 : index
    %swap3A_44 = arith.constant 0 : index
    %swap3A_45 = vector.load %arg7[%swap3A, %swap3A_44] : memref<640x128xf32, #tpu.memory_space<vmem>>, vector<640x128xf32>
    tpu.vector_store %arg7[%swap3A, %swap3A_44], %max3A_43 {strides = array<i32>} : memref<640x128xf32, #tpu.memory_space<vmem>>, vector<640x128xf32>,
    return
  }
  func.func @transform_0(%arg0: i32) -> (i32, i32, i32) {
    %c0_i32 = arith.constant 0 : i32
    %c0_i32_0 = arith.constant 0 : i32
    %c0_i32_1 = arith.constant 0 : i32
    return %c0_i32, %arg0, %c0_i32_0 : i32, i32, i32
  }
  func.func @transform_1(%arg0: i32) -> (i32, i32, i32) {
    %c0_i32 = arith.constant 0 : i32
    %c0_i32_0 = arith.constant 0 : i32
    %c0_i32_1 = arith.constant 0 : i32
    return %c0_i32, %arg0, %c0_i32_0 : i32, i32, i32
  }
  func.func @transform_2(%arg0: i32) -> (i32, i32) {
    %c0_i32 = arith.constant 0 : i32
    %c0_i32_0 = arith.constant 0 : i32
    return %arg0, %c0_i32 : i32, i32
  }
  func.func @transform_3(%arg0: i32) -> (i32, i32) {
    %c0_i32 = arith.constant 0 : i32
    %c0_i32_0 = arith.constant 0 : i32
    %c0_i32_1 = arith.constant 0 : i32
    return %c0_i32, %c0_i32_0 : i32, i32
  }
  func.func @transform_4(%arg0: i32) -> (i32, i32) {
    %c0_i32 = arith.constant 0 : i32
    %c0_i32_0 = arith.constant 0 : i32
    %c0_i32_1 = arith.constant 0 : i32
    return %c0_i32, %c0_i32_0 : i32, i32
  }
  func.func @transform_5(%arg0: i32) -> (i32, i32) {
    %c0_i32 = arith.constant 0 : i32
    %c0_i32_0 = arith.constant 0 : i32
    %c0_i32_1 = arith.constant 0 : i32
    return %c0_i32, %c0_i32_0 : i32, i32
  }
  func.func @transform_6(%arg0: i32) -> (i32, i32) {
    %c0_i32 = arith.constant 0 : i32
    %c0_i32_0 = arith.constant 0 : i32
    return %arg0, %c0_i32 : i32, i32
  }
}

module attributes {stable_mosaic.version = 14 : i64} {
  func.func @_sage2_pair_kernel(%arg0: i32, %arg1: memref<2x640x128xf32, #tpu.memory_space<vmem>>, %arg2: memref<2x640x128xf32, #tpu.memory_space<vmem>>, %arg3: memref<640x128xf32, #tpu.memory_space<vmem>>, %arg4: memref<128x128xf32, #tpu.memory_space<vmem>>, %arg5: memref<1x128xf32, #tpu.memory_space<vmem>>, %arg6: memref<128x128xf32, #tpu.memory_space<vmem>>, %arg7: memref<128x256xf32, #tpu.memory_space<vmem>>, %arg8: memref<128x256xf32, #tpu.memory_space<vmem>>, %arg9: memref<1x256xf32, #tpu.memory_space<vmem>>, %arg10: memref<640x256xf32, #tpu.memory_space<vmem>>, %arg11: memref<640x256xf32, #tpu.memory_space<vmem>>) attributes {dimension_semantics = [#tpu.dimension_semantics<arbitrary>], iteration_bounds = array<i64: 16>, scalar_prefetch = 0 : i64, scratch_operands = 0 : i64, tpu.core_type = #tpu.core_type<tc>, window_params = [{transform_indices = @transform_0, window_bounds = array<i64: 2, 640, 128>}, {transform_indices = @transform_1, window_bounds = array<i64: 2, 640, 128>}, {transform_indices = @transform_2, window_bounds = array<i64: 640, 128>}, {pipeline_mode = #tpu.pipeline_mode<synchronous>, transform_indices = @transform_3, window_bounds = array<i64: 128, 128>}, {pipeline_mode = #tpu.pipeline_mode<synchronous>, transform_indices = @transform_4, window_bounds = array<i64: 1, 128>}, {pipeline_mode = #tpu.pipeline_mode<synchronous>, transform_indices = @transform_5, window_bounds = array<i64: 128, 128>}, {pipeline_mode = #tpu.pipeline_mode<synchronous>, transform_indices = @transform_6, window_bounds = array<i64: 128, 256>}, {pipeline_mode = #tpu.pipeline_mode<synchronous>, transform_indices = @transform_7, window_bounds = array<i64: 128, 256>}, {pipeline_mode = #tpu.pipeline_mode<synchronous>, transform_indices = @transform_8, window_bounds = array<i64: 1, 256>}, {transform_indices = @transform_9, window_bounds = array<i64: 640, 256>}, {transform_indices = @transform_10, window_bounds = array<i64: 640, 256>}]} {
    %get3A = arith.constant 0 : index
    %get3A_0 = arith.constant 0 : index
    %get3A_1 = arith.constant 0 : index
    %get3A_2 = vector.load %arg1[%get3A, %get3A_0, %get3A_1] : memref<2x640x128xf32, #tpu.memory_space<vmem>>, vector<1x640x128xf32>
    %get3A_3 = vector.shape_cast %get3A_2 : vector<1x640x128xf32> to vector<640x128xf32>
    %get3A_4 = arith.constant 1 : index
    %get3A_5 = arith.constant 0 : index
    %get3A_6 = arith.constant 0 : index
    %get3A_7 = vector.load %arg1[%get3A_4, %get3A_5, %get3A_6] : memref<2x640x128xf32, #tpu.memory_space<vmem>>, vector<1x640x128xf32>
    %get3A_8 = vector.shape_cast %get3A_7 : vector<1x640x128xf32> to vector<640x128xf32>
    %add3A = arith.addf %get3A_3, %get3A_8 : vector<640x128xf32>
    %get3A_9 = arith.constant 0 : index
    %get3A_10 = arith.constant 0 : index
    %get3A_11 = arith.constant 0 : index
    %get3A_12 = vector.load %arg2[%get3A_9, %get3A_10, %get3A_11] : memref<2x640x128xf32, #tpu.memory_space<vmem>>, vector<1x640x1xf32>
    %get3A_13 = vector.shape_cast %get3A_12 : vector<1x640x1xf32> to vector<640x1xf32>
    %get3A_14 = arith.constant 1 : index
    %get3A_15 = arith.constant 0 : index
    %get3A_16 = arith.constant 0 : index
    %get3A_17 = vector.load %arg2[%get3A_14, %get3A_15, %get3A_16] : memref<2x640x128xf32, #tpu.memory_space<vmem>>, vector<1x640x1xf32>
    %get3A_18 = vector.shape_cast %get3A_17 : vector<1x640x1xf32> to vector<640x1xf32>
    %add3A_19 = arith.addf %get3A_13, %get3A_18 : vector<640x1xf32>
    %max3A = arith.constant 1.000000e+00 : f32
    %max3A_20 = vector.broadcast %max3A : f32 to vector<640x1xf32>
    %max3A_21 = arith.maximumf %add3A_19, %max3A_20 : vector<640x1xf32>
    %div3A = vector.broadcast %max3A_21 : vector<640x1xf32> to vector<640x128xf32>
    %div3A_22 = arith.divf %add3A, %div3A : vector<640x128xf32>
    %get3A_23 = arith.constant 0 : index
    %get3A_24 = arith.constant 0 : index
    %get3A_25 = vector.load %arg4[%get3A_23, %get3A_24] : memref<128x128xf32, #tpu.memory_space<vmem>>, vector<128x128xf32>
    %dot_general3A = arith.constant dense<0.000000e+00> : vector<640x128xf32>
    %dot_general3A_26 = tpu.matmul %div3A_22, %get3A_25, %dot_general3A {dimension_numbers = #tpu.dot_dimension_numbers<[1], [0], [0], [1], [0, 0, 1, 1], [], []>, transpose_lhs_hint = false} : vector<640x128xf32>, vector<128x128xf32>, vector<640x128xf32> -> vector<640x128xf32>
    %get3A_27 = arith.constant 0 : index
    %get3A_28 = arith.constant 0 : index
    %get3A_29 = vector.load %arg3[%get3A_27, %get3A_28] : memref<640x128xf32, #tpu.memory_space<vmem>>, vector<640x128xf32>
    %get3A_30 = arith.constant 0 : index
    %get3A_31 = arith.constant 0 : index
    %get3A_32 = vector.load %arg6[%get3A_30, %get3A_31] : memref<128x128xf32, #tpu.memory_space<vmem>>, vector<128x128xf32>
    %dot_general3A_33 = arith.constant dense<0.000000e+00> : vector<640x128xf32>
    %dot_general3A_34 = tpu.matmul %get3A_29, %get3A_32, %dot_general3A_33 {dimension_numbers = #tpu.dot_dimension_numbers<[1], [0], [0], [1], [0, 0, 1, 1], [], []>, transpose_lhs_hint = false} : vector<640x128xf32>, vector<128x128xf32>, vector<640x128xf32> -> vector<640x128xf32>
    %add3A_35 = arith.addf %dot_general3A_26, %dot_general3A_34 : vector<640x128xf32>
    %get3A_36 = arith.constant 0 : index
    %get3A_37 = arith.constant 0 : index
    %get3A_38 = vector.load %arg5[%get3A_36, %get3A_37] : memref<1x128xf32, #tpu.memory_space<vmem>>, vector<1x128xf32>
    %add3A_39 = vector.broadcast %get3A_38 : vector<1x128xf32> to vector<640x128xf32>
    %add3A_40 = arith.addf %add3A_35, %add3A_39 : vector<640x128xf32>
    %get3A_41 = arith.constant 0 : index
    %get3A_42 = arith.constant 0 : index
    %get3A_43 = vector.load %arg7[%get3A_41, %get3A_42] : memref<128x256xf32, #tpu.memory_space<vmem>>, vector<128x256xf32>
    %dot_general3A_44 = arith.constant dense<0.000000e+00> : vector<640x256xf32>
    %dot_general3A_45 = tpu.matmul %add3A_40, %get3A_43, %dot_general3A_44 {dimension_numbers = #tpu.dot_dimension_numbers<[1], [0], [0], [1], [0, 0, 1, 1], [], []>, transpose_lhs_hint = false} : vector<640x128xf32>, vector<128x256xf32>, vector<640x256xf32> -> vector<640x256xf32>
    %get3A_46 = arith.constant 0 : index
    %get3A_47 = arith.constant 0 : index
    %get3A_48 = vector.load %arg9[%get3A_46, %get3A_47] : memref<1x256xf32, #tpu.memory_space<vmem>>, vector<1x256xf32>
    %add3A_49 = vector.broadcast %get3A_48 : vector<1x256xf32> to vector<640x256xf32>
    %add3A_50 = arith.addf %dot_general3A_45, %add3A_49 : vector<640x256xf32>
    %swap3A = arith.constant 0 : index
    %swap3A_51 = arith.constant 0 : index
    %swap3A_52 = vector.load %arg10[%swap3A, %swap3A_51] : memref<640x256xf32, #tpu.memory_space<vmem>>, vector<640x256xf32>
    tpu.vector_store %arg10[%swap3A, %swap3A_51], %add3A_50 {strides = array<i32>} : memref<640x256xf32, #tpu.memory_space<vmem>>, vector<640x256xf32>,
    %get3A_53 = arith.constant 0 : index
    %get3A_54 = arith.constant 0 : index
    %get3A_55 = vector.load %arg8[%get3A_53, %get3A_54] : memref<128x256xf32, #tpu.memory_space<vmem>>, vector<128x256xf32>
    %dot_general3A_56 = arith.constant dense<0.000000e+00> : vector<640x256xf32>
    %dot_general3A_57 = tpu.matmul %add3A_40, %get3A_55, %dot_general3A_56 {dimension_numbers = #tpu.dot_dimension_numbers<[1], [0], [0], [1], [0, 0, 1, 1], [], []>, transpose_lhs_hint = false} : vector<640x128xf32>, vector<128x256xf32>, vector<640x256xf32> -> vector<640x256xf32>
    %swap3A_58 = arith.constant 0 : index
    %swap3A_59 = arith.constant 0 : index
    %swap3A_60 = vector.load %arg11[%swap3A_58, %swap3A_59] : memref<640x256xf32, #tpu.memory_space<vmem>>, vector<640x256xf32>
    tpu.vector_store %arg11[%swap3A_58, %swap3A_59], %dot_general3A_57 {strides = array<i32>} : memref<640x256xf32, #tpu.memory_space<vmem>>, vector<640x256xf32>,
    return
  }
  func.func @transform_0(%arg0: i32) -> (i32, i32, i32) {
    %c0_i32 = arith.constant 0 : i32
    %c0_i32_0 = arith.constant 0 : i32
    %c0_i32_1 = arith.constant 0 : i32
    return %c0_i32, %arg0, %c0_i32_0 : i32, i32, i32
  }
  func.func @transform_1(%arg0: i32) -> (i32, i32, i32) {
    %c0_i32 = arith.constant 0 : i32
    %c0_i32_0 = arith.constant 0 : i32
    %c0_i32_1 = arith.constant 0 : i32
    return %c0_i32, %arg0, %c0_i32_0 : i32, i32, i32
  }
  func.func @transform_2(%arg0: i32) -> (i32, i32) {
    %c0_i32 = arith.constant 0 : i32
    %c0_i32_0 = arith.constant 0 : i32
    return %arg0, %c0_i32 : i32, i32
  }
  func.func @transform_3(%arg0: i32) -> (i32, i32) {
    %c0_i32 = arith.constant 0 : i32
    %c0_i32_0 = arith.constant 0 : i32
    %c0_i32_1 = arith.constant 0 : i32
    return %c0_i32, %c0_i32_0 : i32, i32
  }
  func.func @transform_4(%arg0: i32) -> (i32, i32) {
    %c0_i32 = arith.constant 0 : i32
    %c0_i32_0 = arith.constant 0 : i32
    %c0_i32_1 = arith.constant 0 : i32
    return %c0_i32, %c0_i32_0 : i32, i32
  }
  func.func @transform_5(%arg0: i32) -> (i32, i32) {
    %c0_i32 = arith.constant 0 : i32
    %c0_i32_0 = arith.constant 0 : i32
    %c0_i32_1 = arith.constant 0 : i32
    return %c0_i32, %c0_i32_0 : i32, i32
  }
  func.func @transform_6(%arg0: i32) -> (i32, i32) {
    %c0_i32 = arith.constant 0 : i32
    %c0_i32_0 = arith.constant 0 : i32
    %c0_i32_1 = arith.constant 0 : i32
    return %c0_i32, %c0_i32_0 : i32, i32
  }
  func.func @transform_7(%arg0: i32) -> (i32, i32) {
    %c0_i32 = arith.constant 0 : i32
    %c0_i32_0 = arith.constant 0 : i32
    %c0_i32_1 = arith.constant 0 : i32
    return %c0_i32, %c0_i32_0 : i32, i32
  }
  func.func @transform_8(%arg0: i32) -> (i32, i32) {
    %c0_i32 = arith.constant 0 : i32
    %c0_i32_0 = arith.constant 0 : i32
    %c0_i32_1 = arith.constant 0 : i32
    return %c0_i32, %c0_i32_0 : i32, i32
  }
  func.func @transform_9(%arg0: i32) -> (i32, i32) {
    %c0_i32 = arith.constant 0 : i32
    %c0_i32_0 = arith.constant 0 : i32
    return %arg0, %c0_i32 : i32, i32
  }
  func.func @transform_10(%arg0: i32) -> (i32, i32) {
    %c0_i32 = arith.constant 0 : i32
    %c0_i32_0 = arith.constant 0 : i32
    return %arg0, %c0_i32 : i32, i32
  }
}

</mosaic_0001>

<sc_bundles>
// kernel: kernel.11.cloned.1.call-start
scs
__scs_entry_jumppad:
0x0: {  	(pc) =	sbr.rel $0x88, $3  }
0x1: {  	(tag) =	ssettag $0x0;
	lr =	simm.s32 $0x1  }
0x2: {  	[smem:$0x3F94] =	sst lr;
	_ =	strace $0xD0000000  }
0x3: {  	_ = 	snop  }
0x4: {  	_ = 	snop  }
0x5: {  	_ = 	snop  }
0x6: {  	_ = 	snop  }
0x7: {  	_ = 	snop  }
__scs_overlays_trampoline_lowered:
0x8: {  	[smem:$0x3FA3] =	sst s0  }
0x9: {  	[smem:$0x3FA4] =	sst s1  }
0xa: {  	[smem:$0x3FA5] =	sst s2  }
0xb: {  	[smem:$0x3FA6] =	sst s3  }
0xc: {  	[smem:$0x3FA7] =	sst s4  }
0xd: {  	[smem:$0x3FA8] =	sst s5  }
0xe: {  	[smem:$0x3FA9] =	sst s6  }
0xf: {  	[smem:$0x3FAA] =	sst s7  }
0x10: {  	[smem:$0x3FAB] =	sst s8  }
0x11: {  	[smem:$0x3FAC] =	sst s9;
	s0 =	simm.s32 @!p0 $0x0  }
0x12: {  	s1 =	sld [smem:$0x3F92];
	s0 =	simm.s32 @p0 $0x1  }
0x13: {  	[smem:$0x3FAD] =	sst s0;
	s0 =	simm.s32 @!p1 $0x0  }
0x14: {  	s2 =	sld [smem:$0x3F91];
	s0 =	simm.s32 @p1 $0x1  }
0x15: {  	[smem:$0x3FAE] =	sst s0;
	s0 =	simm.s32 @!p2 $0x0  }
0x16: {  	s3 =	sld [smem:$0x3FDB];
	s0 =	simm.s32 @p2 $0x1  }
0x17: {  	s4 =	simm.s32 $0x1BF5;
	[smem:$0x3FB0] =	sst s0  }
0x18: {  	s0 =	sld [smem:$0x3F93];
	_ =	swait.ge [sflag:s4], $0x0  }
0x19: {  	s7 =	sld [smem:$0x3F94]  }
0x1a: {  	s8 =	sadd.s32 $0xFFFFE003, lr  }
0x1b: {  	s9 =	sadd.s32 $0xFFFFFEF7, lr;
	s5 =	simm.s32 $0xFFFFFFFF;
	p2 =	slt.u32 s8, $0xFFFFF086  }
0x1c: {  	p1 =	slt.u32 s9, $0xF7A;
	s5 =	simm.s32 @!p2 $0x0  }
0x1d: {  	s5 =	simm.s32 @p1 $0x1;
	p0 =	seq.s32 s7, s2  }
0x1e: {  	s7 =	smul.u32 @!p0 $0xF7A, s2;
	p2 =	seq.s32 @!p0 s5, $0x0  }
0x1f: {  	s9 =	smul.u32 $0xF7A, s1;
	s8 =	simm.s32 @!p0 $0x1BF5;
	p2 =	por !p2, p0  }
0x20: {  	[sflag:s8] =	ssyncset.s32 @!p0 $0xFFFFF086;
	s6 =	sadd.s32 @!p0 s3, s7;
	s7 =	simm.s32 @!p0 $0x108  }
0x21: {  	s3 =	sadd.s32 s3, s9;
	s6 =	sadd.s32 @!p0 $0x88, s6;
	s7 =	simm.s32 @p2 $0x1082  }
0x22: {  	[simem:s7], [sflag:s8] =	dma.local @!p0 [hbm:s6], $0xF7A  }
0x23: {  	s9 =	sor.u32 $0xD0000000, s2;
	s6 =	simm.s32 $0x108;
	_ =	swait.ge @!p0 [sflag:s8], $0x0  }
0x24: {  	s3 =	sadd.s32 $0x88, s3;
	s6 =	simm.s32 @!p1 $0x1082;
	[sflag:s4] =	ssyncset.s32 $0xFFFFF086  }
0x25: {  	[simem:s6], [sflag:s4] =	dma.local [hbm:s3], $0xF7A  }
0x26: {  	[smem:$0x3F94] =	sst s1;
	(tag) =	ssettag s2;
	_ =	strace s9  }
0x27: {  	s1 =	sld [smem:$0x3FA4]  }
0x28: {  	s2 =	sld [smem:$0x3FA5]  }
0x29: {  	s4 =	sld [smem:$0x3FA7]  }
0x2a: {  	p0 =	seq.s32 s5, $0x0;
	s5 =	sld [smem:$0x3FA8]  }
0x2b: {  	s6 =	sld [smem:$0x3FA9]  }
0x2c: {  	s7 =	sld [smem:$0x3FAA]  }
0x2d: {  	s3 =	simm.s32 $0x108;
	s8 =	sld [smem:$0x3FAB]  }
0x2e: {  	s3 =	simm.s32 @!p0 $0x1082;
	s9 =	sld [smem:$0x3FAC]  }
0x2f: {  	lr =	sadd.s32 s0, s3;
	s0 =	sld [smem:$0x3FA3]  }
0x30: {  	s3 =	sld [smem:$0x3FA6]  }
0x31: {  	[smem:$0x3FAF] =	sst s10  }
0x32: {  	s10 =	sld [smem:$0x3FAD];
	_ =	sdelay $0x3  }
0x33: {  	p0 =	seq.s32 s10, $0x1;
	s10 =	sld [smem:$0x3FAF];
	_ =	sdelay $0x3  }
0x34: {  	[smem:$0x3FAF] =	sst s10  }
0x35: {  	s10 =	sld [smem:$0x3FAE];
	_ =	sdelay $0x3  }
0x36: {  	p1 =	seq.s32 s10, $0x1;
	s10 =	sld [smem:$0x3FAF];
	_ =	sdelay $0x3  }
0x37: {  	[smem:$0x3FAF] =	sst s10  }
0x38: {  	s10 =	sld [smem:$0x3FB0]  }
0x39: {  	_ = 	snop;
	(pc) =	sbr.ind lr, $3  }
0x3a: {  	_ = 	snop  }
0x3b: {  	_ = 	snop  }
0x3c: {  	p2 =	seq.s32 s10, $0x1;
	s10 =	sld [smem:$0x3FAF]  }
0x3d: {  	_ =	shalt  }
0x3e: {  	_ =	shalt  }
0x3f: {  	_ =	shalt  }
0x40: {  	_ =	shalt  }
0x41: {  	_ =	shalt  }
0x42: {  	_ =	shalt  }
0x43: {  	_ =	shalt  }
0x44: {  	_ =	shalt  }
0x45: {  	_ =	shalt  }
0x46: {  	_ =	shalt  }
0x47: {  	_ =	shalt  }
0x48: {  	_ =	shalt  }
0x49: {  	_ =	shalt  }
0x4a: {  	_ =	shalt  }
0x4b: {  	_ =	shalt  }
0x4c: {  	_ =	shalt  }
0x4d: {  	_ =	shalt  }
0x4e: {  	_ =	shalt  }
0x4f: {  	_ =	shalt  }
0x50: {  	_ =	shalt  }
0x51: {  	_ =	shalt  }
0x52: {  	_ =	shalt  }
0x53: {  	_ =	shalt  }
0x54: {  	_ =	shalt  }
0x55: {  	_ =	shalt  }
0x56: {  	_ =	shalt  }
0x57: {  	_ =	shalt  }
0x58: {  	_ =	shalt  }
0x59: {  	_ =	shalt  }
0x5a: {  	_ =	shalt  }
0x5b: {  	_ =	shalt  }
0x5c: {  	_ =	shalt  }
0x5d: {  	_ =	shalt  }
0x5e: {  	_ =	shalt  }
0x5f: {  	_ =	shalt  }
0x60: {  	_ =	shalt  }
0x61: {  	_ =	shalt  }
0x62: {  	_ =	shalt  }
0x63: {  	_ =	shalt  }
0x64: {  	_ =	shalt  }
0x65: {  	_ =	shalt  }
0x66: {  	_ =	shalt  }
0x67: {  	_ =	shalt  }
0x68: {  	_ =	shalt  }
0x69: {  	_ =	shalt  }
0x6a: {  	_ =	shalt  }
0x6b: {  	_ =	shalt  }
0x6c: {  	_ =	shalt  }
0x6d: {  	_ =	shalt  }
0x6e: {  	_ =	shalt  }
0x6f: {  	_ =	shalt  }
0x70: {  	_ =	shalt  }
0x71: {  	_ =	shalt  }
0x72: {  	_ =	shalt  }
0x73: {  	_ =	shalt  }
0x74: {  	_ =	shalt  }
0x75: {  	_ =	shalt  }
0x76: {  	_ =	shalt  }
0x77: {  	_ =	shalt  }
0x78: {  	_ =	shalt  }
0x79: {  	_ =	shalt  }
0x7a: {  	_ =	shalt  }
0x7b: {  	_ =	shalt  }
0x7c: {  	_ =	shalt  }
0x7d: {  	_ =	shalt  }
0x7e: {  	_ =	shalt  }
0x7f: {  	_ =	shalt  }
0x80: {  	_ =	shalt  }
0x81: {  	_ =	shalt  }
0x82: {  	_ =	shalt  }
0x83: {  	_ =	shalt  }
0x84: {  	_ =	shalt  }
0x85: {  	_ =	shalt  }
0x86: {  	_ =	shalt  }
0x87: {  	_ =	shalt  }
.Lfunc_end0:
.L_simem_size_0:
called_computation.1_lowered:
.L_overlay_start_0:
0x88: {  	s2 =	sld [smem:$0x3FD9]  }
0x89: {  	s3 =	sld [smem:$0x3FFE];
	_ =	sdelay $0x1  }
0x8a: {  	s1 =	srdreg.scid  }
0x8b: {  	s0 =	sand.u32 $0x1, s1  }
0x8c: {  	s16 =	sshll.u32 s0, $0xA;
	s2 =	sadd.s32 s3, s2  }
0x8d: {  	s2 =	sadd.s32 s2, s16  }
0x8e: {  	[smem:$0x3FBB] =	sst s2  }
0x8f: {  	_ = 	snop  }
0x90: {  	(tm) =	ssettm $0x1  }
0x91: {  	s17 =	sld [smem:$0x3FFB];
	_ =	sdelay $0x3  }
0x92: {  	_ =	strace s17  }
0x93: {  	s2 =	sld [smem:$0x3FFC];
	_ =	sdelay $0x3  }
0x94: {  	_ =	strace s2  }
0x95: {  	s2 =	sld [smem:$0x3FFD];
	_ =	sdelay $0x3  }
0x96: {  	_ =	strace s2  }
0x97: {  	_ =	strace $0x8FFFFFFF  }
0x98: {  	s18 =	sld [smem:$0x3FDB];
	_ =	sdelay $0x1  }
0x99: {  	s19 =	simm.s32 $_scs_section_size  }
0x9a: {  	s4 =	simm.s32 $_size__tile_overlayer_lowered;
	s5 =	simm.s32 $_tile_overlayer_lowered  }
0x9b: {  	s22 =	simm.s32 $0x1BFF;
	s21 =	sshll.u32 s5, $0x1;
	s2 =	sadd.s32 s19, s18  }
0x9c: {  	s6 =	simm.s32 $0x0;
	s20 =	sshll.u32 s4, $0x1;
	s4 =	sadd.s32 s21, s2  }
0x9d: {  	[timem:s6], [sflag:s22] =	dma.local [hbm:s4], s20  }
0x9e: {  	_ =	swait.ge [sflag:s22], s20  }
0x9f: {  	s3 =	ssub.s32 $0x0, s20;
	[sflag:s22] =	ssyncset.done $0x0  }
0xa0: {  	[sflag:s22] =	ssyncadd.s32 s3;
	_ =	sdelay $0x1  }
0xa1: {  	s23 =	simm.s32 $0x1B8B  }
0xa2: {  	_ =	swait.ge [sflag:s23], $0x1  }
0xa3: {  	[sflag:s23] =	ssyncset.done $0x0  }
0xa4: {  	s25 =	simm.s32 $0x1B8E;
	s24 =	sld [smem:$0x3FFE];
	[sflag:s23] =	ssyncadd.s32 $0xFFFFFFFF  }
0xa5: {  	s26 =	simm.s32 $execute0_lowered;
	[smem:$0x3FD2] =	sst s25  }
0xa6: {  	s4 =	sshll.u32 s26, $0x1;
	_ =	strace $0x80000046;
	[dreg:$0x1] =	wrdreg $0xFFFFFFFF  }
0xa7: {  	s28 =	simm.s32 $_size_execute0_lowered;
	s2 =	sadd.s32 s2, s4;
	[dreg:$0x0] =	wrdreg $0x0  }
0xa8: {  	s4 =	sshll.u32 s28, $0x1;
	[dreg:$0x2] =	wrdreg s2  }
0xa9: {  	[dreg:$0x3] =	wrdreg s4  }
0xaa: {  	[dreg:$0x4] =	wrdreg $0xC0  }
0xab: {  	_ =	task [dreg:s6], $0x5FFFF  }
0xac: {  	[dreg:$0x1] =	wrdreg $0xFFFFFFFF  }
0xad: {  	[dreg:$0x0] =	wrdreg $0x60  }
0xae: {  	[dreg:$0x2] =	wrdreg s24  }
0xaf: {  	[dreg:$0x3] =	wrdreg $0x0  }
0xb0: {  	[dreg:$0x4] =	wrdreg $0xA  }
0xb1: {  	_ =	task.clear_ibuf [dreg:s6], $0x5FFFF;
	_ =	strace $0x90000046  }
0xb2: {  	s29 =	simm.s32 $0xA;
	_ =	strace $0x80000048  }
0xb3: {  	_ =	swait.ge [sflag:s29], $0x1  }
0xb4: {  	[sflag:s29] =	ssyncadd.s32 $0xFFFFFFFF  }
0xb5: {  	_ =	strace $0x90000048  }
0xb6: {  	_ =	sfence  }
0xb7: {  	s30 =	sld [smem:$0x0];
	_ =	sdelay $0x2  }
0xb8: {  	s31 =	sshll.u32 s1, $0xD;
	s1 =	sshrl.u32 s1, $0x2  }
0xb9: {  	s3 =	sand.u32 $0x4000, s31;
	s1 =	sadd.s32 s1, s30  }
0xba: {  	s0 =	sor.u32 s3, s0;
	s1 =	sshll.u32 s1, $0x11  }
0xbb: {  	s0 =	sor.u32 s1, s0  }
0xbc: {  	s0 =	sadd.s32 $0x8F2B, s0  }
0xbd: {  	[sflag:s0] =	ssyncadd.remote.s32 $0x1  }
0xbe: {  	_ =	sfence.sel $0xFFFF  }
0xbf: {  	[dreg:$0x0] =	wrdreg $0xFFFFFFFF;
	(pc) =	sbr.abs _section_cstart, $3  }
0xc0: {  	[dreg:$0x1] =	wrdreg $0xFFFFFFFF  }
0xc1: {  	_ =	task.clear_ibuf [dreg:s6], $0x2FFFF;
	_ =	strace $0x9FFFFFFF  }
0xc2: {  	(tm) =	ssettm $0x7FFFFFFF  }
0xc3: {  	_ =	shalt  }
tec
execute0_lowered:
.L_overlay_start_1:
0x0: {  	(tag) =	ssettag $0x1  }
0x1: {  	s5 =	rddreg [dreg:$0x0]  }
0x2: {  	s1 =	rddreg [dreg:$0x1];
	s2 =	simm.s32 $0x0;
	s6 =	srdreg.scid  }
0x3: {  	s3 =	stileid.u32;
	s23 =	simm.s32 $0x15400;
	s24 =	simm.s32 $0x80  }
0x4: {  	s25 =	simm.s32 $0x1;
	s26 =	simm.s32 $0x0;
	[smem:$0x7FF] =	sst s2  }
0x5: {  	s4 =	sadd.s32 $0x16800, s5;
	s12 =	sadd.s32 $0xC800, s5;
	s9 =	sand.u32 $0x1, s6  }
0x6: {  	s13 =	sadd.s32 $0x2800, s5;
	s7 =	smul.u32 $0x50000, s3;
	s18 =	sadd.s32 $0x3E800, s5  }
0x7: {  	s14 =	smul.u32 $0x14000, s3;
	s29 =	sshll.u32 s3, $0x1;
	_ =	strace $0x80000047  }
0x8: {  	s6 =	ssub.s32 $0x2, s9;
	s8 =	sor.u32 s9, s29;
	s22 =	smul.u32 $0x140000, s9  }
0x9: {  	s28 =	sshrl.u32 s6, $0x1;
	s30 =	sshrl.u32 s7, $0x2;
	s15 =	sadd.s32 $0x4000, s14  }
0xa: {  	s16 =	sadd.s32 $0x8000, s14;
	s11 =	smul.u32 $0x500, s8;
	s17 =	sadd.s32 $0xC000, s14  }
0xb: {  	s20 =	smul.u32 $0x2800, s8;
	s21 =	sadd.s32 $0x10000, s14;
	s19 =	ssub.s32 s6, s28  }
0xc: {  	s5 =	sadd.s32 s30, s1;
	s6 =	sadd.s32 s15, s1;
	s7 =	sadd.s32 s16, s1  }
0xd: {  	s8 =	sadd.s32 s17, s1;
	s9 =	sadd.s32 s21, s1;
	s14 =	sadd.s32 s14, s22  }
0xe: {  	s15 =	sadd.s32 s22, s15;
	s16 =	sadd.s32 s22, s16;
	s17 =	sadd.s32 s22, s17  }
0xf: {  	s31 =	sadd.s32 s22, s21;
	s21 =	simm.s32 $0x2;
	s22 =	simm.s32 $0x14000  }
0x10: {  	s10 =	sadd.s32 s12, s11;
	s20 =	sshrl.u32 s20, $0x3;
	s11 =	sadd.s32 s13, s11  }
0x11: {  	s14 =	sshrl.u32 s14, $0x3;
	s15 =	sshrl.u32 s15, $0x3;
	s16 =	sshrl.u32 s16, $0x3  }
0x12: {  	s17 =	sshrl.u32 s17, $0x3;
	s19 =	smax.u32 s19, $0x1;
	s20 =	sadd.s32 $0x280, s20  }
0x13: {  	s14 =	sadd.s32 s18, s14;
	s15 =	sadd.s32 s18, s15;
	s16 =	sadd.s32 s18, s16  }
0x14: {  	s12 =	sadd.s32 s12, s20;
	s13 =	sadd.s32 s13, s20;
	s20 =	sshrl.u32 s31, $0x3  }
0x15: {  	v0 =	vimm.f32 $0.0e+00;
	s17 =	sadd.s32 s18, s17;
	s18 =	sadd.s32 s18, s20;
	s20 =	simm.s32 $0x16800  }
.LBB2_1:
0x16: {  	s28 =	simm.s32 $0x0;
	s29 =	simm.s32 $0x200  }
.LBB2_2:
0x17: {  	p0 =	sne.s32 s29, $0xFE00;
	[tilespmem:s28+$0x16870] =	vst v0  }
0x18: {  	[tilespmem:s28+$0x16800] =	vst v0  }
0x19: {  	[tilespmem:s28+$0x16810] =	vst v0  }
.Ltmp0:
0x1a: {  	[tilespmem:s28+$0x16820] =	vst v0;
	(pc) =	sbr.rel @p0 .LBB2_2-.Ltmp0, $4  }
0x1b: {  	[tilespmem:s28+$0x16830] =	vst v0  }
0x1c: {  	[tilespmem:s28+$0x16840] =	vst v0  }
0x1d: {  	[tilespmem:s28+$0x16850] =	vst v0  }
0x1e: {  	[tilespmem:s28+$0x16860] =	vst v0;
	s28 =	sshra.s32 s29, $0x2;
	s29 =	sadd.s32 $0x200, s29  }
0x1f: {  	[tilespmem:s28+$0x16870] =	vst v0  }
0x20: {  	[tilespmem:s28+$0x16800] =	vst v0  }
0x21: {  	[tilespmem:s28+$0x16810] =	vst v0  }
0x22: {  	[tilespmem:s28+$0x16820] =	vst v0  }
0x23: {  	[tilespmem:s28+$0x16830] =	vst v0  }
0x24: {  	[tilespmem:s28+$0x16840] =	vst v0  }
0x25: {  	[tilespmem:s28+$0x16850] =	vst v0  }
0x26: {  	[tilespmem:s28+$0x16860] =	vst v0  }
0x27: {  	[spmem:s5] =	stream.linear.scatter [tilespmem:s20], [sflag:$0x2], $0x4000, $0x38;
	[tilespmem:$0x1A800] =	vst v63  }
0x28: {  	_ =	swait.ge [sflag:s21], $0x4000  }
0x29: {  	[sflag:s21] =	ssyncset.done $0x0  }
0x2a: {  	[sflag:s21] =	ssyncadd.s32 $0xFFFFC000  }
0x2b: {  	[spmem:s6] =	stream.linear.scatter [tilespmem:s20], [sflag:$0x2], $0x4000, $0x38;
	[tilespmem:$0x1A800] =	vst v63  }
0x2c: {  	_ =	swait.ge [sflag:s21], $0x4000  }
0x2d: {  	[sflag:s21] =	ssyncset.done $0x0  }
0x2e: {  	[sflag:s21] =	ssyncadd.s32 $0xFFFFC000  }
0x2f: {  	[spmem:s7] =	stream.linear.scatter [tilespmem:s20], [sflag:$0x2], $0x4000, $0x38;
	[tilespmem:$0x1A800] =	vst v63  }
0x30: {  	_ =	swait.ge [sflag:s21], $0x4000  }
0x31: {  	[sflag:s21] =	ssyncset.done $0x0  }
0x32: {  	[sflag:s21] =	ssyncadd.s32 $0xFFFFC000  }
0x33: {  	[spmem:s8] =	stream.linear.scatter [tilespmem:s20], [sflag:$0x2], $0x4000, $0x38;
	[tilespmem:$0x1A800] =	vst v63  }
0x34: {  	_ =	swait.ge [sflag:s21], $0x4000  }
0x35: {  	[sflag:s21] =	ssyncset.done $0x0  }
0x36: {  	[sflag:s21] =	ssyncadd.s32 $0xFFFFC000  }
0x37: {  	[spmem:s9] =	stream.linear.scatter [tilespmem:s20], [sflag:$0x2], $0x4000, $0x38;
	[tilespmem:$0x1A800] =	vst v63  }
0x38: {  	_ =	swait.ge [sflag:s21], $0x4000  }
0x39: {  	[sflag:s21] =	ssyncset.done $0x0  }
0x3a: {  	[sflag:s21] =	ssyncadd.s32 $0xFFFFC000  }
0x3b: {  	s28 =	simm.s32 $0x0;
	[bflag:$0x0] =	sbarrier.arrive $0xFFFF  }
0x3c: {  	[tilespmem:s22], [sflag:$0x2] =	stream.linear.gather [hbm4b:s10+s28], $0x1400, $0x38;
	[tilespmem:$0x1A800] =	vst v63  }
0x3d: {  	_ =	swait.ge [sflag:s21], $0x1400  }
0x3e: {  	[sflag:s21] =	ssyncset.done $0x0  }
0x3f: {  	[sflag:s21] =	ssyncadd.s32 $0xFFFFEC00  }
0x40: {  	[tilespmem:s23], [sflag:$0x2] =	stream.linear.gather [hbm4b:s11+s28], $0x1400, $0x38;
	[tilespmem:$0x1A800] =	vst v63  }
0x41: {  	_ =	swait.ge [sflag:s21], $0x1400  }
0x42: {  	[sflag:s21] =	ssyncset.done $0x0  }
0x43: {  	s28 =	simm.s32 $0x14000;
	[sflag:s21] =	ssyncadd.s32 $0xFFFFEC00  }
0x44: {  	[tilespmem:s20], [sflag:$0x1] =	stream.indirect.gather [hbm4b:s4+s24], $0x80, s28, s24, $0xb8;
	[tilespmem:$0x1A800] =	vst v63  }
0x45: {  	_ =	swait.ge [sflag:s25], $0x4000  }
0x46: {  	[sflag:s25] =	ssyncset.done $0x0  }
0x47: {  	s28 =	simm.s32 $0x15400;
	[sflag:s25] =	ssyncadd.s32 $0xFFFFC000  }
0x48: {  	[spmem:s1] =	stream.indirect.scatter.add.f32 [tilespmem:s20], [sflag:$0x2], $0x80, s28, s24, $0xb8;
	[tilespmem:$0x1A800] =	vst v63  }
0x49: {  	_ =	swait.ge [sflag:s21], $0x4000  }
0x4a: {  	s29 =	simm.s32 $0x400;
	s28 =	simm.s32 $0x80;
	[sflag:s21] =	ssyncset.done $0x0  }
.LBB2_4:
0x4b: {  	s30 =	sadd.s32 $0x14000, s28  }
0x4c: {  	[sflag:s21] =	ssyncadd.s32 $0xFFFFC000;
	s31 =	smov.u32 s29;
	s0 =	sadd.s32 $0x200, s29  }
0x4d: {  	[tilespmem:s20], [sflag:$0x1] =	stream.indirect.gather [hbm4b:s4+s24], $0x80, s30, s24, $0xb8;
	[tilespmem:$0x1A800] =	vst v63  }
0x4e: {  	p0 =	sne.s32 s29, $0x4E00;
	_ =	swait.ge [sflag:s25], $0x4000  }
.Ltmp1:
0x4f: {  	[sflag:s25] =	ssyncset.done $0x0;
	(pc) =	sbr.rel @p0 .LBB2_4-.Ltmp1, $4  }
0x50: {  	s28 =	sadd.s32 $0x15400, s28;
	[sflag:s25] =	ssyncadd.s32 $0xFFFFC000  }
0x51: {  	[spmem:s1] =	stream.indirect.scatter.add.f32 [tilespmem:s20], [sflag:$0x2], $0x80, s28, s24, $0xb8;
	[tilespmem:$0x1A800] =	vst v63  }
0x52: {  	_ =	swait.ge [sflag:s21], $0x4000  }
0x53: {  	s29 =	smov.u32 s0;
	s28 =	sshra.s32 s31, $0x2;
	[sflag:s21] =	ssyncset.done $0x0  }
0x54: {  	s0 =	sadd.s32 $0x14000, s28;
	[sflag:s21] =	ssyncadd.s32 $0xFFFFC000  }
0x55: {  	[tilespmem:s20], [sflag:$0x1] =	stream.indirect.gather [hbm4b:s4+s24], $0x80, s0, s24, $0xb8;
	[tilespmem:$0x1A800] =	vst v63  }
0x56: {  	_ =	swait.ge [sflag:s25], $0x4000  }
0x57: {  	[sflag:s25] =	ssyncset.done $0x0  }
0x58: {  	s30 =	sadd.s32 $0x15400, s28;
	[sflag:s25] =	ssyncadd.s32 $0xFFFFC000  }
0x59: {  	[spmem:s1] =	stream.indirect.scatter.add.f32 [tilespmem:s20], [sflag:$0x2], $0x80, s30, s24, $0xb8;
	[tilespmem:$0x1A800] =	vst v63  }
0x5a: {  	_ =	swait.ge [sflag:s21], $0x4000  }
0x5b: {  	[sflag:s21] =	ssyncset.done $0x0  }
0x5c: {  	s31 =	simm.s32 $0x0;
	[sflag:s21] =	ssyncadd.s32 $0xFFFFC000  }
0x5d: {  	[tilespmem:s22], [sflag:$0x2] =	stream.linear.gather [hbm4b:s12+s31], $0x1400, $0x38;
	[tilespmem:$0x1A800] =	vst v63  }
0x5e: {  	_ =	swait.ge [sflag:s21], $0x1400  }
0x5f: {  	[sflag:s21] =	ssyncset.done $0x0  }
0x60: {  	[sflag:s21] =	ssyncadd.s32 $0xFFFFEC00  }
0x61: {  	[tilespmem:s23], [sflag:$0x2] =	stream.linear.gather [hbm4b:s13+s31], $0x1400, $0x38;
	[tilespmem:$0x1A800] =	vst v63  }
0x62: {  	_ =	swait.ge [sflag:s21], $0x1400  }
0x63: {  	[sflag:s21] =	ssyncset.done $0x0  }
0x64: {  	s30 =	simm.s32 $0x14000;
	[sflag:s21] =	ssyncadd.s32 $0xFFFFEC00  }
0x65: {  	[tilespmem:s20], [sflag:$0x1] =	stream.indirect.gather [hbm4b:s4+s24], $0x80, s30, s24, $0xb8;
	[tilespmem:$0x1A800] =	vst v63  }
0x66: {  	_ =	swait.ge [sflag:s25], $0x4000  }
0x67: {  	[sflag:s25] =	ssyncset.done $0x0  }
0x68: {  	s31 =	simm.s32 $0x15400;
	[sflag:s25] =	ssyncadd.s32 $0xFFFFC000  }
0x69: {  	[spmem:s1] =	stream.indirect.scatter.add.f32 [tilespmem:s20], [sflag:$0x2], $0x80, s31, s24, $0xb8;
	[tilespmem:$0x1A800] =	vst v63  }
0x6a: {  	_ =	swait.ge [sflag:s21], $0x4000  }
0x6b: {  	s29 =	simm.s32 $0x400;
	s28 =	simm.s32 $0x80;
	[sflag:s21] =	ssyncset.done $0x0  }
.LBB2_6:
0x6c: {  	s0 =	sadd.s32 $0x14000, s28  }
0x6d: {  	[sflag:s21] =	ssyncadd.s32 $0xFFFFC000;
	s30 =	smov.u32 s29;
	s31 =	sadd.s32 $0x200, s29  }
0x6e: {  	[tilespmem:s20], [sflag:$0x1] =	stream.indirect.gather [hbm4b:s4+s24], $0x80, s0, s24, $0xb8;
	[tilespmem:$0x1A800] =	vst v63  }
0x6f: {  	p0 =	sne.s32 s29, $0x4E00;
	_ =	swait.ge [sflag:s25], $0x4000  }
.Ltmp2:
0x70: {  	[sflag:s25] =	ssyncset.done $0x0;
	(pc) =	sbr.rel @p0 .LBB2_6-.Ltmp2, $4  }
0x71: {  	s0 =	sadd.s32 $0x15400, s28;
	[sflag:s25] =	ssyncadd.s32 $0xFFFFC000  }
0x72: {  	[spmem:s1] =	stream.indirect.scatter.add.f32 [tilespmem:s20], [sflag:$0x2], $0x80, s0, s24, $0xb8;
	[tilespmem:$0x1A800] =	vst v63  }
0x73: {  	_ =	swait.ge [sflag:s21], $0x4000  }
0x74: {  	s28 =	sshra.s32 s30, $0x2;
	s29 =	smov.u32 s31;
	[sflag:s21] =	ssyncset.done $0x0  }
0x75: {  	s0 =	sadd.s32 $0x14000, s28;
	[sflag:s21] =	ssyncadd.s32 $0xFFFFC000  }
0x76: {  	[tilespmem:s20], [sflag:$0x1] =	stream.indirect.gather [hbm4b:s4+s24], $0x80, s0, s24, $0xb8;
	[tilespmem:$0x1A800] =	vst v63  }
0x77: {  	_ =	swait.ge [sflag:s25], $0x4000  }
0x78: {  	[sflag:s25] =	ssyncset.done $0x0  }
0x79: {  	s31 =	sadd.s32 $0x15400, s28;
	[sflag:s25] =	ssyncadd.s32 $0xFFFFC000  }
0x7a: {  	[spmem:s1] =	stream.indirect.scatter.add.f32 [tilespmem:s20], [sflag:$0x2], $0x80, s31, s24, $0xb8;
	[tilespmem:$0x1A800] =	vst v63  }
0x7b: {  	_ =	swait.ge [sflag:s21], $0x4000  }
0x7c: {  	[sflag:s21] =	ssyncset.done $0x0  }
0x7d: {  	[sflag:s21] =	ssyncadd.s32 $0xFFFFC000  }
0x7e: {  	[bflag:$0x0] =	sbarrier.arrive $0xFFFF  }
0x7f: {  	[tilespmem:s20], [sflag:$0x2] =	stream.linear.gather [spmem:s5], $0x4000, $0x38;
	[tilespmem:$0x1A800] =	vst v63  }
0x80: {  	_ =	swait.ge [sflag:s21], $0x4000  }
0x81: {  	[sflag:s21] =	ssyncset.done $0x0  }
0x82: {  	[sflag:s21] =	ssyncadd.s32 $0xFFFFC000  }
0x83: {  	[hbm4b:s14+s2] =	stream.linear.scatter [tilespmem:s20], [sflag:$0x2], $0x4000, $0x38;
	[tilespmem:$0x1A800] =	vst v63  }
0x84: {  	_ =	swait.ge [sflag:s21], $0x4000  }
0x85: {  	[sflag:s21] =	ssyncset.done $0x0  }
0x86: {  	[sflag:s21] =	ssyncadd.s32 $0xFFFFC000  }
0x87: {  	[tilespmem:s20], [sflag:$0x2] =	stream.linear.gather [spmem:s6], $0x4000, $0x38;
	[tilespmem:$0x1A800] =	vst v63  }
0x88: {  	_ =	swait.ge [sflag:s21], $0x4000  }
0x89: {  	[sflag:s21] =	ssyncset.done $0x0  }
0x8a: {  	[sflag:s21] =	ssyncadd.s32 $0xFFFFC000  }
0x8b: {  	[hbm4b:s15+s2] =	stream.linear.scatter [tilespmem:s20], [sflag:$0x2], $0x4000, $0x38;
	[tilespmem:$0x1A800] =	vst v63  }
0x8c: {  	_ =	swait.ge [sflag:s21], $0x4000  }
0x8d: {  	[sflag:s21] =	ssyncset.done $0x0  }
0x8e: {  	[sflag:s21] =	ssyncadd.s32 $0xFFFFC000  }
0x8f: {  	[tilespmem:s20], [sflag:$0x2] =	stream.linear.gather [spmem:s7], $0x4000, $0x38;
	[tilespmem:$0x1A800] =	vst v63  }
0x90: {  	_ =	swait.ge [sflag:s21], $0x4000  }
0x91: {  	[sflag:s21] =	ssyncset.done $0x0  }
0x92: {  	[sflag:s21] =	ssyncadd.s32 $0xFFFFC000  }
0x93: {  	[hbm4b:s16+s2] =	stream.linear.scatter [tilespmem:s20], [sflag:$0x2], $0x4000, $0x38;
	[tilespmem:$0x1A800] =	vst v63  }
0x94: {  	_ =	swait.ge [sflag:s21], $0x4000  }
0x95: {  	[sflag:s21] =	ssyncset.done $0x0  }
0x96: {  	[sflag:s21] =	ssyncadd.s32 $0xFFFFC000  }
0x97: {  	[tilespmem:s20], [sflag:$0x2] =	stream.linear.gather [spmem:s8], $0x4000, $0x38;
	[tilespmem:$0x1A800] =	vst v63  }
0x98: {  	_ =	swait.ge [sflag:s21], $0x4000  }
0x99: {  	[sflag:s21] =	ssyncset.done $0x0  }
0x9a: {  	[sflag:s21] =	ssyncadd.s32 $0xFFFFC000  }
0x9b: {  	[hbm4b:s17+s2] =	stream.linear.scatter [tilespmem:s20], [sflag:$0x2], $0x4000, $0x38;
	[tilespmem:$0x1A800] =	vst v63  }
0x9c: {  	_ =	swait.ge [sflag:s21], $0x4000  }
0x9d: {  	[sflag:s21] =	ssyncset.done $0x0  }
0x9e: {  	[sflag:s21] =	ssyncadd.s32 $0xFFFFC000  }
0x9f: {  	[tilespmem:s20], [sflag:$0x2] =	stream.linear.gather [spmem:s9], $0x4000, $0x38;
	[tilespmem:$0x1A800] =	vst v63  }
0xa0: {  	s26 =	sadd.s32 $0x1, s26;
	_ =	swait.ge [sflag:s21], $0x4000  }
0xa1: {  	p0 =	sne.s32 s26, s19;
	[sflag:s21] =	ssyncset.done $0x0  }
.Ltmp3:
0xa2: {  	[sflag:s21] =	ssyncadd.s32 $0xFFFFC000;
	(pc) =	sbr.rel @p0 .LBB2_1-.Ltmp3, $4  }
0xa3: {  	[hbm4b:s18+s2] =	stream.linear.scatter [tilespmem:s20], [sflag:$0x2], $0x4000, $0x38;
	[tilespmem:$0x1A800] =	vst v63  }
0xa4: {  	_ =	swait.ge [sflag:s21], $0x4000  }
0xa5: {  	[sflag:s21] =	ssyncset.done $0x0  }
0xa6: {  	[sflag:s21] =	ssyncadd.s32 $0xFFFFC000  }
0xa7: {  	_ =	sfence.sel $0x180000  }
0xa8: {  	[bflag:$0x0] =	sbarrier.arrive $0xFFFF  }
0xa9: {  	_ =	strace $0x90000047  }
0xaa: {  	[bflag:$0x2] =	sbarrier.arrive $0xFFFF  }
0xab: {  	p0 =	sne.s32 s3, $0x0;
	s0 =	rddreg [dreg:$0x2]  }
0xac: {  	s0 =	sadd.s32 @!p0 $0x100000, s0  }
0xad: {  	[sflag:s0] =	ssyncadd.tile.s32 @!p0 $0x1;
	_ =	shalt  }
.Lfunc_end2:
_tile_overlayer_lowered:
.L_overlay_start_2:
0xae: {  	(tag) =	ssettag $0x2  }
0xaf: {  	s0 =	rddreg [dreg:$0x0];
	s2 =	stileid.u32  }
0xb0: {  	s1 =	rddreg [dreg:$0x1];
	p0 =	sne.s32 s2, $0x0  }
0xb1: {  	s3 =	rddreg [dreg:$0x2];
	[bflag:$0x3] =	sbarrier.arrive $0xFFFF;
	s2 =	simm.s32 @!p0 $0x1C02  }
0xb2: {  	[timem:s3], [sflag:s2] =	dma.local @!p0 [hbm:s0], s1  }
0xb3: {  	s0 =	simm.s32 @!p0 $0x2  }
0xb4: {  	_ =	swait.ge @!p0 [sflag:s0], s1  }
0xb5: {  	s1 =	ssub.s32 @!p0 $0x0, s1;
	[sflag:s0] =	ssyncset.done @!p0 $0x0  }
0xb6: {  	[sflag:s0] =	ssyncadd.s32 @!p0 s1  }
0xb7: {  	[bflag:$0x3] =	sbarrier.arrive $0xFFFF  }
0xb8: {  	_ =	shalt  }

// kernel: kernel.14.cloned.1.call-start
scs
__scs_entry_jumppad:
0x0: {  	(pc) =	sbr.rel $0x88, $3  }
0x1: {  	(tag) =	ssettag $0x0;
	lr =	simm.s32 $0x1  }
0x2: {  	[smem:$0x3F94] =	sst lr;
	_ =	strace $0xD0000000  }
0x3: {  	_ = 	snop  }
0x4: {  	_ = 	snop  }
0x5: {  	_ = 	snop  }
0x6: {  	_ = 	snop  }
0x7: {  	_ = 	snop  }
__scs_overlays_trampoline_lowered:
0x8: {  	[smem:$0x3FA3] =	sst s0  }
0x9: {  	[smem:$0x3FA4] =	sst s1  }
0xa: {  	[smem:$0x3FA5] =	sst s2  }
0xb: {  	[smem:$0x3FA6] =	sst s3  }
0xc: {  	[smem:$0x3FA7] =	sst s4  }
0xd: {  	[smem:$0x3FA8] =	sst s5  }
0xe: {  	[smem:$0x3FA9] =	sst s6  }
0xf: {  	[smem:$0x3FAA] =	sst s7  }
0x10: {  	[smem:$0x3FAB] =	sst s8  }
0x11: {  	[smem:$0x3FAC] =	sst s9;
	s0 =	simm.s32 @!p0 $0x0  }
0x12: {  	s1 =	sld [smem:$0x3F92];
	s0 =	simm.s32 @p0 $0x1  }
0x13: {  	[smem:$0x3FAD] =	sst s0;
	s0 =	simm.s32 @!p1 $0x0  }
0x14: {  	s2 =	sld [smem:$0x3F91];
	s0 =	simm.s32 @p1 $0x1  }
0x15: {  	[smem:$0x3FAE] =	sst s0;
	s0 =	simm.s32 @!p2 $0x0  }
0x16: {  	s3 =	sld [smem:$0x3FDB];
	s0 =	simm.s32 @p2 $0x1  }
0x17: {  	s4 =	simm.s32 $0x1BF5;
	[smem:$0x3FB0] =	sst s0  }
0x18: {  	s0 =	sld [smem:$0x3F93];
	_ =	swait.ge [sflag:s4], $0x0  }
0x19: {  	s7 =	sld [smem:$0x3F94]  }
0x1a: {  	s8 =	sadd.s32 $0xFFFFE003, lr  }
0x1b: {  	s9 =	sadd.s32 $0xFFFFFEF7, lr;
	s5 =	simm.s32 $0xFFFFFFFF;
	p2 =	slt.u32 s8, $0xFFFFF086  }
0x1c: {  	p1 =	slt.u32 s9, $0xF7A;
	s5 =	simm.s32 @!p2 $0x0  }
0x1d: {  	s5 =	simm.s32 @p1 $0x1;
	p0 =	seq.s32 s7, s2  }
0x1e: {  	s7 =	smul.u32 @!p0 $0xF7A, s2;
	p2 =	seq.s32 @!p0 s5, $0x0  }
0x1f: {  	s9 =	smul.u32 $0xF7A, s1;
	s8 =	simm.s32 @!p0 $0x1BF5;
	p2 =	por !p2, p0  }
0x20: {  	[sflag:s8] =	ssyncset.s32 @!p0 $0xFFFFF086;
	s6 =	sadd.s32 @!p0 s3, s7;
	s7 =	simm.s32 @!p0 $0x108  }
0x21: {  	s3 =	sadd.s32 s3, s9;
	s6 =	sadd.s32 @!p0 $0x88, s6;
	s7 =	simm.s32 @p2 $0x1082  }
0x22: {  	[simem:s7], [sflag:s8] =	dma.local @!p0 [hbm:s6], $0xF7A  }
0x23: {  	s9 =	sor.u32 $0xD0000000, s2;
	s6 =	simm.s32 $0x108;
	_ =	swait.ge @!p0 [sflag:s8], $0x0  }
0x24: {  	s3 =	sadd.s32 $0x88, s3;
	s6 =	simm.s32 @!p1 $0x1082;
	[sflag:s4] =	ssyncset.s32 $0xFFFFF086  }
0x25: {  	[simem:s6], [sflag:s4] =	dma.local [hbm:s3], $0xF7A  }
0x26: {  	[smem:$0x3F94] =	sst s1;
	(tag) =	ssettag s2;
	_ =	strace s9  }
0x27: {  	s1 =	sld [smem:$0x3FA4]  }
0x28: {  	s2 =	sld [smem:$0x3FA5]  }
0x29: {  	s4 =	sld [smem:$0x3FA7]  }
0x2a: {  	p0 =	seq.s32 s5, $0x0;
	s5 =	sld [smem:$0x3FA8]  }
0x2b: {  	s6 =	sld [smem:$0x3FA9]  }
0x2c: {  	s7 =	sld [smem:$0x3FAA]  }
0x2d: {  	s3 =	simm.s32 $0x108;
	s8 =	sld [smem:$0x3FAB]  }
0x2e: {  	s3 =	simm.s32 @!p0 $0x1082;
	s9 =	sld [smem:$0x3FAC]  }
0x2f: {  	lr =	sadd.s32 s0, s3;
	s0 =	sld [smem:$0x3FA3]  }
0x30: {  	s3 =	sld [smem:$0x3FA6]  }
0x31: {  	[smem:$0x3FAF] =	sst s10  }
0x32: {  	s10 =	sld [smem:$0x3FAD];
	_ =	sdelay $0x3  }
0x33: {  	p0 =	seq.s32 s10, $0x1;
	s10 =	sld [smem:$0x3FAF];
	_ =	sdelay $0x3  }
0x34: {  	[smem:$0x3FAF] =	sst s10  }
0x35: {  	s10 =	sld [smem:$0x3FAE];
	_ =	sdelay $0x3  }
0x36: {  	p1 =	seq.s32 s10, $0x1;
	s10 =	sld [smem:$0x3FAF];
	_ =	sdelay $0x3  }
0x37: {  	[smem:$0x3FAF] =	sst s10  }
0x38: {  	s10 =	sld [smem:$0x3FB0]  }
0x39: {  	_ = 	snop;
	(pc) =	sbr.ind lr, $3  }
0x3a: {  	_ = 	snop  }
0x3b: {  	_ = 	snop  }
0x3c: {  	p2 =	seq.s32 s10, $0x1;
	s10 =	sld [smem:$0x3FAF]  }
0x3d: {  	_ =	shalt  }
0x3e: {  	_ =	shalt  }
0x3f: {  	_ =	shalt  }
0x40: {  	_ =	shalt  }
0x41: {  	_ =	shalt  }
0x42: {  	_ =	shalt  }
0x43: {  	_ =	shalt  }
0x44: {  	_ =	shalt  }
0x45: {  	_ =	shalt  }
0x46: {  	_ =	shalt  }
0x47: {  	_ =	shalt  }
0x48: {  	_ =	shalt  }
0x49: {  	_ =	shalt  }
0x4a: {  	_ =	shalt  }
0x4b: {  	_ =	shalt  }
0x4c: {  	_ =	shalt  }
0x4d: {  	_ =	shalt  }
0x4e: {  	_ =	shalt  }
0x4f: {  	_ =	shalt  }
0x50: {  	_ =	shalt  }
0x51: {  	_ =	shalt  }
0x52: {  	_ =	shalt  }
0x53: {  	_ =	shalt  }
0x54: {  	_ =	shalt  }
0x55: {  	_ =	shalt  }
0x56: {  	_ =	shalt  }
0x57: {  	_ =	shalt  }
0x58: {  	_ =	shalt  }
0x59: {  	_ =	shalt  }
0x5a: {  	_ =	shalt  }
0x5b: {  	_ =	shalt  }
0x5c: {  	_ =	shalt  }
0x5d: {  	_ =	shalt  }
0x5e: {  	_ =	shalt  }
0x5f: {  	_ =	shalt  }
0x60: {  	_ =	shalt  }
0x61: {  	_ =	shalt  }
0x62: {  	_ =	shalt  }
0x63: {  	_ =	shalt  }
0x64: {  	_ =	shalt  }
0x65: {  	_ =	shalt  }
0x66: {  	_ =	shalt  }
0x67: {  	_ =	shalt  }
0x68: {  	_ =	shalt  }
0x69: {  	_ =	shalt  }
0x6a: {  	_ =	shalt  }
0x6b: {  	_ =	shalt  }
0x6c: {  	_ =	shalt  }
0x6d: {  	_ =	shalt  }
0x6e: {  	_ =	shalt  }
0x6f: {  	_ =	shalt  }
0x70: {  	_ =	shalt  }
0x71: {  	_ =	shalt  }
0x72: {  	_ =	shalt  }
0x73: {  	_ =	shalt  }
0x74: {  	_ =	shalt  }
0x75: {  	_ =	shalt  }
0x76: {  	_ =	shalt  }
0x77: {  	_ =	shalt  }
0x78: {  	_ =	shalt  }
0x79: {  	_ =	shalt  }
0x7a: {  	_ =	shalt  }
0x7b: {  	_ =	shalt  }
0x7c: {  	_ =	shalt  }
0x7d: {  	_ =	shalt  }
0x7e: {  	_ =	shalt  }
0x7f: {  	_ =	shalt  }
0x80: {  	_ =	shalt  }
0x81: {  	_ =	shalt  }
0x82: {  	_ =	shalt  }
0x83: {  	_ =	shalt  }
0x84: {  	_ =	shalt  }
0x85: {  	_ =	shalt  }
0x86: {  	_ =	shalt  }
0x87: {  	_ =	shalt  }
.Lfunc_end0:
.L_simem_size_0:
called_computation.2_lowered:
.L_overlay_start_0:
0x88: {  	s2 =	sld [smem:$0x3FD9]  }
0x89: {  	s3 =	sld [smem:$0x3FFE];
	_ =	sdelay $0x1  }
0x8a: {  	s1 =	srdreg.scid  }
0x8b: {  	s0 =	sand.u32 $0x1, s1  }
0x8c: {  	s16 =	sshll.u32 s0, $0xA;
	s2 =	sadd.s32 s3, s2  }
0x8d: {  	s2 =	sadd.s32 s2, s16  }
0x8e: {  	[smem:$0x3FBB] =	sst s2  }
0x8f: {  	_ = 	snop  }
0x90: {  	(tm) =	ssettm $0x1  }
0x91: {  	s17 =	sld [smem:$0x3FFB];
	_ =	sdelay $0x3  }
0x92: {  	_ =	strace s17  }
0x93: {  	s2 =	sld [smem:$0x3FFC];
	_ =	sdelay $0x3  }
0x94: {  	_ =	strace s2  }
0x95: {  	s2 =	sld [smem:$0x3FFD];
	_ =	sdelay $0x3  }
0x96: {  	_ =	strace s2  }
0x97: {  	_ =	strace $0x8FFFFFFF  }
0x98: {  	s18 =	sld [smem:$0x3FDB];
	_ =	sdelay $0x1  }
0x99: {  	s19 =	simm.s32 $_scs_section_size  }
0x9a: {  	s4 =	simm.s32 $_size__tile_overlayer_lowered;
	s5 =	simm.s32 $_tile_overlayer_lowered  }
0x9b: {  	s22 =	simm.s32 $0x1BFF;
	s21 =	sshll.u32 s5, $0x1;
	s2 =	sadd.s32 s19, s18  }
0x9c: {  	s6 =	simm.s32 $0x0;
	s20 =	sshll.u32 s4, $0x1;
	s4 =	sadd.s32 s21, s2  }
0x9d: {  	[timem:s6], [sflag:s22] =	dma.local [hbm:s4], s20  }
0x9e: {  	_ =	swait.ge [sflag:s22], s20  }
0x9f: {  	s3 =	ssub.s32 $0x0, s20;
	[sflag:s22] =	ssyncset.done $0x0  }
0xa0: {  	[sflag:s22] =	ssyncadd.s32 s3;
	_ =	sdelay $0x1  }
0xa1: {  	s23 =	simm.s32 $0x1B8B  }
0xa2: {  	_ =	swait.ge [sflag:s23], $0x1  }
0xa3: {  	[sflag:s23] =	ssyncset.done $0x0  }
0xa4: {  	s25 =	simm.s32 $0x1B8E;
	s24 =	sld [smem:$0x3FFE];
	[sflag:s23] =	ssyncadd.s32 $0xFFFFFFFF  }
0xa5: {  	s26 =	simm.s32 $execute0_lowered;
	[smem:$0x3FD2] =	sst s25  }
0xa6: {  	s4 =	sshll.u32 s26, $0x1;
	_ =	strace $0x8000004C;
	[dreg:$0x1] =	wrdreg $0xFFFFFFFF  }
0xa7: {  	s28 =	simm.s32 $_size_execute0_lowered;
	s2 =	sadd.s32 s2, s4;
	[dreg:$0x0] =	wrdreg $0x0  }
0xa8: {  	s4 =	sshll.u32 s28, $0x1;
	[dreg:$0x2] =	wrdreg s2  }
0xa9: {  	[dreg:$0x3] =	wrdreg s4  }
0xaa: {  	[dreg:$0x4] =	wrdreg $0xC0  }
0xab: {  	_ =	task [dreg:s6], $0x5FFFF  }
0xac: {  	[dreg:$0x1] =	wrdreg $0xFFFFFFFF  }
0xad: {  	[dreg:$0x0] =	wrdreg $0x60  }
0xae: {  	[dreg:$0x2] =	wrdreg s24  }
0xaf: {  	[dreg:$0x3] =	wrdreg $0x0  }
0xb0: {  	[dreg:$0x4] =	wrdreg $0x9  }
0xb1: {  	_ =	task.clear_ibuf [dreg:s6], $0x5FFFF;
	_ =	strace $0x9000004C  }
0xb2: {  	s29 =	simm.s32 $0x9;
	_ =	strace $0x8000004E  }
0xb3: {  	_ =	swait.ge [sflag:s29], $0x1  }
0xb4: {  	[sflag:s29] =	ssyncadd.s32 $0xFFFFFFFF  }
0xb5: {  	_ =	strace $0x9000004E  }
0xb6: {  	_ =	sfence  }
0xb7: {  	s30 =	sld [smem:$0x0];
	_ =	sdelay $0x2  }
0xb8: {  	s31 =	sshll.u32 s1, $0xD;
	s1 =	sshrl.u32 s1, $0x2  }
0xb9: {  	s3 =	sand.u32 $0x4000, s31;
	s1 =	sadd.s32 s1, s30  }
0xba: {  	s0 =	sor.u32 s3, s0;
	s1 =	sshll.u32 s1, $0x11  }
0xbb: {  	s0 =	sor.u32 s1, s0  }
0xbc: {  	s0 =	sadd.s32 $0x8F2B, s0  }
0xbd: {  	[sflag:s0] =	ssyncadd.remote.s32 $0x1  }
0xbe: {  	_ =	sfence.sel $0xFFFF  }
0xbf: {  	[dreg:$0x0] =	wrdreg $0xFFFFFFFF;
	(pc) =	sbr.abs _section_cstart, $3  }
0xc0: {  	[dreg:$0x1] =	wrdreg $0xFFFFFFFF  }
0xc1: {  	_ =	task.clear_ibuf [dreg:s6], $0x2FFFF;
	_ =	strace $0x9FFFFFFF  }
0xc2: {  	(tm) =	ssettm $0x7FFFFFFF  }
0xc3: {  	_ =	shalt  }
tec
execute0_lowered:
.L_overlay_start_1:
0x0: {  	(tag) =	ssettag $0x1  }
0x1: {  	s5 =	rddreg [dreg:$0x0]  }
0x2: {  	s1 =	rddreg [dreg:$0x1];
	s2 =	simm.s32 $0x0;
	s6 =	srdreg.scid  }
0x3: {  	s3 =	stileid.u32;
	s23 =	simm.s32 $0x15400;
	s24 =	simm.s32 $0x80  }
0x4: {  	s25 =	simm.s32 $0x1;
	s26 =	simm.s32 $0x0;
	[smem:$0x7FF] =	sst s2  }
0x5: {  	s4 =	sadd.s32 $0x16800, s5;
	s12 =	sadd.s32 $0xC800, s5;
	s9 =	sand.u32 $0x1, s6  }
0x6: {  	s13 =	sadd.s32 $0x2800, s5;
	s7 =	smul.u32 $0x50000, s3;
	s18 =	sadd.s32 $0x3E800, s5  }
0x7: {  	s14 =	smul.u32 $0x14000, s3;
	s29 =	sshll.u32 s3, $0x1;
	_ =	strace $0x8000004D  }
0x8: {  	s6 =	ssub.s32 $0x2, s9;
	s8 =	sor.u32 s9, s29;
	s22 =	smul.u32 $0x140000, s9  }
0x9: {  	s28 =	sshrl.u32 s6, $0x1;
	s30 =	sshrl.u32 s7, $0x2;
	s15 =	sadd.s32 $0x4000, s14  }
0xa: {  	s16 =	sadd.s32 $0x8000, s14;
	s11 =	smul.u32 $0x500, s8;
	s17 =	sadd.s32 $0xC000, s14  }
0xb: {  	s20 =	smul.u32 $0x2800, s8;
	s21 =	sadd.s32 $0x10000, s14;
	s19 =	ssub.s32 s6, s28  }
0xc: {  	s5 =	sadd.s32 s30, s1;
	s6 =	sadd.s32 s15, s1;
	s7 =	sadd.s32 s16, s1  }
0xd: {  	s8 =	sadd.s32 s17, s1;
	s9 =	sadd.s32 s21, s1;
	s14 =	sadd.s32 s14, s22  }
0xe: {  	s15 =	sadd.s32 s22, s15;
	s16 =	sadd.s32 s22, s16;
	s17 =	sadd.s32 s22, s17  }
0xf: {  	s31 =	sadd.s32 s22, s21;
	s21 =	simm.s32 $0x2;
	s22 =	simm.s32 $0x14000  }
0x10: {  	s10 =	sadd.s32 s12, s11;
	s20 =	sshrl.u32 s20, $0x3;
	s11 =	sadd.s32 s13, s11  }
0x11: {  	s14 =	sshrl.u32 s14, $0x3;
	s15 =	sshrl.u32 s15, $0x3;
	s16 =	sshrl.u32 s16, $0x3  }
0x12: {  	s17 =	sshrl.u32 s17, $0x3;
	s19 =	smax.u32 s19, $0x1;
	s20 =	sadd.s32 $0x280, s20  }
0x13: {  	s14 =	sadd.s32 s18, s14;
	s15 =	sadd.s32 s18, s15;
	s16 =	sadd.s32 s18, s16  }
0x14: {  	s12 =	sadd.s32 s12, s20;
	s13 =	sadd.s32 s13, s20;
	s20 =	sshrl.u32 s31, $0x3  }
0x15: {  	v0 =	vimm.f32 $0.0e+00;
	s17 =	sadd.s32 s18, s17;
	s18 =	sadd.s32 s18, s20;
	s20 =	simm.s32 $0x16800  }
.LBB2_1:
0x16: {  	s28 =	simm.s32 $0x0;
	s29 =	simm.s32 $0x200  }
.LBB2_2:
0x17: {  	p0 =	sne.s32 s29, $0xFE00;
	[tilespmem:s28+$0x16870] =	vst v0  }
0x18: {  	[tilespmem:s28+$0x16800] =	vst v0  }
0x19: {  	[tilespmem:s28+$0x16810] =	vst v0  }
.Ltmp0:
0x1a: {  	[tilespmem:s28+$0x16820] =	vst v0;
	(pc) =	sbr.rel @p0 .LBB2_2-.Ltmp0, $4  }
0x1b: {  	[tilespmem:s28+$0x16830] =	vst v0  }
0x1c: {  	[tilespmem:s28+$0x16840] =	vst v0  }
0x1d: {  	[tilespmem:s28+$0x16850] =	vst v0  }
0x1e: {  	[tilespmem:s28+$0x16860] =	vst v0;
	s28 =	sshra.s32 s29, $0x2;
	s29 =	sadd.s32 $0x200, s29  }
0x1f: {  	[tilespmem:s28+$0x16870] =	vst v0  }
0x20: {  	[tilespmem:s28+$0x16800] =	vst v0  }
0x21: {  	[tilespmem:s28+$0x16810] =	vst v0  }
0x22: {  	[tilespmem:s28+$0x16820] =	vst v0  }
0x23: {  	[tilespmem:s28+$0x16830] =	vst v0  }
0x24: {  	[tilespmem:s28+$0x16840] =	vst v0  }
0x25: {  	[tilespmem:s28+$0x16850] =	vst v0  }
0x26: {  	[tilespmem:s28+$0x16860] =	vst v0  }
0x27: {  	[spmem:s5] =	stream.linear.scatter [tilespmem:s20], [sflag:$0x2], $0x4000, $0x38;
	[tilespmem:$0x1A800] =	vst v63  }
0x28: {  	_ =	swait.ge [sflag:s21], $0x4000  }
0x29: {  	[sflag:s21] =	ssyncset.done $0x0  }
0x2a: {  	[sflag:s21] =	ssyncadd.s32 $0xFFFFC000  }
0x2b: {  	[spmem:s6] =	stream.linear.scatter [tilespmem:s20], [sflag:$0x2], $0x4000, $0x38;
	[tilespmem:$0x1A800] =	vst v63  }
0x2c: {  	_ =	swait.ge [sflag:s21], $0x4000  }
0x2d: {  	[sflag:s21] =	ssyncset.done $0x0  }
0x2e: {  	[sflag:s21] =	ssyncadd.s32 $0xFFFFC000  }
0x2f: {  	[spmem:s7] =	stream.linear.scatter [tilespmem:s20], [sflag:$0x2], $0x4000, $0x38;
	[tilespmem:$0x1A800] =	vst v63  }
0x30: {  	_ =	swait.ge [sflag:s21], $0x4000  }
0x31: {  	[sflag:s21] =	ssyncset.done $0x0  }
0x32: {  	[sflag:s21] =	ssyncadd.s32 $0xFFFFC000  }
0x33: {  	[spmem:s8] =	stream.linear.scatter [tilespmem:s20], [sflag:$0x2], $0x4000, $0x38;
	[tilespmem:$0x1A800] =	vst v63  }
0x34: {  	_ =	swait.ge [sflag:s21], $0x4000  }
0x35: {  	[sflag:s21] =	ssyncset.done $0x0  }
0x36: {  	[sflag:s21] =	ssyncadd.s32 $0xFFFFC000  }
0x37: {  	[spmem:s9] =	stream.linear.scatter [tilespmem:s20], [sflag:$0x2], $0x4000, $0x38;
	[tilespmem:$0x1A800] =	vst v63  }
0x38: {  	_ =	swait.ge [sflag:s21], $0x4000  }
0x39: {  	[sflag:s21] =	ssyncset.done $0x0  }
0x3a: {  	[sflag:s21] =	ssyncadd.s32 $0xFFFFC000  }
0x3b: {  	s28 =	simm.s32 $0x0;
	[bflag:$0x0] =	sbarrier.arrive $0xFFFF  }
0x3c: {  	[tilespmem:s22], [sflag:$0x2] =	stream.linear.gather [hbm4b:s10+s28], $0x1400, $0x38;
	[tilespmem:$0x1A800] =	vst v63  }
0x3d: {  	_ =	swait.ge [sflag:s21], $0x1400  }
0x3e: {  	[sflag:s21] =	ssyncset.done $0x0  }
0x3f: {  	[sflag:s21] =	ssyncadd.s32 $0xFFFFEC00  }
0x40: {  	[tilespmem:s23], [sflag:$0x2] =	stream.linear.gather [hbm4b:s11+s28], $0x1400, $0x38;
	[tilespmem:$0x1A800] =	vst v63  }
0x41: {  	_ =	swait.ge [sflag:s21], $0x1400  }
0x42: {  	[sflag:s21] =	ssyncset.done $0x0  }
0x43: {  	s28 =	simm.s32 $0x14000;
	[sflag:s21] =	ssyncadd.s32 $0xFFFFEC00  }
0x44: {  	[tilespmem:s20], [sflag:$0x1] =	stream.indirect.gather [hbm4b:s4+s24], $0x80, s28, s24, $0xb8;
	[tilespmem:$0x1A800] =	vst v63  }
0x45: {  	_ =	swait.ge [sflag:s25], $0x4000  }
0x46: {  	[sflag:s25] =	ssyncset.done $0x0  }
0x47: {  	s28 =	simm.s32 $0x15400;
	[sflag:s25] =	ssyncadd.s32 $0xFFFFC000  }
0x48: {  	[spmem:s1] =	stream.indirect.scatter.add.f32 [tilespmem:s20], [sflag:$0x2], $0x80, s28, s24, $0xb8;
	[tilespmem:$0x1A800] =	vst v63  }
0x49: {  	_ =	swait.ge [sflag:s21], $0x4000  }
0x4a: {  	s29 =	simm.s32 $0x400;
	s28 =	simm.s32 $0x80;
	[sflag:s21] =	ssyncset.done $0x0  }
.LBB2_4:
0x4b: {  	s30 =	sadd.s32 $0x14000, s28  }
0x4c: {  	[sflag:s21] =	ssyncadd.s32 $0xFFFFC000;
	s31 =	smov.u32 s29;
	s0 =	sadd.s32 $0x200, s29  }
0x4d: {  	[tilespmem:s20], [sflag:$0x1] =	stream.indirect.gather [hbm4b:s4+s24], $0x80, s30, s24, $0xb8;
	[tilespmem:$0x1A800] =	vst v63  }
0x4e: {  	p0 =	sne.s32 s29, $0x4E00;
	_ =	swait.ge [sflag:s25], $0x4000  }
.Ltmp1:
0x4f: {  	[sflag:s25] =	ssyncset.done $0x0;
	(pc) =	sbr.rel @p0 .LBB2_4-.Ltmp1, $4  }
0x50: {  	s28 =	sadd.s32 $0x15400, s28;
	[sflag:s25] =	ssyncadd.s32 $0xFFFFC000  }
0x51: {  	[spmem:s1] =	stream.indirect.scatter.add.f32 [tilespmem:s20], [sflag:$0x2], $0x80, s28, s24, $0xb8;
	[tilespmem:$0x1A800] =	vst v63  }
0x52: {  	_ =	swait.ge [sflag:s21], $0x4000  }
0x53: {  	s29 =	smov.u32 s0;
	s28 =	sshra.s32 s31, $0x2;
	[sflag:s21] =	ssyncset.done $0x0  }
0x54: {  	s0 =	sadd.s32 $0x14000, s28;
	[sflag:s21] =	ssyncadd.s32 $0xFFFFC000  }
0x55: {  	[tilespmem:s20], [sflag:$0x1] =	stream.indirect.gather [hbm4b:s4+s24], $0x80, s0, s24, $0xb8;
	[tilespmem:$0x1A800] =	vst v63  }
0x56: {  	_ =	swait.ge [sflag:s25], $0x4000  }
0x57: {  	[sflag:s25] =	ssyncset.done $0x0  }
0x58: {  	s30 =	sadd.s32 $0x15400, s28;
	[sflag:s25] =	ssyncadd.s32 $0xFFFFC000  }
0x59: {  	[spmem:s1] =	stream.indirect.scatter.add.f32 [tilespmem:s20], [sflag:$0x2], $0x80, s30, s24, $0xb8;
	[tilespmem:$0x1A800] =	vst v63  }
0x5a: {  	_ =	swait.ge [sflag:s21], $0x4000  }
0x5b: {  	[sflag:s21] =	ssyncset.done $0x0  }
0x5c: {  	s31 =	simm.s32 $0x0;
	[sflag:s21] =	ssyncadd.s32 $0xFFFFC000  }
0x5d: {  	[tilespmem:s22], [sflag:$0x2] =	stream.linear.gather [hbm4b:s12+s31], $0x1400, $0x38;
	[tilespmem:$0x1A800] =	vst v63  }
0x5e: {  	_ =	swait.ge [sflag:s21], $0x1400  }
0x5f: {  	[sflag:s21] =	ssyncset.done $0x0  }
0x60: {  	[sflag:s21] =	ssyncadd.s32 $0xFFFFEC00  }
0x61: {  	[tilespmem:s23], [sflag:$0x2] =	stream.linear.gather [hbm4b:s13+s31], $0x1400, $0x38;
	[tilespmem:$0x1A800] =	vst v63  }
0x62: {  	_ =	swait.ge [sflag:s21], $0x1400  }
0x63: {  	[sflag:s21] =	ssyncset.done $0x0  }
0x64: {  	s30 =	simm.s32 $0x14000;
	[sflag:s21] =	ssyncadd.s32 $0xFFFFEC00  }
0x65: {  	[tilespmem:s20], [sflag:$0x1] =	stream.indirect.gather [hbm4b:s4+s24], $0x80, s30, s24, $0xb8;
	[tilespmem:$0x1A800] =	vst v63  }
0x66: {  	_ =	swait.ge [sflag:s25], $0x4000  }
0x67: {  	[sflag:s25] =	ssyncset.done $0x0  }
0x68: {  	s31 =	simm.s32 $0x15400;
	[sflag:s25] =	ssyncadd.s32 $0xFFFFC000  }
0x69: {  	[spmem:s1] =	stream.indirect.scatter.add.f32 [tilespmem:s20], [sflag:$0x2], $0x80, s31, s24, $0xb8;
	[tilespmem:$0x1A800] =	vst v63  }
0x6a: {  	_ =	swait.ge [sflag:s21], $0x4000  }
0x6b: {  	s29 =	simm.s32 $0x400;
	s28 =	simm.s32 $0x80;
	[sflag:s21] =	ssyncset.done $0x0  }
.LBB2_6:
0x6c: {  	s0 =	sadd.s32 $0x14000, s28  }
0x6d: {  	[sflag:s21] =	ssyncadd.s32 $0xFFFFC000;
	s30 =	smov.u32 s29;
	s31 =	sadd.s32 $0x200, s29  }
0x6e: {  	[tilespmem:s20], [sflag:$0x1] =	stream.indirect.gather [hbm4b:s4+s24], $0x80, s0, s24, $0xb8;
	[tilespmem:$0x1A800] =	vst v63  }
0x6f: {  	p0 =	sne.s32 s29, $0x4E00;
	_ =	swait.ge [sflag:s25], $0x4000  }
.Ltmp2:
0x70: {  	[sflag:s25] =	ssyncset.done $0x0;
	(pc) =	sbr.rel @p0 .LBB2_6-.Ltmp2, $4  }
0x71: {  	s0 =	sadd.s32 $0x15400, s28;
	[sflag:s25] =	ssyncadd.s32 $0xFFFFC000  }
0x72: {  	[spmem:s1] =	stream.indirect.scatter.add.f32 [tilespmem:s20], [sflag:$0x2], $0x80, s0, s24, $0xb8;
	[tilespmem:$0x1A800] =	vst v63  }
0x73: {  	_ =	swait.ge [sflag:s21], $0x4000  }
0x74: {  	s28 =	sshra.s32 s30, $0x2;
	s29 =	smov.u32 s31;
	[sflag:s21] =	ssyncset.done $0x0  }
0x75: {  	s0 =	sadd.s32 $0x14000, s28;
	[sflag:s21] =	ssyncadd.s32 $0xFFFFC000  }
0x76: {  	[tilespmem:s20], [sflag:$0x1] =	stream.indirect.gather [hbm4b:s4+s24], $0x80, s0, s24, $0xb8;
	[tilespmem:$0x1A800] =	vst v63  }
0x77: {  	_ =	swait.ge [sflag:s25], $0x4000  }
0x78: {  	[sflag:s25] =	ssyncset.done $0x0  }
0x79: {  	s31 =	sadd.s32 $0x15400, s28;
	[sflag:s25] =	ssyncadd.s32 $0xFFFFC000  }
0x7a: {  	[spmem:s1] =	stream.indirect.scatter.add.f32 [tilespmem:s20], [sflag:$0x2], $0x80, s31, s24, $0xb8;
	[tilespmem:$0x1A800] =	vst v63  }
0x7b: {  	_ =	swait.ge [sflag:s21], $0x4000  }
0x7c: {  	[sflag:s21] =	ssyncset.done $0x0  }
0x7d: {  	[sflag:s21] =	ssyncadd.s32 $0xFFFFC000  }
0x7e: {  	[bflag:$0x0] =	sbarrier.arrive $0xFFFF  }
0x7f: {  	[tilespmem:s20], [sflag:$0x2] =	stream.linear.gather [spmem:s5], $0x4000, $0x38;
	[tilespmem:$0x1A800] =	vst v63  }
0x80: {  	_ =	swait.ge [sflag:s21], $0x4000  }
0x81: {  	[sflag:s21] =	ssyncset.done $0x0  }
0x82: {  	[sflag:s21] =	ssyncadd.s32 $0xFFFFC000  }
0x83: {  	[hbm4b:s14+s2] =	stream.linear.scatter [tilespmem:s20], [sflag:$0x2], $0x4000, $0x38;
	[tilespmem:$0x1A800] =	vst v63  }
0x84: {  	_ =	swait.ge [sflag:s21], $0x4000  }
0x85: {  	[sflag:s21] =	ssyncset.done $0x0  }
0x86: {  	[sflag:s21] =	ssyncadd.s32 $0xFFFFC000  }
0x87: {  	[tilespmem:s20], [sflag:$0x2] =	stream.linear.gather [spmem:s6], $0x4000, $0x38;
	[tilespmem:$0x1A800] =	vst v63  }
0x88: {  	_ =	swait.ge [sflag:s21], $0x4000  }
0x89: {  	[sflag:s21] =	ssyncset.done $0x0  }
0x8a: {  	[sflag:s21] =	ssyncadd.s32 $0xFFFFC000  }
0x8b: {  	[hbm4b:s15+s2] =	stream.linear.scatter [tilespmem:s20], [sflag:$0x2], $0x4000, $0x38;
	[tilespmem:$0x1A800] =	vst v63  }
0x8c: {  	_ =	swait.ge [sflag:s21], $0x4000  }
0x8d: {  	[sflag:s21] =	ssyncset.done $0x0  }
0x8e: {  	[sflag:s21] =	ssyncadd.s32 $0xFFFFC000  }
0x8f: {  	[tilespmem:s20], [sflag:$0x2] =	stream.linear.gather [spmem:s7], $0x4000, $0x38;
	[tilespmem:$0x1A800] =	vst v63  }
0x90: {  	_ =	swait.ge [sflag:s21], $0x4000  }
0x91: {  	[sflag:s21] =	ssyncset.done $0x0  }
0x92: {  	[sflag:s21] =	ssyncadd.s32 $0xFFFFC000  }
0x93: {  	[hbm4b:s16+s2] =	stream.linear.scatter [tilespmem:s20], [sflag:$0x2], $0x4000, $0x38;
	[tilespmem:$0x1A800] =	vst v63  }
0x94: {  	_ =	swait.ge [sflag:s21], $0x4000  }
0x95: {  	[sflag:s21] =	ssyncset.done $0x0  }
0x96: {  	[sflag:s21] =	ssyncadd.s32 $0xFFFFC000  }
0x97: {  	[tilespmem:s20], [sflag:$0x2] =	stream.linear.gather [spmem:s8], $0x4000, $0x38;
	[tilespmem:$0x1A800] =	vst v63  }
0x98: {  	_ =	swait.ge [sflag:s21], $0x4000  }
0x99: {  	[sflag:s21] =	ssyncset.done $0x0  }
0x9a: {  	[sflag:s21] =	ssyncadd.s32 $0xFFFFC000  }
0x9b: {  	[hbm4b:s17+s2] =	stream.linear.scatter [tilespmem:s20], [sflag:$0x2], $0x4000, $0x38;
	[tilespmem:$0x1A800] =	vst v63  }
0x9c: {  	_ =	swait.ge [sflag:s21], $0x4000  }
0x9d: {  	[sflag:s21] =	ssyncset.done $0x0  }
0x9e: {  	[sflag:s21] =	ssyncadd.s32 $0xFFFFC000  }
0x9f: {  	[tilespmem:s20], [sflag:$0x2] =	stream.linear.gather [spmem:s9], $0x4000, $0x38;
	[tilespmem:$0x1A800] =	vst v63  }
0xa0: {  	s26 =	sadd.s32 $0x1, s26;
	_ =	swait.ge [sflag:s21], $0x4000  }
0xa1: {  	p0 =	sne.s32 s26, s19;
	[sflag:s21] =	ssyncset.done $0x0  }
.Ltmp3:
0xa2: {  	[sflag:s21] =	ssyncadd.s32 $0xFFFFC000;
	(pc) =	sbr.rel @p0 .LBB2_1-.Ltmp3, $4  }
0xa3: {  	[hbm4b:s18+s2] =	stream.linear.scatter [tilespmem:s20], [sflag:$0x2], $0x4000, $0x38;
	[tilespmem:$0x1A800] =	vst v63  }
0xa4: {  	_ =	swait.ge [sflag:s21], $0x4000  }
0xa5: {  	[sflag:s21] =	ssyncset.done $0x0  }
0xa6: {  	[sflag:s21] =	ssyncadd.s32 $0xFFFFC000  }
0xa7: {  	_ =	sfence.sel $0x180000  }
0xa8: {  	[bflag:$0x0] =	sbarrier.arrive $0xFFFF  }
0xa9: {  	_ =	strace $0x9000004D  }
0xaa: {  	[bflag:$0x2] =	sbarrier.arrive $0xFFFF  }
0xab: {  	p0 =	sne.s32 s3, $0x0;
	s0 =	rddreg [dreg:$0x2]  }
0xac: {  	s0 =	sadd.s32 @!p0 $0x100000, s0  }
0xad: {  	[sflag:s0] =	ssyncadd.tile.s32 @!p0 $0x1;
	_ =	shalt  }
.Lfunc_end2:
_tile_overlayer_lowered:
.L_overlay_start_2:
0xae: {  	(tag) =	ssettag $0x2  }
0xaf: {  	s0 =	rddreg [dreg:$0x0];
	s2 =	stileid.u32  }
0xb0: {  	s1 =	rddreg [dreg:$0x1];
	p0 =	sne.s32 s2, $0x0  }
0xb1: {  	s3 =	rddreg [dreg:$0x2];
	[bflag:$0x3] =	sbarrier.arrive $0xFFFF;
	s2 =	simm.s32 @!p0 $0x1C02  }
0xb2: {  	[timem:s3], [sflag:s2] =	dma.local @!p0 [hbm:s0], s1  }
0xb3: {  	s0 =	simm.s32 @!p0 $0x2  }
0xb4: {  	_ =	swait.ge @!p0 [sflag:s0], s1  }
0xb5: {  	s1 =	ssub.s32 @!p0 $0x0, s1;
	[sflag:s0] =	ssyncset.done @!p0 $0x0  }
0xb6: {  	[sflag:s0] =	ssyncadd.s32 @!p0 s1  }
0xb7: {  	[bflag:$0x3] =	sbarrier.arrive $0xFFFF  }
0xb8: {  	_ =	shalt  }

// kernel: kernel.17.cloned.1.call-start
scs
__scs_entry_jumppad:
0x0: {  	(pc) =	sbr.rel $0x88, $3  }
0x1: {  	(tag) =	ssettag $0x0;
	lr =	simm.s32 $0x1  }
0x2: {  	[smem:$0x3F94] =	sst lr;
	_ =	strace $0xD0000000  }
0x3: {  	_ = 	snop  }
0x4: {  	_ = 	snop  }
0x5: {  	_ = 	snop  }
0x6: {  	_ = 	snop  }
0x7: {  	_ = 	snop  }
__scs_overlays_trampoline_lowered:
0x8: {  	[smem:$0x3FA3] =	sst s0  }
0x9: {  	[smem:$0x3FA4] =	sst s1  }
0xa: {  	[smem:$0x3FA5] =	sst s2  }
0xb: {  	[smem:$0x3FA6] =	sst s3  }
0xc: {  	[smem:$0x3FA7] =	sst s4  }
0xd: {  	[smem:$0x3FA8] =	sst s5  }
0xe: {  	[smem:$0x3FA9] =	sst s6  }
0xf: {  	[smem:$0x3FAA] =	sst s7  }
0x10: {  	[smem:$0x3FAB] =	sst s8  }
0x11: {  	[smem:$0x3FAC] =	sst s9;
	s0 =	simm.s32 @!p0 $0x0  }
0x12: {  	s1 =	sld [smem:$0x3F92];
	s0 =	simm.s32 @p0 $0x1  }
0x13: {  	[smem:$0x3FAD] =	sst s0;
	s0 =	simm.s32 @!p1 $0x0  }
0x14: {  	s2 =	sld [smem:$0x3F91];
	s0 =	simm.s32 @p1 $0x1  }
0x15: {  	[smem:$0x3FAE] =	sst s0;
	s0 =	simm.s32 @!p2 $0x0  }
0x16: {  	s3 =	sld [smem:$0x3FDB];
	s0 =	simm.s32 @p2 $0x1  }
0x17: {  	s4 =	simm.s32 $0x1BF5;
	[smem:$0x3FB0] =	sst s0  }
0x18: {  	s0 =	sld [smem:$0x3F93];
	_ =	swait.ge [sflag:s4], $0x0  }
0x19: {  	s7 =	sld [smem:$0x3F94]  }
0x1a: {  	s8 =	sadd.s32 $0xFFFFE003, lr  }
0x1b: {  	s9 =	sadd.s32 $0xFFFFFEF7, lr;
	s5 =	simm.s32 $0xFFFFFFFF;
	p2 =	slt.u32 s8, $0xFFFFF086  }
0x1c: {  	p1 =	slt.u32 s9, $0xF7A;
	s5 =	simm.s32 @!p2 $0x0  }
0x1d: {  	s5 =	simm.s32 @p1 $0x1;
	p0 =	seq.s32 s7, s2  }
0x1e: {  	s7 =	smul.u32 @!p0 $0xF7A, s2;
	p2 =	seq.s32 @!p0 s5, $0x0  }
0x1f: {  	s9 =	smul.u32 $0xF7A, s1;
	s8 =	simm.s32 @!p0 $0x1BF5;
	p2 =	por !p2, p0  }
0x20: {  	[sflag:s8] =	ssyncset.s32 @!p0 $0xFFFFF086;
	s6 =	sadd.s32 @!p0 s3, s7;
	s7 =	simm.s32 @!p0 $0x108  }
0x21: {  	s3 =	sadd.s32 s3, s9;
	s6 =	sadd.s32 @!p0 $0x88, s6;
	s7 =	simm.s32 @p2 $0x1082  }
0x22: {  	[simem:s7], [sflag:s8] =	dma.local @!p0 [hbm:s6], $0xF7A  }
0x23: {  	s9 =	sor.u32 $0xD0000000, s2;
	s6 =	simm.s32 $0x108;
	_ =	swait.ge @!p0 [sflag:s8], $0x0  }
0x24: {  	s3 =	sadd.s32 $0x88, s3;
	s6 =	simm.s32 @!p1 $0x1082;
	[sflag:s4] =	ssyncset.s32 $0xFFFFF086  }
0x25: {  	[simem:s6], [sflag:s4] =	dma.local [hbm:s3], $0xF7A  }
0x26: {  	[smem:$0x3F94] =	sst s1;
	(tag) =	ssettag s2;
	_ =	strace s9  }
0x27: {  	s1 =	sld [smem:$0x3FA4]  }
0x28: {  	s2 =	sld [smem:$0x3FA5]  }
0x29: {  	s4 =	sld [smem:$0x3FA7]  }
0x2a: {  	p0 =	seq.s32 s5, $0x0;
	s5 =	sld [smem:$0x3FA8]  }
0x2b: {  	s6 =	sld [smem:$0x3FA9]  }
0x2c: {  	s7 =	sld [smem:$0x3FAA]  }
0x2d: {  	s3 =	simm.s32 $0x108;
	s8 =	sld [smem:$0x3FAB]  }
0x2e: {  	s3 =	simm.s32 @!p0 $0x1082;
	s9 =	sld [smem:$0x3FAC]  }
0x2f: {  	lr =	sadd.s32 s0, s3;
	s0 =	sld [smem:$0x3FA3]  }
0x30: {  	s3 =	sld [smem:$0x3FA6]  }
0x31: {  	[smem:$0x3FAF] =	sst s10  }
0x32: {  	s10 =	sld [smem:$0x3FAD];
	_ =	sdelay $0x3  }
0x33: {  	p0 =	seq.s32 s10, $0x1;
	s10 =	sld [smem:$0x3FAF];
	_ =	sdelay $0x3  }
0x34: {  	[smem:$0x3FAF] =	sst s10  }
0x35: {  	s10 =	sld [smem:$0x3FAE];
	_ =	sdelay $0x3  }
0x36: {  	p1 =	seq.s32 s10, $0x1;
	s10 =	sld [smem:$0x3FAF];
	_ =	sdelay $0x3  }
0x37: {  	[smem:$0x3FAF] =	sst s10  }
0x38: {  	s10 =	sld [smem:$0x3FB0]  }
0x39: {  	_ = 	snop;
	(pc) =	sbr.ind lr, $3  }
0x3a: {  	_ = 	snop  }
0x3b: {  	_ = 	snop  }
0x3c: {  	p2 =	seq.s32 s10, $0x1;
	s10 =	sld [smem:$0x3FAF]  }
0x3d: {  	_ =	shalt  }
0x3e: {  	_ =	shalt  }
0x3f: {  	_ =	shalt  }
0x40: {  	_ =	shalt  }
0x41: {  	_ =	shalt  }
0x42: {  	_ =	shalt  }
0x43: {  	_ =	shalt  }
0x44: {  	_ =	shalt  }
0x45: {  	_ =	shalt  }
0x46: {  	_ =	shalt  }
0x47: {  	_ =	shalt  }
0x48: {  	_ =	shalt  }
0x49: {  	_ =	shalt  }
0x4a: {  	_ =	shalt  }
0x4b: {  	_ =	shalt  }
0x4c: {  	_ =	shalt  }
0x4d: {  	_ =	shalt  }
0x4e: {  	_ =	shalt  }
0x4f: {  	_ =	shalt  }
0x50: {  	_ =	shalt  }
0x51: {  	_ =	shalt  }
0x52: {  	_ =	shalt  }
0x53: {  	_ =	shalt  }
0x54: {  	_ =	shalt  }
0x55: {  	_ =	shalt  }
0x56: {  	_ =	shalt  }
0x57: {  	_ =	shalt  }
0x58: {  	_ =	shalt  }
0x59: {  	_ =	shalt  }
0x5a: {  	_ =	shalt  }
0x5b: {  	_ =	shalt  }
0x5c: {  	_ =	shalt  }
0x5d: {  	_ =	shalt  }
0x5e: {  	_ =	shalt  }
0x5f: {  	_ =	shalt  }
0x60: {  	_ =	shalt  }
0x61: {  	_ =	shalt  }
0x62: {  	_ =	shalt  }
0x63: {  	_ =	shalt  }
0x64: {  	_ =	shalt  }
0x65: {  	_ =	shalt  }
0x66: {  	_ =	shalt  }
0x67: {  	_ =	shalt  }
0x68: {  	_ =	shalt  }
0x69: {  	_ =	shalt  }
0x6a: {  	_ =	shalt  }
0x6b: {  	_ =	shalt  }
0x6c: {  	_ =	shalt  }
0x6d: {  	_ =	shalt  }
0x6e: {  	_ =	shalt  }
0x6f: {  	_ =	shalt  }
0x70: {  	_ =	shalt  }
0x71: {  	_ =	shalt  }
0x72: {  	_ =	shalt  }
0x73: {  	_ =	shalt  }
0x74: {  	_ =	shalt  }
0x75: {  	_ =	shalt  }
0x76: {  	_ =	shalt  }
0x77: {  	_ =	shalt  }
0x78: {  	_ =	shalt  }
0x79: {  	_ =	shalt  }
0x7a: {  	_ =	shalt  }
0x7b: {  	_ =	shalt  }
0x7c: {  	_ =	shalt  }
0x7d: {  	_ =	shalt  }
0x7e: {  	_ =	shalt  }
0x7f: {  	_ =	shalt  }
0x80: {  	_ =	shalt  }
0x81: {  	_ =	shalt  }
0x82: {  	_ =	shalt  }
0x83: {  	_ =	shalt  }
0x84: {  	_ =	shalt  }
0x85: {  	_ =	shalt  }
0x86: {  	_ =	shalt  }
0x87: {  	_ =	shalt  }
.Lfunc_end0:
.L_simem_size_0:
called_computation.3_lowered:
.L_overlay_start_0:
0x88: {  	s2 =	sld [smem:$0x3FD9]  }
0x89: {  	s3 =	sld [smem:$0x3FFE];
	_ =	sdelay $0x1  }
0x8a: {  	s1 =	srdreg.scid  }
0x8b: {  	s0 =	sand.u32 $0x1, s1  }
0x8c: {  	s17 =	sshll.u32 s0, $0xA;
	s2 =	sadd.s32 s3, s2  }
0x8d: {  	s2 =	sadd.s32 s2, s17  }
0x8e: {  	[smem:$0x3FBB] =	sst s2  }
0x8f: {  	_ = 	snop  }
0x90: {  	s2 =	sld [smem:$0x3FBE];
	(tm) =	ssettm $0x1  }
0x91: {  	s18 =	sld [smem:$0x3FFB];
	_ =	sdelay $0x3  }
0x92: {  	_ =	strace s18  }
0x93: {  	s3 =	sld [smem:$0x3FFC];
	_ =	sdelay $0x3  }
0x94: {  	_ =	strace s3  }
0x95: {  	s3 =	sld [smem:$0x3FFD];
	_ =	sdelay $0x3  }
0x96: {  	_ =	strace s3  }
0x97: {  	_ =	strace $0x8FFFFFFF  }
0x98: {  	s19 =	sld [smem:$0x3FDB];
	_ =	sdelay $0x1  }
0x99: {  	s4 =	simm.s32 $_scs_section_size  }
0x9a: {  	s5 =	simm.s32 $_size__tile_overlayer_lowered;
	s6 =	simm.s32 $_tile_overlayer_lowered  }
0x9b: {  	s22 =	simm.s32 $0x1BFF;
	s21 =	sshll.u32 s6, $0x1;
	s3 =	sadd.s32 s4, s19  }
0x9c: {  	s7 =	simm.s32 $0x0;
	s20 =	sshll.u32 s5, $0x1;
	s5 =	sadd.s32 s21, s3  }
0x9d: {  	[timem:s7], [sflag:s22] =	dma.local [hbm:s5], s20  }
0x9e: {  	_ =	swait.ge [sflag:s22], s20  }
0x9f: {  	s4 =	ssub.s32 $0x0, s20;
	[sflag:s22] =	ssyncset.done $0x0  }
0xa0: {  	[sflag:s22] =	ssyncadd.s32 s4;
	_ =	sdelay $0x1  }
0xa1: {  	s23 =	simm.s32 $0x1B8B  }
0xa2: {  	_ =	swait.ge [sflag:s23], $0x1  }
0xa3: {  	[sflag:s23] =	ssyncset.done $0x0  }
0xa4: {  	s25 =	simm.s32 $0x1B8E;
	s24 =	sld [smem:$0x3FFE];
	[sflag:s23] =	ssyncadd.s32 $0xFFFFFFFF  }
0xa5: {  	s26 =	simm.s32 $execute0_lowered;
	[smem:$0x3FD2] =	sst s25  }
0xa6: {  	s5 =	sshll.u32 s26, $0x1;
	_ =	strace $0x8000004F;
	[dreg:$0x1] =	wrdreg $0xFFFFFFFF  }
0xa7: {  	s28 =	simm.s32 $_size_execute0_lowered;
	s3 =	sadd.s32 s3, s5;
	[dreg:$0x0] =	wrdreg $0x0  }
0xa8: {  	s5 =	sshll.u32 s28, $0x1;
	[dreg:$0x2] =	wrdreg s3  }
0xa9: {  	[dreg:$0x3] =	wrdreg s5  }
0xaa: {  	[dreg:$0x4] =	wrdreg $0xC0  }
0xab: {  	_ =	task [dreg:s7], $0x5FFFF  }
0xac: {  	[dreg:$0x1] =	wrdreg $0xFFFFFFFF  }
0xad: {  	[dreg:$0x0] =	wrdreg $0x60  }
0xae: {  	[dreg:$0x2] =	wrdreg s24  }
0xaf: {  	[dreg:$0x3] =	wrdreg s2  }
0xb0: {  	[dreg:$0x4] =	wrdreg $0x9  }
0xb1: {  	_ =	task.clear_ibuf [dreg:s7], $0x5FFFF;
	_ =	strace $0x9000004F  }
0xb2: {  	s29 =	simm.s32 $0x9;
	_ =	strace $0x80000051  }
0xb3: {  	_ =	swait.ge [sflag:s29], $0x1  }
0xb4: {  	[sflag:s29] =	ssyncadd.s32 $0xFFFFFFFF  }
0xb5: {  	_ =	strace $0x90000051  }
0xb6: {  	_ =	sfence  }
0xb7: {  	s30 =	sld [smem:$0x0];
	_ =	sdelay $0x2  }
0xb8: {  	s31 =	sshll.u32 s1, $0xD;
	s1 =	sshrl.u32 s1, $0x2  }
0xb9: {  	s3 =	sand.u32 $0x4000, s31;
	s1 =	sadd.s32 s1, s30  }
0xba: {  	s0 =	sor.u32 s3, s0;
	s1 =	sshll.u32 s1, $0x11  }
0xbb: {  	s0 =	sor.u32 s1, s0  }
0xbc: {  	s0 =	sadd.s32 $0x8F2B, s0  }
0xbd: {  	[sflag:s0] =	ssyncadd.remote.s32 $0x1  }
0xbe: {  	_ =	sfence.sel $0xFFFF  }
0xbf: {  	[dreg:$0x0] =	wrdreg $0xFFFFFFFF;
	(pc) =	sbr.abs _section_cstart, $3  }
0xc0: {  	[dreg:$0x1] =	wrdreg $0xFFFFFFFF  }
0xc1: {  	_ =	task.clear_ibuf [dreg:s7], $0x2FFFF;
	_ =	strace $0x9FFFFFFF  }
0xc2: {  	(tm) =	ssettm $0x7FFFFFFF  }
0xc3: {  	_ =	shalt  }
tec
execute0_lowered:
.L_overlay_start_1:
0x0: {  	(tag) =	ssettag $0x1  }
0x1: {  	s0 =	rddreg [dreg:$0x0];
	s1 =	srdreg.scid  }
0x2: {  	s2 =	stileid.u32;
	s22 =	simm.s32 $0x0;
	s24 =	simm.s32 $0x3  }
0x3: {  	s15 =	simm.s32 $0x1900;
	s11 =	simm.s32 $0xB100;
	s13 =	simm.s32 $0xB900  }
0x4: {  	s14 =	simm.s32 $0xC100;
	s6 =	simm.s32 $0xC900;
	s7 =	simm.s32 $0xD100  }
0x5: {  	s8 =	simm.s32 $0xD900;
	s9 =	simm.s32 $0xE100;
	s10 =	simm.s32 $0xE900  }
0x6: {  	s12 =	simm.s32 $0xF900;
	s16 =	simm.s32 $0x10100;
	s17 =	simm.s32 $0x10900  }
0x7: {  	s18 =	simm.s32 $0x11100;
	s19 =	simm.s32 $0x1;
	s20 =	simm.s32 $0x2  }
0x8: {  	s1 =	sand.u32 $0x1, s1;
	s2 =	sshll.u32 s2, $0x1;
	[smem:$0x7FF] =	sst s22  }
0x9: {  	s4 =	sadd.s32 $0x2800, s0;
	s2 =	sor.u32 s1, s2;
	s1 =	ssub.s32 $0x2, s1  }
0xa: {  	s5 =	sadd.s32 $0xE4C00, s0;
	s2 =	smul.u32 $0x190, s2;
	s28 =	sshrl.u32 s1, $0x1  }
0xb: {  	s3 =	sadd.s32 $0x52800, s0;
	_ =	strace $0x80000050;
	s1 =	ssub.s32 s1, s28  }
0xc: {  	[dreg:$0x3] =	wrdreg s3;
	s0 =	sadd.s32 s2, s0;
	s31 =	smax.u32 s1, $0x1  }
0xd: {  	s23 =	simm.s32 $0x0;
	s29 =	sadd.s32 $0xDE800, s0;
	[dreg:$0x7] =	wrdreg s31  }
0xe: {  	v3 =	vlaneseq.u32;
	vm0 =	vmmov $0xffff;
	s3 =	simm.s32 $0xF100;
	s30 =	sadd.s32 $0xE1A00, s0;
	[dreg:$0x4] =	wrdreg s29  }
0xf: {  	v1 =	vshrl.u32 v3, $0x3;
	v0 =	vand.u32 $0x7, v3;
	v2 =	vor.u32 $0x8, v3;
	s1 =	simm.s32 $0xA100;
	s0 =	sadd.s32 $0x52A00, s0;
	[dreg:$0x5] =	wrdreg s30  }
0x10: {  	v3 =	vmul.u32 $0x100, v3;
	v1 =	vmul.u32 $0x8, v1;
	v4 =	vmul.u32 $0x80, v0;
	s2 =	simm.s32 $0xA900;
	[dreg:$0x6] =	wrdreg s0;
	s0 =	simm.s32 $0x9900  }
.LBB2_1:
0x11: {  	[dreg:$0x8] =	wrdreg s23  }
0x12: {  	s21 =	rddreg [dreg:$0x1];
	s25 =	simm.s32 $0x11900  }
0x13: {  	[tilespmem:s25], [sflag:$0x3] =	stream.linear.gather [hbm4b:s21+s22], $0x100, $0x38;
	[tilespmem:$0x12700] =	vst v63  }
0x14: {  	_ =	swait.ge [sflag:s24], $0x100  }
0x15: {  	[sflag:s24] =	ssyncset.done $0x0  }
0x16: {  	s28 =	simm.s32 $0x11A00;
	s26 =	rddreg [dreg:$0x3];
	[sflag:s24] =	ssyncadd.s32 $0xFFFFFF00  }
0x17: {  	[tilespmem:s28], [sflag:$0x3] =	stream.linear.gather [hbm4b:s26+s22], $0x80, $0x38;
	[tilespmem:$0x12700] =	vst v63  }
0x18: {  	_ =	swait.ge [sflag:s24], $0x80  }
0x19: {  	[sflag:s24] =	ssyncset.done $0x0  }
0x1a: {  	s29 =	rddreg [dreg:$0x4];
	[sflag:s24] =	ssyncadd.s32 $0xFFFFFF80  }
0x1b: {  	[tilespmem:s22], [sflag:$0x3] =	stream.linear.gather [hbm4b:s29+s22], $0xC80, $0x38;
	[tilespmem:$0x12700] =	vst v63  }
0x1c: {  	_ =	swait.ge [sflag:s24], $0xC80  }
0x1d: {  	[sflag:s24] =	ssyncset.done $0x0  }
0x1e: {  	s31 =	simm.s32 $0xC80;
	s30 =	rddreg [dreg:$0x5];
	[sflag:s24] =	ssyncadd.s32 $0xFFFFF380  }
0x1f: {  	[tilespmem:s31], [sflag:$0x3] =	stream.linear.gather [hbm4b:s30+s22], $0xC80, $0x38;
	[tilespmem:$0x12700] =	vst v63  }
0x20: {  	_ =	swait.ge [sflag:s24], $0xC80  }
0x21: {  	[sflag:s24] =	ssyncset.done $0x0  }
0x22: {  	[sflag:s24] =	ssyncadd.s32 $0xFFFFF380  }
0x23: {  	s21 =	simm.s32 $0x0;
	v5 =	vld.msk [tilespmem:$0x11A00 ss:$0x0], $0xffff  }
.LBB2_2:
0x24: {  	s23 =	sshll.u32 s21, $0x7  }
0x25: {  	v6 =	vld [tilespmem:s23+$0x0];
	_ =	sdelay $0x4  }
0x26: {  	v7 =	vshll.u32 v6, $0x1  }
0x27: {  	v6 =	vand.u32 $0x7, v6;
	v7 =	vand.u32 $0xFFFFFFF0, v7  }
0x28: {  	v6 =	vor.u32 v6, v7  }
0x29: {  	v7 =	vperm.xlane v6, v0;
	_ =	sdelay $0x1  }
0x2a: {  	v6 =	vperm.xlane v6, v2;
	v7 =	vadd.s32 v1, v7;
	_ =	sdelay $0x1  }
0x2b: {  	v6 =	vadd.s32 v1, v6;
	_ =	sdelay $0x1  }
0x2c: {  	s22 =	simm.s32 $0x0  }
0x2d: {  	[tilespmem:s15], [sflag:$0x1] =	stream.indirect_vreg.gather [hbm4b:s4+s22], $0x80, v7, vm0, $0xb8;
	[tilespmem:$0x12700] =	vst v63  }
0x2e: {  	s24 =	simm.s32 $0x2100  }
0x2f: {  	[tilespmem:s24], [sflag:$0x1] =	stream.indirect_vreg.gather [hbm4b:s4+s22], $0x80, v6, vm0, $0xb8;
	[tilespmem:$0x12700] =	vst v63  }
0x30: {  	v6 =	vld [tilespmem:s23+$0x10];
	_ =	sdelay $0x4  }
0x31: {  	v7 =	vshll.u32 v6, $0x1  }
0x32: {  	v6 =	vand.u32 $0x7, v6;
	v7 =	vand.u32 $0xFFFFFFF0, v7  }
0x33: {  	v6 =	vor.u32 v6, v7  }
0x34: {  	v7 =	vperm.xlane v6, v0;
	_ =	sdelay $0x1  }
0x35: {  	v6 =	vperm.xlane v6, v2;
	v7 =	vadd.s32 v1, v7;
	_ =	sdelay $0x1  }
0x36: {  	v6 =	vadd.s32 v1, v6;
	_ =	sdelay $0x1  }
0x37: {  	s30 =	simm.s32 $0x2900  }
0x38: {  	[tilespmem:s30], [sflag:$0x1] =	stream.indirect_vreg.gather [hbm4b:s4+s22], $0x80, v7, vm0, $0xb8;
	[tilespmem:$0x12700] =	vst v63  }
0x39: {  	s31 =	simm.s32 $0x3100  }
0x3a: {  	[tilespmem:s31], [sflag:$0x1] =	stream.indirect_vreg.gather [hbm4b:s4+s22], $0x80, v6, vm0, $0xb8;
	[tilespmem:$0x12700] =	vst v63  }
0x3b: {  	v6 =	vld [tilespmem:s23+$0x20];
	_ =	sdelay $0x4  }
0x3c: {  	v7 =	vshll.u32 v6, $0x1  }
0x3d: {  	v6 =	vand.u32 $0x7, v6;
	v7 =	vand.u32 $0xFFFFFFF0, v7  }
0x3e: {  	v6 =	vor.u32 v6, v7  }
0x3f: {  	v7 =	vperm.xlane v6, v0;
	_ =	sdelay $0x1  }
0x40: {  	v6 =	vperm.xlane v6, v2;
	v7 =	vadd.s32 v1, v7;
	_ =	sdelay $0x1  }
0x41: {  	v6 =	vadd.s32 v1, v6;
	_ =	sdelay $0x1  }
0x42: {  	s25 =	simm.s32 $0x3900  }
0x43: {  	[tilespmem:s25], [sflag:$0x1] =	stream.indirect_vreg.gather [hbm4b:s4+s22], $0x80, v7, vm0, $0xb8;
	[tilespmem:$0x12700] =	vst v63  }
0x44: {  	s26 =	simm.s32 $0x4100  }
0x45: {  	[tilespmem:s26], [sflag:$0x1] =	stream.indirect_vreg.gather [hbm4b:s4+s22], $0x80, v6, vm0, $0xb8;
	[tilespmem:$0x12700] =	vst v63  }
0x46: {  	v6 =	vld [tilespmem:s23+$0x30];
	_ =	sdelay $0x4  }
0x47: {  	v7 =	vshll.u32 v6, $0x1  }
0x48: {  	v6 =	vand.u32 $0x7, v6;
	v7 =	vand.u32 $0xFFFFFFF0, v7  }
0x49: {  	v6 =	vor.u32 v6, v7  }
0x4a: {  	v7 =	vperm.xlane v6, v0;
	_ =	sdelay $0x1  }
0x4b: {  	v6 =	vperm.xlane v6, v2;
	v7 =	vadd.s32 v1, v7;
	_ =	sdelay $0x1  }
0x4c: {  	v6 =	vadd.s32 v1, v6;
	_ =	sdelay $0x1  }
0x4d: {  	s28 =	simm.s32 $0x4900  }
0x4e: {  	[tilespmem:s28], [sflag:$0x1] =	stream.indirect_vreg.gather [hbm4b:s4+s22], $0x80, v7, vm0, $0xb8;
	[tilespmem:$0x12700] =	vst v63  }
0x4f: {  	s29 =	simm.s32 $0x5100  }
0x50: {  	[tilespmem:s29], [sflag:$0x1] =	stream.indirect_vreg.gather [hbm4b:s4+s22], $0x80, v6, vm0, $0xb8;
	[tilespmem:$0x12700] =	vst v63  }
0x51: {  	v6 =	vld [tilespmem:s23+$0x40];
	_ =	sdelay $0x4  }
0x52: {  	v7 =	vshll.u32 v6, $0x1  }
0x53: {  	v6 =	vand.u32 $0x7, v6;
	v7 =	vand.u32 $0xFFFFFFF0, v7  }
0x54: {  	v6 =	vor.u32 v6, v7  }
0x55: {  	v7 =	vperm.xlane v6, v0;
	_ =	sdelay $0x1  }
0x56: {  	v6 =	vperm.xlane v6, v2;
	v7 =	vadd.s32 v1, v7;
	_ =	sdelay $0x1  }
0x57: {  	v6 =	vadd.s32 v1, v6;
	_ =	sdelay $0x1  }
0x58: {  	s30 =	simm.s32 $0x5900  }
0x59: {  	[tilespmem:s30], [sflag:$0x1] =	stream.indirect_vreg.gather [hbm4b:s4+s22], $0x80, v7, vm0, $0xb8;
	[tilespmem:$0x12700] =	vst v63  }
0x5a: {  	s31 =	simm.s32 $0x6100  }
0x5b: {  	[tilespmem:s31], [sflag:$0x1] =	stream.indirect_vreg.gather [hbm4b:s4+s22], $0x80, v6, vm0, $0xb8;
	[tilespmem:$0x12700] =	vst v63  }
0x5c: {  	v6 =	vld [tilespmem:s23+$0x50];
	_ =	sdelay $0x4  }
0x5d: {  	v7 =	vshll.u32 v6, $0x1  }
0x5e: {  	v6 =	vand.u32 $0x7, v6;
	v7 =	vand.u32 $0xFFFFFFF0, v7  }
0x5f: {  	v6 =	vor.u32 v6, v7  }
0x60: {  	v7 =	vperm.xlane v6, v0;
	_ =	sdelay $0x1  }
0x61: {  	v6 =	vperm.xlane v6, v2;
	v7 =	vadd.s32 v1, v7;
	_ =	sdelay $0x1  }
0x62: {  	v6 =	vadd.s32 v1, v6;
	_ =	sdelay $0x1  }
0x63: {  	s25 =	simm.s32 $0x6900  }
0x64: {  	[tilespmem:s25], [sflag:$0x1] =	stream.indirect_vreg.gather [hbm4b:s4+s22], $0x80, v7, vm0, $0xb8;
	[tilespmem:$0x12700] =	vst v63  }
0x65: {  	s26 =	simm.s32 $0x7100  }
0x66: {  	[tilespmem:s26], [sflag:$0x1] =	stream.indirect_vreg.gather [hbm4b:s4+s22], $0x80, v6, vm0, $0xb8;
	[tilespmem:$0x12700] =	vst v63  }
0x67: {  	v6 =	vld [tilespmem:s23+$0x60];
	_ =	sdelay $0x4  }
0x68: {  	v7 =	vshll.u32 v6, $0x1  }
0x69: {  	v6 =	vand.u32 $0x7, v6;
	v7 =	vand.u32 $0xFFFFFFF0, v7  }
0x6a: {  	v6 =	vor.u32 v6, v7  }
0x6b: {  	v7 =	vperm.xlane v6, v0;
	_ =	sdelay $0x1  }
0x6c: {  	v6 =	vperm.xlane v6, v2;
	v7 =	vadd.s32 v1, v7;
	_ =	sdelay $0x1  }
0x6d: {  	v6 =	vadd.s32 v1, v6;
	_ =	sdelay $0x1  }
0x6e: {  	s28 =	simm.s32 $0x7900  }
0x6f: {  	[tilespmem:s28], [sflag:$0x1] =	stream.indirect_vreg.gather [hbm4b:s4+s22], $0x80, v7, vm0, $0xb8;
	[tilespmem:$0x12700] =	vst v63  }
0x70: {  	s29 =	simm.s32 $0x8100  }
0x71: {  	[tilespmem:s29], [sflag:$0x1] =	stream.indirect_vreg.gather [hbm4b:s4+s22], $0x80, v6, vm0, $0xb8;
	[tilespmem:$0x12700] =	vst v63  }
0x72: {  	v6 =	vld [tilespmem:s23+$0x70];
	_ =	sdelay $0x4  }
0x73: {  	v7 =	vshll.u32 v6, $0x1  }
0x74: {  	v6 =	vand.u32 $0x7, v6;
	v7 =	vand.u32 $0xFFFFFFF0, v7  }
0x75: {  	v6 =	vor.u32 v6, v7  }
0x76: {  	v7 =	vperm.xlane v6, v0;
	_ =	sdelay $0x1  }
0x77: {  	v6 =	vperm.xlane v6, v2;
	v7 =	vadd.s32 v1, v7;
	_ =	sdelay $0x1  }
0x78: {  	v6 =	vadd.s32 v1, v6;
	_ =	sdelay $0x1  }
0x79: {  	s30 =	simm.s32 $0x8900  }
0x7a: {  	[tilespmem:s30], [sflag:$0x1] =	stream.indirect_vreg.gather [hbm4b:s4+s22], $0x80, v7, vm0, $0xb8;
	[tilespmem:$0x12700] =	vst v63  }
0x7b: {  	s31 =	simm.s32 $0x9100  }
0x7c: {  	[tilespmem:s31], [sflag:$0x1] =	stream.indirect_vreg.gather [hbm4b:s4+s22], $0x80, v6, vm0, $0xb8;
	[tilespmem:$0x12700] =	vst v63  }
0x7d: {  	v6 =	vld [tilespmem:s23+$0xC80];
	_ =	sdelay $0x4  }
0x7e: {  	v7 =	vshll.u32 v6, $0x1  }
0x7f: {  	v6 =	vand.u32 $0x7, v6;
	v7 =	vand.u32 $0xFFFFFFF0, v7  }
0x80: {  	v6 =	vor.u32 v6, v7  }
0x81: {  	v7 =	vperm.xlane v6, v0;
	_ =	sdelay $0x1  }
0x82: {  	v6 =	vperm.xlane v6, v2;
	v7 =	vadd.s32 v1, v7;
	_ =	sdelay $0x1  }
0x83: {  	v6 =	vadd.s32 v1, v6;
	_ =	sdelay $0x2  }
0x84: {  	[tilespmem:s0], [sflag:$0x2] =	stream.indirect_vreg.gather [hbm4b:s5+s22], $0x80, v7, vm0, $0xb8;
	[tilespmem:$0x12700] =	vst v63  }
0x85: {  	_ = 	snop  }
0x86: {  	[tilespmem:s1], [sflag:$0x2] =	stream.indirect_vreg.gather [hbm4b:s5+s22], $0x80, v6, vm0, $0xb8;
	[tilespmem:$0x12700] =	vst v63  }
0x87: {  	v6 =	vld [tilespmem:s23+$0xC90];
	_ =	sdelay $0x4  }
0x88: {  	v7 =	vshll.u32 v6, $0x1  }
0x89: {  	v6 =	vand.u32 $0x7, v6;
	v7 =	vand.u32 $0xFFFFFFF0, v7  }
0x8a: {  	v6 =	vor.u32 v6, v7  }
0x8b: {  	v7 =	vperm.xlane v6, v0;
	_ =	sdelay $0x1  }
0x8c: {  	v6 =	vperm.xlane v6, v2;
	v7 =	vadd.s32 v1, v7;
	_ =	sdelay $0x1  }
0x8d: {  	v6 =	vadd.s32 v1, v6;
	_ =	sdelay $0x2  }
0x8e: {  	[tilespmem:s2], [sflag:$0x2] =	stream.indirect_vreg.gather [hbm4b:s5+s22], $0x80, v7, vm0, $0xb8;
	[tilespmem:$0x12700] =	vst v63  }
0x8f: {  	_ = 	snop  }
0x90: {  	[tilespmem:s11], [sflag:$0x2] =	stream.indirect_vreg.gather [hbm4b:s5+s22], $0x80, v6, vm0, $0xb8;
	[tilespmem:$0x12700] =	vst v63  }
0x91: {  	v6 =	vld [tilespmem:s23+$0xCA0];
	_ =	sdelay $0x4  }
0x92: {  	v7 =	vshll.u32 v6, $0x1  }
0x93: {  	v6 =	vand.u32 $0x7, v6;
	v7 =	vand.u32 $0xFFFFFFF0, v7  }
0x94: {  	v6 =	vor.u32 v6, v7  }
0x95: {  	v7 =	vperm.xlane v6, v0;
	_ =	sdelay $0x1  }
0x96: {  	v6 =	vperm.xlane v6, v2;
	v7 =	vadd.s32 v1, v7;
	_ =	sdelay $0x1  }
0x97: {  	v6 =	vadd.s32 v1, v6;
	_ =	sdelay $0x2  }
0x98: {  	[tilespmem:s13], [sflag:$0x2] =	stream.indirect_vreg.gather [hbm4b:s5+s22], $0x80, v7, vm0, $0xb8;
	[tilespmem:$0x12700] =	vst v63  }
0x99: {  	_ = 	snop  }
0x9a: {  	[tilespmem:s14], [sflag:$0x2] =	stream.indirect_vreg.gather [hbm4b:s5+s22], $0x80, v6, vm0, $0xb8;
	[tilespmem:$0x12700] =	vst v63  }
0x9b: {  	v6 =	vld [tilespmem:s23+$0xCB0];
	_ =	sdelay $0x4  }
0x9c: {  	v7 =	vshll.u32 v6, $0x1  }
0x9d: {  	v6 =	vand.u32 $0x7, v6;
	v7 =	vand.u32 $0xFFFFFFF0, v7  }
0x9e: {  	v6 =	vor.u32 v6, v7  }
0x9f: {  	v7 =	vperm.xlane v6, v0;
	_ =	sdelay $0x1  }
0xa0: {  	v6 =	vperm.xlane v6, v2;
	v7 =	vadd.s32 v1, v7;
	_ =	sdelay $0x1  }
0xa1: {  	v6 =	vadd.s32 v1, v6;
	_ =	sdelay $0x2  }
0xa2: {  	[tilespmem:s6], [sflag:$0x2] =	stream.indirect_vreg.gather [hbm4b:s5+s22], $0x80, v7, vm0, $0xb8;
	[tilespmem:$0x12700] =	vst v63  }
0xa3: {  	_ = 	snop  }
0xa4: {  	[tilespmem:s7], [sflag:$0x2] =	stream.indirect_vreg.gather [hbm4b:s5+s22], $0x80, v6, vm0, $0xb8;
	[tilespmem:$0x12700] =	vst v63  }
0xa5: {  	v6 =	vld [tilespmem:s23+$0xCC0];
	_ =	sdelay $0x4  }
0xa6: {  	v7 =	vshll.u32 v6, $0x1  }
0xa7: {  	v6 =	vand.u32 $0x7, v6;
	v7 =	vand.u32 $0xFFFFFFF0, v7  }
0xa8: {  	v6 =	vor.u32 v6, v7  }
0xa9: {  	v7 =	vperm.xlane v6, v0;
	_ =	sdelay $0x1  }
0xaa: {  	v6 =	vperm.xlane v6, v2;
	v7 =	vadd.s32 v1, v7;
	_ =	sdelay $0x1  }
0xab: {  	v6 =	vadd.s32 v1, v6;
	_ =	sdelay $0x2  }
0xac: {  	[tilespmem:s8], [sflag:$0x2] =	stream.indirect_vreg.gather [hbm4b:s5+s22], $0x80, v7, vm0, $0xb8;
	[tilespmem:$0x12700] =	vst v63  }
0xad: {  	_ = 	snop  }
0xae: {  	[tilespmem:s9], [sflag:$0x2] =	stream.indirect_vreg.gather [hbm4b:s5+s22], $0x80, v6, vm0, $0xb8;
	[tilespmem:$0x12700] =	vst v63  }
0xaf: {  	v6 =	vld [tilespmem:s23+$0xCD0];
	_ =	sdelay $0x4  }
0xb0: {  	v7 =	vshll.u32 v6, $0x1  }
0xb1: {  	v6 =	vand.u32 $0x7, v6;
	v7 =	vand.u32 $0xFFFFFFF0, v7  }
0xb2: {  	v6 =	vor.u32 v6, v7  }
0xb3: {  	v7 =	vperm.xlane v6, v0;
	_ =	sdelay $0x1  }
0xb4: {  	v6 =	vperm.xlane v6, v2;
	v7 =	vadd.s32 v1, v7;
	_ =	sdelay $0x1  }
0xb5: {  	v6 =	vadd.s32 v1, v6;
	_ =	sdelay $0x2  }
0xb6: {  	[tilespmem:s10], [sflag:$0x2] =	stream.indirect_vreg.gather [hbm4b:s5+s22], $0x80, v7, vm0, $0xb8;
	[tilespmem:$0x12700] =	vst v63  }
0xb7: {  	_ = 	snop  }
0xb8: {  	[tilespmem:s3], [sflag:$0x2] =	stream.indirect_vreg.gather [hbm4b:s5+s22], $0x80, v6, vm0, $0xb8;
	[tilespmem:$0x12700] =	vst v63  }
0xb9: {  	v6 =	vld [tilespmem:s23+$0xCE0];
	_ =	sdelay $0x4  }
0xba: {  	v7 =	vshll.u32 v6, $0x1  }
0xbb: {  	v6 =	vand.u32 $0x7, v6;
	v7 =	vand.u32 $0xFFFFFFF0, v7  }
0xbc: {  	v6 =	vor.u32 v6, v7  }
0xbd: {  	v7 =	vperm.xlane v6, v0;
	_ =	sdelay $0x1  }
0xbe: {  	v6 =	vperm.xlane v6, v2;
	v7 =	vadd.s32 v1, v7;
	_ =	sdelay $0x1  }
0xbf: {  	v6 =	vadd.s32 v1, v6;
	_ =	sdelay $0x2  }
0xc0: {  	[tilespmem:s12], [sflag:$0x2] =	stream.indirect_vreg.gather [hbm4b:s5+s22], $0x80, v7, vm0, $0xb8;
	[tilespmem:$0x12700] =	vst v63  }
0xc1: {  	_ = 	snop  }
0xc2: {  	[tilespmem:s16], [sflag:$0x2] =	stream.indirect_vreg.gather [hbm4b:s5+s22], $0x80, v6, vm0, $0xb8;
	[tilespmem:$0x12700] =	vst v63  }
0xc3: {  	v6 =	vld [tilespmem:s23+$0xCF0];
	_ =	sdelay $0x4  }
0xc4: {  	v7 =	vshll.u32 v6, $0x1  }
0xc5: {  	v6 =	vand.u32 $0x7, v6;
	v7 =	vand.u32 $0xFFFFFFF0, v7  }
0xc6: {  	v6 =	vor.u32 v6, v7  }
0xc7: {  	v7 =	vperm.xlane v6, v0;
	_ =	sdelay $0x1  }
0xc8: {  	v6 =	vperm.xlane v6, v2;
	v7 =	vadd.s32 v1, v7;
	_ =	sdelay $0x1  }
0xc9: {  	v6 =	vadd.s32 v1, v6;
	_ =	sdelay $0x2  }
0xca: {  	[tilespmem:s17], [sflag:$0x2] =	stream.indirect_vreg.gather [hbm4b:s5+s22], $0x80, v7, vm0, $0xb8;
	[tilespmem:$0x12700] =	vst v63  }
0xcb: {  	_ = 	snop  }
0xcc: {  	[tilespmem:s18], [sflag:$0x2] =	stream.indirect_vreg.gather [hbm4b:s5+s22], $0x80, v6, vm0, $0xb8;
	[tilespmem:$0x12700] =	vst v63  }
0xcd: {  	_ =	swait.ge [sflag:s19], $0x8000  }
0xce: {  	[sflag:s19] =	ssyncset.done $0x0  }
0xcf: {  	[sflag:s19] =	ssyncadd.s32 $0xFFFF8000  }
0xd0: {  	s23 =	sand.u32 $0x3FFFFF80, s23;
	_ =	swait.ge [sflag:s20], $0x8000  }
0xd1: {  	s23 =	sadd.s32 $0x11A80, s23;
	[sflag:s20] =	ssyncset.done $0x0  }
0xd2: {  	v6 =	vmov s23;
	[sflag:s20] =	ssyncadd.s32 $0xFFFF8000  }
.LBB2_3:
0xd3: {  	s23 =	sshll.u32 s22, $0x4;
	s24 =	simm.s32 $0xF  }
0xd4: {  	v9 =	vimm.f32 $0.0e+00;
	s29 =	simm.s32 $0xE;
	s30 =	simm.s32 $0xD;
	s25 =	simm.s32 $0xB;
	v7 =	vmov s23;
	v8 =	vmov s24  }
0xd5: {  	s26 =	simm.s32 $0xC;
	s31 =	simm.s32 $0xA;
	s28 =	simm.s32 $0x9;
	v11 =	vmov s29;
	v12 =	vmov s30;
	v13 =	vmov s25  }
0xd6: {  	v14 =	vmov s26;
	v15 =	vmov s31;
	v18 =	vmov s28  }
0xd7: {  	s26 =	simm.s32 $0x7;
	s30 =	simm.s32 $0x8;
	s31 =	simm.s32 $0x5;
	v7 =	vshll.u32 v7, $0x8;
	v10 =	vand.u32 $0x7F, v8;
	v8 =	vshll.u32 v8, $0x3  }
0xd8: {  	s29 =	simm.s32 $0x6;
	s25 =	simm.s32 $0x2;
	s28 =	simm.s32 $0x4;
	v16 =	vmov s26;
	v17 =	vmov s30;
	v19 =	vmov s31  }
0xd9: {  	v20 =	vmov s29;
	v21 =	vmov s25;
	v23 =	vmov s28  }
0xda: {  	v26 =	vand.u32 $0x7D, v12;
	v27 =	vand.u32 $0x7E, v11;
	v11 =	vshll.u32 v11, $0x3  }
0xdb: {  	v28 =	vand.u32 $0x7C, v14;
	v14 =	vshll.u32 v14, $0x3;
	v12 =	vshll.u32 v12, $0x3  }
0xdc: {  	v29 =	vand.u32 $0x7A, v15;
	v30 =	vand.u32 $0x7B, v13;
	v13 =	vshll.u32 v13, $0x3  }
0xdd: {  	s26 =	simm.s32 $0x3;
	s30 =	simm.s32 $0x0;
	v31 =	vand.u32 $0x79, v18;
	v18 =	vshll.u32 v18, $0x3;
	v15 =	vshll.u32 v15, $0x3  }
0xde: {  	s31 =	simm.s32 $0x1;
	v7 =	vor.u32 v3, v7;
	v22 =	vmov s26;
	v24 =	vmov s30  }
0xdf: {  	v25 =	vmov s31;
	v8 =	vand.u32 $0x400, v8;
	v32 =	vand.u32 $0x77, v16  }
0xe0: {  	v33 =	vand.u32 $0x78, v17;
	v17 =	vshll.u32 v17, $0x3;
	v34 =	vand.u32 $0x76, v20  }
0xe1: {  	v20 =	vshll.u32 v20, $0x3;
	v16 =	vshll.u32 v16, $0x3;
	v36 =	vand.u32 $0x75, v19  }
0xe2: {  	v19 =	vshll.u32 v19, $0x3;
	v37 =	vand.u32 $0x74, v23;
	v23 =	vshll.u32 v23, $0x3  }
0xe3: {  	v58 =	vshll.u32 v21, $0x3;
	v21 =	vand.u32 $0x72, v21;
	v7 =	vand.u32 $0x7800, v7  }
0xe4: {  	v35 =	vshll.u32 v24, $0x3;
	v24 =	vand.u32 $0x70, v24;
	v23 =	vand.u32 $0x400, v23  }
0xe5: {  	v7 =	vor.u32 v4, v7;
	v35 =	vand.u32 $0x400, v35;
	v23 =	vor.u32 v23, v37  }
0xe6: {  	v57 =	vshll.u32 v25, $0x3;
	v24 =	vor.u32 v35, v24;
	v23 =	vor.u32 v7, v23  }
0xe7: {  	v25 =	vand.u32 $0x71, v25;
	v35 =	vand.u32 $0x400, v57;
	v24 =	vor.u32 v7, v24  }
0xe8: {  	v11 =	vand.u32 $0x400, v11;
	v14 =	vand.u32 $0x400, v14;
	v25 =	vor.u32 v35, v25  }
0xe9: {  	s24 =	simm.s32 $0x11900;
	v38 =	vand.u32 $0x73, v22;
	v35 =	vand.u32 $0x400, v58;
	v25 =	vor.u32 v7, v25  }
0xea: {  	v22 =	vshll.u32 v22, $0x3;
	v10 =	vor.u32 v8, v10;
	v8 =	vld [tilespmem:s24+$0x0];
	v21 =	vor.u32 v35, v21  }
0xeb: {  	v14 =	vor.u32 v14, v28;
	v22 =	vand.u32 $0x400, v22;
	v21 =	vor.u32 v7, v21;
	v28 =	vld.idx.msk [tilespmem:v23+s15+$0x0], $0xffff  }
0xec: {  	v12 =	vand.u32 $0x400, v12;
	v13 =	vand.u32 $0x400, v13;
	v22 =	vor.u32 v22, v38;
	v59 =	vld.idx.msk [tilespmem:v24+s15+$0x0], $0xffff  }
0xed: {  	s25 =	simm.s32 $0x17;
	v18 =	vand.u32 $0x400, v18;
	v15 =	vand.u32 $0x400, v15;
	v22 =	vor.u32 v7, v22;
	v24 =	vld.idx.msk [tilespmem:v24+s0+$0x0], $0xffff  }
0xee: {  	v62 =	vmov s25;
	v19 =	vand.u32 $0x400, v19;
	v17 =	vand.u32 $0x400, v17;
	v60 =	vld.idx.msk [tilespmem:v25+s15+$0x0], $0xffff  }
0xef: {  	v20 =	vand.u32 $0x400, v20;
	v16 =	vand.u32 $0x400, v16;
	v19 =	vor.u32 v19, v36;
	v25 =	vld.idx.msk [tilespmem:v25+s0+$0x0], $0xffff  }
0xf0: {  	v12 =	vor.u32 v12, v26;
	v11 =	vor.u32 v11, v27;
	v19 =	vor.u32 v7, v19;
	v61 =	vld.idx.msk [tilespmem:v21+s15+$0x0], $0xffff  }
0xf1: {  	v13 =	vor.u32 v13, v30;
	v15 =	vor.u32 v15, v29;
	v20 =	vor.u32 v20, v34;
	v21 =	vld.idx.msk [tilespmem:v21+s0+$0x0], $0xffff  }
0xf2: {  	v18 =	vor.u32 v18, v31;
	v20 =	vor.u32 v7, v20;
	v26 =	vld.idx.msk [tilespmem:v22+s15+$0x0], $0xffff;
	v24 =	vadd.f32 v24, v59  }
0xf3: {  	v16 =	vor.u32 v16, v32;
	v17 =	vor.u32 v17, v33;
	v27 =	vbroadcast v8, $0x0;
	v22 =	vld.idx.msk [tilespmem:v22+s0+$0x0], $0xffff  }
0xf4: {  	s28 =	simm.s32 $0x10;
	v16 =	vor.u32 v7, v16;
	v23 =	vld.idx.msk [tilespmem:v23+s0+$0x0], $0xffff;
	v25 =	vadd.f32 v25, v60;
	v24 =	vmax.f32 v24, $0.0e+00  }
0xf5: {  	v34 =	vmov s28;
	v29 =	vld.idx.msk [tilespmem:v19+s15+$0x0], $0xffff;
	v24 =	vmul.f32 v24, v27;
	v27 =	vbroadcast v8, $0x1  }
0xf6: {  	v17 =	vor.u32 v7, v17;
	v19 =	vld.idx.msk [tilespmem:v19+s0+$0x0], $0xffff;
	v21 =	vadd.f32 v21, v61;
	v25 =	vmax.f32 v25, $0.0e+00  }
0xf7: {  	v9 =	vadd.f32 v24, v9;
	v24 =	vmul.f32 v25, v27;
	v25 =	vbroadcast v8, $0x2;
	v27 =	vld.idx.msk [tilespmem:v20+s15+$0x0], $0xffff  }
0xf8: {  	v18 =	vor.u32 v7, v18;
	v22 =	vadd.f32 v22, v26;
	v21 =	vmax.f32 v21, $0.0e+00;
	v20 =	vld.idx.msk [tilespmem:v20+s0+$0x0], $0xffff  }
0xf9: {  	v9 =	vadd.f32 v24, v9;
	v21 =	vmul.f32 v21, v25;
	v24 =	vbroadcast v8, $0x3;
	v25 =	vld.idx.msk [tilespmem:v16+s15+$0x0], $0xffff  }
0xfa: {  	v15 =	vor.u32 v7, v15;
	v23 =	vadd.f32 v23, v28;
	v22 =	vmax.f32 v22, $0.0e+00;
	v16 =	vld.idx.msk [tilespmem:v16+s0+$0x0], $0xffff  }
0xfb: {  	v9 =	vadd.f32 v21, v9;
	v21 =	vmul.f32 v22, v24;
	v22 =	vbroadcast v8, $0x4;
	v24 =	vld.idx.msk [tilespmem:v17+s15+$0x0], $0xffff  }
0xfc: {  	v13 =	vor.u32 v7, v13;
	v19 =	vadd.f32 v19, v29;
	v23 =	vmax.f32 v23, $0.0e+00;
	v17 =	vld.idx.msk [tilespmem:v17+s0+$0x0], $0xffff  }
0xfd: {  	v9 =	vadd.f32 v21, v9;
	v21 =	vmul.f32 v23, v22;
	v22 =	vbroadcast v8, $0x5;
	v23 =	vld.idx.msk [tilespmem:v18+s15+$0x0], $0xffff  }
0xfe: {  	v14 =	vor.u32 v7, v14;
	v19 =	vmax.f32 v19, $0.0e+00;
	v20 =	vadd.f32 v20, v27;
	v18 =	vld.idx.msk [tilespmem:v18+s0+$0x0], $0xffff  }
0xff: {  	v9 =	vadd.f32 v21, v9;
	v19 =	vmul.f32 v19, v22;
	v21 =	vbroadcast v8, $0x6;
	v22 =	vld.idx.msk [tilespmem:v15+s15+$0x0], $0xffff  }
0x100: {  	v12 =	vor.u32 v7, v12;
	v20 =	vmax.f32 v20, $0.0e+00;
	v16 =	vadd.f32 v16, v25;
	v15 =	vld.idx.msk [tilespmem:v15+s0+$0x0], $0xffff  }
0x101: {  	v9 =	vadd.f32 v19, v9;
	v19 =	vmul.f32 v20, v21;
	v20 =	vbroadcast v8, $0x7;
	v21 =	vld.idx.msk [tilespmem:v13+s15+$0x0], $0xffff  }
0x102: {  	v10 =	vor.u32 v7, v10;
	v16 =	vmax.f32 v16, $0.0e+00;
	v17 =	vadd.f32 v17, v24;
	v13 =	vld.idx.msk [tilespmem:v13+s0+$0x0], $0xffff  }
0x103: {  	v9 =	vadd.f32 v19, v9;
	v16 =	vmul.f32 v16, v20;
	v19 =	vbroadcast v8, $0x8;
	v20 =	vld.idx.msk [tilespmem:v14+s15+$0x0], $0xffff  }
0x104: {  	v11 =	vor.u32 v7, v11;
	v17 =	vmax.f32 v17, $0.0e+00;
	v18 =	vadd.f32 v18, v23;
	v14 =	vld.idx.msk [tilespmem:v14+s0+$0x0], $0xffff  }
0x105: {  	s25 =	simm.s32 $0x12;
	v15 =	vadd.f32 v15, v22;
	v9 =	vadd.f32 v16, v9;
	v16 =	vmul.f32 v17, v19;
	v19 =	vld.idx.msk [tilespmem:v12+s15+$0x0], $0xffff  }
0x106: {  	s29 =	simm.s32 $0x1F;
	v29 =	vmov s25;
	v18 =	vmax.f32 v18, $0.0e+00;
	v17 =	vbroadcast v8, $0x9;
	v12 =	vld.idx.msk [tilespmem:v12+s0+$0x0], $0xffff  }
0x107: {  	v22 =	vmov s29;
	v15 =	vmax.f32 v15, $0.0e+00;
	v13 =	vadd.f32 v13, v21;
	v21 =	vld.idx.msk [tilespmem:v10+s15+$0x0], $0xffff  }
0x108: {  	s26 =	simm.s32 $0x1B;
	v10 =	vld.idx.msk [tilespmem:v10+s0+$0x0], $0xffff;
	v9 =	vadd.f32 v16, v9;
	v16 =	vmul.f32 v18, v17;
	v17 =	vbroadcast v8, $0xA  }
0x109: {  	v18 =	vld.idx.msk [tilespmem:v11+s15+$0x0], $0xffff;
	v13 =	vmax.f32 v13, $0.0e+00;
	v14 =	vadd.f32 v14, v20;
	v20 =	vmov s26  }
0x10a: {  	v11 =	vld.idx.msk [tilespmem:v11+s0+$0x0], $0xffff;
	v16 =	vadd.f32 v16, v9;
	v15 =	vmul.f32 v15, v17;
	v17 =	vbroadcast v8, $0xB  }
0x10b: {  	s30 =	simm.s32 $0x1E;
	v9 =	vand.u32 $0x7F, v22;
	v25 =	vshll.u32 v20, $0x3;
	v14 =	vmax.f32 v14, $0.0e+00  }
0x10c: {  	v12 =	vadd.f32 v12, v19;
	v19 =	vmov s30;
	v15 =	vadd.f32 v15, v16  }
0x10d: {  	s26 =	simm.s32 $0x18;
	s30 =	simm.s32 $0x1A;
	v13 =	vmul.f32 v13, v17;
	v16 =	vbroadcast v8, $0xC;
	v17 =	vshll.u32 v22, $0x3  }
0x10e: {  	v10 =	vadd.f32 v10, v21;
	v21 =	vmov s30;
	v22 =	vmov s26  }
0x10f: {  	s31 =	simm.s32 $0x1D;
	s30 =	simm.s32 $0x16;
	v28 =	vshll.u32 v19, $0x3;
	v12 =	vmax.f32 v12, $0.0e+00;
	v11 =	vadd.f32 v11, v18  }
0x110: {  	v18 =	vmov s31;
	v63 =	vmov s30;
	v30 =	vand.u32 $0x400, v17  }
0x111: {  	v24 =	vshll.u32 v21, $0x3;
	v17 =	vand.u32 $0x77, v62;
	v13 =	vadd.f32 v13, v15  }
0x112: {  	s31 =	simm.s32 $0x15;
	v14 =	vmul.f32 v14, v16;
	v15 =	vbroadcast v8, $0xD;
	v10 =	vmax.f32 v10, $0.0e+00  }
0x113: {  	v31 =	vmov s31;
	s31 =	simm.s32 $0x11;
	v16 =	vand.u32 $0x7E, v19;
	v27 =	vshll.u32 v18, $0x3  }
0x114: {  	v19 =	vand.u32 $0x76, v63;
	v11 =	vmax.f32 v11, $0.0e+00;
	v33 =	vmov s31  }
0x115: {  	v13 =	vadd.f32 v14, v13;
	v12 =	vmul.f32 v12, v15;
	v14 =	vbroadcast v8, $0xE  }
0x116: {  	v8 =	vbroadcast v8, $0xF;
	v15 =	vand.u32 $0x7D, v18;
	v18 =	vand.u32 $0x7B, v20  }
0x117: {  	s29 =	simm.s32 $0x1C;
	s26 =	simm.s32 $0x13;
	v20 =	vshll.u32 v63, $0x3;
	v12 =	vadd.f32 v12, v13;
	v11 =	vmul.f32 v11, v14  }
0x118: {  	v13 =	vmov s29;
	s29 =	simm.s32 $0x19;
	v8 =	vmul.f32 v10, v8;
	v10 =	vmov s26  }
0x119: {  	v23 =	vmov s29;
	v14 =	vand.u32 $0x7C, v13;
	v26 =	vshll.u32 v13, $0x3  }
0x11a: {  	s29 =	simm.s32 $0x14;
	v13 =	vand.u32 $0x7A, v21;
	v21 =	vshll.u32 v62, $0x3;
	v11 =	vadd.f32 v11, v12  }
0x11b: {  	v32 =	vmov s29;
	v12 =	vand.u32 $0x79, v23;
	v23 =	vshll.u32 v23, $0x3  }
0x11c: {  	s25 =	simm.s32 $0x2F;
	v8 =	vadd.f32 v8, v11;
	v11 =	vand.u32 $0x78, v22;
	v22 =	vshll.u32 v22, $0x3  }
.LBB2_4:
0x11d: {  	p0 =	sne.s32 s25, $0xFF;
	v35 =	vshll.u32 v34, $0x3;
	v36 =	vand.u32 $0x75, v31;
	v31 =	vshll.u32 v31, $0x3  }
0x11e: {  	v34 =	vand.u32 $0x70, v34;
	v37 =	vand.u32 $0x74, v32;
	v35 =	vand.u32 $0x400, v35  }
0x11f: {  	v32 =	vshll.u32 v32, $0x3;
	v34 =	vor.u32 v35, v34;
	v35 =	vshll.u32 v33, $0x3  }
0x120: {  	v33 =	vand.u32 $0x71, v33;
	v34 =	vor.u32 v7, v34;
	v35 =	vand.u32 $0x400, v35  }
0x121: {  	v38 =	vand.u32 $0x73, v10;
	v33 =	vor.u32 v35, v33;
	v35 =	vshll.u32 v29, $0x3  }
0x122: {  	v29 =	vand.u32 $0x72, v29;
	v33 =	vor.u32 v7, v33;
	v35 =	vand.u32 $0x400, v35  }
0x123: {  	v9 =	vor.u32 v30, v9;
	s24 =	sadd.s32 $0x10, s24;
	v29 =	vor.u32 v35, v29;
	v35 =	vshll.u32 v10, $0x3  }
0x124: {  	v28 =	vand.u32 $0x400, v28;
	v10 =	vld [tilespmem:s24+$0x0];
	v29 =	vor.u32 v7, v29;
	v30 =	vand.u32 $0x400, v35  }
0x125: {  	v26 =	vand.u32 $0x400, v26;
	v27 =	vand.u32 $0x400, v27;
	v35 =	vld.idx.msk [tilespmem:v34+s15+$0x0], $0xffff;
	v30 =	vor.u32 v30, v38  }
0x126: {  	v25 =	vand.u32 $0x400, v25;
	v32 =	vand.u32 $0x400, v32;
	v34 =	vld.idx.msk [tilespmem:v34+s0+$0x0], $0xffff;
	v30 =	vor.u32 v7, v30  }
0x127: {  	v23 =	vand.u32 $0x400, v23;
	v24 =	vand.u32 $0x400, v24;
	v32 =	vor.u32 v32, v37;
	v38 =	vld.idx.msk [tilespmem:v33+s15+$0x0], $0xffff  }
0x128: {  	v22 =	vand.u32 $0x400, v22;
	v31 =	vand.u32 $0x400, v31;
	v32 =	vor.u32 v7, v32;
	v33 =	vld.idx.msk [tilespmem:v33+s0+$0x0], $0xffff  }
0x129: {  	v20 =	vand.u32 $0x400, v20;
	v21 =	vand.u32 $0x400, v21;
	v31 =	vor.u32 v31, v36;
	v37 =	vld.idx.msk [tilespmem:v29+s15+$0x0], $0xffff  }
0x12a: {  	v15 =	vor.u32 v27, v15;
	v16 =	vor.u32 v28, v16;
	v31 =	vor.u32 v7, v31;
	v29 =	vld.idx.msk [tilespmem:v29+s0+$0x0], $0xffff  }
0x12b: {  	v19 =	vor.u32 v20, v19;
	v18 =	vor.u32 v25, v18;
	v14 =	vor.u32 v26, v14;
	v27 =	vld.idx.msk [tilespmem:v30+s15+$0x0], $0xffff  }
0x12c: {  	v13 =	vor.u32 v24, v13;
	v19 =	vor.u32 v7, v19;
	v20 =	vadd.f32 v34, v35;
	v25 =	vld.idx.msk [tilespmem:v30+s0+$0x0], $0xffff  }
0x12d: {  	v17 =	vor.u32 v21, v17;
	v12 =	vor.u32 v23, v12;
	v24 =	vbroadcast v10, $0x0;
	v26 =	vld.idx.msk [tilespmem:v32+s15+$0x0], $0xffff  }
0x12e: {  	v17 =	vor.u32 v7, v17;
	v20 =	vmax.f32 v20, $0.0e+00;
	v21 =	vadd.f32 v33, v38;
	v23 =	vld.idx.msk [tilespmem:v32+s0+$0x0], $0xffff  }
0x12f: {  	v11 =	vor.u32 v22, v11;
	v20 =	vmul.f32 v20, v24;
	v24 =	vbroadcast v10, $0x1;
	v28 =	vld.idx.msk [tilespmem:v31+s15+$0x0], $0xffff  }
0x130: {  	v11 =	vor.u32 v7, v11;
	v21 =	vmax.f32 v21, $0.0e+00;
	v22 =	vadd.f32 v29, v37;
	v29 =	vld.idx.msk [tilespmem:v31+s0+$0x0], $0xffff  }
0x131: {  	v8 =	vadd.f32 v20, v8;
	v20 =	vmul.f32 v21, v24;
	v21 =	vbroadcast v10, $0x2;
	v24 =	vld.idx.msk [tilespmem:v19+s15+$0x0], $0xffff  }
0x132: {  	v12 =	vor.u32 v7, v12;
	v22 =	vmax.f32 v22, $0.0e+00;
	v25 =	vadd.f32 v25, v27;
	v19 =	vld.idx.msk [tilespmem:v19+s0+$0x0], $0xffff  }
0x133: {  	v8 =	vadd.f32 v20, v8;
	v20 =	vmul.f32 v22, v21;
	v21 =	vbroadcast v10, $0x3;
	v22 =	vld.idx.msk [tilespmem:v17+s15+$0x0], $0xffff  }
0x134: {  	v13 =	vor.u32 v7, v13;
	v25 =	vmax.f32 v25, $0.0e+00;
	v23 =	vadd.f32 v23, v26;
	v17 =	vld.idx.msk [tilespmem:v17+s0+$0x0], $0xffff  }
0x135: {  	v8 =	vadd.f32 v20, v8;
	v20 =	vmul.f32 v25, v21;
	v21 =	vbroadcast v10, $0x4;
	v25 =	vld.idx.msk [tilespmem:v11+s15+$0x0], $0xffff  }
0x136: {  	v18 =	vor.u32 v7, v18;
	v23 =	vmax.f32 v23, $0.0e+00;
	v26 =	vadd.f32 v29, v28;
	v11 =	vld.idx.msk [tilespmem:v11+s0+$0x0], $0xffff  }
0x137: {  	v8 =	vadd.f32 v20, v8;
	v20 =	vmul.f32 v23, v21;
	v21 =	vbroadcast v10, $0x5;
	v23 =	vld.idx.msk [tilespmem:v12+s15+$0x0], $0xffff  }
0x138: {  	v14 =	vor.u32 v7, v14;
	v26 =	vmax.f32 v26, $0.0e+00;
	v19 =	vadd.f32 v19, v24;
	v12 =	vld.idx.msk [tilespmem:v12+s0+$0x0], $0xffff  }
0x139: {  	v8 =	vadd.f32 v20, v8;
	v20 =	vmul.f32 v26, v21;
	v21 =	vbroadcast v10, $0x6;
	v24 =	vld.idx.msk [tilespmem:v13+s15+$0x0], $0xffff  }
0x13a: {  	v15 =	vor.u32 v7, v15;
	v19 =	vmax.f32 v19, $0.0e+00;
	v17 =	vadd.f32 v17, v22;
	v13 =	vld.idx.msk [tilespmem:v13+s0+$0x0], $0xffff  }
0x13b: {  	v8 =	vadd.f32 v20, v8;
	v19 =	vmul.f32 v19, v21;
	v20 =	vbroadcast v10, $0x7;
	v21 =	vld.idx.msk [tilespmem:v18+s15+$0x0], $0xffff  }
0x13c: {  	v16 =	vor.u32 v7, v16;
	v17 =	vmax.f32 v17, $0.0e+00;
	v11 =	vadd.f32 v11, v25;
	v18 =	vld.idx.msk [tilespmem:v18+s0+$0x0], $0xffff  }
0x13d: {  	v8 =	vadd.f32 v19, v8;
	v17 =	vmul.f32 v17, v20;
	v19 =	vbroadcast v10, $0x8;
	v20 =	vld.idx.msk [tilespmem:v14+s15+$0x0], $0xffff  }
0x13e: {  	v22 =	vor.u32 v7, v9;
	v11 =	vmax.f32 v11, $0.0e+00;
	v12 =	vadd.f32 v12, v23;
	v14 =	vld.idx.msk [tilespmem:v14+s0+$0x0], $0xffff  }
0x13f: {  	v8 =	vadd.f32 v17, v8;
	v9 =	vmul.f32 v11, v19;
	v11 =	vbroadcast v10, $0x9;
	v17 =	vld.idx.msk [tilespmem:v15+s15+$0x0], $0xffff  }
0x140: {  	v12 =	vmax.f32 v12, $0.0e+00;
	v13 =	vadd.f32 v13, v24;
	v15 =	vld.idx.msk [tilespmem:v15+s0+$0x0], $0xffff  }
0x141: {  	v8 =	vadd.f32 v9, v8;
	v9 =	vmul.f32 v12, v11;
	v11 =	vbroadcast v10, $0xA;
	v12 =	vld.idx.msk [tilespmem:v16+s15+$0x0], $0xffff  }
0x142: {  	v19 =	vmov s25;
	v13 =	vmax.f32 v13, $0.0e+00;
	v18 =	vadd.f32 v18, v21;
	v16 =	vld.idx.msk [tilespmem:v16+s0+$0x0], $0xffff  }
0x143: {  	v8 =	vadd.f32 v9, v8;
	v11 =	vmul.f32 v13, v11;
	v13 =	vbroadcast v10, $0xB;
	v21 =	vld.idx.msk [tilespmem:v22+s15+$0x0], $0xffff  }
0x144: {  	v9 =	vand.u32 $0x7F, v19;
	v18 =	vmax.f32 v18, $0.0e+00;
	v14 =	vadd.f32 v14, v20;
	v20 =	vld.idx.msk [tilespmem:v22+s0+$0x0], $0xffff  }
0x145: {  	v8 =	vadd.f32 v11, v8;
	v11 =	vmul.f32 v18, v13;
	v13 =	vbroadcast v10, $0xC  }
0x146: {  	v18 =	vshll.u32 v19, $0x3;
	v14 =	vmax.f32 v14, $0.0e+00;
	v15 =	vadd.f32 v15, v17  }
0x147: {  	s26 =	sadd.s32 $0xFFFFFFFF, s25;
	v8 =	vadd.f32 v11, v8;
	v11 =	vmul.f32 v14, v13;
	v13 =	vbroadcast v10, $0xD  }
0x148: {  	v14 =	vmov s26;
	v15 =	vmax.f32 v15, $0.0e+00;
	v12 =	vadd.f32 v16, v12  }
0x149: {  	s26 =	sadd.s32 $0xFFFFFFFE, s25;
	v8 =	vadd.f32 v11, v8;
	v11 =	vmul.f32 v15, v13;
	v13 =	vbroadcast v10, $0xE  }
0x14a: {  	v17 =	vmov s26;
	v12 =	vmax.f32 v12, $0.0e+00;
	v15 =	vadd.f32 v20, v21  }
0x14b: {  	s28 =	sadd.s32 $0xFFFFFFFD, s25;
	s26 =	sadd.s32 $0xFFFFFFFC, s25;
	v10 =	vbroadcast v10, $0xF;
	v8 =	vadd.f32 v11, v8;
	v11 =	vmul.f32 v12, v13  }
0x14c: {  	s29 =	sadd.s32 $0xFFFFFFFB, s25;
	v12 =	vmov s26;
	v13 =	vmov s28;
	v15 =	vmax.f32 v15, $0.0e+00  }
0x14d: {  	s30 =	sadd.s32 $0xFFFFFFFA, s25;
	v19 =	vmov s29;
	s26 =	sadd.s32 $0xFFFFFFF8, s25;
	s28 =	sadd.s32 $0xFFFFFFF9, s25;
	v8 =	vadd.f32 v11, v8;
	v10 =	vmul.f32 v15, v10  }
0x14e: {  	s31 =	sadd.s32 $0xFFFFFFF7, s25;
	s29 =	sadd.s32 $0xFFFFFFF6, s25;
	v21 =	vmov s26;
	v20 =	vmov s28;
	v11 =	vmov s30  }
0x14f: {  	v35 =	vmov s31;
	v31 =	vmov s29;
	s26 =	sadd.s32 $0xFFFFFFF3, s25;
	s28 =	sadd.s32 $0xFFFFFFF4, s25;
	s30 =	sadd.s32 $0xFFFFFFF5, s25;
	v8 =	vadd.f32 v10, v8  }
0x150: {  	s31 =	sadd.s32 $0xFFFFFFF2, s25;
	s29 =	sadd.s32 $0xFFFFFFF1, s25;
	v29 =	vmov s26;
	v32 =	vmov s30;
	v10 =	vmov s28  }
0x151: {  	v33 =	vmov s31;
	v30 =	vand.u32 $0x400, v18;
	v34 =	vmov s29  }
0x152: {  	v16 =	vand.u32 $0x7E, v14;
	v28 =	vshll.u32 v14, $0x3;
	v15 =	vand.u32 $0x7D, v17  }
.Ltmp0:
0x153: {  	v27 =	vshll.u32 v17, $0x3;
	v14 =	vand.u32 $0x7C, v13;
	v26 =	vshll.u32 v13, $0x3;
	(pc) =	sbr.rel @p0 .LBB2_4-.Ltmp0, $4  }
0x154: {  	v13 =	vand.u32 $0x7A, v19;
	v18 =	vand.u32 $0x7B, v12;
	v25 =	vshll.u32 v12, $0x3  }
0x155: {  	v24 =	vshll.u32 v19, $0x3;
	v12 =	vand.u32 $0x79, v11;
	v23 =	vshll.u32 v11, $0x3  }
0x156: {  	v17 =	vand.u32 $0x77, v21;
	v22 =	vshll.u32 v20, $0x3;
	v11 =	vand.u32 $0x78, v20  }
0x157: {  	v19 =	vand.u32 $0x76, v35;
	v21 =	vshll.u32 v21, $0x3;
	s25 =	sadd.s32 $0x10, s25;
	v20 =	vshll.u32 v35, $0x3  }
0x158: {  	v35 =	vshll.u32 v34, $0x3;
	v36 =	vand.u32 $0x75, v31;
	v63 =	vshll.u32 v31, $0x3  }
0x159: {  	v40 =	vand.u32 $0x70, v34;
	v37 =	vand.u32 $0x74, v32;
	v41 =	vshll.u32 v33, $0x3  }
0x15a: {  	v42 =	vshll.u32 v32, $0x3;
	v43 =	vand.u32 $0x71, v33;
	v35 =	vand.u32 $0x400, v35  }
0x15b: {  	v44 =	vshll.u32 v29, $0x3;
	v38 =	vand.u32 $0x73, v10;
	v34 =	vor.u32 v35, v40  }
0x15c: {  	v45 =	vand.u32 $0x72, v29;
	v35 =	vand.u32 $0x400, v41;
	v34 =	vor.u32 v7, v34  }
0x15d: {  	v46 =	vshll.u32 v10, $0x3;
	v30 =	vor.u32 v30, v9;
	v33 =	vor.u32 v35, v43  }
0x15e: {  	v28 =	vand.u32 $0x400, v28;
	v35 =	vand.u32 $0x400, v44;
	v33 =	vor.u32 v7, v33  }
0x15f: {  	s24 =	sadd.s32 $0x10, s24;
	v26 =	vand.u32 $0x400, v26;
	v27 =	vand.u32 $0x400, v27;
	v29 =	vor.u32 v35, v45  }
0x160: {  	v25 =	vand.u32 $0x400, v25;
	v10 =	vand.u32 $0x400, v46;
	v9 =	vld [tilespmem:s24+$0x0];
	v29 =	vor.u32 v7, v29  }
0x161: {  	v23 =	vand.u32 $0x400, v23;
	v24 =	vand.u32 $0x400, v24;
	v10 =	vor.u32 v10, v38;
	v47 =	vld.idx.msk [tilespmem:v34+s15+$0x0], $0xffff  }
0x162: {  	v22 =	vand.u32 $0x400, v22;
	v32 =	vand.u32 $0x400, v42;
	v10 =	vor.u32 v7, v10;
	v34 =	vld.idx.msk [tilespmem:v34+s0+$0x0], $0xffff  }
0x163: {  	v20 =	vand.u32 $0x400, v20;
	v21 =	vand.u32 $0x400, v21;
	v32 =	vor.u32 v32, v37;
	v48 =	vld.idx.msk [tilespmem:v33+s15+$0x0], $0xffff  }
0x164: {  	v31 =	vand.u32 $0x400, v63;
	v15 =	vor.u32 v27, v15;
	v32 =	vor.u32 v7, v32;
	v33 =	vld.idx.msk [tilespmem:v33+s0+$0x0], $0xffff  }
0x165: {  	v16 =	vor.u32 v28, v16;
	v19 =	vor.u32 v20, v19;
	v31 =	vor.u32 v31, v36;
	v49 =	vld.idx.msk [tilespmem:v29+s15+$0x0], $0xffff  }
0x166: {  	v18 =	vor.u32 v25, v18;
	v14 =	vor.u32 v26, v14;
	v31 =	vor.u32 v7, v31;
	v50 =	vld.idx.msk [tilespmem:v29+s0+$0x0], $0xffff  }
0x167: {  	v13 =	vor.u32 v24, v13;
	v17 =	vor.u32 v21, v17;
	v51 =	vld.idx.msk [tilespmem:v10+s15+$0x0], $0xffff;
	v52 =	vadd.f32 v34, v47  }
0x168: {  	v12 =	vor.u32 v23, v12;
	v19 =	vor.u32 v7, v19;
	v53 =	vbroadcast v9, $0x0;
	v10 =	vld.idx.msk [tilespmem:v10+s0+$0x0], $0xffff  }
0x169: {  	v11 =	vor.u32 v22, v11;
	v54 =	vld.idx.msk [tilespmem:v32+s15+$0x0], $0xffff;
	v56 =	vadd.f32 v33, v48;
	v55 =	vmax.f32 v52, $0.0e+00  }
0x16a: {  	v17 =	vor.u32 v7, v17;
	v58 =	vbroadcast v9, $0x1;
	v57 =	vld.idx.msk [tilespmem:v32+s0+$0x0], $0xffff;
	v23 =	vmul.f32 v55, v53  }
0x16b: {  	v11 =	vor.u32 v7, v11;
	v59 =	vld.idx.msk [tilespmem:v31+s15+$0x0], $0xffff;
	v27 =	vadd.f32 v50, v49;
	v25 =	vmax.f32 v56, $0.0e+00  }
0x16c: {  	v62 =	vbroadcast v9, $0x2;
	v60 =	vld.idx.msk [tilespmem:v31+s0+$0x0], $0xffff;
	v61 =	vmul.f32 v25, v58;
	v8 =	vadd.f32 v23, v8  }
0x16d: {  	v12 =	vor.u32 v7, v12;
	v63 =	vld.idx.msk [tilespmem:v19+s15+$0x0], $0xffff;
	v10 =	vadd.f32 v10, v51;
	v27 =	vmax.f32 v27, $0.0e+00  }
0x16e: {  	v19 =	vld.idx.msk [tilespmem:v19+s0+$0x0], $0xffff;
	v31 =	vbroadcast v9, $0x3;
	v29 =	vmul.f32 v27, v62;
	v8 =	vadd.f32 v61, v8  }
0x16f: {  	v13 =	vor.u32 v7, v13;
	v32 =	vld.idx.msk [tilespmem:v17+s15+$0x0], $0xffff;
	v21 =	vadd.f32 v57, v54;
	v10 =	vmax.f32 v10, $0.0e+00  }
0x170: {  	v17 =	vld.idx.msk [tilespmem:v17+s0+$0x0], $0xffff;
	v33 =	vbroadcast v9, $0x4;
	v10 =	vmul.f32 v10, v31;
	v8 =	vadd.f32 v29, v8  }
0x171: {  	v18 =	vor.u32 v7, v18;
	v34 =	vld.idx.msk [tilespmem:v11+s15+$0x0], $0xffff;
	v22 =	vadd.f32 v60, v59;
	v21 =	vmax.f32 v21, $0.0e+00  }
0x172: {  	v36 =	vbroadcast v9, $0x5;
	v11 =	vld.idx.msk [tilespmem:v11+s0+$0x0], $0xffff;
	v35 =	vmul.f32 v21, v33;
	v8 =	vadd.f32 v10, v8  }
0x173: {  	v14 =	vor.u32 v7, v14;
	v37 =	vld.idx.msk [tilespmem:v12+s15+$0x0], $0xffff;
	v19 =	vadd.f32 v19, v63;
	v22 =	vmax.f32 v22, $0.0e+00  }
0x174: {  	v39 =	vbroadcast v9, $0x6;
	v12 =	vld.idx.msk [tilespmem:v12+s0+$0x0], $0xffff;
	v38 =	vmul.f32 v22, v36;
	v8 =	vadd.f32 v35, v8  }
0x175: {  	v15 =	vor.u32 v7, v15;
	v40 =	vld.idx.msk [tilespmem:v13+s15+$0x0], $0xffff;
	v17 =	vadd.f32 v17, v32;
	v19 =	vmax.f32 v19, $0.0e+00  }
0x176: {  	v42 =	vbroadcast v9, $0x7;
	v13 =	vld.idx.msk [tilespmem:v13+s0+$0x0], $0xffff;
	v41 =	vmul.f32 v19, v39;
	v8 =	vadd.f32 v38, v8  }
0x177: {  	v16 =	vor.u32 v7, v16;
	v43 =	vld.idx.msk [tilespmem:v18+s15+$0x0], $0xffff;
	v17 =	vmax.f32 v17, $0.0e+00;
	v11 =	vadd.f32 v11, v34  }
0x178: {  	v45 =	vbroadcast v9, $0x8;
	v18 =	vld.idx.msk [tilespmem:v18+s0+$0x0], $0xffff;
	v44 =	vmul.f32 v17, v42;
	v8 =	vadd.f32 v41, v8  }
0x179: {  	v7 =	vor.u32 v7, v30;
	v46 =	vld.idx.msk [tilespmem:v14+s15+$0x0], $0xffff;
	v12 =	vadd.f32 v12, v37;
	v11 =	vmax.f32 v11, $0.0e+00  }
0x17a: {  	v14 =	vld.idx.msk [tilespmem:v14+s0+$0x0], $0xffff;
	v48 =	vbroadcast v9, $0x9;
	v47 =	vmul.f32 v11, v45;
	v8 =	vadd.f32 v44, v8  }
0x17b: {  	v13 =	vadd.f32 v13, v40;
	v12 =	vmax.f32 v12, $0.0e+00;
	v49 =	vld.idx.msk [tilespmem:v15+s15+$0x0], $0xffff  }
0x17c: {  	v51 =	vbroadcast v9, $0xA;
	v15 =	vld.idx.msk [tilespmem:v15+s0+$0x0], $0xffff;
	v50 =	vmul.f32 v12, v48;
	v8 =	vadd.f32 v47, v8  }
0x17d: {  	v18 =	vadd.f32 v18, v43;
	v13 =	vmax.f32 v13, $0.0e+00;
	v52 =	vld.idx.msk [tilespmem:v16+s15+$0x0], $0xffff  }
0x17e: {  	v54 =	vbroadcast v9, $0xB;
	v16 =	vld.idx.msk [tilespmem:v16+s0+$0x0], $0xffff;
	v53 =	vmul.f32 v13, v51;
	v8 =	vadd.f32 v50, v8  }
0x17f: {  	v14 =	vadd.f32 v14, v46;
	v18 =	vmax.f32 v18, $0.0e+00;
	v55 =	vld.idx.msk [tilespmem:v7+s15+$0x0], $0xffff  }
0x180: {  	v57 =	vbroadcast v9, $0xC;
	v7 =	vld.idx.msk [tilespmem:v7+s0+$0x0], $0xffff;
	v56 =	vmul.f32 v18, v54;
	v8 =	vadd.f32 v53, v8  }
0x181: {  	v14 =	vmax.f32 v14, $0.0e+00;
	v15 =	vadd.f32 v15, v49  }
0x182: {  	v59 =	vbroadcast v9, $0xD;
	v58 =	vmul.f32 v14, v57;
	v8 =	vadd.f32 v56, v8  }
0x183: {  	v12 =	vadd.f32 v16, v52;
	v60 =	vmax.f32 v15, $0.0e+00  }
0x184: {  	v62 =	vbroadcast v9, $0xE;
	v61 =	vmul.f32 v60, v59;
	v8 =	vadd.f32 v58, v8  }
0x185: {  	v7 =	vadd.f32 v7, v55;
	v12 =	vmax.f32 v12, $0.0e+00  }
0x186: {  	v9 =	vbroadcast v9, $0xF;
	v63 =	vmul.f32 v12, v62;
	v8 =	vadd.f32 v61, v8  }
0x187: {  	v7 =	vmax.f32 v7, $0.0e+00  }
0x188: {  	s22 =	sadd.s32 $0x1, s22;
	v7 =	vmul.f32 v7, v9;
	v8 =	vadd.f32 v63, v8  }
0x189: {  	p0 =	sne.s32 s22, $0x8  }
.Ltmp1:
0x18a: {  	v7 =	vadd.f32 v7, v8;
	(pc) =	sbr.rel @p0 .LBB2_3-.Ltmp1, $3  }
0x18b: {  	_ = 	snop  }
0x18c: {  	v7 =	vadd.f32 v7, v5;
	_ =	sdelay $0x1  }
0x18d: {  	[tilespmem:v6+s23+$0x0 ss:$0x1] =	vst.idx.msk $0xffff, v7  }
0x18e: {  	s21 =	sadd.s32 $0x1, s21  }
0x18f: {  	p0 =	sne.s32 s21, $0x19  }
.Ltmp2:
0x190: {  	_ = 	snop;
	(pc) =	sbr.rel @p0 .LBB2_2-.Ltmp2, $1  }
0x191: {  	_ =	sdelay $0x3  }
0x192: {  	s22 =	simm.s32 $0x0  }
0x193: {  	s21 =	rddreg [dreg:$0x6];
	s23 =	simm.s32 $0x11A80;
	s24 =	simm.s32 $0x3  }
0x194: {  	[hbm4b:s21+s22] =	stream.linear.scatter [tilespmem:s23], [sflag:$0x3], $0xC80, $0x38;
	[tilespmem:$0x12700] =	vst v63  }
0x195: {  	_ =	swait.ge [sflag:s24], $0xC80  }
0x196: {  	s30 =	rddreg [dreg:$0x8]  }
0x197: {  	s31 =	rddreg [dreg:$0x7];
	s23 =	sadd.s32 $0x1, s30  }
0x198: {  	p0 =	sne.s32 s23, s31  }
.Ltmp3:
0x199: {  	_ = 	snop;
	(pc) =	sbr.rel @p0 .LBB2_1-.Ltmp3, $3  }
0x19a: {  	_ =	sdelay $0x1  }
0x19b: {  	[sflag:s24] =	ssyncset.done $0x0  }
0x19c: {  	[sflag:s24] =	ssyncadd.s32 $0xFFFFF380  }
0x19d: {  	_ =	sfence.sel $0x180000  }
0x19e: {  	[bflag:$0x0] =	sbarrier.arrive $0xFFFF  }
0x19f: {  	_ =	strace $0x90000050  }
0x1a0: {  	s0 =	stileid.u32;
	[bflag:$0x2] =	sbarrier.arrive $0xFFFF  }
0x1a1: {  	p0 =	sne.s32 s0, $0x0;
	s0 =	rddreg [dreg:$0x2]  }
0x1a2: {  	s0 =	sadd.s32 @!p0 $0x100000, s0  }
0x1a3: {  	[sflag:s0] =	ssyncadd.tile.s32 @!p0 $0x1;
	_ =	shalt  }
.Lfunc_end2:
_tile_overlayer_lowered:
.L_overlay_start_2:
0x1a4: {  	(tag) =	ssettag $0x2  }
0x1a5: {  	s0 =	rddreg [dreg:$0x0];
	s2 =	stileid.u32  }
0x1a6: {  	s1 =	rddreg [dreg:$0x1];
	p0 =	sne.s32 s2, $0x0  }
0x1a7: {  	s3 =	rddreg [dreg:$0x2];
	[bflag:$0x3] =	sbarrier.arrive $0xFFFF;
	s2 =	simm.s32 @!p0 $0x1C03  }
0x1a8: {  	[timem:s3], [sflag:s2] =	dma.local @!p0 [hbm:s0], s1  }
0x1a9: {  	s0 =	simm.s32 @!p0 $0x3  }
0x1aa: {  	_ =	swait.ge @!p0 [sflag:s0], s1  }
0x1ab: {  	s1 =	ssub.s32 @!p0 $0x0, s1;
	[sflag:s0] =	ssyncset.done @!p0 $0x0  }
0x1ac: {  	[sflag:s0] =	ssyncadd.s32 @!p0 s1  }
0x1ad: {  	[bflag:$0x3] =	sbarrier.arrive $0xFFFF  }
0x1ae: {  	_ =	shalt  }

// kernel: kernel.8.cloned.1.call-start
scs
__scs_entry_jumppad:
0x0: {  	(pc) =	sbr.rel $0x88, $3  }
0x1: {  	(tag) =	ssettag $0x0;
	lr =	simm.s32 $0x1  }
0x2: {  	[smem:$0x3F94] =	sst lr;
	_ =	strace $0xD0000000  }
0x3: {  	_ = 	snop  }
0x4: {  	_ = 	snop  }
0x5: {  	_ = 	snop  }
0x6: {  	_ = 	snop  }
0x7: {  	_ = 	snop  }
__scs_overlays_trampoline_lowered:
0x8: {  	[smem:$0x3FA3] =	sst s0  }
0x9: {  	[smem:$0x3FA4] =	sst s1  }
0xa: {  	[smem:$0x3FA5] =	sst s2  }
0xb: {  	[smem:$0x3FA6] =	sst s3  }
0xc: {  	[smem:$0x3FA7] =	sst s4  }
0xd: {  	[smem:$0x3FA8] =	sst s5  }
0xe: {  	[smem:$0x3FA9] =	sst s6  }
0xf: {  	[smem:$0x3FAA] =	sst s7  }
0x10: {  	[smem:$0x3FAB] =	sst s8  }
0x11: {  	[smem:$0x3FAC] =	sst s9;
	s0 =	simm.s32 @!p0 $0x0  }
0x12: {  	s1 =	sld [smem:$0x3F92];
	s0 =	simm.s32 @p0 $0x1  }
0x13: {  	[smem:$0x3FAD] =	sst s0;
	s0 =	simm.s32 @!p1 $0x0  }
0x14: {  	s2 =	sld [smem:$0x3F91];
	s0 =	simm.s32 @p1 $0x1  }
0x15: {  	[smem:$0x3FAE] =	sst s0;
	s0 =	simm.s32 @!p2 $0x0  }
0x16: {  	s3 =	sld [smem:$0x3FDB];
	s0 =	simm.s32 @p2 $0x1  }
0x17: {  	s4 =	simm.s32 $0x1BF5;
	[smem:$0x3FB0] =	sst s0  }
0x18: {  	s0 =	sld [smem:$0x3F93];
	_ =	swait.ge [sflag:s4], $0x0  }
0x19: {  	s7 =	sld [smem:$0x3F94]  }
0x1a: {  	s8 =	sadd.s32 $0xFFFFE003, lr  }
0x1b: {  	s9 =	sadd.s32 $0xFFFFFEF7, lr;
	s5 =	simm.s32 $0xFFFFFFFF;
	p2 =	slt.u32 s8, $0xFFFFF086  }
0x1c: {  	p1 =	slt.u32 s9, $0xF7A;
	s5 =	simm.s32 @!p2 $0x0  }
0x1d: {  	s5 =	simm.s32 @p1 $0x1;
	p0 =	seq.s32 s7, s2  }
0x1e: {  	s7 =	smul.u32 @!p0 $0xF7A, s2;
	p2 =	seq.s32 @!p0 s5, $0x0  }
0x1f: {  	s9 =	smul.u32 $0xF7A, s1;
	s8 =	simm.s32 @!p0 $0x1BF5;
	p2 =	por !p2, p0  }
0x20: {  	[sflag:s8] =	ssyncset.s32 @!p0 $0xFFFFF086;
	s6 =	sadd.s32 @!p0 s3, s7;
	s7 =	simm.s32 @!p0 $0x108  }
0x21: {  	s3 =	sadd.s32 s3, s9;
	s6 =	sadd.s32 @!p0 $0x88, s6;
	s7 =	simm.s32 @p2 $0x1082  }
0x22: {  	[simem:s7], [sflag:s8] =	dma.local @!p0 [hbm:s6], $0xF7A  }
0x23: {  	s9 =	sor.u32 $0xD0000000, s2;
	s6 =	simm.s32 $0x108;
	_ =	swait.ge @!p0 [sflag:s8], $0x0  }
0x24: {  	s3 =	sadd.s32 $0x88, s3;
	s6 =	simm.s32 @!p1 $0x1082;
	[sflag:s4] =	ssyncset.s32 $0xFFFFF086  }
0x25: {  	[simem:s6], [sflag:s4] =	dma.local [hbm:s3], $0xF7A  }
0x26: {  	[smem:$0x3F94] =	sst s1;
	(tag) =	ssettag s2;
	_ =	strace s9  }
0x27: {  	s1 =	sld [smem:$0x3FA4]  }
0x28: {  	s2 =	sld [smem:$0x3FA5]  }
0x29: {  	s4 =	sld [smem:$0x3FA7]  }
0x2a: {  	p0 =	seq.s32 s5, $0x0;
	s5 =	sld [smem:$0x3FA8]  }
0x2b: {  	s6 =	sld [smem:$0x3FA9]  }
0x2c: {  	s7 =	sld [smem:$0x3FAA]  }
0x2d: {  	s3 =	simm.s32 $0x108;
	s8 =	sld [smem:$0x3FAB]  }
0x2e: {  	s3 =	simm.s32 @!p0 $0x1082;
	s9 =	sld [smem:$0x3FAC]  }
0x2f: {  	lr =	sadd.s32 s0, s3;
	s0 =	sld [smem:$0x3FA3]  }
0x30: {  	s3 =	sld [smem:$0x3FA6]  }
0x31: {  	[smem:$0x3FAF] =	sst s10  }
0x32: {  	s10 =	sld [smem:$0x3FAD];
	_ =	sdelay $0x3  }
0x33: {  	p0 =	seq.s32 s10, $0x1;
	s10 =	sld [smem:$0x3FAF];
	_ =	sdelay $0x3  }
0x34: {  	[smem:$0x3FAF] =	sst s10  }
0x35: {  	s10 =	sld [smem:$0x3FAE];
	_ =	sdelay $0x3  }
0x36: {  	p1 =	seq.s32 s10, $0x1;
	s10 =	sld [smem:$0x3FAF];
	_ =	sdelay $0x3  }
0x37: {  	[smem:$0x3FAF] =	sst s10  }
0x38: {  	s10 =	sld [smem:$0x3FB0]  }
0x39: {  	_ = 	snop;
	(pc) =	sbr.ind lr, $3  }
0x3a: {  	_ = 	snop  }
0x3b: {  	_ = 	snop  }
0x3c: {  	p2 =	seq.s32 s10, $0x1;
	s10 =	sld [smem:$0x3FAF]  }
0x3d: {  	_ =	shalt  }
0x3e: {  	_ =	shalt  }
0x3f: {  	_ =	shalt  }
0x40: {  	_ =	shalt  }
0x41: {  	_ =	shalt  }
0x42: {  	_ =	shalt  }
0x43: {  	_ =	shalt  }
0x44: {  	_ =	shalt  }
0x45: {  	_ =	shalt  }
0x46: {  	_ =	shalt  }
0x47: {  	_ =	shalt  }
0x48: {  	_ =	shalt  }
0x49: {  	_ =	shalt  }
0x4a: {  	_ =	shalt  }
0x4b: {  	_ =	shalt  }
0x4c: {  	_ =	shalt  }
0x4d: {  	_ =	shalt  }
0x4e: {  	_ =	shalt  }
0x4f: {  	_ =	shalt  }
0x50: {  	_ =	shalt  }
0x51: {  	_ =	shalt  }
0x52: {  	_ =	shalt  }
0x53: {  	_ =	shalt  }
0x54: {  	_ =	shalt  }
0x55: {  	_ =	shalt  }
0x56: {  	_ =	shalt  }
0x57: {  	_ =	shalt  }
0x58: {  	_ =	shalt  }
0x59: {  	_ =	shalt  }
0x5a: {  	_ =	shalt  }
0x5b: {  	_ =	shalt  }
0x5c: {  	_ =	shalt  }
0x5d: {  	_ =	shalt  }
0x5e: {  	_ =	shalt  }
0x5f: {  	_ =	shalt  }
0x60: {  	_ =	shalt  }
0x61: {  	_ =	shalt  }
0x62: {  	_ =	shalt  }
0x63: {  	_ =	shalt  }
0x64: {  	_ =	shalt  }
0x65: {  	_ =	shalt  }
0x66: {  	_ =	shalt  }
0x67: {  	_ =	shalt  }
0x68: {  	_ =	shalt  }
0x69: {  	_ =	shalt  }
0x6a: {  	_ =	shalt  }
0x6b: {  	_ =	shalt  }
0x6c: {  	_ =	shalt  }
0x6d: {  	_ =	shalt  }
0x6e: {  	_ =	shalt  }
0x6f: {  	_ =	shalt  }
0x70: {  	_ =	shalt  }
0x71: {  	_ =	shalt  }
0x72: {  	_ =	shalt  }
0x73: {  	_ =	shalt  }
0x74: {  	_ =	shalt  }
0x75: {  	_ =	shalt  }
0x76: {  	_ =	shalt  }
0x77: {  	_ =	shalt  }
0x78: {  	_ =	shalt  }
0x79: {  	_ =	shalt  }
0x7a: {  	_ =	shalt  }
0x7b: {  	_ =	shalt  }
0x7c: {  	_ =	shalt  }
0x7d: {  	_ =	shalt  }
0x7e: {  	_ =	shalt  }
0x7f: {  	_ =	shalt  }
0x80: {  	_ =	shalt  }
0x81: {  	_ =	shalt  }
0x82: {  	_ =	shalt  }
0x83: {  	_ =	shalt  }
0x84: {  	_ =	shalt  }
0x85: {  	_ =	shalt  }
0x86: {  	_ =	shalt  }
0x87: {  	_ =	shalt  }
.Lfunc_end0:
.L_simem_size_0:
called_computation_lowered:
.L_overlay_start_0:
0x88: {  	s2 =	sld [smem:$0x3FD9]  }
0x89: {  	s3 =	sld [smem:$0x3FFE];
	_ =	sdelay $0x1  }
0x8a: {  	s1 =	srdreg.scid  }
0x8b: {  	s0 =	sand.u32 $0x1, s1  }
0x8c: {  	s17 =	sshll.u32 s0, $0xA;
	s2 =	sadd.s32 s3, s2  }
0x8d: {  	s2 =	sadd.s32 s2, s17  }
0x8e: {  	[smem:$0x3FBB] =	sst s2  }
0x8f: {  	_ = 	snop  }
0x90: {  	(tm) =	ssettm $0x1  }
0x91: {  	s18 =	sld [smem:$0x3FFB];
	_ =	sdelay $0x3  }
0x92: {  	_ =	strace s18  }
0x93: {  	s2 =	sld [smem:$0x3FFC];
	_ =	sdelay $0x3  }
0x94: {  	_ =	strace s2  }
0x95: {  	s2 =	sld [smem:$0x3FFD];
	_ =	sdelay $0x3  }
0x96: {  	_ =	strace s2  }
0x97: {  	_ =	strace $0x8FFFFFFF  }
0x98: {  	s19 =	sld [smem:$0x3FDB];
	_ =	sdelay $0x1  }
0x99: {  	s20 =	simm.s32 $_scs_section_size  }
0x9a: {  	s4 =	simm.s32 $_size__tile_overlayer_lowered;
	s5 =	simm.s32 $_tile_overlayer_lowered  }
0x9b: {  	s6 =	simm.s32 $0x1BFF;
	s21 =	sshll.u32 s5, $0x1;
	s3 =	sadd.s32 s20, s19  }
0x9c: {  	s22 =	simm.s32 $0x0;
	s4 =	sshll.u32 s4, $0x1;
	s5 =	sadd.s32 s21, s3  }
0x9d: {  	[timem:s22], [sflag:s6] =	dma.local [hbm:s5], s4  }
0x9e: {  	_ =	swait.ge [sflag:s6], s4  }
0x9f: {  	s4 =	ssub.s32 $0x0, s4;
	[sflag:s6] =	ssyncset.done $0x0  }
0xa0: {  	[sflag:s6] =	ssyncadd.s32 s4;
	_ =	sdelay $0x1  }
0xa1: {  	s23 =	simm.s32 $0x1B8B  }
0xa2: {  	_ =	swait.ge [sflag:s23], $0x1  }
0xa3: {  	[sflag:s23] =	ssyncset.done $0x0  }
0xa4: {  	[sflag:s23] =	ssyncadd.s32 $0xFFFFFFFF  }
0xa5: {  	s4 =	sld [smem:$0x0]  }
0xa6: {  	s5 =	sand.u32 $0xFFFFFFFE, s1  }
0xa7: {  	p0 =	sne.s32 s1, s5  }
0xa8: {  	s5 =	sshll.u32 @p0 s5, $0xE  }
0xa9: {  	s5 =	sadd.s32 @p0 $0x11B8D, s5;
	s6 =	sshll.u32 @p0 s4, $0x11  }
0xaa: {  	s5 =	sor.u32 @p0 s6, s5  }
0xab: {  	[sflag:s5] =	ssyncadd.remote.s32 @p0 $0x1;
	_ =	sdelay $0x1  }
0xac: {  	s5 =	simm.s32 @p0 $0x1B8D  }
0xad: {  	_ =	swait.eq @p0 [sflag:s5], $0x1  }
0xae: {  	[sflag:s5] =	ssyncadd.s32 @p0 $0xFFFFFFFF  }
0xaf: {  	s6 =	sshll.u32 @!p0 s1, $0xE  }
0xb0: {  	s6 =	sor.u32 @!p0 $0x4000, s6;
	s5 =	simm.s32 @!p0 $0x1B8D  }
0xb1: {  	s4 =	sshll.u32 @!p0 s4, $0x11;
	s6 =	sadd.s32 @!p0 $0x11B8D, s6;
	_ =	swait.eq @!p0 [sflag:s5], $0x1  }
0xb2: {  	s4 =	sor.u32 @!p0 s4, s6;
	[sflag:s5] =	ssyncadd.s32 @!p0 $0xFFFFFFFF  }
0xb3: {  	s25 =	simm.s32 $0x1B8E;
	s24 =	sld [smem:$0x3FFE];
	[sflag:s4] =	ssyncadd.remote.s32 @!p0 $0x1  }
0xb4: {  	s26 =	simm.s32 $execute0_lowered;
	[smem:$0x3FD2] =	sst s25  }
0xb5: {  	s5 =	sshll.u32 s26, $0x1;
	_ =	strace $0x80000049;
	[dreg:$0x1] =	wrdreg $0xFFFFFFFF  }
0xb6: {  	s28 =	simm.s32 $_size_execute0_lowered;
	s3 =	sadd.s32 s3, s5;
	[dreg:$0x0] =	wrdreg $0x0  }
0xb7: {  	s5 =	sshll.u32 s28, $0x1;
	[dreg:$0x2] =	wrdreg s3  }
0xb8: {  	[dreg:$0x3] =	wrdreg s5  }
0xb9: {  	[dreg:$0x4] =	wrdreg $0xC0  }
0xba: {  	_ =	task [dreg:s22], $0x5FFFF  }
0xbb: {  	[dreg:$0x1] =	wrdreg $0xFFFFFFFF  }
0xbc: {  	[dreg:$0x0] =	wrdreg $0x60  }
0xbd: {  	[dreg:$0x2] =	wrdreg s24  }
0xbe: {  	[dreg:$0x3] =	wrdreg $0x0  }
0xbf: {  	[dreg:$0x4] =	wrdreg $0x9  }
0xc0: {  	_ =	task.clear_ibuf [dreg:s22], $0x5FFFF;
	_ =	strace $0x90000049  }
0xc1: {  	s29 =	simm.s32 $0x9;
	_ =	strace $0x8000004B  }
0xc2: {  	_ =	swait.ge [sflag:s29], $0x1  }
0xc3: {  	[sflag:s29] =	ssyncadd.s32 $0xFFFFFFFF  }
0xc4: {  	_ =	strace $0x9000004B  }
0xc5: {  	_ =	sfence  }
0xc6: {  	s30 =	sld [smem:$0x0];
	_ =	sdelay $0x2  }
0xc7: {  	s31 =	sshll.u32 s1, $0xD;
	s1 =	sshrl.u32 s1, $0x2  }
0xc8: {  	s4 =	sand.u32 $0x4000, s31;
	s1 =	sadd.s32 s1, s30  }
0xc9: {  	s0 =	sor.u32 s4, s0;
	s1 =	sshll.u32 s1, $0x11  }
0xca: {  	s0 =	sor.u32 s1, s0  }
0xcb: {  	s0 =	sadd.s32 $0x8F2B, s0  }
0xcc: {  	[sflag:s0] =	ssyncadd.remote.s32 $0x1  }
0xcd: {  	_ =	sfence.sel $0xFFFF  }
0xce: {  	[dreg:$0x0] =	wrdreg $0xFFFFFFFF;
	(pc) =	sbr.abs _section_cstart, $3  }
0xcf: {  	[dreg:$0x1] =	wrdreg $0xFFFFFFFF  }
0xd0: {  	_ =	task.clear_ibuf [dreg:s22], $0x2FFFF;
	_ =	strace $0x9FFFFFFF  }
0xd1: {  	(tm) =	ssettm $0x7FFFFFFF  }
tec
execute0_lowered:
.L_overlay_start_1:
0x0: {  	(tag) =	ssettag $0x1  }
0x1: {  	s4 =	rddreg [dreg:$0x0]  }
0x2: {  	s1 =	rddreg [dreg:$0x1]  }
0x3: {  	s0 =	rddreg [dreg:$0x2]  }
0x4: {  	s3 =	simm.s32 $0x0;
	s5 =	srdreg.scid;
	s2 =	stileid.u32  }
0x5: {  	s20 =	simm.s32 $0x80;
	s21 =	simm.s32 $0x15400;
	s22 =	simm.s32 $0x0  }
0x6: {  	[smem:$0x7FF] =	sst s3;
	s8 =	sand.u32 $0x1, s5;
	s6 =	smul.u32 $0x50000, s2  }
0x7: {  	s10 =	sadd.s32 $0x2800, s4;
	s15 =	sadd.s32 $0x8E800, s4;
	s11 =	smul.u32 $0x14000, s2  }
0x8: {  	s29 =	sshll.u32 s2, $0x1;
	_ =	strace $0x8000004A;
	s5 =	ssub.s32 $0x2, s8  }
0x9: {  	s7 =	sor.u32 s8, s29;
	s19 =	smul.u32 $0x140000, s8;
	s28 =	sshrl.u32 s5, $0x1  }
0xa: {  	s30 =	sshrl.u32 s6, $0x2;
	s12 =	sadd.s32 $0x4000, s11;
	s9 =	smul.u32 $0x500, s7  }
0xb: {  	s13 =	sadd.s32 $0x8000, s11;
	s14 =	sadd.s32 $0xC000, s11;
	s17 =	smul.u32 $0x2800, s7  }
0xc: {  	s18 =	sadd.s32 $0x10000, s11;
	s16 =	ssub.s32 s5, s28;
	s4 =	sadd.s32 s30, s1  }
0xd: {  	s5 =	sadd.s32 s12, s1;
	s6 =	sadd.s32 s13, s1;
	s7 =	sadd.s32 s14, s1  }
0xe: {  	s8 =	sadd.s32 s18, s1;
	s11 =	sadd.s32 s11, s19;
	s12 =	sadd.s32 s19, s12  }
0xf: {  	s13 =	sadd.s32 s19, s13;
	s14 =	sadd.s32 s19, s14;
	s31 =	sadd.s32 s19, s18  }
0x10: {  	s18 =	simm.s32 $0x1;
	s19 =	simm.s32 $0x14000;
	s9 =	sadd.s32 s10, s9  }
0x11: {  	s17 =	sshrl.u32 s17, $0x3;
	s11 =	sshrl.u32 s11, $0x3;
	s12 =	sshrl.u32 s12, $0x3  }
0x12: {  	s13 =	sshrl.u32 s13, $0x3;
	s14 =	sshrl.u32 s14, $0x3;
	s16 =	smax.u32 s16, $0x1  }
0x13: {  	s10 =	sadd.s32 s10, s17;
	s11 =	sadd.s32 s15, s11;
	s12 =	sadd.s32 s15, s12  }
0x14: {  	s13 =	sadd.s32 s15, s13;
	s17 =	sshrl.u32 s31, $0x3;
	s14 =	sadd.s32 s15, s14  }
0x15: {  	v0 =	vimm.f32 $0.0e+00;
	v1 =	vimm.f32 $1.000000000e+00;
	s10 =	sadd.s32 $0x280, s10;
	s15 =	sadd.s32 s15, s17;
	s17 =	simm.s32 $0x19400  }
.LBB2_1:
0x16: {  	s23 =	simm.s32 $0x0;
	s24 =	simm.s32 $0x200  }
.LBB2_2:
0x17: {  	p0 =	sne.s32 s24, $0xFE00;
	[tilespmem:s23+$0x19470] =	vst v0  }
0x18: {  	[tilespmem:s23+$0x19400] =	vst v0  }
0x19: {  	[tilespmem:s23+$0x19410] =	vst v0  }
.Ltmp0:
0x1a: {  	[tilespmem:s23+$0x19420] =	vst v0;
	(pc) =	sbr.rel @p0 .LBB2_2-.Ltmp0, $4  }
0x1b: {  	[tilespmem:s23+$0x19430] =	vst v0  }
0x1c: {  	[tilespmem:s23+$0x19440] =	vst v0  }
0x1d: {  	[tilespmem:s23+$0x19450] =	vst v0  }
0x1e: {  	[tilespmem:s23+$0x19460] =	vst v0;
	s23 =	sshra.s32 s24, $0x2;
	s24 =	sadd.s32 $0x200, s24  }
0x1f: {  	[tilespmem:s23+$0x19470] =	vst v0  }
0x20: {  	[tilespmem:s23+$0x19400] =	vst v0  }
0x21: {  	[tilespmem:s23+$0x19410] =	vst v0  }
0x22: {  	[tilespmem:s23+$0x19420] =	vst v0  }
0x23: {  	[tilespmem:s23+$0x19430] =	vst v0  }
0x24: {  	[tilespmem:s23+$0x19440] =	vst v0  }
0x25: {  	[tilespmem:s23+$0x19450] =	vst v0  }
0x26: {  	[tilespmem:s23+$0x19460] =	vst v0  }
0x27: {  	[spmem:s4] =	stream.linear.scatter [tilespmem:s17], [sflag:$0x1], $0x4000, $0x38;
	[tilespmem:$0x1D400] =	vst v63  }
0x28: {  	_ =	swait.ge [sflag:s18], $0x4000  }
0x29: {  	[sflag:s18] =	ssyncset.done $0x0  }
0x2a: {  	[sflag:s18] =	ssyncadd.s32 $0xFFFFC000  }
0x2b: {  	[spmem:s5] =	stream.linear.scatter [tilespmem:s17], [sflag:$0x1], $0x4000, $0x38;
	[tilespmem:$0x1D400] =	vst v63  }
0x2c: {  	_ =	swait.ge [sflag:s18], $0x4000  }
0x2d: {  	[sflag:s18] =	ssyncset.done $0x0  }
0x2e: {  	[sflag:s18] =	ssyncadd.s32 $0xFFFFC000  }
0x2f: {  	[spmem:s6] =	stream.linear.scatter [tilespmem:s17], [sflag:$0x1], $0x4000, $0x38;
	[tilespmem:$0x1D400] =	vst v63  }
0x30: {  	_ =	swait.ge [sflag:s18], $0x4000  }
0x31: {  	[sflag:s18] =	ssyncset.done $0x0  }
0x32: {  	[sflag:s18] =	ssyncadd.s32 $0xFFFFC000  }
0x33: {  	[spmem:s7] =	stream.linear.scatter [tilespmem:s17], [sflag:$0x1], $0x4000, $0x38;
	[tilespmem:$0x1D400] =	vst v63  }
0x34: {  	_ =	swait.ge [sflag:s18], $0x4000  }
0x35: {  	[sflag:s18] =	ssyncset.done $0x0  }
0x36: {  	[sflag:s18] =	ssyncadd.s32 $0xFFFFC000  }
0x37: {  	[spmem:s8] =	stream.linear.scatter [tilespmem:s17], [sflag:$0x1], $0x4000, $0x38;
	[tilespmem:$0x1D400] =	vst v63  }
0x38: {  	_ =	swait.ge [sflag:s18], $0x4000  }
0x39: {  	[sflag:s18] =	ssyncset.done $0x0  }
0x3a: {  	s23 =	simm.s32 $0x0;
	s24 =	simm.s32 $0x200;
	[sflag:s18] =	ssyncadd.s32 $0xFFFFC000  }
.LBB2_4:
0x3b: {  	p0 =	sne.s32 s24, $0xFE00;
	[tilespmem:s23+$0x15470] =	vst v1  }
0x3c: {  	[tilespmem:s23+$0x15400] =	vst v1  }
0x3d: {  	[tilespmem:s23+$0x15410] =	vst v1  }
.Ltmp1:
0x3e: {  	[tilespmem:s23+$0x15420] =	vst v1;
	(pc) =	sbr.rel @p0 .LBB2_4-.Ltmp1, $4  }
0x3f: {  	[tilespmem:s23+$0x15430] =	vst v1  }
0x40: {  	[tilespmem:s23+$0x15440] =	vst v1  }
0x41: {  	[tilespmem:s23+$0x15450] =	vst v1  }
0x42: {  	[tilespmem:s23+$0x15460] =	vst v1;
	s23 =	sshra.s32 s24, $0x2;
	s24 =	sadd.s32 $0x200, s24  }
0x43: {  	[tilespmem:s23+$0x15470] =	vst v1  }
0x44: {  	[tilespmem:s23+$0x15400] =	vst v1  }
0x45: {  	[tilespmem:s23+$0x15410] =	vst v1  }
0x46: {  	[tilespmem:s23+$0x15420] =	vst v1  }
0x47: {  	[tilespmem:s23+$0x15430] =	vst v1  }
0x48: {  	[tilespmem:s23+$0x15440] =	vst v1  }
0x49: {  	[tilespmem:s23+$0x15450] =	vst v1  }
0x4a: {  	[tilespmem:s23+$0x15460] =	vst v1  }
0x4b: {  	s30 =	simm.s32 $0x0;
	[bflag:$0x0] =	sbarrier.arrive $0xFFFF  }
0x4c: {  	[tilespmem:s19], [sflag:$0x1] =	stream.linear.gather [hbm4b:s9+s30], $0x1400, $0x38;
	[tilespmem:$0x1D400] =	vst v63  }
0x4d: {  	_ =	swait.ge [sflag:s18], $0x1400  }
0x4e: {  	[sflag:s18] =	ssyncset.done $0x0  }
0x4f: {  	s31 =	simm.s32 $0x14000;
	[sflag:s18] =	ssyncadd.s32 $0xFFFFEC00  }
0x50: {  	[spmem:s1] =	stream.indirect.scatter.add.f32 [tilespmem:s21], [sflag:$0x1], $0x80, s31, s20, $0xb8;
	[tilespmem:$0x1D400] =	vst v63  }
0x51: {  	s23 =	simm.s32 $0x200;
	_ =	swait.ge [sflag:s18], $0x4000  }
.LBB2_6:
0x52: {  	s24 =	sshra.s32 s23, $0x2;
	[sflag:s18] =	ssyncset.done $0x0;
	p0 =	sne.s32 s23, $0x4E00  }
.Ltmp2:
0x53: {  	s24 =	sadd.s32 $0x14000, s24;
	[sflag:s18] =	ssyncadd.s32 $0xFFFFC000;
	(pc) =	sbr.rel @p0 .LBB2_6-.Ltmp2, $3  }
0x54: {  	[spmem:s1] =	stream.indirect.scatter.add.f32 [tilespmem:s21], [sflag:$0x1], $0x80, s24, s20, $0xb8;
	[tilespmem:$0x1D400] =	vst v63  }
0x55: {  	s23 =	sadd.s32 $0x200, s23;
	_ =	sdelay $0x1  }
0x56: {  	_ =	swait.ge [sflag:s18], $0x4000  }
0x57: {  	[sflag:s18] =	ssyncset.done $0x0  }
0x58: {  	s23 =	simm.s32 $0x0;
	[sflag:s18] =	ssyncadd.s32 $0xFFFFC000  }
0x59: {  	[tilespmem:s19], [sflag:$0x1] =	stream.linear.gather [hbm4b:s10+s23], $0x1400, $0x38;
	[tilespmem:$0x1D400] =	vst v63  }
0x5a: {  	_ =	swait.ge [sflag:s18], $0x1400  }
0x5b: {  	[sflag:s18] =	ssyncset.done $0x0  }
0x5c: {  	s31 =	simm.s32 $0x14000;
	[sflag:s18] =	ssyncadd.s32 $0xFFFFEC00  }
0x5d: {  	[spmem:s1] =	stream.indirect.scatter.add.f32 [tilespmem:s21], [sflag:$0x1], $0x80, s31, s20, $0xb8;
	[tilespmem:$0x1D400] =	vst v63  }
0x5e: {  	s23 =	simm.s32 $0x200;
	_ =	swait.ge [sflag:s18], $0x4000  }
.LBB2_8:
0x5f: {  	s24 =	sshra.s32 s23, $0x2;
	[sflag:s18] =	ssyncset.done $0x0;
	p0 =	sne.s32 s23, $0x4E00  }
.Ltmp3:
0x60: {  	s24 =	sadd.s32 $0x14000, s24;
	[sflag:s18] =	ssyncadd.s32 $0xFFFFC000;
	(pc) =	sbr.rel @p0 .LBB2_8-.Ltmp3, $3  }
0x61: {  	[spmem:s1] =	stream.indirect.scatter.add.f32 [tilespmem:s21], [sflag:$0x1], $0x80, s24, s20, $0xb8;
	[tilespmem:$0x1D400] =	vst v63  }
0x62: {  	s23 =	sadd.s32 $0x200, s23;
	_ =	sdelay $0x1  }
0x63: {  	_ =	swait.ge [sflag:s18], $0x4000  }
0x64: {  	[sflag:s18] =	ssyncset.done $0x0  }
0x65: {  	[sflag:s18] =	ssyncadd.s32 $0xFFFFC000  }
0x66: {  	[bflag:$0x0] =	sbarrier.arrive $0xFFFF  }
0x67: {  	[tilespmem:s17], [sflag:$0x1] =	stream.linear.gather [spmem:s4], $0x4000, $0x38;
	[tilespmem:$0x1D400] =	vst v63  }
0x68: {  	_ =	swait.ge [sflag:s18], $0x4000  }
0x69: {  	[sflag:s18] =	ssyncset.done $0x0  }
0x6a: {  	[sflag:s18] =	ssyncadd.s32 $0xFFFFC000  }
0x6b: {  	[hbm4b:s11+s3] =	stream.linear.scatter [tilespmem:s17], [sflag:$0x1], $0x4000, $0x38;
	[tilespmem:$0x1D400] =	vst v63  }
0x6c: {  	_ =	swait.ge [sflag:s18], $0x4000  }
0x6d: {  	[sflag:s18] =	ssyncset.done $0x0  }
0x6e: {  	[sflag:s18] =	ssyncadd.s32 $0xFFFFC000  }
0x6f: {  	[tilespmem:s17], [sflag:$0x1] =	stream.linear.gather [spmem:s5], $0x4000, $0x38;
	[tilespmem:$0x1D400] =	vst v63  }
0x70: {  	_ =	swait.ge [sflag:s18], $0x4000  }
0x71: {  	[sflag:s18] =	ssyncset.done $0x0  }
0x72: {  	[sflag:s18] =	ssyncadd.s32 $0xFFFFC000  }
0x73: {  	[hbm4b:s12+s3] =	stream.linear.scatter [tilespmem:s17], [sflag:$0x1], $0x4000, $0x38;
	[tilespmem:$0x1D400] =	vst v63  }
0x74: {  	_ =	swait.ge [sflag:s18], $0x4000  }
0x75: {  	[sflag:s18] =	ssyncset.done $0x0  }
0x76: {  	[sflag:s18] =	ssyncadd.s32 $0xFFFFC000  }
0x77: {  	[tilespmem:s17], [sflag:$0x1] =	stream.linear.gather [spmem:s6], $0x4000, $0x38;
	[tilespmem:$0x1D400] =	vst v63  }
0x78: {  	_ =	swait.ge [sflag:s18], $0x4000  }
0x79: {  	[sflag:s18] =	ssyncset.done $0x0  }
0x7a: {  	[sflag:s18] =	ssyncadd.s32 $0xFFFFC000  }
0x7b: {  	[hbm4b:s13+s3] =	stream.linear.scatter [tilespmem:s17], [sflag:$0x1], $0x4000, $0x38;
	[tilespmem:$0x1D400] =	vst v63  }
0x7c: {  	_ =	swait.ge [sflag:s18], $0x4000  }
0x7d: {  	[sflag:s18] =	ssyncset.done $0x0  }
0x7e: {  	[sflag:s18] =	ssyncadd.s32 $0xFFFFC000  }
0x7f: {  	[tilespmem:s17], [sflag:$0x1] =	stream.linear.gather [spmem:s7], $0x4000, $0x38;
	[tilespmem:$0x1D400] =	vst v63  }
0x80: {  	_ =	swait.ge [sflag:s18], $0x4000  }
0x81: {  	[sflag:s18] =	ssyncset.done $0x0  }
0x82: {  	[sflag:s18] =	ssyncadd.s32 $0xFFFFC000  }
0x83: {  	[hbm4b:s14+s3] =	stream.linear.scatter [tilespmem:s17], [sflag:$0x1], $0x4000, $0x38;
	[tilespmem:$0x1D400] =	vst v63  }
0x84: {  	_ =	swait.ge [sflag:s18], $0x4000  }
0x85: {  	[sflag:s18] =	ssyncset.done $0x0  }
0x86: {  	[sflag:s18] =	ssyncadd.s32 $0xFFFFC000  }
0x87: {  	[tilespmem:s17], [sflag:$0x1] =	stream.linear.gather [spmem:s8], $0x4000, $0x38;
	[tilespmem:$0x1D400] =	vst v63  }
0x88: {  	s22 =	sadd.s32 $0x1, s22;
	_ =	swait.ge [sflag:s18], $0x4000  }
0x89: {  	p0 =	sne.s32 s22, s16;
	[sflag:s18] =	ssyncset.done $0x0  }
.Ltmp4:
0x8a: {  	[sflag:s18] =	ssyncadd.s32 $0xFFFFC000;
	(pc) =	sbr.rel @p0 .LBB2_1-.Ltmp4, $4  }
0x8b: {  	[hbm4b:s15+s3] =	stream.linear.scatter [tilespmem:s17], [sflag:$0x1], $0x4000, $0x38;
	[tilespmem:$0x1D400] =	vst v63  }
0x8c: {  	_ =	swait.ge [sflag:s18], $0x4000  }
0x8d: {  	[sflag:s18] =	ssyncset.done $0x0  }
0x8e: {  	[sflag:s18] =	ssyncadd.s32 $0xFFFFC000  }
0x8f: {  	_ =	sfence.sel $0x180000  }
0x90: {  	[bflag:$0x0] =	sbarrier.arrive $0xFFFF  }
0x91: {  	p0 =	sne.s32 s2, $0x0;
	_ =	strace $0x9000004A  }
0x92: {  	s0 =	sadd.s32 @!p0 $0x100000, s0;
	[bflag:$0x2] =	sbarrier.arrive $0xFFFF  }
0x93: {  	[sflag:s0] =	ssyncadd.tile.s32 @!p0 $0x1;
	_ =	shalt  }
.Lfunc_end2:
_tile_overlayer_lowered:
.L_overlay_start_2:
0x94: {  	(tag) =	ssettag $0x2  }
0x95: {  	s0 =	rddreg [dreg:$0x0];
	s2 =	stileid.u32  }
0x96: {  	s1 =	rddreg [dreg:$0x1];
	p0 =	sne.s32 s2, $0x0  }
0x97: {  	s3 =	rddreg [dreg:$0x2];
	[bflag:$0x3] =	sbarrier.arrive $0xFFFF;
	s2 =	simm.s32 @!p0 $0x1C01  }
0x98: {  	[timem:s3], [sflag:s2] =	dma.local @!p0 [hbm:s0], s1  }
0x99: {  	s0 =	simm.s32 @!p0 $0x1  }
0x9a: {  	_ =	swait.ge @!p0 [sflag:s0], s1  }
0x9b: {  	s1 =	ssub.s32 @!p0 $0x0, s1;
	[sflag:s0] =	ssyncset.done @!p0 $0x0  }
0x9c: {  	[sflag:s0] =	ssyncadd.s32 @!p0 s1  }
0x9d: {  	[bflag:$0x3] =	sbarrier.arrive $0xFFFF  }
0x9e: {  	_ =	shalt  }

</sc_bundles>
